<compile_context>
chip_gen: v7x
topology: tpu7x:2x2x1
jax: 0.10.2.dev20260603
libtpu: 0.0.44.dev20260713+nightly
codegen_flags: <defaults>
</compile_context>

<pallas_src>
import functools

import jax
import jax.numpy as jnp
from jax import lax
from jax.experimental import pallas as pl
from jax.experimental.pallas import tpu as pltpu
from jax.experimental.pallas import tpu_sc as plsc

B = 16384
F = 26
V = 1000012
D = 16
H1 = 32
H2 = 32
BF = B * F

NC = 2
NS = 16
NW = NC * NS
PER_W = BF // NW
CHUNK = 128
GPO = 8
STEP_ROWS = CHUNK * GPO
STEPS = PER_W // STEP_ROWS
IDX_ROWS = PER_W // CHUNK

VPAD = 1000064
SLAB = 1024
NSLAB_FULL = VPAD // SLAB
TAIL_COLS = VPAD - NSLAB_FULL * SLAB
SLABS_PER_W = (NSLAB_FULL + NW - 1) // NW

TC_BLK = 1024


def _sc_detile(w2t3):
  mesh = plsc.VectorSubcoreMesh(core_axis_name="c", subcore_axis_name="s")

  @functools.partial(
      pl.kernel,
      out_type=jax.ShapeDtypeStruct((VPAD * D // 128, 128), jnp.float32),
      mesh=mesh,
      compiler_params=pltpu.CompilerParams(use_tc_tiling_on_sc=True,
                                           needs_layout_passes=False),
      scratch_types=[
          pltpu.VMEM((2, 16, SLAB), jnp.float32),
          pltpu.VMEM((2, SLAB * D // 128, 128), jnp.float32),
          pltpu.SemaphoreType.DMA,
          pltpu.SemaphoreType.DMA,
          pltpu.SemaphoreType.DMA,
          pltpu.SemaphoreType.DMA,
      ],
  )
  def k(src_hbm, out_hbm, buf_v, st_v, semi_a, semi_b, semo_a, semo_b):
    wid = lax.axis_index("s") * NC + lax.axis_index("c")
    lanes = lax.iota(jnp.int32, 16)
    semi = (semi_a, semi_b)
    semo = (semo_a, semo_b)

    def in_refs(t, p):
      cb = pl.multiple_of((wid * SLABS_PER_W + t) * SLAB, 128)
      return [(src_hbm.at[tr, :, pl.ds(cb, SLAB)],
               buf_v.at[p, pl.ds(8 * tr, 8), :]) for tr in range(2)]

    def out_refs(t, p):
      ob = pl.multiple_of((wid * SLABS_PER_W + t) * (SLAB * D // 128), 8)
      return (st_v.at[p], out_hbm.at[pl.ds(ob, SLAB * D // 128)])

    def valid(t):
      return jnp.logical_and(
          jnp.logical_and(t >= 0, t < SLABS_PER_W),
          wid * SLABS_PER_W + t < NSLAB_FULL)

    def fire_in(t, p):
      @pl.when(valid(t))
      def _():
        for s, d in in_refs(t, p):
          pltpu.async_copy(s, d, semi[p])

    def drain_in(t, p):
      @pl.when(valid(t))
      def _():
        for s, d in in_refs(t, p):
          pltpu.make_async_copy(s, d, semi[p]).wait()

    def fire_out(t, p):
      @pl.when(valid(t))
      def _():
        s, d = out_refs(t, p)
        pltpu.async_copy(s, d, semo[p])

    def drain_out(t, p):
      @pl.when(valid(t))
      def _():
        s, d = out_refs(t, p)
        pltpu.make_async_copy(s, d, semo[p]).wait()

    def asm_body(p, g, width):
      colb = jnp.full((16,), g * 32, jnp.int32)
      vals = [plsc.load_gather(buf_v.at[p], [lanes, colb + u])
              for u in range(32)]
      for u in range(32):
        st_v[p, g * 4 + (u >> 3), pl.ds((u & 7) * 16, 16)] = vals[u]

    def assemble(t, p):
      @pl.when(valid(t))
      def _():
        def asm(g, _):
          asm_body(p, g, SLAB)
          return 0

        lax.fori_loop(0, SLAB // 32, asm, 0)

    fire_in(0, 0)

    def step2(kk, _):
      e = 2 * kk
      fire_in(e + 1, 1)
      drain_in(e, 0)
      drain_out(e - 2, 0)
      assemble(e, 0)
      fire_out(e, 0)
      fire_in(e + 2, 0)
      drain_in(e + 1, 1)
      drain_out(e - 1, 1)
      assemble(e + 1, 1)
      fire_out(e + 1, 1)
      return 0

    lax.fori_loop(0, (SLABS_PER_W + 1) // 2, step2, 0)
    drain_out(SLABS_PER_W - 1, (SLABS_PER_W - 1) % 2)

    @pl.when(wid == 0)
    def _():
      cb = NSLAB_FULL * SLAB
      for tr in range(2):
        pltpu.async_copy(src_hbm.at[tr, :, pl.ds(cb, TAIL_COLS)],
                         buf_v.at[0, pl.ds(8 * tr, 8), pl.ds(0, TAIL_COLS)],
                         semi_a)
      for tr in range(2):
        pltpu.make_async_copy(src_hbm.at[tr, :, pl.ds(cb, TAIL_COLS)],
                              buf_v.at[0, pl.ds(8 * tr, 8),
                                       pl.ds(0, TAIL_COLS)], semi_a).wait()

      def asm(g, _):
        asm_body(0, g, TAIL_COLS)
        return 0

      lax.fori_loop(0, TAIL_COLS // 32, asm, 0)
      pltpu.sync_copy(st_v.at[0, pl.ds(0, TAIL_COLS * D // 128)],
                      out_hbm.at[pl.ds(cb * D // 128, TAIL_COLS * D // 128)])

  return k(w2t3)


def _sc_gather(xi2d, xihi2d, w2tab, w1tab):
  mesh = plsc.VectorSubcoreMesh(core_axis_name="c", subcore_axis_name="s")

  @functools.partial(
      pl.kernel,
      out_type=(
          jax.ShapeDtypeStruct((BF, D), jnp.float32),
          jax.ShapeDtypeStruct((BF,), jnp.float32),
      ),
      mesh=mesh,
      compiler_params=pltpu.CompilerParams(use_tc_tiling_on_sc=False,
                                           needs_layout_passes=False),
      scratch_types=[
          pltpu.VMEM((IDX_ROWS, CHUNK), jnp.int32),
          pltpu.VMEM((IDX_ROWS, CHUNK), jnp.int32),
          pltpu.VMEM((STEP_ROWS, D), jnp.float32),
          pltpu.VMEM((STEP_ROWS, D), jnp.float32),
          pltpu.VMEM((STEP_ROWS,), jnp.float32),
          pltpu.SemaphoreType.DMA,
          pltpu.SemaphoreType.DMA,
      ],
  )
  def k(xi_hbm, xihi_hbm, w2_hbm, w1t_hbm, emb_hbm, w1o_hbm,
        idx_v, idxhi_v, rows_v, w1blk_v, w1val_v, sem2, sem1):
    wid = lax.axis_index("s") * NC + lax.axis_index("c")
    pltpu.sync_copy(xi_hbm.at[pl.ds(wid * IDX_ROWS, IDX_ROWS)], idx_v)
    pltpu.sync_copy(xihi_hbm.at[pl.ds(wid * IDX_ROWS, IDX_ROWS)], idxhi_v)

    def step(o, _):
      descs = []
      for j in range(GPO):
        r = o * GPO + j
        descs.append(pltpu.async_copy(
            w2_hbm.at[idx_v.at[r]], rows_v.at[pl.ds(j * CHUNK, CHUNK)], sem2))
        descs.append(pltpu.async_copy(
            w1t_hbm.at[idxhi_v.at[r]], w1blk_v.at[pl.ds(j * CHUNK, CHUNK)],
            sem1))
      for d in descs:
        d.wait()
      for j in range(GPO):
        r = o * GPO + j
        for g in range(CHUNK // 16):
          col = idx_v[r, pl.ds(g * 16, 16)] & 15
          row = lax.iota(jnp.int32, 16) + (j * CHUNK + g * 16)
          w1val_v[pl.ds(j * CHUNK + g * 16, 16)] = plsc.load_gather(
              w1blk_v, [row, col])
      gbase = wid * PER_W + o * STEP_ROWS
      pltpu.sync_copy(rows_v, emb_hbm.at[pl.ds(gbase, STEP_ROWS)])
      pltpu.sync_copy(w1val_v, w1o_hbm.at[pl.ds(gbase, STEP_ROWS)])
      return 0

    lax.fori_loop(0, STEPS, step, 0)

  return k(xi2d, xihi2d, w2tab, w1tab)


def _tc_body(emb_ref, w1_ref, l1w_ref, l1b_ref, l2w_ref, l2b_ref, s_ref,
             bias_ref, out_ref):
  e = emb_ref[...]
  h1 = jnp.dot(e, l1w_ref[...], preferred_element_type=jnp.float32)
  h1 = jnp.maximum(h1 + l1b_ref[...], 0.0)
  h2 = jnp.dot(h1, l2w_ref[...], preferred_element_type=jnp.float32)
  h2 = jnp.maximum(h2 + l2b_ref[...], 0.0)
  fm_sum = jnp.dot(e, s_ref[...], preferred_element_type=jnp.float32)
  second = 0.5 * (jnp.sum(fm_sum * fm_sum, axis=1) - jnp.sum(e * e, axis=1))
  first = jnp.sum(w1_ref[...], axis=1)
  out_ref[...] = first + second + jnp.sum(h2, axis=1) + bias_ref[0]


def _tc_dense(emb, w1g, l1_w, l1_b, l2_w, l2_b, bias):
  smat = jnp.tile(jnp.eye(D, dtype=jnp.float32), (F, 1))
  grid = B // TC_BLK
  return pl.pallas_call(
      _tc_body,
      grid=(grid,),
      in_specs=[
          pl.BlockSpec((TC_BLK, F * D), lambda i: (i, 0)),
          pl.BlockSpec((TC_BLK, F), lambda i: (i, 0)),
          pl.BlockSpec((F * D, H1), lambda i: (0, 0)),
          pl.BlockSpec((1, H1), lambda i: (0, 0)),
          pl.BlockSpec((H1, H2), lambda i: (0, 0)),
          pl.BlockSpec((1, H2), lambda i: (0, 0)),
          pl.BlockSpec((F * D, D), lambda i: (0, 0)),
          pl.BlockSpec(memory_space=pltpu.SMEM),
      ],
      out_specs=pl.BlockSpec((TC_BLK,), lambda i: (i,)),
      out_shape=jax.ShapeDtypeStruct((B,), jnp.float32),
  )(emb, w1g, l1_w, l1_b.reshape(1, H1), l2_w, l2_b.reshape(1, H2), smat,
    bias)


def kernel(X, W1, W2, bias, l1_w, l1_b, l2_w, l2_b):
  w2t3 = jnp.pad(W2.T, ((0, 0), (0, VPAD - V))).reshape(2, 8, VPAD)
  rowtab = _sc_detile(w2t3).reshape(VPAD, D)
  xi = X.reshape(BF).astype(jnp.int32)
  xi2d = xi.reshape(BF // CHUNK, CHUNK)
  xihi2d = (xi >> 4).reshape(BF // CHUNK, CHUNK)
  w1p = jax.lax.optimization_barrier(jnp.pad(W1.T, ((0, 0), (0, VPAD - V))))
  w1tab = w1p.reshape(VPAD // D, D)
  emb, w1g = _sc_gather(xi2d, xihi2d, rowtab, w1tab)
  return _tc_dense(emb.reshape(B, F * D), w1g.reshape(B, F),
                   l1_w, l1_b, l2_w, l2_b, bias)

# --- scband reference (transcript-rebuilt; emitter-appended) ---
"""Pipeline reference for scband-deep-fm-7739531067770 (READ-ONLY COPY).

The authoritative reference and input builder live on the scoring server;
editing this copy changes nothing except your own understanding.
"""

import jax, jax.numpy as jnp
import numpy as np

B = 16384
F = 26
V = 1000012
D = 16
H1 = 32
H2 = 32

def setup_inputs(seed: int = 0) -> dict:
    key = jax.random.key(seed)
    k1, k2, k3, k4, k5, k6, k7, k8, k9 = jax.random.split(key, 9)
    stdv = float(np.sqrt(1.0 / F))
    X = jax.random.randint(k1, (B, F), 0, V, dtype=jnp.int64) if jax.config.read('jax_enable_x64') else jax.random.randint(k1, (B, F), 0, V, dtype=jnp.int32)
    W1 = jax.random.normal(k2, (V, 1), dtype=jnp.float32) * stdv
    W2 = jax.random.normal(k3, (V, D), dtype=jnp.float32) * stdv
    bias = jax.random.normal(k4, (1,), dtype=jnp.float32)
    l1_w = jax.random.normal(k5, (F * D, H1), dtype=jnp.float32) * float(np.sqrt(1.0 / (F * D)))
    l1_b = jax.random.normal(k6, (H1,), dtype=jnp.float32) * 0.01
    l2_w = jax.random.normal(k7, (H1, H2), dtype=jnp.float32) * float(np.sqrt(1.0 / H1))
    l2_b = jax.random.normal(k8, (H2,), dtype=jnp.float32) * 0.01
    return {"X": X, "W1": W1, "W2": W2, "bias": bias, "l1_w": l1_w, "l1_b": l1_b, "l2_w": l2_w, "l2_b": l2_b}

def reference(X, W1, W2, bias, l1_w, l1_b, l2_w, l2_b):
    Xi = X.reshape(B * F)
    # fm first order: gather [B*F, 1] -> [B, F]
    fm_first_order = jnp.take(W1, Xi, axis=0).reshape(B, F)
    # fm second order: gather [B*F, D] -> [B, F, D]
    fm_second_order_emb = jnp.take(W2, Xi, axis=0).reshape(B, F, D)
    fm_sum = jnp.sum(fm_second_order_emb, axis=1)
    fm_sum_sq = fm_sum * fm_sum
    fm_sq_sum = jnp.sum(fm_second_order_emb * fm_second_order_emb, axis=1)
    fm_second_order = (fm_sum_sq - fm_sq_sum) * 0.5
    # deep part
    deep_emb = fm_second_order_emb.reshape(B, F * D)
    x_deep = jnp.maximum(deep_emb @ l1_w + l1_b, 0.0)
    x_deep = jnp.maximum(x_deep @ l2_w + l2_b, 0.0)
    total_sum = jnp.sum(fm_first_order, axis=1) + jnp.sum(fm_second_order, axis=1) + jnp.sum(x_deep, axis=1) + bias
    return total_sum

if __name__ == "__main__":
    import jax
    _d = setup_inputs()
    print(jax.jit(kernel)(*tuple(_d.values())))

</pallas_src>

<mosaic_0001>
#map = affine_map<(d0, d1) -> (0, 0, 0)>
#map1 = affine_map<(d0, d1) -> (0, 0)>
module attributes {stable_mosaic.version = 14 : i64} {
  func.func @k(%arg0: i32, %arg1: i32, %arg2: memref<2x8x1000064xf32, #tpu.memory_space<hbm>>, %arg3: memref<125008x128xf32, #tpu.memory_space<hbm>>, %arg4: memref<2x16x1024xf32, #tpu.memory_space<vmem>>, %arg5: memref<2x128x128xf32, #tpu.memory_space<vmem>>, %arg6: memref<!tpu.dma_semaphore, #tpu.memory_space<semaphore_mem>>, %arg7: memref<!tpu.dma_semaphore, #tpu.memory_space<semaphore_mem>>, %arg8: memref<!tpu.dma_semaphore, #tpu.memory_space<semaphore_mem>>, %arg9: memref<!tpu.dma_semaphore, #tpu.memory_space<semaphore_mem>>) attributes {dimension_semantics = [#tpu.dimension_semantics<core_parallel>, #tpu.dimension_semantics<subcore_parallel>], iteration_bounds = array<i64: 2, 16>, scalar_prefetch = 0 : i64, scratch_operands = 6 : i64, tpu.core_type = #tpu.core_type<sc_vector_subcore>, window_params = [{transform_indices = #map}, {transform_indices = #map1}]} {
    %mul3A = arith.constant 2 : i32
    %mul3A_0 = arith.muli %arg1, %mul3A : i32
    %add3A = arith.addi %mul3A_0, %arg0 : i32
    %iota3A = tpu.iota {dimensions = array<i32: 0>} : vector<16xi32>
    %and3A = arith.constant true
    %and3A_1 = arith.constant true
    %and3A_2 = arith.andi %and3A, %and3A_1 : i1
    %mul3A_3 = arith.constant 31 : i32
    %mul3A_4 = arith.muli %add3A, %mul3A_3 : i32
    %add3A_5 = arith.constant 0 : i32
    %add3A_6 = arith.addi %mul3A_4, %add3A_5 : i32
    %lt3A = arith.constant 976 : i32
    %lt3A_7 = arith.cmpi slt, %add3A_6, %lt3A : i32
    %and3A_8 = arith.andi %and3A_2, %lt3A_7 : i1
    %convert_element_type3A = arith.extui %and3A_8 : i1 to i32
    %cond3A = arith.constant 0 : i32
    %cond3A_9 = arith.cmpi ne, %convert_element_type3A, %cond3A : i32
    scf.if %cond3A_9 {
      %mul3A_33 = arith.constant 31 : i32
      %mul3A_34 = arith.muli %add3A, %mul3A_33 : i32
      %add3A_35 = arith.constant 0 : i32
      %add3A_36 = arith.addi %mul3A_34, %add3A_35 : i32
      %mul3A_37 = arith.constant 1024 : i32
      %mul3A_38 = arith.muli %add3A_36, %mul3A_37 : i32
      %multiple_of3A = tpu.assume_multiple %mul3A_38, 128 : i32
      %dma_start3A = arith.constant 0 : i32
      %dma_start3A_39 = arith.constant 0 : i32
      %dma_start3A_40 = arith.constant 0 : i32
      %dma_start3A_41 = arith.constant 0 : i32
      %dma_start3A_42 = tpu.memref_slice %arg4[%dma_start3A_39, %dma_start3A_40, %dma_start3A_41] : memref<2x16x1024xf32, #tpu.memory_space<vmem>> -> memref<1x8x1024xf32, #tpu.memory_space<vmem>>
      %dma_start3A_43 = tpu.memref_squeeze %dma_start3A_42 : memref<1x8x1024xf32, #tpu.memory_space<vmem>> -> memref<8x1024xf32, #tpu.memory_space<vmem>>
      %dma_start3A_44 = arith.constant 0 : i32
      %dma_start3A_45 = tpu.memref_slice %arg2[%dma_start3A, %dma_start3A_44, %multiple_of3A] : memref<2x8x1000064xf32, #tpu.memory_space<hbm>> -> memref<1x8x1024xf32, #tpu.memory_space<hbm>>
      %dma_start3A_46 = tpu.memref_squeeze %dma_start3A_45 : memref<1x8x1024xf32, #tpu.memory_space<hbm>> -> memref<8x1024xf32, #tpu.memory_space<hbm>>
      %dma_start3A_47 = arith.constant 0 : i32
      %dma_start3A_48 = arith.constant 0 : i32
      %dma_start3A_49 = tpu.memref_slice %arg4[%dma_start3A_39, %dma_start3A_47, %dma_start3A_48] : memref<2x16x1024xf32, #tpu.memory_space<vmem>> -> memref<1x8x1024xf32, #tpu.memory_space<vmem>>
      %dma_start3A_50 = tpu.memref_squeeze %dma_start3A_49 : memref<1x8x1024xf32, #tpu.memory_space<vmem>> -> memref<8x1024xf32, #tpu.memory_space<vmem>>
      %dma_start3A_51 = arith.constant 0 : i32
      %dma_start3A_52 = tpu.memref_slice %arg2[%dma_start3A, %dma_start3A_51, %multiple_of3A] : memref<2x8x1000064xf32, #tpu.memory_space<hbm>> -> memref<1x8x1024xf32, #tpu.memory_space<hbm>>
      %dma_start3A_53 = tpu.memref_squeeze %dma_start3A_52 : memref<1x8x1024xf32, #tpu.memory_space<hbm>> -> memref<8x1024xf32, #tpu.memory_space<hbm>>
      tpu.enqueue_dma source(%dma_start3A_53 : memref<8x1024xf32, #tpu.memory_space<hbm>>) target(%dma_start3A_50 : memref<8x1024xf32, #tpu.memory_space<vmem>>) target_semaphore(%arg6 : memref<!tpu.dma_semaphore, #tpu.memory_space<semaphore_mem>>)
      %dma_start3A_54 = arith.constant 1 : i32
      %dma_start3A_55 = arith.constant 0 : i32
      %dma_start3A_56 = arith.constant 8 : i32
      %dma_start3A_57 = arith.constant 0 : i32
      %dma_start3A_58 = tpu.memref_slice %arg4[%dma_start3A_55, %dma_start3A_56, %dma_start3A_57] : memref<2x16x1024xf32, #tpu.memory_space<vmem>> -> memref<1x8x1024xf32, #tpu.memory_space<vmem>>
      %dma_start3A_59 = tpu.memref_squeeze %dma_start3A_58 : memref<1x8x1024xf32, #tpu.memory_space<vmem>> -> memref<8x1024xf32, #tpu.memory_space<vmem>>
      %dma_start3A_60 = arith.constant 0 : i32
      %dma_start3A_61 = tpu.memref_slice %arg2[%dma_start3A_54, %dma_start3A_60, %multiple_of3A] : memref<2x8x1000064xf32, #tpu.memory_space<hbm>> -> memref<1x8x1024xf32, #tpu.memory_space<hbm>>
      %dma_start3A_62 = tpu.memref_squeeze %dma_start3A_61 : memref<1x8x1024xf32, #tpu.memory_space<hbm>> -> memref<8x1024xf32, #tpu.memory_space<hbm>>
      %dma_start3A_63 = arith.constant 8 : i32
      %dma_start3A_64 = arith.constant 0 : i32
      %dma_start3A_65 = tpu.memref_slice %arg4[%dma_start3A_55, %dma_start3A_63, %dma_start3A_64] : memref<2x16x1024xf32, #tpu.memory_space<vmem>> -> memref<1x8x1024xf32, #tpu.memory_space<vmem>>
      %dma_start3A_66 = tpu.memref_squeeze %dma_start3A_65 : memref<1x8x1024xf32, #tpu.memory_space<vmem>> -> memref<8x1024xf32, #tpu.memory_space<vmem>>
      %dma_start3A_67 = arith.constant 0 : i32
      %dma_start3A_68 = tpu.memref_slice %arg2[%dma_start3A_54, %dma_start3A_67, %multiple_of3A] : memref<2x8x1000064xf32, #tpu.memory_space<hbm>> -> memref<1x8x1024xf32, #tpu.memory_space<hbm>>
      %dma_start3A_69 = tpu.memref_squeeze %dma_start3A_68 : memref<1x8x1024xf32, #tpu.memory_space<hbm>> -> memref<8x1024xf32, #tpu.memory_space<hbm>>
      tpu.enqueue_dma source(%dma_start3A_69 : memref<8x1024xf32, #tpu.memory_space<hbm>>) target(%dma_start3A_66 : memref<8x1024xf32, #tpu.memory_space<vmem>>) target_semaphore(%arg6 : memref<!tpu.dma_semaphore, #tpu.memory_space<semaphore_mem>>)
    } else {
    }
    %scan3A = arith.constant 0 : i32
    %scan3A_10 = arith.constant 0 : i32
    %scan3A_11 = arith.constant 16 : i32
    %scan3A_12 = arith.addi %scan3A_10, %scan3A_11 : i32
    %scan3A_13 = arith.constant 1 : i32
    %scan3A_14 = scf.for %scan3A_33 = %scan3A_10 to %scan3A_12 step %scan3A_13 iter_args(%scan3A_34 = %scan3A) -> (i32)  : i32 {
      %mul3A_35 = arith.constant 2 : i32
      %mul3A_36 = arith.muli %mul3A_35, %scan3A_33 : i32
      %add3A_37 = arith.constant 1 : i32
      %add3A_38 = arith.addi %mul3A_36, %add3A_37 : i32
      %ge3A = arith.constant 0 : i32
      %ge3A_39 = arith.cmpi sge, %add3A_38, %ge3A : i32
      %lt3A_40 = arith.constant 31 : i32
      %lt3A_41 = arith.cmpi slt, %add3A_38, %lt3A_40 : i32
      %and3A_42 = arith.andi %ge3A_39, %lt3A_41 : i1
      %mul3A_43 = arith.constant 31 : i32
      %mul3A_44 = arith.muli %add3A, %mul3A_43 : i32
      %add3A_45 = arith.addi %mul3A_44, %add3A_38 : i32
      %lt3A_46 = arith.constant 976 : i32
      %lt3A_47 = arith.cmpi slt, %add3A_45, %lt3A_46 : i32
      %and3A_48 = arith.andi %and3A_42, %lt3A_47 : i1
      %convert_element_type3A_49 = arith.extui %and3A_48 : i1 to i32
      %cond3A_50 = arith.constant 0 : i32
      %cond3A_51 = arith.cmpi ne, %convert_element_type3A_49, %cond3A_50 : i32
      scf.if %cond3A_51 {
        %mul3A_190 = arith.constant 31 : i32
        %mul3A_191 = arith.muli %add3A, %mul3A_190 : i32
        %add3A_192 = arith.addi %mul3A_191, %add3A_38 : i32
        %mul3A_193 = arith.constant 1024 : i32
        %mul3A_194 = arith.muli %add3A_192, %mul3A_193 : i32
        %multiple_of3A = tpu.assume_multiple %mul3A_194, 128 : i32
        %dma_start3A = arith.constant 0 : i32
        %dma_start3A_195 = arith.constant 1 : i32
        %dma_start3A_196 = arith.constant 0 : i32
        %dma_start3A_197 = arith.constant 0 : i32
        %dma_start3A_198 = tpu.memref_slice %arg4[%dma_start3A_195, %dma_start3A_196, %dma_start3A_197] : memref<2x16x1024xf32, #tpu.memory_space<vmem>> -> memref<1x8x1024xf32, #tpu.memory_space<vmem>>
        %dma_start3A_199 = tpu.memref_squeeze %dma_start3A_198 : memref<1x8x1024xf32, #tpu.memory_space<vmem>> -> memref<8x1024xf32, #tpu.memory_space<vmem>>
        %dma_start3A_200 = arith.constant 0 : i32
        %dma_start3A_201 = tpu.memref_slice %arg2[%dma_start3A, %dma_start3A_200, %multiple_of3A] : memref<2x8x1000064xf32, #tpu.memory_space<hbm>> -> memref<1x8x1024xf32, #tpu.memory_space<hbm>>
        %dma_start3A_202 = tpu.memref_squeeze %dma_start3A_201 : memref<1x8x1024xf32, #tpu.memory_space<hbm>> -> memref<8x1024xf32, #tpu.memory_space<hbm>>
        %dma_start3A_203 = arith.constant 0 : i32
        %dma_start3A_204 = arith.constant 0 : i32
        %dma_start3A_205 = tpu.memref_slice %arg4[%dma_start3A_195, %dma_start3A_203, %dma_start3A_204] : memref<2x16x1024xf32, #tpu.memory_space<vmem>> -> memref<1x8x1024xf32, #tpu.memory_space<vmem>>
        %dma_start3A_206 = tpu.memref_squeeze %dma_start3A_205 : memref<1x8x1024xf32, #tpu.memory_space<vmem>> -> memref<8x1024xf32, #tpu.memory_space<vmem>>
        %dma_start3A_207 = arith.constant 0 : i32
        %dma_start3A_208 = tpu.memref_slice %arg2[%dma_start3A, %dma_start3A_207, %multiple_of3A] : memref<2x8x1000064xf32, #tpu.memory_space<hbm>> -> memref<1x8x1024xf32, #tpu.memory_space<hbm>>
        %dma_start3A_209 = tpu.memref_squeeze %dma_start3A_208 : memref<1x8x1024xf32, #tpu.memory_space<hbm>> -> memref<8x1024xf32, #tpu.memory_space<hbm>>
        tpu.enqueue_dma source(%dma_start3A_209 : memref<8x1024xf32, #tpu.memory_space<hbm>>) target(%dma_start3A_206 : memref<8x1024xf32, #tpu.memory_space<vmem>>) target_semaphore(%arg7 : memref<!tpu.dma_semaphore, #tpu.memory_space<semaphore_mem>>)
        %dma_start3A_210 = arith.constant 1 : i32
        %dma_start3A_211 = arith.constant 1 : i32
        %dma_start3A_212 = arith.constant 8 : i32
        %dma_start3A_213 = arith.constant 0 : i32
        %dma_start3A_214 = tpu.memref_slice %arg4[%dma_start3A_211, %dma_start3A_212, %dma_start3A_213] : memref<2x16x1024xf32, #tpu.memory_space<vmem>> -> memref<1x8x1024xf32, #tpu.memory_space<vmem>>
        %dma_start3A_215 = tpu.memref_squeeze %dma_start3A_214 : memref<1x8x1024xf32, #tpu.memory_space<vmem>> -> memref<8x1024xf32, #tpu.memory_space<vmem>>
        %dma_start3A_216 = arith.constant 0 : i32
        %dma_start3A_217 = tpu.memref_slice %arg2[%dma_start3A_210, %dma_start3A_216, %multiple_of3A] : memref<2x8x1000064xf32, #tpu.memory_space<hbm>> -> memref<1x8x1024xf32, #tpu.memory_space<hbm>>
        %dma_start3A_218 = tpu.memref_squeeze %dma_start3A_217 : memref<1x8x1024xf32, #tpu.memory_space<hbm>> -> memref<8x1024xf32, #tpu.memory_space<hbm>>
        %dma_start3A_219 = arith.constant 8 : i32
        %dma_start3A_220 = arith.constant 0 : i32
        %dma_start3A_221 = tpu.memref_slice %arg4[%dma_start3A_211, %dma_start3A_219, %dma_start3A_220] : memref<2x16x1024xf32, #tpu.memory_space<vmem>> -> memref<1x8x1024xf32, #tpu.memory_space<vmem>>
        %dma_start3A_222 = tpu.memref_squeeze %dma_start3A_221 : memref<1x8x1024xf32, #tpu.memory_space<vmem>> -> memref<8x1024xf32, #tpu.memory_space<vmem>>
        %dma_start3A_223 = arith.constant 0 : i32
        %dma_start3A_224 = tpu.memref_slice %arg2[%dma_start3A_210, %dma_start3A_223, %multiple_of3A] : memref<2x8x1000064xf32, #tpu.memory_space<hbm>> -> memref<1x8x1024xf32, #tpu.memory_space<hbm>>
        %dma_start3A_225 = tpu.memref_squeeze %dma_start3A_224 : memref<1x8x1024xf32, #tpu.memory_space<hbm>> -> memref<8x1024xf32, #tpu.memory_space<hbm>>
        tpu.enqueue_dma source(%dma_start3A_225 : memref<8x1024xf32, #tpu.memory_space<hbm>>) target(%dma_start3A_222 : memref<8x1024xf32, #tpu.memory_space<vmem>>) target_semaphore(%arg7 : memref<!tpu.dma_semaphore, #tpu.memory_space<semaphore_mem>>)
      } else {
      }
      %ge3A_52 = arith.constant 0 : i32
      %ge3A_53 = arith.cmpi sge, %mul3A_36, %ge3A_52 : i32
      %lt3A_54 = arith.constant 31 : i32
      %lt3A_55 = arith.cmpi slt, %mul3A_36, %lt3A_54 : i32
      %and3A_56 = arith.andi %ge3A_53, %lt3A_55 : i1
      %mul3A_57 = arith.constant 31 : i32
      %mul3A_58 = arith.muli %add3A, %mul3A_57 : i32
      %add3A_59 = arith.addi %mul3A_58, %mul3A_36 : i32
      %lt3A_60 = arith.constant 976 : i32
      %lt3A_61 = arith.cmpi slt, %add3A_59, %lt3A_60 : i32
      %and3A_62 = arith.andi %and3A_56, %lt3A_61 : i1
      %convert_element_type3A_63 = arith.extui %and3A_62 : i1 to i32
      %cond3A_64 = arith.constant 0 : i32
      %cond3A_65 = arith.cmpi ne, %convert_element_type3A_63, %cond3A_64 : i32
      scf.if %cond3A_65 {
        %mul3A_190 = arith.constant 31 : i32
        %mul3A_191 = arith.muli %add3A, %mul3A_190 : i32
        %add3A_192 = arith.addi %mul3A_191, %mul3A_36 : i32
        %mul3A_193 = arith.constant 1024 : i32
        %mul3A_194 = arith.muli %add3A_192, %mul3A_193 : i32
        %multiple_of3A = tpu.assume_multiple %mul3A_194, 128 : i32
        %dma_wait3A = arith.constant 0 : i32
        %dma_wait3A_195 = arith.constant 0 : i32
        %dma_wait3A_196 = arith.constant 0 : i32
        %dma_wait3A_197 = arith.constant 0 : i32
        %dma_wait3A_198 = tpu.memref_slice %arg4[%dma_wait3A_195, %dma_wait3A_196, %dma_wait3A_197] : memref<2x16x1024xf32, #tpu.memory_space<vmem>> -> memref<1x8x1024xf32, #tpu.memory_space<vmem>>
        %dma_wait3A_199 = tpu.memref_squeeze %dma_wait3A_198 : memref<1x8x1024xf32, #tpu.memory_space<vmem>> -> memref<8x1024xf32, #tpu.memory_space<vmem>>
        %dma_wait3A_200 = arith.constant 0 : i32
        %dma_wait3A_201 = tpu.memref_slice %arg2[%dma_wait3A, %dma_wait3A_200, %multiple_of3A] : memref<2x8x1000064xf32, #tpu.memory_space<hbm>> -> memref<1x8x1024xf32, #tpu.memory_space<hbm>>
        %dma_wait3A_202 = tpu.memref_squeeze %dma_wait3A_201 : memref<1x8x1024xf32, #tpu.memory_space<hbm>> -> memref<8x1024xf32, #tpu.memory_space<hbm>>
        %dma_wait3A_203 = arith.constant 0 : i32
        %dma_wait3A_204 = arith.constant 0 : i32
        %dma_wait3A_205 = tpu.memref_slice %arg4[%dma_wait3A_195, %dma_wait3A_203, %dma_wait3A_204] : memref<2x16x1024xf32, #tpu.memory_space<vmem>> -> memref<1x8x1024xf32, #tpu.memory_space<vmem>>
        %dma_wait3A_206 = tpu.memref_squeeze %dma_wait3A_205 : memref<1x8x1024xf32, #tpu.memory_space<vmem>> -> memref<8x1024xf32, #tpu.memory_space<vmem>>
        %dma_wait3A_207 = arith.constant 0 : i32
        %dma_wait3A_208 = tpu.memref_slice %arg2[%dma_wait3A, %dma_wait3A_207, %multiple_of3A] : memref<2x8x1000064xf32, #tpu.memory_space<hbm>> -> memref<1x8x1024xf32, #tpu.memory_space<hbm>>
        %dma_wait3A_209 = tpu.memref_squeeze %dma_wait3A_208 : memref<1x8x1024xf32, #tpu.memory_space<hbm>> -> memref<8x1024xf32, #tpu.memory_space<hbm>>
        tpu.wait_dma2 semaphore(%arg6 : memref<!tpu.dma_semaphore, #tpu.memory_space<semaphore_mem>>) src(%dma_wait3A_209 : memref<8x1024xf32, #tpu.memory_space<hbm>>) dst(%dma_wait3A_206 : memref<8x1024xf32, #tpu.memory_space<vmem>>)
        %dma_wait3A_210 = arith.constant 1 : i32
        %dma_wait3A_211 = arith.constant 0 : i32
        %dma_wait3A_212 = arith.constant 8 : i32
        %dma_wait3A_213 = arith.constant 0 : i32
        %dma_wait3A_214 = tpu.memref_slice %arg4[%dma_wait3A_211, %dma_wait3A_212, %dma_wait3A_213] : memref<2x16x1024xf32, #tpu.memory_space<vmem>> -> memref<1x8x1024xf32, #tpu.memory_space<vmem>>
        %dma_wait3A_215 = tpu.memref_squeeze %dma_wait3A_214 : memref<1x8x1024xf32, #tpu.memory_space<vmem>> -> memref<8x1024xf32, #tpu.memory_space<vmem>>
        %dma_wait3A_216 = arith.constant 0 : i32
        %dma_wait3A_217 = tpu.memref_slice %arg2[%dma_wait3A_210, %dma_wait3A_216, %multiple_of3A] : memref<2x8x1000064xf32, #tpu.memory_space<hbm>> -> memref<1x8x1024xf32, #tpu.memory_space<hbm>>
        %dma_wait3A_218 = tpu.memref_squeeze %dma_wait3A_217 : memref<1x8x1024xf32, #tpu.memory_space<hbm>> -> memref<8x1024xf32, #tpu.memory_space<hbm>>
        %dma_wait3A_219 = arith.constant 8 : i32
        %dma_wait3A_220 = arith.constant 0 : i32
        %dma_wait3A_221 = tpu.memref_slice %arg4[%dma_wait3A_211, %dma_wait3A_219, %dma_wait3A_220] : memref<2x16x1024xf32, #tpu.memory_space<vmem>> -> memref<1x8x1024xf32, #tpu.memory_space<vmem>>
        %dma_wait3A_222 = tpu.memref_squeeze %dma_wait3A_221 : memref<1x8x1024xf32, #tpu.memory_space<vmem>> -> memref<8x1024xf32, #tpu.memory_space<vmem>>
        %dma_wait3A_223 = arith.constant 0 : i32
        %dma_wait3A_224 = tpu.memref_slice %arg2[%dma_wait3A_210, %dma_wait3A_223, %multiple_of3A] : memref<2x8x1000064xf32, #tpu.memory_space<hbm>> -> memref<1x8x1024xf32, #tpu.memory_space<hbm>>
        %dma_wait3A_225 = tpu.memref_squeeze %dma_wait3A_224 : memref<1x8x1024xf32, #tpu.memory_space<hbm>> -> memref<8x1024xf32, #tpu.memory_space<hbm>>
        tpu.wait_dma2 semaphore(%arg6 : memref<!tpu.dma_semaphore, #tpu.memory_space<semaphore_mem>>) src(%dma_wait3A_225 : memref<8x1024xf32, #tpu.memory_space<hbm>>) dst(%dma_wait3A_222 : memref<8x1024xf32, #tpu.memory_space<vmem>>)
      } else {
      }
      %sub3A = arith.constant 2 : i32
      %sub3A_66 = arith.subi %mul3A_36, %sub3A : i32
      %ge3A_67 = arith.constant 0 : i32
      %ge3A_68 = arith.cmpi sge, %sub3A_66, %ge3A_67 : i32
      %lt3A_69 = arith.constant 31 : i32
      %lt3A_70 = arith.cmpi slt, %sub3A_66, %lt3A_69 : i32
      %and3A_71 = arith.andi %ge3A_68, %lt3A_70 : i1
      %mul3A_72 = arith.constant 31 : i32
      %mul3A_73 = arith.muli %add3A, %mul3A_72 : i32
      %add3A_74 = arith.addi %mul3A_73, %sub3A_66 : i32
      %lt3A_75 = arith.constant 976 : i32
      %lt3A_76 = arith.cmpi slt, %add3A_74, %lt3A_75 : i32
      %and3A_77 = arith.andi %and3A_71, %lt3A_76 : i1
      %convert_element_type3A_78 = arith.extui %and3A_77 : i1 to i32
      %cond3A_79 = arith.constant 0 : i32
      %cond3A_80 = arith.cmpi ne, %convert_element_type3A_78, %cond3A_79 : i32
      scf.if %cond3A_80 {
        %mul3A_190 = arith.constant 31 : i32
        %mul3A_191 = arith.muli %add3A, %mul3A_190 : i32
        %add3A_192 = arith.addi %mul3A_191, %sub3A_66 : i32
        %mul3A_193 = arith.constant 128 : i32
        %mul3A_194 = arith.muli %add3A_192, %mul3A_193 : i32
        %multiple_of3A = tpu.assume_multiple %mul3A_194, 8 : i32
        %dma_wait3A = arith.constant 0 : i32
        %dma_wait3A_195 = arith.constant 0 : i32
        %dma_wait3A_196 = arith.constant 0 : i32
        %dma_wait3A_197 = tpu.memref_slice %arg5[%dma_wait3A, %dma_wait3A_195, %dma_wait3A_196] : memref<2x128x128xf32, #tpu.memory_space<vmem>> -> memref<1x128x128xf32, #tpu.memory_space<vmem>>
        %dma_wait3A_198 = tpu.memref_squeeze %dma_wait3A_197 : memref<1x128x128xf32, #tpu.memory_space<vmem>> -> memref<128x128xf32, #tpu.memory_space<vmem>>
        %dma_wait3A_199 = arith.constant 0 : i32
        %dma_wait3A_200 = tpu.memref_slice %arg3[%multiple_of3A, %dma_wait3A_199] : memref<125008x128xf32, #tpu.memory_space<hbm>> -> memref<128x128xf32, #tpu.memory_space<hbm>>
        %dma_wait3A_201 = arith.constant 0 : i32
        %dma_wait3A_202 = tpu.memref_slice %arg3[%multiple_of3A, %dma_wait3A_201] : memref<125008x128xf32, #tpu.memory_space<hbm>> -> memref<128x128xf32, #tpu.memory_space<hbm>>
        %dma_wait3A_203 = arith.constant 0 : i32
        %dma_wait3A_204 = arith.constant 0 : i32
        %dma_wait3A_205 = tpu.memref_slice %arg5[%dma_wait3A, %dma_wait3A_203, %dma_wait3A_204] : memref<2x128x128xf32, #tpu.memory_space<vmem>> -> memref<1x128x128xf32, #tpu.memory_space<vmem>>
        %dma_wait3A_206 = tpu.memref_squeeze %dma_wait3A_205 : memref<1x128x128xf32, #tpu.memory_space<vmem>> -> memref<128x128xf32, #tpu.memory_space<vmem>>
        tpu.wait_dma2 semaphore(%arg8 : memref<!tpu.dma_semaphore, #tpu.memory_space<semaphore_mem>>) src(%dma_wait3A_206 : memref<128x128xf32, #tpu.memory_space<vmem>>) dst(%dma_wait3A_202 : memref<128x128xf32, #tpu.memory_space<hbm>>)
      } else {
      }
      %ge3A_81 = arith.constant 0 : i32
      %ge3A_82 = arith.cmpi sge, %mul3A_36, %ge3A_81 : i32
      %lt3A_83 = arith.constant 31 : i32
      %lt3A_84 = arith.cmpi slt, %mul3A_36, %lt3A_83 : i32
      %and3A_85 = arith.andi %ge3A_82, %lt3A_84 : i1
      %mul3A_86 = arith.constant 31 : i32
      %mul3A_87 = arith.muli %add3A, %mul3A_86 : i32
      %add3A_88 = arith.addi %mul3A_87, %mul3A_36 : i32
      %lt3A_89 = arith.constant 976 : i32
      %lt3A_90 = arith.cmpi slt, %add3A_88, %lt3A_89 : i32
      %and3A_91 = arith.andi %and3A_85, %lt3A_90 : i1
      %convert_element_type3A_92 = arith.extui %and3A_91 : i1 to i32
      %cond3A_93 = arith.constant 0 : i32
      %cond3A_94 = arith.cmpi ne, %convert_element_type3A_92, %cond3A_93 : i32
      scf.if %cond3A_94 {
        %scan3A_190 = arith.constant 0 : i32
        %scan3A_191 = arith.constant 0 : i32
        %scan3A_192 = arith.constant 32 : i32
        %scan3A_193 = arith.addi %scan3A_191, %scan3A_192 : i32
        %scan3A_194 = arith.constant 1 : i32
        %scan3A_195 = scf.for %scan3A_197 = %scan3A_191 to %scan3A_193 step %scan3A_194 iter_args(%scan3A_198 = %scan3A_190) -> (i32)  : i32 {
          %mul3A_199 = arith.constant 32 : i32
          %mul3A_200 = arith.muli %scan3A_197, %mul3A_199 : i32
          %broadcast_in_dim3A = vector.broadcast %mul3A_200 : i32 to vector<16xi32>
          %add3A_201 = arith.constant 0 : i32
          %add3A_202 = vector.broadcast %add3A_201 : i32 to vector<16xi32>
          %add3A_203 = arith.addi %broadcast_in_dim3A, %add3A_202 : vector<16xi32>
          %gather3A = arith.constant 0 : i32
          %gather3A_204 = arith.constant 0 : i32
          %gather3A_205 = arith.constant 0 : i32
          %gather3A_206 = tpu.memref_slice %arg4[%gather3A, %gather3A_204, %gather3A_205] : memref<2x16x1024xf32, #tpu.memory_space<vmem>> -> memref<1x16x1024xf32, #tpu.memory_space<vmem>>
          %gather3A_207 = tpu.memref_squeeze %gather3A_206 : memref<1x16x1024xf32, #tpu.memory_space<vmem>> -> memref<16x1024xf32, #tpu.memory_space<vmem>>
          %gather3A_208 = tpu.vector_load_idx %gather3A_207[%iota3A, %add3A_203] : memref<16x1024xf32, #tpu.memory_space<vmem>>[vector<16xi32>, vector<16xi32>], vector<16xf32>,
          %add3A_209 = arith.constant 1 : i32
          %add3A_210 = vector.broadcast %add3A_209 : i32 to vector<16xi32>
          %add3A_211 = arith.addi %broadcast_in_dim3A, %add3A_210 : vector<16xi32>
          %gather3A_212 = arith.constant 0 : i32
          %gather3A_213 = arith.constant 0 : i32
          %gather3A_214 = arith.constant 0 : i32
          %gather3A_215 = tpu.memref_slice %arg4[%gather3A_212, %gather3A_213, %gather3A_214] : memref<2x16x1024xf32, #tpu.memory_space<vmem>> -> memref<1x16x1024xf32, #tpu.memory_space<vmem>>
          %gather3A_216 = tpu.memref_squeeze %gather3A_215 : memref<1x16x1024xf32, #tpu.memory_space<vmem>> -> memref<16x1024xf32, #tpu.memory_space<vmem>>
          %gather3A_217 = tpu.vector_load_idx %gather3A_216[%iota3A, %add3A_211] : memref<16x1024xf32, #tpu.memory_space<vmem>>[vector<16xi32>, vector<16xi32>], vector<16xf32>,
          %add3A_218 = arith.constant 2 : i32
          %add3A_219 = vector.broadcast %add3A_218 : i32 to vector<16xi32>
          %add3A_220 = arith.addi %broadcast_in_dim3A, %add3A_219 : vector<16xi32>
          %gather3A_221 = arith.constant 0 : i32
          %gather3A_222 = arith.constant 0 : i32
          %gather3A_223 = arith.constant 0 : i32
          %gather3A_224 = tpu.memref_slice %arg4[%gather3A_221, %gather3A_222, %gather3A_223] : memref<2x16x1024xf32, #tpu.memory_space<vmem>> -> memref<1x16x1024xf32, #tpu.memory_space<vmem>>
          %gather3A_225 = tpu.memref_squeeze %gather3A_224 : memref<1x16x1024xf32, #tpu.memory_space<vmem>> -> memref<16x1024xf32, #tpu.memory_space<vmem>>
          %gather3A_226 = tpu.vector_load_idx %gather3A_225[%iota3A, %add3A_220] : memref<16x1024xf32, #tpu.memory_space<vmem>>[vector<16xi32>, vector<16xi32>], vector<16xf32>,
          %add3A_227 = arith.constant 3 : i32
          %add3A_228 = vector.broadcast %add3A_227 : i32 to vector<16xi32>
          %add3A_229 = arith.addi %broadcast_in_dim3A, %add3A_228 : vector<16xi32>
          %gather3A_230 = arith.constant 0 : i32
          %gather3A_231 = arith.constant 0 : i32
          %gather3A_232 = arith.constant 0 : i32
          %gather3A_233 = tpu.memref_slice %arg4[%gather3A_230, %gather3A_231, %gather3A_232] : memref<2x16x1024xf32, #tpu.memory_space<vmem>> -> memref<1x16x1024xf32, #tpu.memory_space<vmem>>
          %gather3A_234 = tpu.memref_squeeze %gather3A_233 : memref<1x16x1024xf32, #tpu.memory_space<vmem>> -> memref<16x1024xf32, #tpu.memory_space<vmem>>
          %gather3A_235 = tpu.vector_load_idx %gather3A_234[%iota3A, %add3A_229] : memref<16x1024xf32, #tpu.memory_space<vmem>>[vector<16xi32>, vector<16xi32>], vector<16xf32>,
          %add3A_236 = arith.constant 4 : i32
          %add3A_237 = vector.broadcast %add3A_236 : i32 to vector<16xi32>
          %add3A_238 = arith.addi %broadcast_in_dim3A, %add3A_237 : vector<16xi32>
          %gather3A_239 = arith.constant 0 : i32
          %gather3A_240 = arith.constant 0 : i32
          %gather3A_241 = arith.constant 0 : i32
          %gather3A_242 = tpu.memref_slice %arg4[%gather3A_239, %gather3A_240, %gather3A_241] : memref<2x16x1024xf32, #tpu.memory_space<vmem>> -> memref<1x16x1024xf32, #tpu.memory_space<vmem>>
          %gather3A_243 = tpu.memref_squeeze %gather3A_242 : memref<1x16x1024xf32, #tpu.memory_space<vmem>> -> memref<16x1024xf32, #tpu.memory_space<vmem>>
          %gather3A_244 = tpu.vector_load_idx %gather3A_243[%iota3A, %add3A_238] : memref<16x1024xf32, #tpu.memory_space<vmem>>[vector<16xi32>, vector<16xi32>], vector<16xf32>,
          %add3A_245 = arith.constant 5 : i32
          %add3A_246 = vector.broadcast %add3A_245 : i32 to vector<16xi32>
          %add3A_247 = arith.addi %broadcast_in_dim3A, %add3A_246 : vector<16xi32>
          %gather3A_248 = arith.constant 0 : i32
          %gather3A_249 = arith.constant 0 : i32
          %gather3A_250 = arith.constant 0 : i32
          %gather3A_251 = tpu.memref_slice %arg4[%gather3A_248, %gather3A_249, %gather3A_250] : memref<2x16x1024xf32, #tpu.memory_space<vmem>> -> memref<1x16x1024xf32, #tpu.memory_space<vmem>>
          %gather3A_252 = tpu.memref_squeeze %gather3A_251 : memref<1x16x1024xf32, #tpu.memory_space<vmem>> -> memref<16x1024xf32, #tpu.memory_space<vmem>>
          %gather3A_253 = tpu.vector_load_idx %gather3A_252[%iota3A, %add3A_247] : memref<16x1024xf32, #tpu.memory_space<vmem>>[vector<16xi32>, vector<16xi32>], vector<16xf32>,
          %add3A_254 = arith.constant 6 : i32
          %add3A_255 = vector.broadcast %add3A_254 : i32 to vector<16xi32>
          %add3A_256 = arith.addi %broadcast_in_dim3A, %add3A_255 : vector<16xi32>
          %gather3A_257 = arith.constant 0 : i32
          %gather3A_258 = arith.constant 0 : i32
          %gather3A_259 = arith.constant 0 : i32
          %gather3A_260 = tpu.memref_slice %arg4[%gather3A_257, %gather3A_258, %gather3A_259] : memref<2x16x1024xf32, #tpu.memory_space<vmem>> -> memref<1x16x1024xf32, #tpu.memory_space<vmem>>
          %gather3A_261 = tpu.memref_squeeze %gather3A_260 : memref<1x16x1024xf32, #tpu.memory_space<vmem>> -> memref<16x1024xf32, #tpu.memory_space<vmem>>
          %gather3A_262 = tpu.vector_load_idx %gather3A_261[%iota3A, %add3A_256] : memref<16x1024xf32, #tpu.memory_space<vmem>>[vector<16xi32>, vector<16xi32>], vector<16xf32>,
          %add3A_263 = arith.constant 7 : i32
          %add3A_264 = vector.broadcast %add3A_263 : i32 to vector<16xi32>
          %add3A_265 = arith.addi %broadcast_in_dim3A, %add3A_264 : vector<16xi32>
          %gather3A_266 = arith.constant 0 : i32
          %gather3A_267 = arith.constant 0 : i32
          %gather3A_268 = arith.constant 0 : i32
          %gather3A_269 = tpu.memref_slice %arg4[%gather3A_266, %gather3A_267, %gather3A_268] : memref<2x16x1024xf32, #tpu.memory_space<vmem>> -> memref<1x16x1024xf32, #tpu.memory_space<vmem>>
          %gather3A_270 = tpu.memref_squeeze %gather3A_269 : memref<1x16x1024xf32, #tpu.memory_space<vmem>> -> memref<16x1024xf32, #tpu.memory_space<vmem>>
          %gather3A_271 = tpu.vector_load_idx %gather3A_270[%iota3A, %add3A_265] : memref<16x1024xf32, #tpu.memory_space<vmem>>[vector<16xi32>, vector<16xi32>], vector<16xf32>,
          %add3A_272 = arith.constant 8 : i32
          %add3A_273 = vector.broadcast %add3A_272 : i32 to vector<16xi32>
          %add3A_274 = arith.addi %broadcast_in_dim3A, %add3A_273 : vector<16xi32>
          %gather3A_275 = arith.constant 0 : i32
          %gather3A_276 = arith.constant 0 : i32
          %gather3A_277 = arith.constant 0 : i32
          %gather3A_278 = tpu.memref_slice %arg4[%gather3A_275, %gather3A_276, %gather3A_277] : memref<2x16x1024xf32, #tpu.memory_space<vmem>> -> memref<1x16x1024xf32, #tpu.memory_space<vmem>>
          %gather3A_279 = tpu.memref_squeeze %gather3A_278 : memref<1x16x1024xf32, #tpu.memory_space<vmem>> -> memref<16x1024xf32, #tpu.memory_space<vmem>>
          %gather3A_280 = tpu.vector_load_idx %gather3A_279[%iota3A, %add3A_274] : memref<16x1024xf32, #tpu.memory_space<vmem>>[vector<16xi32>, vector<16xi32>], vector<16xf32>,
          %add3A_281 = arith.constant 9 : i32
          %add3A_282 = vector.broadcast %add3A_281 : i32 to vector<16xi32>
          %add3A_283 = arith.addi %broadcast_in_dim3A, %add3A_282 : vector<16xi32>
          %gather3A_284 = arith.constant 0 : i32
          %gather3A_285 = arith.constant 0 : i32
          %gather3A_286 = arith.constant 0 : i32
          %gather3A_287 = tpu.memref_slice %arg4[%gather3A_284, %gather3A_285, %gather3A_286] : memref<2x16x1024xf32, #tpu.memory_space<vmem>> -> memref<1x16x1024xf32, #tpu.memory_space<vmem>>
          %gather3A_288 = tpu.memref_squeeze %gather3A_287 : memref<1x16x1024xf32, #tpu.memory_space<vmem>> -> memref<16x1024xf32, #tpu.memory_space<vmem>>
          %gather3A_289 = tpu.vector_load_idx %gather3A_288[%iota3A, %add3A_283] : memref<16x1024xf32, #tpu.memory_space<vmem>>[vector<16xi32>, vector<16xi32>], vector<16xf32>,
          %add3A_290 = arith.constant 10 : i32
          %add3A_291 = vector.broadcast %add3A_290 : i32 to vector<16xi32>
          %add3A_292 = arith.addi %broadcast_in_dim3A, %add3A_291 : vector<16xi32>
          %gather3A_293 = arith.constant 0 : i32
          %gather3A_294 = arith.constant 0 : i32
          %gather3A_295 = arith.constant 0 : i32
          %gather3A_296 = tpu.memref_slice %arg4[%gather3A_293, %gather3A_294, %gather3A_295] : memref<2x16x1024xf32, #tpu.memory_space<vmem>> -> memref<1x16x1024xf32, #tpu.memory_space<vmem>>
          %gather3A_297 = tpu.memref_squeeze %gather3A_296 : memref<1x16x1024xf32, #tpu.memory_space<vmem>> -> memref<16x1024xf32, #tpu.memory_space<vmem>>
          %gather3A_298 = tpu.vector_load_idx %gather3A_297[%iota3A, %add3A_292] : memref<16x1024xf32, #tpu.memory_space<vmem>>[vector<16xi32>, vector<16xi32>], vector<16xf32>,
          %add3A_299 = arith.constant 11 : i32
          %add3A_300 = vector.broadcast %add3A_299 : i32 to vector<16xi32>
          %add3A_301 = arith.addi %broadcast_in_dim3A, %add3A_300 : vector<16xi32>
          %gather3A_302 = arith.constant 0 : i32
          %gather3A_303 = arith.constant 0 : i32
          %gather3A_304 = arith.constant 0 : i32
          %gather3A_305 = tpu.memref_slice %arg4[%gather3A_302, %gather3A_303, %gather3A_304] : memref<2x16x1024xf32, #tpu.memory_space<vmem>> -> memref<1x16x1024xf32, #tpu.memory_space<vmem>>
          %gather3A_306 = tpu.memref_squeeze %gather3A_305 : memref<1x16x1024xf32, #tpu.memory_space<vmem>> -> memref<16x1024xf32, #tpu.memory_space<vmem>>
          %gather3A_307 = tpu.vector_load_idx %gather3A_306[%iota3A, %add3A_301] : memref<16x1024xf32, #tpu.memory_space<vmem>>[vector<16xi32>, vector<16xi32>], vector<16xf32>,
          %add3A_308 = arith.constant 12 : i32
          %add3A_309 = vector.broadcast %add3A_308 : i32 to vector<16xi32>
          %add3A_310 = arith.addi %broadcast_in_dim3A, %add3A_309 : vector<16xi32>
          %gather3A_311 = arith.constant 0 : i32
          %gather3A_312 = arith.constant 0 : i32
          %gather3A_313 = arith.constant 0 : i32
          %gather3A_314 = tpu.memref_slice %arg4[%gather3A_311, %gather3A_312, %gather3A_313] : memref<2x16x1024xf32, #tpu.memory_space<vmem>> -> memref<1x16x1024xf32, #tpu.memory_space<vmem>>
          %gather3A_315 = tpu.memref_squeeze %gather3A_314 : memref<1x16x1024xf32, #tpu.memory_space<vmem>> -> memref<16x1024xf32, #tpu.memory_space<vmem>>
          %gather3A_316 = tpu.vector_load_idx %gather3A_315[%iota3A, %add3A_310] : memref<16x1024xf32, #tpu.memory_space<vmem>>[vector<16xi32>, vector<16xi32>], vector<16xf32>,
          %add3A_317 = arith.constant 13 : i32
          %add3A_318 = vector.broadcast %add3A_317 : i32 to vector<16xi32>
          %add3A_319 = arith.addi %broadcast_in_dim3A, %add3A_318 : vector<16xi32>
          %gather3A_320 = arith.constant 0 : i32
          %gather3A_321 = arith.constant 0 : i32
          %gather3A_322 = arith.constant 0 : i32
          %gather3A_323 = tpu.memref_slice %arg4[%gather3A_320, %gather3A_321, %gather3A_322] : memref<2x16x1024xf32, #tpu.memory_space<vmem>> -> memref<1x16x1024xf32, #tpu.memory_space<vmem>>
          %gather3A_324 = tpu.memref_squeeze %gather3A_323 : memref<1x16x1024xf32, #tpu.memory_space<vmem>> -> memref<16x1024xf32, #tpu.memory_space<vmem>>
          %gather3A_325 = tpu.vector_load_idx %gather3A_324[%iota3A, %add3A_319] : memref<16x1024xf32, #tpu.memory_space<vmem>>[vector<16xi32>, vector<16xi32>], vector<16xf32>,
          %add3A_326 = arith.constant 14 : i32
          %add3A_327 = vector.broadcast %add3A_326 : i32 to vector<16xi32>
          %add3A_328 = arith.addi %broadcast_in_dim3A, %add3A_327 : vector<16xi32>
          %gather3A_329 = arith.constant 0 : i32
          %gather3A_330 = arith.constant 0 : i32
          %gather3A_331 = arith.constant 0 : i32
          %gather3A_332 = tpu.memref_slice %arg4[%gather3A_329, %gather3A_330, %gather3A_331] : memref<2x16x1024xf32, #tpu.memory_space<vmem>> -> memref<1x16x1024xf32, #tpu.memory_space<vmem>>
          %gather3A_333 = tpu.memref_squeeze %gather3A_332 : memref<1x16x1024xf32, #tpu.memory_space<vmem>> -> memref<16x1024xf32, #tpu.memory_space<vmem>>
          %gather3A_334 = tpu.vector_load_idx %gather3A_333[%iota3A, %add3A_328] : memref<16x1024xf32, #tpu.memory_space<vmem>>[vector<16xi32>, vector<16xi32>], vector<16xf32>,
          %add3A_335 = arith.constant 15 : i32
          %add3A_336 = vector.broadcast %add3A_335 : i32 to vector<16xi32>
          %add3A_337 = arith.addi %broadcast_in_dim3A, %add3A_336 : vector<16xi32>
          %gather3A_338 = arith.constant 0 : i32
          %gather3A_339 = arith.constant 0 : i32
          %gather3A_340 = arith.constant 0 : i32
          %gather3A_341 = tpu.memref_slice %arg4[%gather3A_338, %gather3A_339, %gather3A_340] : memref<2x16x1024xf32, #tpu.memory_space<vmem>> -> memref<1x16x1024xf32, #tpu.memory_space<vmem>>
          %gather3A_342 = tpu.memref_squeeze %gather3A_341 : memref<1x16x1024xf32, #tpu.memory_space<vmem>> -> memref<16x1024xf32, #tpu.memory_space<vmem>>
          %gather3A_343 = tpu.vector_load_idx %gather3A_342[%iota3A, %add3A_337] : memref<16x1024xf32, #tpu.memory_space<vmem>>[vector<16xi32>, vector<16xi32>], vector<16xf32>,
          %add3A_344 = arith.constant 16 : i32
          %add3A_345 = vector.broadcast %add3A_344 : i32 to vector<16xi32>
          %add3A_346 = arith.addi %broadcast_in_dim3A, %add3A_345 : vector<16xi32>
          %gather3A_347 = arith.constant 0 : i32
          %gather3A_348 = arith.constant 0 : i32
          %gather3A_349 = arith.constant 0 : i32
          %gather3A_350 = tpu.memref_slice %arg4[%gather3A_347, %gather3A_348, %gather3A_349] : memref<2x16x1024xf32, #tpu.memory_space<vmem>> -> memref<1x16x1024xf32, #tpu.memory_space<vmem>>
          %gather3A_351 = tpu.memref_squeeze %gather3A_350 : memref<1x16x1024xf32, #tpu.memory_space<vmem>> -> memref<16x1024xf32, #tpu.memory_space<vmem>>
          %gather3A_352 = tpu.vector_load_idx %gather3A_351[%iota3A, %add3A_346] : memref<16x1024xf32, #tpu.memory_space<vmem>>[vector<16xi32>, vector<16xi32>], vector<16xf32>,
          %add3A_353 = arith.constant 17 : i32
          %add3A_354 = vector.broadcast %add3A_353 : i32 to vector<16xi32>
          %add3A_355 = arith.addi %broadcast_in_dim3A, %add3A_354 : vector<16xi32>
          %gather3A_356 = arith.constant 0 : i32
          %gather3A_357 = arith.constant 0 : i32
          %gather3A_358 = arith.constant 0 : i32
          %gather3A_359 = tpu.memref_slice %arg4[%gather3A_356, %gather3A_357, %gather3A_358] : memref<2x16x1024xf32, #tpu.memory_space<vmem>> -> memref<1x16x1024xf32, #tpu.memory_space<vmem>>
          %gather3A_360 = tpu.memref_squeeze %gather3A_359 : memref<1x16x1024xf32, #tpu.memory_space<vmem>> -> memref<16x1024xf32, #tpu.memory_space<vmem>>
          %gather3A_361 = tpu.vector_load_idx %gather3A_360[%iota3A, %add3A_355] : memref<16x1024xf32, #tpu.memory_space<vmem>>[vector<16xi32>, vector<16xi32>], vector<16xf32>,
          %add3A_362 = arith.constant 18 : i32
          %add3A_363 = vector.broadcast %add3A_362 : i32 to vector<16xi32>
          %add3A_364 = arith.addi %broadcast_in_dim3A, %add3A_363 : vector<16xi32>
          %gather3A_365 = arith.constant 0 : i32
          %gather3A_366 = arith.constant 0 : i32
          %gather3A_367 = arith.constant 0 : i32
          %gather3A_368 = tpu.memref_slice %arg4[%gather3A_365, %gather3A_366, %gather3A_367] : memref<2x16x1024xf32, #tpu.memory_space<vmem>> -> memref<1x16x1024xf32, #tpu.memory_space<vmem>>
          %gather3A_369 = tpu.memref_squeeze %gather3A_368 : memref<1x16x1024xf32, #tpu.memory_space<vmem>> -> memref<16x1024xf32, #tpu.memory_space<vmem>>
          %gather3A_370 = tpu.vector_load_idx %gather3A_369[%iota3A, %add3A_364] : memref<16x1024xf32, #tpu.memory_space<vmem>>[vector<16xi32>, vector<16xi32>], vector<16xf32>,
          %add3A_371 = arith.constant 19 : i32
          %add3A_372 = vector.broadcast %add3A_371 : i32 to vector<16xi32>
          %add3A_373 = arith.addi %broadcast_in_dim3A, %add3A_372 : vector<16xi32>
          %gather3A_374 = arith.constant 0 : i32
          %gather3A_375 = arith.constant 0 : i32
          %gather3A_376 = arith.constant 0 : i32
          %gather3A_377 = tpu.memref_slice %arg4[%gather3A_374, %gather3A_375, %gather3A_376] : memref<2x16x1024xf32, #tpu.memory_space<vmem>> -> memref<1x16x1024xf32, #tpu.memory_space<vmem>>
          %gather3A_378 = tpu.memref_squeeze %gather3A_377 : memref<1x16x1024xf32, #tpu.memory_space<vmem>> -> memref<16x1024xf32, #tpu.memory_space<vmem>>
          %gather3A_379 = tpu.vector_load_idx %gather3A_378[%iota3A, %add3A_373] : memref<16x1024xf32, #tpu.memory_space<vmem>>[vector<16xi32>, vector<16xi32>], vector<16xf32>,
          %add3A_380 = arith.constant 20 : i32
          %add3A_381 = vector.broadcast %add3A_380 : i32 to vector<16xi32>
          %add3A_382 = arith.addi %broadcast_in_dim3A, %add3A_381 : vector<16xi32>
          %gather3A_383 = arith.constant 0 : i32
          %gather3A_384 = arith.constant 0 : i32
          %gather3A_385 = arith.constant 0 : i32
          %gather3A_386 = tpu.memref_slice %arg4[%gather3A_383, %gather3A_384, %gather3A_385] : memref<2x16x1024xf32, #tpu.memory_space<vmem>> -> memref<1x16x1024xf32, #tpu.memory_space<vmem>>
          %gather3A_387 = tpu.memref_squeeze %gather3A_386 : memref<1x16x1024xf32, #tpu.memory_space<vmem>> -> memref<16x1024xf32, #tpu.memory_space<vmem>>
          %gather3A_388 = tpu.vector_load_idx %gather3A_387[%iota3A, %add3A_382] : memref<16x1024xf32, #tpu.memory_space<vmem>>[vector<16xi32>, vector<16xi32>], vector<16xf32>,
          %add3A_389 = arith.constant 21 : i32
          %add3A_390 = vector.broadcast %add3A_389 : i32 to vector<16xi32>
          %add3A_391 = arith.addi %broadcast_in_dim3A, %add3A_390 : vector<16xi32>
          %gather3A_392 = arith.constant 0 : i32
          %gather3A_393 = arith.constant 0 : i32
          %gather3A_394 = arith.constant 0 : i32
          %gather3A_395 = tpu.memref_slice %arg4[%gather3A_392, %gather3A_393, %gather3A_394] : memref<2x16x1024xf32, #tpu.memory_space<vmem>> -> memref<1x16x1024xf32, #tpu.memory_space<vmem>>
          %gather3A_396 = tpu.memref_squeeze %gather3A_395 : memref<1x16x1024xf32, #tpu.memory_space<vmem>> -> memref<16x1024xf32, #tpu.memory_space<vmem>>
          %gather3A_397 = tpu.vector_load_idx %gather3A_396[%iota3A, %add3A_391] : memref<16x1024xf32, #tpu.memory_space<vmem>>[vector<16xi32>, vector<16xi32>], vector<16xf32>,
          %add3A_398 = arith.constant 22 : i32
          %add3A_399 = vector.broadcast %add3A_398 : i32 to vector<16xi32>
          %add3A_400 = arith.addi %broadcast_in_dim3A, %add3A_399 : vector<16xi32>
          %gather3A_401 = arith.constant 0 : i32
          %gather3A_402 = arith.constant 0 : i32
          %gather3A_403 = arith.constant 0 : i32
          %gather3A_404 = tpu.memref_slice %arg4[%gather3A_401, %gather3A_402, %gather3A_403] : memref<2x16x1024xf32, #tpu.memory_space<vmem>> -> memref<1x16x1024xf32, #tpu.memory_space<vmem>>
          %gather3A_405 = tpu.memref_squeeze %gather3A_404 : memref<1x16x1024xf32, #tpu.memory_space<vmem>> -> memref<16x1024xf32, #tpu.memory_space<vmem>>
          %gather3A_406 = tpu.vector_load_idx %gather3A_405[%iota3A, %add3A_400] : memref<16x1024xf32, #tpu.memory_space<vmem>>[vector<16xi32>, vector<16xi32>], vector<16xf32>,
          %add3A_407 = arith.constant 23 : i32
          %add3A_408 = vector.broadcast %add3A_407 : i32 to vector<16xi32>
          %add3A_409 = arith.addi %broadcast_in_dim3A, %add3A_408 : vector<16xi32>
          %gather3A_410 = arith.constant 0 : i32
          %gather3A_411 = arith.constant 0 : i32
          %gather3A_412 = arith.constant 0 : i32
          %gather3A_413 = tpu.memref_slice %arg4[%gather3A_410, %gather3A_411, %gather3A_412] : memref<2x16x1024xf32, #tpu.memory_space<vmem>> -> memref<1x16x1024xf32, #tpu.memory_space<vmem>>
          %gather3A_414 = tpu.memref_squeeze %gather3A_413 : memref<1x16x1024xf32, #tpu.memory_space<vmem>> -> memref<16x1024xf32, #tpu.memory_space<vmem>>
          %gather3A_415 = tpu.vector_load_idx %gather3A_414[%iota3A, %add3A_409] : memref<16x1024xf32, #tpu.memory_space<vmem>>[vector<16xi32>, vector<16xi32>], vector<16xf32>,
          %add3A_416 = arith.constant 24 : i32
          %add3A_417 = vector.broadcast %add3A_416 : i32 to vector<16xi32>
          %add3A_418 = arith.addi %broadcast_in_dim3A, %add3A_417 : vector<16xi32>
          %gather3A_419 = arith.constant 0 : i32
          %gather3A_420 = arith.constant 0 : i32
          %gather3A_421 = arith.constant 0 : i32
          %gather3A_422 = tpu.memref_slice %arg4[%gather3A_419, %gather3A_420, %gather3A_421] : memref<2x16x1024xf32, #tpu.memory_space<vmem>> -> memref<1x16x1024xf32, #tpu.memory_space<vmem>>
          %gather3A_423 = tpu.memref_squeeze %gather3A_422 : memref<1x16x1024xf32, #tpu.memory_space<vmem>> -> memref<16x1024xf32, #tpu.memory_space<vmem>>
          %gather3A_424 = tpu.vector_load_idx %gather3A_423[%iota3A, %add3A_418] : memref<16x1024xf32, #tpu.memory_space<vmem>>[vector<16xi32>, vector<16xi32>], vector<16xf32>,
          %add3A_425 = arith.constant 25 : i32
          %add3A_426 = vector.broadcast %add3A_425 : i32 to vector<16xi32>
          %add3A_427 = arith.addi %broadcast_in_dim3A, %add3A_426 : vector<16xi32>
          %gather3A_428 = arith.constant 0 : i32
          %gather3A_429 = arith.constant 0 : i32
          %gather3A_430 = arith.constant 0 : i32
          %gather3A_431 = tpu.memref_slice %arg4[%gather3A_428, %gather3A_429, %gather3A_430] : memref<2x16x1024xf32, #tpu.memory_space<vmem>> -> memref<1x16x1024xf32, #tpu.memory_space<vmem>>
          %gather3A_432 = tpu.memref_squeeze %gather3A_431 : memref<1x16x1024xf32, #tpu.memory_space<vmem>> -> memref<16x1024xf32, #tpu.memory_space<vmem>>
          %gather3A_433 = tpu.vector_load_idx %gather3A_432[%iota3A, %add3A_427] : memref<16x1024xf32, #tpu.memory_space<vmem>>[vector<16xi32>, vector<16xi32>], vector<16xf32>,
          %add3A_434 = arith.constant 26 : i32
          %add3A_435 = vector.broadcast %add3A_434 : i32 to vector<16xi32>
          %add3A_436 = arith.addi %broadcast_in_dim3A, %add3A_435 : vector<16xi32>
          %gather3A_437 = arith.constant 0 : i32
          %gather3A_438 = arith.constant 0 : i32
          %gather3A_439 = arith.constant 0 : i32
          %gather3A_440 = tpu.memref_slice %arg4[%gather3A_437, %gather3A_438, %gather3A_439] : memref<2x16x1024xf32, #tpu.memory_space<vmem>> -> memref<1x16x1024xf32, #tpu.memory_space<vmem>>
          %gather3A_441 = tpu.memref_squeeze %gather3A_440 : memref<1x16x1024xf32, #tpu.memory_space<vmem>> -> memref<16x1024xf32, #tpu.memory_space<vmem>>
          %gather3A_442 = tpu.vector_load_idx %gather3A_441[%iota3A, %add3A_436] : memref<16x1024xf32, #tpu.memory_space<vmem>>[vector<16xi32>, vector<16xi32>], vector<16xf32>,
          %add3A_443 = arith.constant 27 : i32
          %add3A_444 = vector.broadcast %add3A_443 : i32 to vector<16xi32>
          %add3A_445 = arith.addi %broadcast_in_dim3A, %add3A_444 : vector<16xi32>
          %gather3A_446 = arith.constant 0 : i32
          %gather3A_447 = arith.constant 0 : i32
          %gather3A_448 = arith.constant 0 : i32
          %gather3A_449 = tpu.memref_slice %arg4[%gather3A_446, %gather3A_447, %gather3A_448] : memref<2x16x1024xf32, #tpu.memory_space<vmem>> -> memref<1x16x1024xf32, #tpu.memory_space<vmem>>
          %gather3A_450 = tpu.memref_squeeze %gather3A_449 : memref<1x16x1024xf32, #tpu.memory_space<vmem>> -> memref<16x1024xf32, #tpu.memory_space<vmem>>
          %gather3A_451 = tpu.vector_load_idx %gather3A_450[%iota3A, %add3A_445] : memref<16x1024xf32, #tpu.memory_space<vmem>>[vector<16xi32>, vector<16xi32>], vector<16xf32>,
          %add3A_452 = arith.constant 28 : i32
          %add3A_453 = vector.broadcast %add3A_452 : i32 to vector<16xi32>
          %add3A_454 = arith.addi %broadcast_in_dim3A, %add3A_453 : vector<16xi32>
          %gather3A_455 = arith.constant 0 : i32
          %gather3A_456 = arith.constant 0 : i32
          %gather3A_457 = arith.constant 0 : i32
          %gather3A_458 = tpu.memref_slice %arg4[%gather3A_455, %gather3A_456, %gather3A_457] : memref<2x16x1024xf32, #tpu.memory_space<vmem>> -> memref<1x16x1024xf32, #tpu.memory_space<vmem>>
          %gather3A_459 = tpu.memref_squeeze %gather3A_458 : memref<1x16x1024xf32, #tpu.memory_space<vmem>> -> memref<16x1024xf32, #tpu.memory_space<vmem>>
          %gather3A_460 = tpu.vector_load_idx %gather3A_459[%iota3A, %add3A_454] : memref<16x1024xf32, #tpu.memory_space<vmem>>[vector<16xi32>, vector<16xi32>], vector<16xf32>,
          %add3A_461 = arith.constant 29 : i32
          %add3A_462 = vector.broadcast %add3A_461 : i32 to vector<16xi32>
          %add3A_463 = arith.addi %broadcast_in_dim3A, %add3A_462 : vector<16xi32>
          %gather3A_464 = arith.constant 0 : i32
          %gather3A_465 = arith.constant 0 : i32
          %gather3A_466 = arith.constant 0 : i32
          %gather3A_467 = tpu.memref_slice %arg4[%gather3A_464, %gather3A_465, %gather3A_466] : memref<2x16x1024xf32, #tpu.memory_space<vmem>> -> memref<1x16x1024xf32, #tpu.memory_space<vmem>>
          %gather3A_468 = tpu.memref_squeeze %gather3A_467 : memref<1x16x1024xf32, #tpu.memory_space<vmem>> -> memref<16x1024xf32, #tpu.memory_space<vmem>>
          %gather3A_469 = tpu.vector_load_idx %gather3A_468[%iota3A, %add3A_463] : memref<16x1024xf32, #tpu.memory_space<vmem>>[vector<16xi32>, vector<16xi32>], vector<16xf32>,
          %add3A_470 = arith.constant 30 : i32
          %add3A_471 = vector.broadcast %add3A_470 : i32 to vector<16xi32>
          %add3A_472 = arith.addi %broadcast_in_dim3A, %add3A_471 : vector<16xi32>
          %gather3A_473 = arith.constant 0 : i32
          %gather3A_474 = arith.constant 0 : i32
          %gather3A_475 = arith.constant 0 : i32
          %gather3A_476 = tpu.memref_slice %arg4[%gather3A_473, %gather3A_474, %gather3A_475] : memref<2x16x1024xf32, #tpu.memory_space<vmem>> -> memref<1x16x1024xf32, #tpu.memory_space<vmem>>
          %gather3A_477 = tpu.memref_squeeze %gather3A_476 : memref<1x16x1024xf32, #tpu.memory_space<vmem>> -> memref<16x1024xf32, #tpu.memory_space<vmem>>
          %gather3A_478 = tpu.vector_load_idx %gather3A_477[%iota3A, %add3A_472] : memref<16x1024xf32, #tpu.memory_space<vmem>>[vector<16xi32>, vector<16xi32>], vector<16xf32>,
          %add3A_479 = arith.constant 31 : i32
          %add3A_480 = vector.broadcast %add3A_479 : i32 to vector<16xi32>
          %add3A_481 = arith.addi %broadcast_in_dim3A, %add3A_480 : vector<16xi32>
          %gather3A_482 = arith.constant 0 : i32
          %gather3A_483 = arith.constant 0 : i32
          %gather3A_484 = arith.constant 0 : i32
          %gather3A_485 = tpu.memref_slice %arg4[%gather3A_482, %gather3A_483, %gather3A_484] : memref<2x16x1024xf32, #tpu.memory_space<vmem>> -> memref<1x16x1024xf32, #tpu.memory_space<vmem>>
          %gather3A_486 = tpu.memref_squeeze %gather3A_485 : memref<1x16x1024xf32, #tpu.memory_space<vmem>> -> memref<16x1024xf32, #tpu.memory_space<vmem>>
          %gather3A_487 = tpu.vector_load_idx %gather3A_486[%iota3A, %add3A_481] : memref<16x1024xf32, #tpu.memory_space<vmem>>[vector<16xi32>, vector<16xi32>], vector<16xf32>,
          %mul3A_488 = arith.constant 4 : i32
          %mul3A_489 = arith.muli %scan3A_197, %mul3A_488 : i32
          %add3A_490 = arith.constant 0 : i32
          %add3A_491 = arith.addi %mul3A_489, %add3A_490 : i32
          %swap3A = arith.constant 0 : i32
          %swap3A_492 = arith.index_cast %swap3A : i32 to index
          %swap3A_493 = arith.index_cast %add3A_491 : i32 to index
          %swap3A_494 = arith.constant 0 : index
          %swap3A_495 = tpu.vector_load %arg5[%swap3A_492, %swap3A_493, %swap3A_494] {strides = array<i32>} : memref<2x128x128xf32, #tpu.memory_space<vmem>>, vector<16xf32>,
          tpu.vector_store %arg5[%swap3A_492, %swap3A_493, %swap3A_494], %gather3A_208 {strides = array<i32>} : memref<2x128x128xf32, #tpu.memory_space<vmem>>, vector<16xf32>,
          %mul3A_496 = arith.constant 4 : i32
          %mul3A_497 = arith.muli %scan3A_197, %mul3A_496 : i32
          %add3A_498 = arith.constant 0 : i32
          %add3A_499 = arith.addi %mul3A_497, %add3A_498 : i32
          %swap3A_500 = arith.constant 0 : i32
          %swap3A_501 = arith.index_cast %swap3A_500 : i32 to index
          %swap3A_502 = arith.index_cast %add3A_499 : i32 to index
          %swap3A_503 = arith.constant 16 : index
          %swap3A_504 = tpu.vector_load %arg5[%swap3A_501, %swap3A_502, %swap3A_503] {strides = array<i32>} : memref<2x128x128xf32, #tpu.memory_space<vmem>>, vector<16xf32>,
          tpu.vector_store %arg5[%swap3A_501, %swap3A_502, %swap3A_503], %gather3A_217 {strides = array<i32>} : memref<2x128x128xf32, #tpu.memory_space<vmem>>, vector<16xf32>,
          %mul3A_505 = arith.constant 4 : i32
          %mul3A_506 = arith.muli %scan3A_197, %mul3A_505 : i32
          %add3A_507 = arith.constant 0 : i32
          %add3A_508 = arith.addi %mul3A_506, %add3A_507 : i32
          %swap3A_509 = arith.constant 0 : i32
          %swap3A_510 = arith.index_cast %swap3A_509 : i32 to index
          %swap3A_511 = arith.index_cast %add3A_508 : i32 to index
          %swap3A_512 = arith.constant 32 : index
          %swap3A_513 = tpu.vector_load %arg5[%swap3A_510, %swap3A_511, %swap3A_512] {strides = array<i32>} : memref<2x128x128xf32, #tpu.memory_space<vmem>>, vector<16xf32>,
          tpu.vector_store %arg5[%swap3A_510, %swap3A_511, %swap3A_512], %gather3A_226 {strides = array<i32>} : memref<2x128x128xf32, #tpu.memory_space<vmem>>, vector<16xf32>,
          %mul3A_514 = arith.constant 4 : i32
          %mul3A_515 = arith.muli %scan3A_197, %mul3A_514 : i32
          %add3A_516 = arith.constant 0 : i32
          %add3A_517 = arith.addi %mul3A_515, %add3A_516 : i32
          %swap3A_518 = arith.constant 0 : i32
          %swap3A_519 = arith.index_cast %swap3A_518 : i32 to index
          %swap3A_520 = arith.index_cast %add3A_517 : i32 to index
          %swap3A_521 = arith.constant 48 : index
          %swap3A_522 = tpu.vector_load %arg5[%swap3A_519, %swap3A_520, %swap3A_521] {strides = array<i32>} : memref<2x128x128xf32, #tpu.memory_space<vmem>>, vector<16xf32>,
          tpu.vector_store %arg5[%swap3A_519, %swap3A_520, %swap3A_521], %gather3A_235 {strides = array<i32>} : memref<2x128x128xf32, #tpu.memory_space<vmem>>, vector<16xf32>,
          %mul3A_523 = arith.constant 4 : i32
          %mul3A_524 = arith.muli %scan3A_197, %mul3A_523 : i32
          %add3A_525 = arith.constant 0 : i32
          %add3A_526 = arith.addi %mul3A_524, %add3A_525 : i32
          %swap3A_527 = arith.constant 0 : i32
          %swap3A_528 = arith.index_cast %swap3A_527 : i32 to index
          %swap3A_529 = arith.index_cast %add3A_526 : i32 to index
          %swap3A_530 = arith.constant 64 : index
          %swap3A_531 = tpu.vector_load %arg5[%swap3A_528, %swap3A_529, %swap3A_530] {strides = array<i32>} : memref<2x128x128xf32, #tpu.memory_space<vmem>>, vector<16xf32>,
          tpu.vector_store %arg5[%swap3A_528, %swap3A_529, %swap3A_530], %gather3A_244 {strides = array<i32>} : memref<2x128x128xf32, #tpu.memory_space<vmem>>, vector<16xf32>,
          %mul3A_532 = arith.constant 4 : i32
          %mul3A_533 = arith.muli %scan3A_197, %mul3A_532 : i32
          %add3A_534 = arith.constant 0 : i32
          %add3A_535 = arith.addi %mul3A_533, %add3A_534 : i32
          %swap3A_536 = arith.constant 0 : i32
          %swap3A_537 = arith.index_cast %swap3A_536 : i32 to index
          %swap3A_538 = arith.index_cast %add3A_535 : i32 to index
          %swap3A_539 = arith.constant 80 : index
          %swap3A_540 = tpu.vector_load %arg5[%swap3A_537, %swap3A_538, %swap3A_539] {strides = array<i32>} : memref<2x128x128xf32, #tpu.memory_space<vmem>>, vector<16xf32>,
          tpu.vector_store %arg5[%swap3A_537, %swap3A_538, %swap3A_539], %gather3A_253 {strides = array<i32>} : memref<2x128x128xf32, #tpu.memory_space<vmem>>, vector<16xf32>,
          %mul3A_541 = arith.constant 4 : i32
          %mul3A_542 = arith.muli %scan3A_197, %mul3A_541 : i32
          %add3A_543 = arith.constant 0 : i32
          %add3A_544 = arith.addi %mul3A_542, %add3A_543 : i32
          %swap3A_545 = arith.constant 0 : i32
          %swap3A_546 = arith.index_cast %swap3A_545 : i32 to index
          %swap3A_547 = arith.index_cast %add3A_544 : i32 to index
          %swap3A_548 = arith.constant 96 : index
          %swap3A_549 = tpu.vector_load %arg5[%swap3A_546, %swap3A_547, %swap3A_548] {strides = array<i32>} : memref<2x128x128xf32, #tpu.memory_space<vmem>>, vector<16xf32>,
          tpu.vector_store %arg5[%swap3A_546, %swap3A_547, %swap3A_548], %gather3A_262 {strides = array<i32>} : memref<2x128x128xf32, #tpu.memory_space<vmem>>, vector<16xf32>,
          %mul3A_550 = arith.constant 4 : i32
          %mul3A_551 = arith.muli %scan3A_197, %mul3A_550 : i32
          %add3A_552 = arith.constant 0 : i32
          %add3A_553 = arith.addi %mul3A_551, %add3A_552 : i32
          %swap3A_554 = arith.constant 0 : i32
          %swap3A_555 = arith.index_cast %swap3A_554 : i32 to index
          %swap3A_556 = arith.index_cast %add3A_553 : i32 to index
          %swap3A_557 = arith.constant 112 : index
          %swap3A_558 = tpu.vector_load %arg5[%swap3A_555, %swap3A_556, %swap3A_557] {strides = array<i32>} : memref<2x128x128xf32, #tpu.memory_space<vmem>>, vector<16xf32>,
          tpu.vector_store %arg5[%swap3A_555, %swap3A_556, %swap3A_557], %gather3A_271 {strides = array<i32>} : memref<2x128x128xf32, #tpu.memory_space<vmem>>, vector<16xf32>,
          %mul3A_559 = arith.constant 4 : i32
          %mul3A_560 = arith.muli %scan3A_197, %mul3A_559 : i32
          %add3A_561 = arith.constant 1 : i32
          %add3A_562 = arith.addi %mul3A_560, %add3A_561 : i32
          %swap3A_563 = arith.constant 0 : i32
          %swap3A_564 = arith.index_cast %swap3A_563 : i32 to index
          %swap3A_565 = arith.index_cast %add3A_562 : i32 to index
          %swap3A_566 = arith.constant 0 : index
          %swap3A_567 = tpu.vector_load %arg5[%swap3A_564, %swap3A_565, %swap3A_566] {strides = array<i32>} : memref<2x128x128xf32, #tpu.memory_space<vmem>>, vector<16xf32>,
          tpu.vector_store %arg5[%swap3A_564, %swap3A_565, %swap3A_566], %gather3A_280 {strides = array<i32>} : memref<2x128x128xf32, #tpu.memory_space<vmem>>, vector<16xf32>,
          %mul3A_568 = arith.constant 4 : i32
          %mul3A_569 = arith.muli %scan3A_197, %mul3A_568 : i32
          %add3A_570 = arith.constant 1 : i32
          %add3A_571 = arith.addi %mul3A_569, %add3A_570 : i32
          %swap3A_572 = arith.constant 0 : i32
          %swap3A_573 = arith.index_cast %swap3A_572 : i32 to index
          %swap3A_574 = arith.index_cast %add3A_571 : i32 to index
          %swap3A_575 = arith.constant 16 : index
          %swap3A_576 = tpu.vector_load %arg5[%swap3A_573, %swap3A_574, %swap3A_575] {strides = array<i32>} : memref<2x128x128xf32, #tpu.memory_space<vmem>>, vector<16xf32>,
          tpu.vector_store %arg5[%swap3A_573, %swap3A_574, %swap3A_575], %gather3A_289 {strides = array<i32>} : memref<2x128x128xf32, #tpu.memory_space<vmem>>, vector<16xf32>,
          %mul3A_577 = arith.constant 4 : i32
          %mul3A_578 = arith.muli %scan3A_197, %mul3A_577 : i32
          %add3A_579 = arith.constant 1 : i32
          %add3A_580 = arith.addi %mul3A_578, %add3A_579 : i32
          %swap3A_581 = arith.constant 0 : i32
          %swap3A_582 = arith.index_cast %swap3A_581 : i32 to index
          %swap3A_583 = arith.index_cast %add3A_580 : i32 to index
          %swap3A_584 = arith.constant 32 : index
          %swap3A_585 = tpu.vector_load %arg5[%swap3A_582, %swap3A_583, %swap3A_584] {strides = array<i32>} : memref<2x128x128xf32, #tpu.memory_space<vmem>>, vector<16xf32>,
          tpu.vector_store %arg5[%swap3A_582, %swap3A_583, %swap3A_584], %gather3A_298 {strides = array<i32>} : memref<2x128x128xf32, #tpu.memory_space<vmem>>, vector<16xf32>,
          %mul3A_586 = arith.constant 4 : i32
          %mul3A_587 = arith.muli %scan3A_197, %mul3A_586 : i32
          %add3A_588 = arith.constant 1 : i32
          %add3A_589 = arith.addi %mul3A_587, %add3A_588 : i32
          %swap3A_590 = arith.constant 0 : i32
          %swap3A_591 = arith.index_cast %swap3A_590 : i32 to index
          %swap3A_592 = arith.index_cast %add3A_589 : i32 to index
          %swap3A_593 = arith.constant 48 : index
          %swap3A_594 = tpu.vector_load %arg5[%swap3A_591, %swap3A_592, %swap3A_593] {strides = array<i32>} : memref<2x128x128xf32, #tpu.memory_space<vmem>>, vector<16xf32>,
          tpu.vector_store %arg5[%swap3A_591, %swap3A_592, %swap3A_593], %gather3A_307 {strides = array<i32>} : memref<2x128x128xf32, #tpu.memory_space<vmem>>, vector<16xf32>,
          %mul3A_595 = arith.constant 4 : i32
          %mul3A_596 = arith.muli %scan3A_197, %mul3A_595 : i32
          %add3A_597 = arith.constant 1 : i32
          %add3A_598 = arith.addi %mul3A_596, %add3A_597 : i32
          %swap3A_599 = arith.constant 0 : i32
          %swap3A_600 = arith.index_cast %swap3A_599 : i32 to index
          %swap3A_601 = arith.index_cast %add3A_598 : i32 to index
          %swap3A_602 = arith.constant 64 : index
          %swap3A_603 = tpu.vector_load %arg5[%swap3A_600, %swap3A_601, %swap3A_602] {strides = array<i32>} : memref<2x128x128xf32, #tpu.memory_space<vmem>>, vector<16xf32>,
          tpu.vector_store %arg5[%swap3A_600, %swap3A_601, %swap3A_602], %gather3A_316 {strides = array<i32>} : memref<2x128x128xf32, #tpu.memory_space<vmem>>, vector<16xf32>,
          %mul3A_604 = arith.constant 4 : i32
          %mul3A_605 = arith.muli %scan3A_197, %mul3A_604 : i32
          %add3A_606 = arith.constant 1 : i32
          %add3A_607 = arith.addi %mul3A_605, %add3A_606 : i32
          %swap3A_608 = arith.constant 0 : i32
          %swap3A_609 = arith.index_cast %swap3A_608 : i32 to index
          %swap3A_610 = arith.index_cast %add3A_607 : i32 to index
          %swap3A_611 = arith.constant 80 : index
          %swap3A_612 = tpu.vector_load %arg5[%swap3A_609, %swap3A_610, %swap3A_611] {strides = array<i32>} : memref<2x128x128xf32, #tpu.memory_space<vmem>>, vector<16xf32>,
          tpu.vector_store %arg5[%swap3A_609, %swap3A_610, %swap3A_611], %gather3A_325 {strides = array<i32>} : memref<2x128x128xf32, #tpu.memory_space<vmem>>, vector<16xf32>,
          %mul3A_613 = arith.constant 4 : i32
          %mul3A_614 = arith.muli %scan3A_197, %mul3A_613 : i32
          %add3A_615 = arith.constant 1 : i32
          %add3A_616 = arith.addi %mul3A_614, %add3A_615 : i32
          %swap3A_617 = arith.constant 0 : i32
          %swap3A_618 = arith.index_cast %swap3A_617 : i32 to index
          %swap3A_619 = arith.index_cast %add3A_616 : i32 to index
          %swap3A_620 = arith.constant 96 : index
          %swap3A_621 = tpu.vector_load %arg5[%swap3A_618, %swap3A_619, %swap3A_620] {strides = array<i32>} : memref<2x128x128xf32, #tpu.memory_space<vmem>>, vector<16xf32>,
          tpu.vector_store %arg5[%swap3A_618, %swap3A_619, %swap3A_620], %gather3A_334 {strides = array<i32>} : memref<2x128x128xf32, #tpu.memory_space<vmem>>, vector<16xf32>,
          %mul3A_622 = arith.constant 4 : i32
          %mul3A_623 = arith.muli %scan3A_197, %mul3A_622 : i32
          %add3A_624 = arith.constant 1 : i32
          %add3A_625 = arith.addi %mul3A_623, %add3A_624 : i32
          %swap3A_626 = arith.constant 0 : i32
          %swap3A_627 = arith.index_cast %swap3A_626 : i32 to index
          %swap3A_628 = arith.index_cast %add3A_625 : i32 to index
          %swap3A_629 = arith.constant 112 : index
          %swap3A_630 = tpu.vector_load %arg5[%swap3A_627, %swap3A_628, %swap3A_629] {strides = array<i32>} : memref<2x128x128xf32, #tpu.memory_space<vmem>>, vector<16xf32>,
          tpu.vector_store %arg5[%swap3A_627, %swap3A_628, %swap3A_629], %gather3A_343 {strides = array<i32>} : memref<2x128x128xf32, #tpu.memory_space<vmem>>, vector<16xf32>,
          %mul3A_631 = arith.constant 4 : i32
          %mul3A_632 = arith.muli %scan3A_197, %mul3A_631 : i32
          %add3A_633 = arith.constant 2 : i32
          %add3A_634 = arith.addi %mul3A_632, %add3A_633 : i32
          %swap3A_635 = arith.constant 0 : i32
          %swap3A_636 = arith.index_cast %swap3A_635 : i32 to index
          %swap3A_637 = arith.index_cast %add3A_634 : i32 to index
          %swap3A_638 = arith.constant 0 : index
          %swap3A_639 = tpu.vector_load %arg5[%swap3A_636, %swap3A_637, %swap3A_638] {strides = array<i32>} : memref<2x128x128xf32, #tpu.memory_space<vmem>>, vector<16xf32>,
          tpu.vector_store %arg5[%swap3A_636, %swap3A_637, %swap3A_638], %gather3A_352 {strides = array<i32>} : memref<2x128x128xf32, #tpu.memory_space<vmem>>, vector<16xf32>,
          %mul3A_640 = arith.constant 4 : i32
          %mul3A_641 = arith.muli %scan3A_197, %mul3A_640 : i32
          %add3A_642 = arith.constant 2 : i32
          %add3A_643 = arith.addi %mul3A_641, %add3A_642 : i32
          %swap3A_644 = arith.constant 0 : i32
          %swap3A_645 = arith.index_cast %swap3A_644 : i32 to index
          %swap3A_646 = arith.index_cast %add3A_643 : i32 to index
          %swap3A_647 = arith.constant 16 : index
          %swap3A_648 = tpu.vector_load %arg5[%swap3A_645, %swap3A_646, %swap3A_647] {strides = array<i32>} : memref<2x128x128xf32, #tpu.memory_space<vmem>>, vector<16xf32>,
          tpu.vector_store %arg5[%swap3A_645, %swap3A_646, %swap3A_647], %gather3A_361 {strides = array<i32>} : memref<2x128x128xf32, #tpu.memory_space<vmem>>, vector<16xf32>,
          %mul3A_649 = arith.constant 4 : i32
          %mul3A_650 = arith.muli %scan3A_197, %mul3A_649 : i32
          %add3A_651 = arith.constant 2 : i32
          %add3A_652 = arith.addi %mul3A_650, %add3A_651 : i32
          %swap3A_653 = arith.constant 0 : i32
          %swap3A_654 = arith.index_cast %swap3A_653 : i32 to index
          %swap3A_655 = arith.index_cast %add3A_652 : i32 to index
          %swap3A_656 = arith.constant 32 : index
          %swap3A_657 = tpu.vector_load %arg5[%swap3A_654, %swap3A_655, %swap3A_656] {strides = array<i32>} : memref<2x128x128xf32, #tpu.memory_space<vmem>>, vector<16xf32>,
          tpu.vector_store %arg5[%swap3A_654, %swap3A_655, %swap3A_656], %gather3A_370 {strides = array<i32>} : memref<2x128x128xf32, #tpu.memory_space<vmem>>, vector<16xf32>,
          %mul3A_658 = arith.constant 4 : i32
          %mul3A_659 = arith.muli %scan3A_197, %mul3A_658 : i32
          %add3A_660 = arith.constant 2 : i32
          %add3A_661 = arith.addi %mul3A_659, %add3A_660 : i32
          %swap3A_662 = arith.constant 0 : i32
          %swap3A_663 = arith.index_cast %swap3A_662 : i32 to index
          %swap3A_664 = arith.index_cast %add3A_661 : i32 to index
          %swap3A_665 = arith.constant 48 : index
          %swap3A_666 = tpu.vector_load %arg5[%swap3A_663, %swap3A_664, %swap3A_665] {strides = array<i32>} : memref<2x128x128xf32, #tpu.memory_space<vmem>>, vector<16xf32>,
          tpu.vector_store %arg5[%swap3A_663, %swap3A_664, %swap3A_665], %gather3A_379 {strides = array<i32>} : memref<2x128x128xf32, #tpu.memory_space<vmem>>, vector<16xf32>,
          %mul3A_667 = arith.constant 4 : i32
          %mul3A_668 = arith.muli %scan3A_197, %mul3A_667 : i32
          %add3A_669 = arith.constant 2 : i32
          %add3A_670 = arith.addi %mul3A_668, %add3A_669 : i32
          %swap3A_671 = arith.constant 0 : i32
          %swap3A_672 = arith.index_cast %swap3A_671 : i32 to index
          %swap3A_673 = arith.index_cast %add3A_670 : i32 to index
          %swap3A_674 = arith.constant 64 : index
          %swap3A_675 = tpu.vector_load %arg5[%swap3A_672, %swap3A_673, %swap3A_674] {strides = array<i32>} : memref<2x128x128xf32, #tpu.memory_space<vmem>>, vector<16xf32>,
          tpu.vector_store %arg5[%swap3A_672, %swap3A_673, %swap3A_674], %gather3A_388 {strides = array<i32>} : memref<2x128x128xf32, #tpu.memory_space<vmem>>, vector<16xf32>,
          %mul3A_676 = arith.constant 4 : i32
          %mul3A_677 = arith.muli %scan3A_197, %mul3A_676 : i32
          %add3A_678 = arith.constant 2 : i32
          %add3A_679 = arith.addi %mul3A_677, %add3A_678 : i32
          %swap3A_680 = arith.constant 0 : i32
          %swap3A_681 = arith.index_cast %swap3A_680 : i32 to index
          %swap3A_682 = arith.index_cast %add3A_679 : i32 to index
          %swap3A_683 = arith.constant 80 : index
          %swap3A_684 = tpu.vector_load %arg5[%swap3A_681, %swap3A_682, %swap3A_683] {strides = array<i32>} : memref<2x128x128xf32, #tpu.memory_space<vmem>>, vector<16xf32>,
          tpu.vector_store %arg5[%swap3A_681, %swap3A_682, %swap3A_683], %gather3A_397 {strides = array<i32>} : memref<2x128x128xf32, #tpu.memory_space<vmem>>, vector<16xf32>,
          %mul3A_685 = arith.constant 4 : i32
          %mul3A_686 = arith.muli %scan3A_197, %mul3A_685 : i32
          %add3A_687 = arith.constant 2 : i32
          %add3A_688 = arith.addi %mul3A_686, %add3A_687 : i32
          %swap3A_689 = arith.constant 0 : i32
          %swap3A_690 = arith.index_cast %swap3A_689 : i32 to index
          %swap3A_691 = arith.index_cast %add3A_688 : i32 to index
          %swap3A_692 = arith.constant 96 : index
          %swap3A_693 = tpu.vector_load %arg5[%swap3A_690, %swap3A_691, %swap3A_692] {strides = array<i32>} : memref<2x128x128xf32, #tpu.memory_space<vmem>>, vector<16xf32>,
          tpu.vector_store %arg5[%swap3A_690, %swap3A_691, %swap3A_692], %gather3A_406 {strides = array<i32>} : memref<2x128x128xf32, #tpu.memory_space<vmem>>, vector<16xf32>,
          %mul3A_694 = arith.constant 4 : i32
          %mul3A_695 = arith.muli %scan3A_197, %mul3A_694 : i32
          %add3A_696 = arith.constant 2 : i32
          %add3A_697 = arith.addi %mul3A_695, %add3A_696 : i32
          %swap3A_698 = arith.constant 0 : i32
          %swap3A_699 = arith.index_cast %swap3A_698 : i32 to index
          %swap3A_700 = arith.index_cast %add3A_697 : i32 to index
          %swap3A_701 = arith.constant 112 : index
          %swap3A_702 = tpu.vector_load %arg5[%swap3A_699, %swap3A_700, %swap3A_701] {strides = array<i32>} : memref<2x128x128xf32, #tpu.memory_space<vmem>>, vector<16xf32>,
          tpu.vector_store %arg5[%swap3A_699, %swap3A_700, %swap3A_701], %gather3A_415 {strides = array<i32>} : memref<2x128x128xf32, #tpu.memory_space<vmem>>, vector<16xf32>,
          %mul3A_703 = arith.constant 4 : i32
          %mul3A_704 = arith.muli %scan3A_197, %mul3A_703 : i32
          %add3A_705 = arith.constant 3 : i32
          %add3A_706 = arith.addi %mul3A_704, %add3A_705 : i32
          %swap3A_707 = arith.constant 0 : i32
          %swap3A_708 = arith.index_cast %swap3A_707 : i32 to index
          %swap3A_709 = arith.index_cast %add3A_706 : i32 to index
          %swap3A_710 = arith.constant 0 : index
          %swap3A_711 = tpu.vector_load %arg5[%swap3A_708, %swap3A_709, %swap3A_710] {strides = array<i32>} : memref<2x128x128xf32, #tpu.memory_space<vmem>>, vector<16xf32>,
          tpu.vector_store %arg5[%swap3A_708, %swap3A_709, %swap3A_710], %gather3A_424 {strides = array<i32>} : memref<2x128x128xf32, #tpu.memory_space<vmem>>, vector<16xf32>,
          %mul3A_712 = arith.constant 4 : i32
          %mul3A_713 = arith.muli %scan3A_197, %mul3A_712 : i32
          %add3A_714 = arith.constant 3 : i32
          %add3A_715 = arith.addi %mul3A_713, %add3A_714 : i32
          %swap3A_716 = arith.constant 0 : i32
          %swap3A_717 = arith.index_cast %swap3A_716 : i32 to index
          %swap3A_718 = arith.index_cast %add3A_715 : i32 to index
          %swap3A_719 = arith.constant 16 : index
          %swap3A_720 = tpu.vector_load %arg5[%swap3A_717, %swap3A_718, %swap3A_719] {strides = array<i32>} : memref<2x128x128xf32, #tpu.memory_space<vmem>>, vector<16xf32>,
          tpu.vector_store %arg5[%swap3A_717, %swap3A_718, %swap3A_719], %gather3A_433 {strides = array<i32>} : memref<2x128x128xf32, #tpu.memory_space<vmem>>, vector<16xf32>,
          %mul3A_721 = arith.constant 4 : i32
          %mul3A_722 = arith.muli %scan3A_197, %mul3A_721 : i32
          %add3A_723 = arith.constant 3 : i32
          %add3A_724 = arith.addi %mul3A_722, %add3A_723 : i32
          %swap3A_725 = arith.constant 0 : i32
          %swap3A_726 = arith.index_cast %swap3A_725 : i32 to index
          %swap3A_727 = arith.index_cast %add3A_724 : i32 to index
          %swap3A_728 = arith.constant 32 : index
          %swap3A_729 = tpu.vector_load %arg5[%swap3A_726, %swap3A_727, %swap3A_728] {strides = array<i32>} : memref<2x128x128xf32, #tpu.memory_space<vmem>>, vector<16xf32>,
          tpu.vector_store %arg5[%swap3A_726, %swap3A_727, %swap3A_728], %gather3A_442 {strides = array<i32>} : memref<2x128x128xf32, #tpu.memory_space<vmem>>, vector<16xf32>,
          %mul3A_730 = arith.constant 4 : i32
          %mul3A_731 = arith.muli %scan3A_197, %mul3A_730 : i32
          %add3A_732 = arith.constant 3 : i32
          %add3A_733 = arith.addi %mul3A_731, %add3A_732 : i32
          %swap3A_734 = arith.constant 0 : i32
          %swap3A_735 = arith.index_cast %swap3A_734 : i32 to index
          %swap3A_736 = arith.index_cast %add3A_733 : i32 to index
          %swap3A_737 = arith.constant 48 : index
          %swap3A_738 = tpu.vector_load %arg5[%swap3A_735, %swap3A_736, %swap3A_737] {strides = array<i32>} : memref<2x128x128xf32, #tpu.memory_space<vmem>>, vector<16xf32>,
          tpu.vector_store %arg5[%swap3A_735, %swap3A_736, %swap3A_737], %gather3A_451 {strides = array<i32>} : memref<2x128x128xf32, #tpu.memory_space<vmem>>, vector<16xf32>,
          %mul3A_739 = arith.constant 4 : i32
          %mul3A_740 = arith.muli %scan3A_197, %mul3A_739 : i32
          %add3A_741 = arith.constant 3 : i32
          %add3A_742 = arith.addi %mul3A_740, %add3A_741 : i32
          %swap3A_743 = arith.constant 0 : i32
          %swap3A_744 = arith.index_cast %swap3A_743 : i32 to index
          %swap3A_745 = arith.index_cast %add3A_742 : i32 to index
          %swap3A_746 = arith.constant 64 : index
          %swap3A_747 = tpu.vector_load %arg5[%swap3A_744, %swap3A_745, %swap3A_746] {strides = array<i32>} : memref<2x128x128xf32, #tpu.memory_space<vmem>>, vector<16xf32>,
          tpu.vector_store %arg5[%swap3A_744, %swap3A_745, %swap3A_746], %gather3A_460 {strides = array<i32>} : memref<2x128x128xf32, #tpu.memory_space<vmem>>, vector<16xf32>,
          %mul3A_748 = arith.constant 4 : i32
          %mul3A_749 = arith.muli %scan3A_197, %mul3A_748 : i32
          %add3A_750 = arith.constant 3 : i32
          %add3A_751 = arith.addi %mul3A_749, %add3A_750 : i32
          %swap3A_752 = arith.constant 0 : i32
          %swap3A_753 = arith.index_cast %swap3A_752 : i32 to index
          %swap3A_754 = arith.index_cast %add3A_751 : i32 to index
          %swap3A_755 = arith.constant 80 : index
          %swap3A_756 = tpu.vector_load %arg5[%swap3A_753, %swap3A_754, %swap3A_755] {strides = array<i32>} : memref<2x128x128xf32, #tpu.memory_space<vmem>>, vector<16xf32>,
          tpu.vector_store %arg5[%swap3A_753, %swap3A_754, %swap3A_755], %gather3A_469 {strides = array<i32>} : memref<2x128x128xf32, #tpu.memory_space<vmem>>, vector<16xf32>,
          %mul3A_757 = arith.constant 4 : i32
          %mul3A_758 = arith.muli %scan3A_197, %mul3A_757 : i32
          %add3A_759 = arith.constant 3 : i32
          %add3A_760 = arith.addi %mul3A_758, %add3A_759 : i32
          %swap3A_761 = arith.constant 0 : i32
          %swap3A_762 = arith.index_cast %swap3A_761 : i32 to index
          %swap3A_763 = arith.index_cast %add3A_760 : i32 to index
          %swap3A_764 = arith.constant 96 : index
          %swap3A_765 = tpu.vector_load %arg5[%swap3A_762, %swap3A_763, %swap3A_764] {strides = array<i32>} : memref<2x128x128xf32, #tpu.memory_space<vmem>>, vector<16xf32>,
          tpu.vector_store %arg5[%swap3A_762, %swap3A_763, %swap3A_764], %gather3A_478 {strides = array<i32>} : memref<2x128x128xf32, #tpu.memory_space<vmem>>, vector<16xf32>,
          %mul3A_766 = arith.constant 4 : i32
          %mul3A_767 = arith.muli %scan3A_197, %mul3A_766 : i32
          %add3A_768 = arith.constant 3 : i32
          %add3A_769 = arith.addi %mul3A_767, %add3A_768 : i32
          %swap3A_770 = arith.constant 0 : i32
          %swap3A_771 = arith.index_cast %swap3A_770 : i32 to index
          %swap3A_772 = arith.index_cast %add3A_769 : i32 to index
          %swap3A_773 = arith.constant 112 : index
          %swap3A_774 = tpu.vector_load %arg5[%swap3A_771, %swap3A_772, %swap3A_773] {strides = array<i32>} : memref<2x128x128xf32, #tpu.memory_space<vmem>>, vector<16xf32>,
          tpu.vector_store %arg5[%swap3A_771, %swap3A_772, %swap3A_773], %gather3A_487 {strides = array<i32>} : memref<2x128x128xf32, #tpu.memory_space<vmem>>, vector<16xf32>,
          %scan3A_775 = arith.constant 0 : i32
          scf.yield %scan3A_775 : i32
        }
        %scan3A_196 = arith.constant 32 : i32
      } else {
      }
      %ge3A_95 = arith.constant 0 : i32
      %ge3A_96 = arith.cmpi sge, %mul3A_36, %ge3A_95 : i32
      %lt3A_97 = arith.constant 31 : i32
      %lt3A_98 = arith.cmpi slt, %mul3A_36, %lt3A_97 : i32
      %and3A_99 = arith.andi %ge3A_96, %lt3A_98 : i1
      %mul3A_100 = arith.constant 31 : i32
      %mul3A_101 = arith.muli %add3A, %mul3A_100 : i32
      %add3A_102 = arith.addi %mul3A_101, %mul3A_36 : i32
      %lt3A_103 = arith.constant 976 : i32
      %lt3A_104 = arith.cmpi slt, %add3A_102, %lt3A_103 : i32
      %and3A_105 = arith.andi %and3A_99, %lt3A_104 : i1
      %convert_element_type3A_106 = arith.extui %and3A_105 : i1 to i32
      %cond3A_107 = arith.constant 0 : i32
      %cond3A_108 = arith.cmpi ne, %convert_element_type3A_106, %cond3A_107 : i32
      scf.if %cond3A_108 {
        %mul3A_190 = arith.constant 31 : i32
        %mul3A_191 = arith.muli %add3A, %mul3A_190 : i32
        %add3A_192 = arith.addi %mul3A_191, %mul3A_36 : i32
        %mul3A_193 = arith.constant 128 : i32
        %mul3A_194 = arith.muli %add3A_192, %mul3A_193 : i32
        %multiple_of3A = tpu.assume_multiple %mul3A_194, 8 : i32
        %dma_start3A = arith.constant 0 : i32
        %dma_start3A_195 = arith.constant 0 : i32
        %dma_start3A_196 = arith.constant 0 : i32
        %dma_start3A_197 = tpu.memref_slice %arg5[%dma_start3A, %dma_start3A_195, %dma_start3A_196] : memref<2x128x128xf32, #tpu.memory_space<vmem>> -> memref<1x128x128xf32, #tpu.memory_space<vmem>>
        %dma_start3A_198 = tpu.memref_squeeze %dma_start3A_197 : memref<1x128x128xf32, #tpu.memory_space<vmem>> -> memref<128x128xf32, #tpu.memory_space<vmem>>
        %dma_start3A_199 = arith.constant 0 : i32
        %dma_start3A_200 = tpu.memref_slice %arg3[%multiple_of3A, %dma_start3A_199] : memref<125008x128xf32, #tpu.memory_space<hbm>> -> memref<128x128xf32, #tpu.memory_space<hbm>>
        %dma_start3A_201 = arith.constant 0 : i32
        %dma_start3A_202 = tpu.memref_slice %arg3[%multiple_of3A, %dma_start3A_201] : memref<125008x128xf32, #tpu.memory_space<hbm>> -> memref<128x128xf32, #tpu.memory_space<hbm>>
        %dma_start3A_203 = arith.constant 0 : i32
        %dma_start3A_204 = arith.constant 0 : i32
        %dma_start3A_205 = tpu.memref_slice %arg5[%dma_start3A, %dma_start3A_203, %dma_start3A_204] : memref<2x128x128xf32, #tpu.memory_space<vmem>> -> memref<1x128x128xf32, #tpu.memory_space<vmem>>
        %dma_start3A_206 = tpu.memref_squeeze %dma_start3A_205 : memref<1x128x128xf32, #tpu.memory_space<vmem>> -> memref<128x128xf32, #tpu.memory_space<vmem>>
        tpu.enqueue_dma source(%dma_start3A_206 : memref<128x128xf32, #tpu.memory_space<vmem>>) target(%dma_start3A_202 : memref<128x128xf32, #tpu.memory_space<hbm>>) target_semaphore(%arg8 : memref<!tpu.dma_semaphore, #tpu.memory_space<semaphore_mem>>)
      } else {
      }
      %add3A_109 = arith.constant 2 : i32
      %add3A_110 = arith.addi %mul3A_36, %add3A_109 : i32
      %ge3A_111 = arith.constant 0 : i32
      %ge3A_112 = arith.cmpi sge, %add3A_110, %ge3A_111 : i32
      %lt3A_113 = arith.constant 31 : i32
      %lt3A_114 = arith.cmpi slt, %add3A_110, %lt3A_113 : i32
      %and3A_115 = arith.andi %ge3A_112, %lt3A_114 : i1
      %mul3A_116 = arith.constant 31 : i32
      %mul3A_117 = arith.muli %add3A, %mul3A_116 : i32
      %add3A_118 = arith.addi %mul3A_117, %add3A_110 : i32
      %lt3A_119 = arith.constant 976 : i32
      %lt3A_120 = arith.cmpi slt, %add3A_118, %lt3A_119 : i32
      %and3A_121 = arith.andi %and3A_115, %lt3A_120 : i1
      %convert_element_type3A_122 = arith.extui %and3A_121 : i1 to i32
      %cond3A_123 = arith.constant 0 : i32
      %cond3A_124 = arith.cmpi ne, %convert_element_type3A_122, %cond3A_123 : i32
      scf.if %cond3A_124 {
        %mul3A_190 = arith.constant 31 : i32
        %mul3A_191 = arith.muli %add3A, %mul3A_190 : i32
        %add3A_192 = arith.addi %mul3A_191, %add3A_110 : i32
        %mul3A_193 = arith.constant 1024 : i32
        %mul3A_194 = arith.muli %add3A_192, %mul3A_193 : i32
        %multiple_of3A = tpu.assume_multiple %mul3A_194, 128 : i32
        %dma_start3A = arith.constant 0 : i32
        %dma_start3A_195 = arith.constant 0 : i32
        %dma_start3A_196 = arith.constant 0 : i32
        %dma_start3A_197 = arith.constant 0 : i32
        %dma_start3A_198 = tpu.memref_slice %arg4[%dma_start3A_195, %dma_start3A_196, %dma_start3A_197] : memref<2x16x1024xf32, #tpu.memory_space<vmem>> -> memref<1x8x1024xf32, #tpu.memory_space<vmem>>
        %dma_start3A_199 = tpu.memref_squeeze %dma_start3A_198 : memref<1x8x1024xf32, #tpu.memory_space<vmem>> -> memref<8x1024xf32, #tpu.memory_space<vmem>>
        %dma_start3A_200 = arith.constant 0 : i32
        %dma_start3A_201 = tpu.memref_slice %arg2[%dma_start3A, %dma_start3A_200, %multiple_of3A] : memref<2x8x1000064xf32, #tpu.memory_space<hbm>> -> memref<1x8x1024xf32, #tpu.memory_space<hbm>>
        %dma_start3A_202 = tpu.memref_squeeze %dma_start3A_201 : memref<1x8x1024xf32, #tpu.memory_space<hbm>> -> memref<8x1024xf32, #tpu.memory_space<hbm>>
        %dma_start3A_203 = arith.constant 0 : i32
        %dma_start3A_204 = arith.constant 0 : i32
        %dma_start3A_205 = tpu.memref_slice %arg4[%dma_start3A_195, %dma_start3A_203, %dma_start3A_204] : memref<2x16x1024xf32, #tpu.memory_space<vmem>> -> memref<1x8x1024xf32, #tpu.memory_space<vmem>>
        %dma_start3A_206 = tpu.memref_squeeze %dma_start3A_205 : memref<1x8x1024xf32, #tpu.memory_space<vmem>> -> memref<8x1024xf32, #tpu.memory_space<vmem>>
        %dma_start3A_207 = arith.constant 0 : i32
        %dma_start3A_208 = tpu.memref_slice %arg2[%dma_start3A, %dma_start3A_207, %multiple_of3A] : memref<2x8x1000064xf32, #tpu.memory_space<hbm>> -> memref<1x8x1024xf32, #tpu.memory_space<hbm>>
        %dma_start3A_209 = tpu.memref_squeeze %dma_start3A_208 : memref<1x8x1024xf32, #tpu.memory_space<hbm>> -> memref<8x1024xf32, #tpu.memory_space<hbm>>
        tpu.enqueue_dma source(%dma_start3A_209 : memref<8x1024xf32, #tpu.memory_space<hbm>>) target(%dma_start3A_206 : memref<8x1024xf32, #tpu.memory_space<vmem>>) target_semaphore(%arg6 : memref<!tpu.dma_semaphore, #tpu.memory_space<semaphore_mem>>)
        %dma_start3A_210 = arith.constant 1 : i32
        %dma_start3A_211 = arith.constant 0 : i32
        %dma_start3A_212 = arith.constant 8 : i32
        %dma_start3A_213 = arith.constant 0 : i32
        %dma_start3A_214 = tpu.memref_slice %arg4[%dma_start3A_211, %dma_start3A_212, %dma_start3A_213] : memref<2x16x1024xf32, #tpu.memory_space<vmem>> -> memref<1x8x1024xf32, #tpu.memory_space<vmem>>
        %dma_start3A_215 = tpu.memref_squeeze %dma_start3A_214 : memref<1x8x1024xf32, #tpu.memory_space<vmem>> -> memref<8x1024xf32, #tpu.memory_space<vmem>>
        %dma_start3A_216 = arith.constant 0 : i32
        %dma_start3A_217 = tpu.memref_slice %arg2[%dma_start3A_210, %dma_start3A_216, %multiple_of3A] : memref<2x8x1000064xf32, #tpu.memory_space<hbm>> -> memref<1x8x1024xf32, #tpu.memory_space<hbm>>
        %dma_start3A_218 = tpu.memref_squeeze %dma_start3A_217 : memref<1x8x1024xf32, #tpu.memory_space<hbm>> -> memref<8x1024xf32, #tpu.memory_space<hbm>>
        %dma_start3A_219 = arith.constant 8 : i32
        %dma_start3A_220 = arith.constant 0 : i32
        %dma_start3A_221 = tpu.memref_slice %arg4[%dma_start3A_211, %dma_start3A_219, %dma_start3A_220] : memref<2x16x1024xf32, #tpu.memory_space<vmem>> -> memref<1x8x1024xf32, #tpu.memory_space<vmem>>
        %dma_start3A_222 = tpu.memref_squeeze %dma_start3A_221 : memref<1x8x1024xf32, #tpu.memory_space<vmem>> -> memref<8x1024xf32, #tpu.memory_space<vmem>>
        %dma_start3A_223 = arith.constant 0 : i32
        %dma_start3A_224 = tpu.memref_slice %arg2[%dma_start3A_210, %dma_start3A_223, %multiple_of3A] : memref<2x8x1000064xf32, #tpu.memory_space<hbm>> -> memref<1x8x1024xf32, #tpu.memory_space<hbm>>
        %dma_start3A_225 = tpu.memref_squeeze %dma_start3A_224 : memref<1x8x1024xf32, #tpu.memory_space<hbm>> -> memref<8x1024xf32, #tpu.memory_space<hbm>>
        tpu.enqueue_dma source(%dma_start3A_225 : memref<8x1024xf32, #tpu.memory_space<hbm>>) target(%dma_start3A_222 : memref<8x1024xf32, #tpu.memory_space<vmem>>) target_semaphore(%arg6 : memref<!tpu.dma_semaphore, #tpu.memory_space<semaphore_mem>>)
      } else {
      }
      %add3A_125 = arith.constant 1 : i32
      %add3A_126 = arith.addi %mul3A_36, %add3A_125 : i32
      %ge3A_127 = arith.constant 0 : i32
      %ge3A_128 = arith.cmpi sge, %add3A_126, %ge3A_127 : i32
      %lt3A_129 = arith.constant 31 : i32
      %lt3A_130 = arith.cmpi slt, %add3A_126, %lt3A_129 : i32
      %and3A_131 = arith.andi %ge3A_128, %lt3A_130 : i1
      %mul3A_132 = arith.constant 31 : i32
      %mul3A_133 = arith.muli %add3A, %mul3A_132 : i32
      %add3A_134 = arith.addi %mul3A_133, %add3A_126 : i32
      %lt3A_135 = arith.constant 976 : i32
      %lt3A_136 = arith.cmpi slt, %add3A_134, %lt3A_135 : i32
      %and3A_137 = arith.andi %and3A_131, %lt3A_136 : i1
      %convert_element_type3A_138 = arith.extui %and3A_137 : i1 to i32
      %cond3A_139 = arith.constant 0 : i32
      %cond3A_140 = arith.cmpi ne, %convert_element_type3A_138, %cond3A_139 : i32
      scf.if %cond3A_140 {
        %mul3A_190 = arith.constant 31 : i32
        %mul3A_191 = arith.muli %add3A, %mul3A_190 : i32
        %add3A_192 = arith.addi %mul3A_191, %add3A_126 : i32
        %mul3A_193 = arith.constant 1024 : i32
        %mul3A_194 = arith.muli %add3A_192, %mul3A_193 : i32
        %multiple_of3A = tpu.assume_multiple %mul3A_194, 128 : i32
        %dma_wait3A = arith.constant 0 : i32
        %dma_wait3A_195 = arith.constant 1 : i32
        %dma_wait3A_196 = arith.constant 0 : i32
        %dma_wait3A_197 = arith.constant 0 : i32
        %dma_wait3A_198 = tpu.memref_slice %arg4[%dma_wait3A_195, %dma_wait3A_196, %dma_wait3A_197] : memref<2x16x1024xf32, #tpu.memory_space<vmem>> -> memref<1x8x1024xf32, #tpu.memory_space<vmem>>
        %dma_wait3A_199 = tpu.memref_squeeze %dma_wait3A_198 : memref<1x8x1024xf32, #tpu.memory_space<vmem>> -> memref<8x1024xf32, #tpu.memory_space<vmem>>
        %dma_wait3A_200 = arith.constant 0 : i32
        %dma_wait3A_201 = tpu.memref_slice %arg2[%dma_wait3A, %dma_wait3A_200, %multiple_of3A] : memref<2x8x1000064xf32, #tpu.memory_space<hbm>> -> memref<1x8x1024xf32, #tpu.memory_space<hbm>>
        %dma_wait3A_202 = tpu.memref_squeeze %dma_wait3A_201 : memref<1x8x1024xf32, #tpu.memory_space<hbm>> -> memref<8x1024xf32, #tpu.memory_space<hbm>>
        %dma_wait3A_203 = arith.constant 0 : i32
        %dma_wait3A_204 = arith.constant 0 : i32
        %dma_wait3A_205 = tpu.memref_slice %arg4[%dma_wait3A_195, %dma_wait3A_203, %dma_wait3A_204] : memref<2x16x1024xf32, #tpu.memory_space<vmem>> -> memref<1x8x1024xf32, #tpu.memory_space<vmem>>
        %dma_wait3A_206 = tpu.memref_squeeze %dma_wait3A_205 : memref<1x8x1024xf32, #tpu.memory_space<vmem>> -> memref<8x1024xf32, #tpu.memory_space<vmem>>
        %dma_wait3A_207 = arith.constant 0 : i32
        %dma_wait3A_208 = tpu.memref_slice %arg2[%dma_wait3A, %dma_wait3A_207, %multiple_of3A] : memref<2x8x1000064xf32, #tpu.memory_space<hbm>> -> memref<1x8x1024xf32, #tpu.memory_space<hbm>>
        %dma_wait3A_209 = tpu.memref_squeeze %dma_wait3A_208 : memref<1x8x1024xf32, #tpu.memory_space<hbm>> -> memref<8x1024xf32, #tpu.memory_space<hbm>>
        tpu.wait_dma2 semaphore(%arg7 : memref<!tpu.dma_semaphore, #tpu.memory_space<semaphore_mem>>) src(%dma_wait3A_209 : memref<8x1024xf32, #tpu.memory_space<hbm>>) dst(%dma_wait3A_206 : memref<8x1024xf32, #tpu.memory_space<vmem>>)
        %dma_wait3A_210 = arith.constant 1 : i32
        %dma_wait3A_211 = arith.constant 1 : i32
        %dma_wait3A_212 = arith.constant 8 : i32
        %dma_wait3A_213 = arith.constant 0 : i32
        %dma_wait3A_214 = tpu.memref_slice %arg4[%dma_wait3A_211, %dma_wait3A_212, %dma_wait3A_213] : memref<2x16x1024xf32, #tpu.memory_space<vmem>> -> memref<1x8x1024xf32, #tpu.memory_space<vmem>>
        %dma_wait3A_215 = tpu.memref_squeeze %dma_wait3A_214 : memref<1x8x1024xf32, #tpu.memory_space<vmem>> -> memref<8x1024xf32, #tpu.memory_space<vmem>>
        %dma_wait3A_216 = arith.constant 0 : i32
        %dma_wait3A_217 = tpu.memref_slice %arg2[%dma_wait3A_210, %dma_wait3A_216, %multiple_of3A] : memref<2x8x1000064xf32, #tpu.memory_space<hbm>> -> memref<1x8x1024xf32, #tpu.memory_space<hbm>>
        %dma_wait3A_218 = tpu.memref_squeeze %dma_wait3A_217 : memref<1x8x1024xf32, #tpu.memory_space<hbm>> -> memref<8x1024xf32, #tpu.memory_space<hbm>>
        %dma_wait3A_219 = arith.constant 8 : i32
        %dma_wait3A_220 = arith.constant 0 : i32
        %dma_wait3A_221 = tpu.memref_slice %arg4[%dma_wait3A_211, %dma_wait3A_219, %dma_wait3A_220] : memref<2x16x1024xf32, #tpu.memory_space<vmem>> -> memref<1x8x1024xf32, #tpu.memory_space<vmem>>
        %dma_wait3A_222 = tpu.memref_squeeze %dma_wait3A_221 : memref<1x8x1024xf32, #tpu.memory_space<vmem>> -> memref<8x1024xf32, #tpu.memory_space<vmem>>
        %dma_wait3A_223 = arith.constant 0 : i32
        %dma_wait3A_224 = tpu.memref_slice %arg2[%dma_wait3A_210, %dma_wait3A_223, %multiple_of3A] : memref<2x8x1000064xf32, #tpu.memory_space<hbm>> -> memref<1x8x1024xf32, #tpu.memory_space<hbm>>
        %dma_wait3A_225 = tpu.memref_squeeze %dma_wait3A_224 : memref<1x8x1024xf32, #tpu.memory_space<hbm>> -> memref<8x1024xf32, #tpu.memory_space<hbm>>
        tpu.wait_dma2 semaphore(%arg7 : memref<!tpu.dma_semaphore, #tpu.memory_space<semaphore_mem>>) src(%dma_wait3A_225 : memref<8x1024xf32, #tpu.memory_space<hbm>>) dst(%dma_wait3A_222 : memref<8x1024xf32, #tpu.memory_space<vmem>>)
      } else {
      }
      %sub3A_141 = arith.constant 1 : i32
      %sub3A_142 = arith.subi %mul3A_36, %sub3A_141 : i32
      %ge3A_143 = arith.constant 0 : i32
      %ge3A_144 = arith.cmpi sge, %sub3A_142, %ge3A_143 : i32
      %lt3A_145 = arith.constant 31 : i32
      %lt3A_146 = arith.cmpi slt, %sub3A_142, %lt3A_145 : i32
      %and3A_147 = arith.andi %ge3A_144, %lt3A_146 : i1
      %mul3A_148 = arith.constant 31 : i32
      %mul3A_149 = arith.muli %add3A, %mul3A_148 : i32
      %add3A_150 = arith.addi %mul3A_149, %sub3A_142 : i32
      %lt3A_151 = arith.constant 976 : i32
      %lt3A_152 = arith.cmpi slt, %add3A_150, %lt3A_151 : i32
      %and3A_153 = arith.andi %and3A_147, %lt3A_152 : i1
      %convert_element_type3A_154 = arith.extui %and3A_153 : i1 to i32
      %cond3A_155 = arith.constant 0 : i32
      %cond3A_156 = arith.cmpi ne, %convert_element_type3A_154, %cond3A_155 : i32
      scf.if %cond3A_156 {
        %mul3A_190 = arith.constant 31 : i32
        %mul3A_191 = arith.muli %add3A, %mul3A_190 : i32
        %add3A_192 = arith.addi %mul3A_191, %sub3A_142 : i32
        %mul3A_193 = arith.constant 128 : i32
        %mul3A_194 = arith.muli %add3A_192, %mul3A_193 : i32
        %multiple_of3A = tpu.assume_multiple %mul3A_194, 8 : i32
        %dma_wait3A = arith.constant 1 : i32
        %dma_wait3A_195 = arith.constant 0 : i32
        %dma_wait3A_196 = arith.constant 0 : i32
        %dma_wait3A_197 = tpu.memref_slice %arg5[%dma_wait3A, %dma_wait3A_195, %dma_wait3A_196] : memref<2x128x128xf32, #tpu.memory_space<vmem>> -> memref<1x128x128xf32, #tpu.memory_space<vmem>>
        %dma_wait3A_198 = tpu.memref_squeeze %dma_wait3A_197 : memref<1x128x128xf32, #tpu.memory_space<vmem>> -> memref<128x128xf32, #tpu.memory_space<vmem>>
        %dma_wait3A_199 = arith.constant 0 : i32
        %dma_wait3A_200 = tpu.memref_slice %arg3[%multiple_of3A, %dma_wait3A_199] : memref<125008x128xf32, #tpu.memory_space<hbm>> -> memref<128x128xf32, #tpu.memory_space<hbm>>
        %dma_wait3A_201 = arith.constant 0 : i32
        %dma_wait3A_202 = tpu.memref_slice %arg3[%multiple_of3A, %dma_wait3A_201] : memref<125008x128xf32, #tpu.memory_space<hbm>> -> memref<128x128xf32, #tpu.memory_space<hbm>>
        %dma_wait3A_203 = arith.constant 0 : i32
        %dma_wait3A_204 = arith.constant 0 : i32
        %dma_wait3A_205 = tpu.memref_slice %arg5[%dma_wait3A, %dma_wait3A_203, %dma_wait3A_204] : memref<2x128x128xf32, #tpu.memory_space<vmem>> -> memref<1x128x128xf32, #tpu.memory_space<vmem>>
        %dma_wait3A_206 = tpu.memref_squeeze %dma_wait3A_205 : memref<1x128x128xf32, #tpu.memory_space<vmem>> -> memref<128x128xf32, #tpu.memory_space<vmem>>
        tpu.wait_dma2 semaphore(%arg9 : memref<!tpu.dma_semaphore, #tpu.memory_space<semaphore_mem>>) src(%dma_wait3A_206 : memref<128x128xf32, #tpu.memory_space<vmem>>) dst(%dma_wait3A_202 : memref<128x128xf32, #tpu.memory_space<hbm>>)
      } else {
      }
      %add3A_157 = arith.constant 1 : i32
      %add3A_158 = arith.addi %mul3A_36, %add3A_157 : i32
      %ge3A_159 = arith.constant 0 : i32
      %ge3A_160 = arith.cmpi sge, %add3A_158, %ge3A_159 : i32
      %lt3A_161 = arith.constant 31 : i32
      %lt3A_162 = arith.cmpi slt, %add3A_158, %lt3A_161 : i32
      %and3A_163 = arith.andi %ge3A_160, %lt3A_162 : i1
      %mul3A_164 = arith.constant 31 : i32
      %mul3A_165 = arith.muli %add3A, %mul3A_164 : i32
      %add3A_166 = arith.addi %mul3A_165, %add3A_158 : i32
      %lt3A_167 = arith.constant 976 : i32
      %lt3A_168 = arith.cmpi slt, %add3A_166, %lt3A_167 : i32
      %and3A_169 = arith.andi %and3A_163, %lt3A_168 : i1
      %convert_element_type3A_170 = arith.extui %and3A_169 : i1 to i32
      %cond3A_171 = arith.constant 0 : i32
      %cond3A_172 = arith.cmpi ne, %convert_element_type3A_170, %cond3A_171 : i32
      scf.if %cond3A_172 {
        %scan3A_190 = arith.constant 0 : i32
        %scan3A_191 = arith.constant 0 : i32
        %scan3A_192 = arith.constant 32 : i32
        %scan3A_193 = arith.addi %scan3A_191, %scan3A_192 : i32
        %scan3A_194 = arith.constant 1 : i32
        %scan3A_195 = scf.for %scan3A_197 = %scan3A_191 to %scan3A_193 step %scan3A_194 iter_args(%scan3A_198 = %scan3A_190) -> (i32)  : i32 {
          %mul3A_199 = arith.constant 32 : i32
          %mul3A_200 = arith.muli %scan3A_197, %mul3A_199 : i32
          %broadcast_in_dim3A = vector.broadcast %mul3A_200 : i32 to vector<16xi32>
          %add3A_201 = arith.constant 0 : i32
          %add3A_202 = vector.broadcast %add3A_201 : i32 to vector<16xi32>
          %add3A_203 = arith.addi %broadcast_in_dim3A, %add3A_202 : vector<16xi32>
          %gather3A = arith.constant 1 : i32
          %gather3A_204 = arith.constant 0 : i32
          %gather3A_205 = arith.constant 0 : i32
          %gather3A_206 = tpu.memref_slice %arg4[%gather3A, %gather3A_204, %gather3A_205] : memref<2x16x1024xf32, #tpu.memory_space<vmem>> -> memref<1x16x1024xf32, #tpu.memory_space<vmem>>
          %gather3A_207 = tpu.memref_squeeze %gather3A_206 : memref<1x16x1024xf32, #tpu.memory_space<vmem>> -> memref<16x1024xf32, #tpu.memory_space<vmem>>
          %gather3A_208 = tpu.vector_load_idx %gather3A_207[%iota3A, %add3A_203] : memref<16x1024xf32, #tpu.memory_space<vmem>>[vector<16xi32>, vector<16xi32>], vector<16xf32>,
          %add3A_209 = arith.constant 1 : i32
          %add3A_210 = vector.broadcast %add3A_209 : i32 to vector<16xi32>
          %add3A_211 = arith.addi %broadcast_in_dim3A, %add3A_210 : vector<16xi32>
          %gather3A_212 = arith.constant 1 : i32
          %gather3A_213 = arith.constant 0 : i32
          %gather3A_214 = arith.constant 0 : i32
          %gather3A_215 = tpu.memref_slice %arg4[%gather3A_212, %gather3A_213, %gather3A_214] : memref<2x16x1024xf32, #tpu.memory_space<vmem>> -> memref<1x16x1024xf32, #tpu.memory_space<vmem>>
          %gather3A_216 = tpu.memref_squeeze %gather3A_215 : memref<1x16x1024xf32, #tpu.memory_space<vmem>> -> memref<16x1024xf32, #tpu.memory_space<vmem>>
          %gather3A_217 = tpu.vector_load_idx %gather3A_216[%iota3A, %add3A_211] : memref<16x1024xf32, #tpu.memory_space<vmem>>[vector<16xi32>, vector<16xi32>], vector<16xf32>,
          %add3A_218 = arith.constant 2 : i32
          %add3A_219 = vector.broadcast %add3A_218 : i32 to vector<16xi32>
          %add3A_220 = arith.addi %broadcast_in_dim3A, %add3A_219 : vector<16xi32>
          %gather3A_221 = arith.constant 1 : i32
          %gather3A_222 = arith.constant 0 : i32
          %gather3A_223 = arith.constant 0 : i32
          %gather3A_224 = tpu.memref_slice %arg4[%gather3A_221, %gather3A_222, %gather3A_223] : memref<2x16x1024xf32, #tpu.memory_space<vmem>> -> memref<1x16x1024xf32, #tpu.memory_space<vmem>>
          %gather3A_225 = tpu.memref_squeeze %gather3A_224 : memref<1x16x1024xf32, #tpu.memory_space<vmem>> -> memref<16x1024xf32, #tpu.memory_space<vmem>>
          %gather3A_226 = tpu.vector_load_idx %gather3A_225[%iota3A, %add3A_220] : memref<16x1024xf32, #tpu.memory_space<vmem>>[vector<16xi32>, vector<16xi32>], vector<16xf32>,
          %add3A_227 = arith.constant 3 : i32
          %add3A_228 = vector.broadcast %add3A_227 : i32 to vector<16xi32>
          %add3A_229 = arith.addi %broadcast_in_dim3A, %add3A_228 : vector<16xi32>
          %gather3A_230 = arith.constant 1 : i32
          %gather3A_231 = arith.constant 0 : i32
          %gather3A_232 = arith.constant 0 : i32
          %gather3A_233 = tpu.memref_slice %arg4[%gather3A_230, %gather3A_231, %gather3A_232] : memref<2x16x1024xf32, #tpu.memory_space<vmem>> -> memref<1x16x1024xf32, #tpu.memory_space<vmem>>
          %gather3A_234 = tpu.memref_squeeze %gather3A_233 : memref<1x16x1024xf32, #tpu.memory_space<vmem>> -> memref<16x1024xf32, #tpu.memory_space<vmem>>
          %gather3A_235 = tpu.vector_load_idx %gather3A_234[%iota3A, %add3A_229] : memref<16x1024xf32, #tpu.memory_space<vmem>>[vector<16xi32>, vector<16xi32>], vector<16xf32>,
          %add3A_236 = arith.constant 4 : i32
          %add3A_237 = vector.broadcast %add3A_236 : i32 to vector<16xi32>
          %add3A_238 = arith.addi %broadcast_in_dim3A, %add3A_237 : vector<16xi32>
          %gather3A_239 = arith.constant 1 : i32
          %gather3A_240 = arith.constant 0 : i32
          %gather3A_241 = arith.constant 0 : i32
          %gather3A_242 = tpu.memref_slice %arg4[%gather3A_239, %gather3A_240, %gather3A_241] : memref<2x16x1024xf32, #tpu.memory_space<vmem>> -> memref<1x16x1024xf32, #tpu.memory_space<vmem>>
          %gather3A_243 = tpu.memref_squeeze %gather3A_242 : memref<1x16x1024xf32, #tpu.memory_space<vmem>> -> memref<16x1024xf32, #tpu.memory_space<vmem>>
          %gather3A_244 = tpu.vector_load_idx %gather3A_243[%iota3A, %add3A_238] : memref<16x1024xf32, #tpu.memory_space<vmem>>[vector<16xi32>, vector<16xi32>], vector<16xf32>,
          %add3A_245 = arith.constant 5 : i32
          %add3A_246 = vector.broadcast %add3A_245 : i32 to vector<16xi32>
          %add3A_247 = arith.addi %broadcast_in_dim3A, %add3A_246 : vector<16xi32>
          %gather3A_248 = arith.constant 1 : i32
          %gather3A_249 = arith.constant 0 : i32
          %gather3A_250 = arith.constant 0 : i32
          %gather3A_251 = tpu.memref_slice %arg4[%gather3A_248, %gather3A_249, %gather3A_250] : memref<2x16x1024xf32, #tpu.memory_space<vmem>> -> memref<1x16x1024xf32, #tpu.memory_space<vmem>>
          %gather3A_252 = tpu.memref_squeeze %gather3A_251 : memref<1x16x1024xf32, #tpu.memory_space<vmem>> -> memref<16x1024xf32, #tpu.memory_space<vmem>>
          %gather3A_253 = tpu.vector_load_idx %gather3A_252[%iota3A, %add3A_247] : memref<16x1024xf32, #tpu.memory_space<vmem>>[vector<16xi32>, vector<16xi32>], vector<16xf32>,
          %add3A_254 = arith.constant 6 : i32
          %add3A_255 = vector.broadcast %add3A_254 : i32 to vector<16xi32>
          %add3A_256 = arith.addi %broadcast_in_dim3A, %add3A_255 : vector<16xi32>
          %gather3A_257 = arith.constant 1 : i32
          %gather3A_258 = arith.constant 0 : i32
          %gather3A_259 = arith.constant 0 : i32
          %gather3A_260 = tpu.memref_slice %arg4[%gather3A_257, %gather3A_258, %gather3A_259] : memref<2x16x1024xf32, #tpu.memory_space<vmem>> -> memref<1x16x1024xf32, #tpu.memory_space<vmem>>
          %gather3A_261 = tpu.memref_squeeze %gather3A_260 : memref<1x16x1024xf32, #tpu.memory_space<vmem>> -> memref<16x1024xf32, #tpu.memory_space<vmem>>
          %gather3A_262 = tpu.vector_load_idx %gather3A_261[%iota3A, %add3A_256] : memref<16x1024xf32, #tpu.memory_space<vmem>>[vector<16xi32>, vector<16xi32>], vector<16xf32>,
          %add3A_263 = arith.constant 7 : i32
          %add3A_264 = vector.broadcast %add3A_263 : i32 to vector<16xi32>
          %add3A_265 = arith.addi %broadcast_in_dim3A, %add3A_264 : vector<16xi32>
          %gather3A_266 = arith.constant 1 : i32
          %gather3A_267 = arith.constant 0 : i32
          %gather3A_268 = arith.constant 0 : i32
          %gather3A_269 = tpu.memref_slice %arg4[%gather3A_266, %gather3A_267, %gather3A_268] : memref<2x16x1024xf32, #tpu.memory_space<vmem>> -> memref<1x16x1024xf32, #tpu.memory_space<vmem>>
          %gather3A_270 = tpu.memref_squeeze %gather3A_269 : memref<1x16x1024xf32, #tpu.memory_space<vmem>> -> memref<16x1024xf32, #tpu.memory_space<vmem>>
          %gather3A_271 = tpu.vector_load_idx %gather3A_270[%iota3A, %add3A_265] : memref<16x1024xf32, #tpu.memory_space<vmem>>[vector<16xi32>, vector<16xi32>], vector<16xf32>,
          %add3A_272 = arith.constant 8 : i32
          %add3A_273 = vector.broadcast %add3A_272 : i32 to vector<16xi32>
          %add3A_274 = arith.addi %broadcast_in_dim3A, %add3A_273 : vector<16xi32>
          %gather3A_275 = arith.constant 1 : i32
          %gather3A_276 = arith.constant 0 : i32
          %gather3A_277 = arith.constant 0 : i32
          %gather3A_278 = tpu.memref_slice %arg4[%gather3A_275, %gather3A_276, %gather3A_277] : memref<2x16x1024xf32, #tpu.memory_space<vmem>> -> memref<1x16x1024xf32, #tpu.memory_space<vmem>>
          %gather3A_279 = tpu.memref_squeeze %gather3A_278 : memref<1x16x1024xf32, #tpu.memory_space<vmem>> -> memref<16x1024xf32, #tpu.memory_space<vmem>>
          %gather3A_280 = tpu.vector_load_idx %gather3A_279[%iota3A, %add3A_274] : memref<16x1024xf32, #tpu.memory_space<vmem>>[vector<16xi32>, vector<16xi32>], vector<16xf32>,
          %add3A_281 = arith.constant 9 : i32
          %add3A_282 = vector.broadcast %add3A_281 : i32 to vector<16xi32>
          %add3A_283 = arith.addi %broadcast_in_dim3A, %add3A_282 : vector<16xi32>
          %gather3A_284 = arith.constant 1 : i32
          %gather3A_285 = arith.constant 0 : i32
          %gather3A_286 = arith.constant 0 : i32
          %gather3A_287 = tpu.memref_slice %arg4[%gather3A_284, %gather3A_285, %gather3A_286] : memref<2x16x1024xf32, #tpu.memory_space<vmem>> -> memref<1x16x1024xf32, #tpu.memory_space<vmem>>
          %gather3A_288 = tpu.memref_squeeze %gather3A_287 : memref<1x16x1024xf32, #tpu.memory_space<vmem>> -> memref<16x1024xf32, #tpu.memory_space<vmem>>
          %gather3A_289 = tpu.vector_load_idx %gather3A_288[%iota3A, %add3A_283] : memref<16x1024xf32, #tpu.memory_space<vmem>>[vector<16xi32>, vector<16xi32>], vector<16xf32>,
          %add3A_290 = arith.constant 10 : i32
          %add3A_291 = vector.broadcast %add3A_290 : i32 to vector<16xi32>
          %add3A_292 = arith.addi %broadcast_in_dim3A, %add3A_291 : vector<16xi32>
          %gather3A_293 = arith.constant 1 : i32
          %gather3A_294 = arith.constant 0 : i32
          %gather3A_295 = arith.constant 0 : i32
          %gather3A_296 = tpu.memref_slice %arg4[%gather3A_293, %gather3A_294, %gather3A_295] : memref<2x16x1024xf32, #tpu.memory_space<vmem>> -> memref<1x16x1024xf32, #tpu.memory_space<vmem>>
          %gather3A_297 = tpu.memref_squeeze %gather3A_296 : memref<1x16x1024xf32, #tpu.memory_space<vmem>> -> memref<16x1024xf32, #tpu.memory_space<vmem>>
          %gather3A_298 = tpu.vector_load_idx %gather3A_297[%iota3A, %add3A_292] : memref<16x1024xf32, #tpu.memory_space<vmem>>[vector<16xi32>, vector<16xi32>], vector<16xf32>,
          %add3A_299 = arith.constant 11 : i32
          %add3A_300 = vector.broadcast %add3A_299 : i32 to vector<16xi32>
          %add3A_301 = arith.addi %broadcast_in_dim3A, %add3A_300 : vector<16xi32>
          %gather3A_302 = arith.constant 1 : i32
          %gather3A_303 = arith.constant 0 : i32
          %gather3A_304 = arith.constant 0 : i32
          %gather3A_305 = tpu.memref_slice %arg4[%gather3A_302, %gather3A_303, %gather3A_304] : memref<2x16x1024xf32, #tpu.memory_space<vmem>> -> memref<1x16x1024xf32, #tpu.memory_space<vmem>>
          %gather3A_306 = tpu.memref_squeeze %gather3A_305 : memref<1x16x1024xf32, #tpu.memory_space<vmem>> -> memref<16x1024xf32, #tpu.memory_space<vmem>>
          %gather3A_307 = tpu.vector_load_idx %gather3A_306[%iota3A, %add3A_301] : memref<16x1024xf32, #tpu.memory_space<vmem>>[vector<16xi32>, vector<16xi32>], vector<16xf32>,
          %add3A_308 = arith.constant 12 : i32
          %add3A_309 = vector.broadcast %add3A_308 : i32 to vector<16xi32>
          %add3A_310 = arith.addi %broadcast_in_dim3A, %add3A_309 : vector<16xi32>
          %gather3A_311 = arith.constant 1 : i32
          %gather3A_312 = arith.constant 0 : i32
          %gather3A_313 = arith.constant 0 : i32
          %gather3A_314 = tpu.memref_slice %arg4[%gather3A_311, %gather3A_312, %gather3A_313] : memref<2x16x1024xf32, #tpu.memory_space<vmem>> -> memref<1x16x1024xf32, #tpu.memory_space<vmem>>
          %gather3A_315 = tpu.memref_squeeze %gather3A_314 : memref<1x16x1024xf32, #tpu.memory_space<vmem>> -> memref<16x1024xf32, #tpu.memory_space<vmem>>
          %gather3A_316 = tpu.vector_load_idx %gather3A_315[%iota3A, %add3A_310] : memref<16x1024xf32, #tpu.memory_space<vmem>>[vector<16xi32>, vector<16xi32>], vector<16xf32>,
          %add3A_317 = arith.constant 13 : i32
          %add3A_318 = vector.broadcast %add3A_317 : i32 to vector<16xi32>
          %add3A_319 = arith.addi %broadcast_in_dim3A, %add3A_318 : vector<16xi32>
          %gather3A_320 = arith.constant 1 : i32
          %gather3A_321 = arith.constant 0 : i32
          %gather3A_322 = arith.constant 0 : i32
          %gather3A_323 = tpu.memref_slice %arg4[%gather3A_320, %gather3A_321, %gather3A_322] : memref<2x16x1024xf32, #tpu.memory_space<vmem>> -> memref<1x16x1024xf32, #tpu.memory_space<vmem>>
          %gather3A_324 = tpu.memref_squeeze %gather3A_323 : memref<1x16x1024xf32, #tpu.memory_space<vmem>> -> memref<16x1024xf32, #tpu.memory_space<vmem>>
          %gather3A_325 = tpu.vector_load_idx %gather3A_324[%iota3A, %add3A_319] : memref<16x1024xf32, #tpu.memory_space<vmem>>[vector<16xi32>, vector<16xi32>], vector<16xf32>,
          %add3A_326 = arith.constant 14 : i32
          %add3A_327 = vector.broadcast %add3A_326 : i32 to vector<16xi32>
          %add3A_328 = arith.addi %broadcast_in_dim3A, %add3A_327 : vector<16xi32>
          %gather3A_329 = arith.constant 1 : i32
          %gather3A_330 = arith.constant 0 : i32
          %gather3A_331 = arith.constant 0 : i32
          %gather3A_332 = tpu.memref_slice %arg4[%gather3A_329, %gather3A_330, %gather3A_331] : memref<2x16x1024xf32, #tpu.memory_space<vmem>> -> memref<1x16x1024xf32, #tpu.memory_space<vmem>>
          %gather3A_333 = tpu.memref_squeeze %gather3A_332 : memref<1x16x1024xf32, #tpu.memory_space<vmem>> -> memref<16x1024xf32, #tpu.memory_space<vmem>>
          %gather3A_334 = tpu.vector_load_idx %gather3A_333[%iota3A, %add3A_328] : memref<16x1024xf32, #tpu.memory_space<vmem>>[vector<16xi32>, vector<16xi32>], vector<16xf32>,
          %add3A_335 = arith.constant 15 : i32
          %add3A_336 = vector.broadcast %add3A_335 : i32 to vector<16xi32>
          %add3A_337 = arith.addi %broadcast_in_dim3A, %add3A_336 : vector<16xi32>
          %gather3A_338 = arith.constant 1 : i32
          %gather3A_339 = arith.constant 0 : i32
          %gather3A_340 = arith.constant 0 : i32
          %gather3A_341 = tpu.memref_slice %arg4[%gather3A_338, %gather3A_339, %gather3A_340] : memref<2x16x1024xf32, #tpu.memory_space<vmem>> -> memref<1x16x1024xf32, #tpu.memory_space<vmem>>
          %gather3A_342 = tpu.memref_squeeze %gather3A_341 : memref<1x16x1024xf32, #tpu.memory_space<vmem>> -> memref<16x1024xf32, #tpu.memory_space<vmem>>
          %gather3A_343 = tpu.vector_load_idx %gather3A_342[%iota3A, %add3A_337] : memref<16x1024xf32, #tpu.memory_space<vmem>>[vector<16xi32>, vector<16xi32>], vector<16xf32>,
          %add3A_344 = arith.constant 16 : i32
          %add3A_345 = vector.broadcast %add3A_344 : i32 to vector<16xi32>
          %add3A_346 = arith.addi %broadcast_in_dim3A, %add3A_345 : vector<16xi32>
          %gather3A_347 = arith.constant 1 : i32
          %gather3A_348 = arith.constant 0 : i32
          %gather3A_349 = arith.constant 0 : i32
          %gather3A_350 = tpu.memref_slice %arg4[%gather3A_347, %gather3A_348, %gather3A_349] : memref<2x16x1024xf32, #tpu.memory_space<vmem>> -> memref<1x16x1024xf32, #tpu.memory_space<vmem>>
          %gather3A_351 = tpu.memref_squeeze %gather3A_350 : memref<1x16x1024xf32, #tpu.memory_space<vmem>> -> memref<16x1024xf32, #tpu.memory_space<vmem>>
          %gather3A_352 = tpu.vector_load_idx %gather3A_351[%iota3A, %add3A_346] : memref<16x1024xf32, #tpu.memory_space<vmem>>[vector<16xi32>, vector<16xi32>], vector<16xf32>,
          %add3A_353 = arith.constant 17 : i32
          %add3A_354 = vector.broadcast %add3A_353 : i32 to vector<16xi32>
          %add3A_355 = arith.addi %broadcast_in_dim3A, %add3A_354 : vector<16xi32>
          %gather3A_356 = arith.constant 1 : i32
          %gather3A_357 = arith.constant 0 : i32
          %gather3A_358 = arith.constant 0 : i32
          %gather3A_359 = tpu.memref_slice %arg4[%gather3A_356, %gather3A_357, %gather3A_358] : memref<2x16x1024xf32, #tpu.memory_space<vmem>> -> memref<1x16x1024xf32, #tpu.memory_space<vmem>>
          %gather3A_360 = tpu.memref_squeeze %gather3A_359 : memref<1x16x1024xf32, #tpu.memory_space<vmem>> -> memref<16x1024xf32, #tpu.memory_space<vmem>>
          %gather3A_361 = tpu.vector_load_idx %gather3A_360[%iota3A, %add3A_355] : memref<16x1024xf32, #tpu.memory_space<vmem>>[vector<16xi32>, vector<16xi32>], vector<16xf32>,
          %add3A_362 = arith.constant 18 : i32
          %add3A_363 = vector.broadcast %add3A_362 : i32 to vector<16xi32>
          %add3A_364 = arith.addi %broadcast_in_dim3A, %add3A_363 : vector<16xi32>
          %gather3A_365 = arith.constant 1 : i32
          %gather3A_366 = arith.constant 0 : i32
          %gather3A_367 = arith.constant 0 : i32
          %gather3A_368 = tpu.memref_slice %arg4[%gather3A_365, %gather3A_366, %gather3A_367] : memref<2x16x1024xf32, #tpu.memory_space<vmem>> -> memref<1x16x1024xf32, #tpu.memory_space<vmem>>
          %gather3A_369 = tpu.memref_squeeze %gather3A_368 : memref<1x16x1024xf32, #tpu.memory_space<vmem>> -> memref<16x1024xf32, #tpu.memory_space<vmem>>
          %gather3A_370 = tpu.vector_load_idx %gather3A_369[%iota3A, %add3A_364] : memref<16x1024xf32, #tpu.memory_space<vmem>>[vector<16xi32>, vector<16xi32>], vector<16xf32>,
          %add3A_371 = arith.constant 19 : i32
          %add3A_372 = vector.broadcast %add3A_371 : i32 to vector<16xi32>
          %add3A_373 = arith.addi %broadcast_in_dim3A, %add3A_372 : vector<16xi32>
          %gather3A_374 = arith.constant 1 : i32
          %gather3A_375 = arith.constant 0 : i32
          %gather3A_376 = arith.constant 0 : i32
          %gather3A_377 = tpu.memref_slice %arg4[%gather3A_374, %gather3A_375, %gather3A_376] : memref<2x16x1024xf32, #tpu.memory_space<vmem>> -> memref<1x16x1024xf32, #tpu.memory_space<vmem>>
          %gather3A_378 = tpu.memref_squeeze %gather3A_377 : memref<1x16x1024xf32, #tpu.memory_space<vmem>> -> memref<16x1024xf32, #tpu.memory_space<vmem>>
          %gather3A_379 = tpu.vector_load_idx %gather3A_378[%iota3A, %add3A_373] : memref<16x1024xf32, #tpu.memory_space<vmem>>[vector<16xi32>, vector<16xi32>], vector<16xf32>,
          %add3A_380 = arith.constant 20 : i32
          %add3A_381 = vector.broadcast %add3A_380 : i32 to vector<16xi32>
          %add3A_382 = arith.addi %broadcast_in_dim3A, %add3A_381 : vector<16xi32>
          %gather3A_383 = arith.constant 1 : i32
          %gather3A_384 = arith.constant 0 : i32
          %gather3A_385 = arith.constant 0 : i32
          %gather3A_386 = tpu.memref_slice %arg4[%gather3A_383, %gather3A_384, %gather3A_385] : memref<2x16x1024xf32, #tpu.memory_space<vmem>> -> memref<1x16x1024xf32, #tpu.memory_space<vmem>>
          %gather3A_387 = tpu.memref_squeeze %gather3A_386 : memref<1x16x1024xf32, #tpu.memory_space<vmem>> -> memref<16x1024xf32, #tpu.memory_space<vmem>>
          %gather3A_388 = tpu.vector_load_idx %gather3A_387[%iota3A, %add3A_382] : memref<16x1024xf32, #tpu.memory_space<vmem>>[vector<16xi32>, vector<16xi32>], vector<16xf32>,
          %add3A_389 = arith.constant 21 : i32
          %add3A_390 = vector.broadcast %add3A_389 : i32 to vector<16xi32>
          %add3A_391 = arith.addi %broadcast_in_dim3A, %add3A_390 : vector<16xi32>
          %gather3A_392 = arith.constant 1 : i32
          %gather3A_393 = arith.constant 0 : i32
          %gather3A_394 = arith.constant 0 : i32
          %gather3A_395 = tpu.memref_slice %arg4[%gather3A_392, %gather3A_393, %gather3A_394] : memref<2x16x1024xf32, #tpu.memory_space<vmem>> -> memref<1x16x1024xf32, #tpu.memory_space<vmem>>
          %gather3A_396 = tpu.memref_squeeze %gather3A_395 : memref<1x16x1024xf32, #tpu.memory_space<vmem>> -> memref<16x1024xf32, #tpu.memory_space<vmem>>
          %gather3A_397 = tpu.vector_load_idx %gather3A_396[%iota3A, %add3A_391] : memref<16x1024xf32, #tpu.memory_space<vmem>>[vector<16xi32>, vector<16xi32>], vector<16xf32>,
          %add3A_398 = arith.constant 22 : i32
          %add3A_399 = vector.broadcast %add3A_398 : i32 to vector<16xi32>
          %add3A_400 = arith.addi %broadcast_in_dim3A, %add3A_399 : vector<16xi32>
          %gather3A_401 = arith.constant 1 : i32
          %gather3A_402 = arith.constant 0 : i32
          %gather3A_403 = arith.constant 0 : i32
          %gather3A_404 = tpu.memref_slice %arg4[%gather3A_401, %gather3A_402, %gather3A_403] : memref<2x16x1024xf32, #tpu.memory_space<vmem>> -> memref<1x16x1024xf32, #tpu.memory_space<vmem>>
          %gather3A_405 = tpu.memref_squeeze %gather3A_404 : memref<1x16x1024xf32, #tpu.memory_space<vmem>> -> memref<16x1024xf32, #tpu.memory_space<vmem>>
          %gather3A_406 = tpu.vector_load_idx %gather3A_405[%iota3A, %add3A_400] : memref<16x1024xf32, #tpu.memory_space<vmem>>[vector<16xi32>, vector<16xi32>], vector<16xf32>,
          %add3A_407 = arith.constant 23 : i32
          %add3A_408 = vector.broadcast %add3A_407 : i32 to vector<16xi32>
          %add3A_409 = arith.addi %broadcast_in_dim3A, %add3A_408 : vector<16xi32>
          %gather3A_410 = arith.constant 1 : i32
          %gather3A_411 = arith.constant 0 : i32
          %gather3A_412 = arith.constant 0 : i32
          %gather3A_413 = tpu.memref_slice %arg4[%gather3A_410, %gather3A_411, %gather3A_412] : memref<2x16x1024xf32, #tpu.memory_space<vmem>> -> memref<1x16x1024xf32, #tpu.memory_space<vmem>>
          %gather3A_414 = tpu.memref_squeeze %gather3A_413 : memref<1x16x1024xf32, #tpu.memory_space<vmem>> -> memref<16x1024xf32, #tpu.memory_space<vmem>>
          %gather3A_415 = tpu.vector_load_idx %gather3A_414[%iota3A, %add3A_409] : memref<16x1024xf32, #tpu.memory_space<vmem>>[vector<16xi32>, vector<16xi32>], vector<16xf32>,
          %add3A_416 = arith.constant 24 : i32
          %add3A_417 = vector.broadcast %add3A_416 : i32 to vector<16xi32>
          %add3A_418 = arith.addi %broadcast_in_dim3A, %add3A_417 : vector<16xi32>
          %gather3A_419 = arith.constant 1 : i32
          %gather3A_420 = arith.constant 0 : i32
          %gather3A_421 = arith.constant 0 : i32
          %gather3A_422 = tpu.memref_slice %arg4[%gather3A_419, %gather3A_420, %gather3A_421] : memref<2x16x1024xf32, #tpu.memory_space<vmem>> -> memref<1x16x1024xf32, #tpu.memory_space<vmem>>
          %gather3A_423 = tpu.memref_squeeze %gather3A_422 : memref<1x16x1024xf32, #tpu.memory_space<vmem>> -> memref<16x1024xf32, #tpu.memory_space<vmem>>
          %gather3A_424 = tpu.vector_load_idx %gather3A_423[%iota3A, %add3A_418] : memref<16x1024xf32, #tpu.memory_space<vmem>>[vector<16xi32>, vector<16xi32>], vector<16xf32>,
          %add3A_425 = arith.constant 25 : i32
          %add3A_426 = vector.broadcast %add3A_425 : i32 to vector<16xi32>
          %add3A_427 = arith.addi %broadcast_in_dim3A, %add3A_426 : vector<16xi32>
          %gather3A_428 = arith.constant 1 : i32
          %gather3A_429 = arith.constant 0 : i32
          %gather3A_430 = arith.constant 0 : i32
          %gather3A_431 = tpu.memref_slice %arg4[%gather3A_428, %gather3A_429, %gather3A_430] : memref<2x16x1024xf32, #tpu.memory_space<vmem>> -> memref<1x16x1024xf32, #tpu.memory_space<vmem>>
          %gather3A_432 = tpu.memref_squeeze %gather3A_431 : memref<1x16x1024xf32, #tpu.memory_space<vmem>> -> memref<16x1024xf32, #tpu.memory_space<vmem>>
          %gather3A_433 = tpu.vector_load_idx %gather3A_432[%iota3A, %add3A_427] : memref<16x1024xf32, #tpu.memory_space<vmem>>[vector<16xi32>, vector<16xi32>], vector<16xf32>,
          %add3A_434 = arith.constant 26 : i32
          %add3A_435 = vector.broadcast %add3A_434 : i32 to vector<16xi32>
          %add3A_436 = arith.addi %broadcast_in_dim3A, %add3A_435 : vector<16xi32>
          %gather3A_437 = arith.constant 1 : i32
          %gather3A_438 = arith.constant 0 : i32
          %gather3A_439 = arith.constant 0 : i32
          %gather3A_440 = tpu.memref_slice %arg4[%gather3A_437, %gather3A_438, %gather3A_439] : memref<2x16x1024xf32, #tpu.memory_space<vmem>> -> memref<1x16x1024xf32, #tpu.memory_space<vmem>>
          %gather3A_441 = tpu.memref_squeeze %gather3A_440 : memref<1x16x1024xf32, #tpu.memory_space<vmem>> -> memref<16x1024xf32, #tpu.memory_space<vmem>>
          %gather3A_442 = tpu.vector_load_idx %gather3A_441[%iota3A, %add3A_436] : memref<16x1024xf32, #tpu.memory_space<vmem>>[vector<16xi32>, vector<16xi32>], vector<16xf32>,
          %add3A_443 = arith.constant 27 : i32
          %add3A_444 = vector.broadcast %add3A_443 : i32 to vector<16xi32>
          %add3A_445 = arith.addi %broadcast_in_dim3A, %add3A_444 : vector<16xi32>
          %gather3A_446 = arith.constant 1 : i32
          %gather3A_447 = arith.constant 0 : i32
          %gather3A_448 = arith.constant 0 : i32
          %gather3A_449 = tpu.memref_slice %arg4[%gather3A_446, %gather3A_447, %gather3A_448] : memref<2x16x1024xf32, #tpu.memory_space<vmem>> -> memref<1x16x1024xf32, #tpu.memory_space<vmem>>
          %gather3A_450 = tpu.memref_squeeze %gather3A_449 : memref<1x16x1024xf32, #tpu.memory_space<vmem>> -> memref<16x1024xf32, #tpu.memory_space<vmem>>
          %gather3A_451 = tpu.vector_load_idx %gather3A_450[%iota3A, %add3A_445] : memref<16x1024xf32, #tpu.memory_space<vmem>>[vector<16xi32>, vector<16xi32>], vector<16xf32>,
          %add3A_452 = arith.constant 28 : i32
          %add3A_453 = vector.broadcast %add3A_452 : i32 to vector<16xi32>
          %add3A_454 = arith.addi %broadcast_in_dim3A, %add3A_453 : vector<16xi32>
          %gather3A_455 = arith.constant 1 : i32
          %gather3A_456 = arith.constant 0 : i32
          %gather3A_457 = arith.constant 0 : i32
          %gather3A_458 = tpu.memref_slice %arg4[%gather3A_455, %gather3A_456, %gather3A_457] : memref<2x16x1024xf32, #tpu.memory_space<vmem>> -> memref<1x16x1024xf32, #tpu.memory_space<vmem>>
          %gather3A_459 = tpu.memref_squeeze %gather3A_458 : memref<1x16x1024xf32, #tpu.memory_space<vmem>> -> memref<16x1024xf32, #tpu.memory_space<vmem>>
          %gather3A_460 = tpu.vector_load_idx %gather3A_459[%iota3A, %add3A_454] : memref<16x1024xf32, #tpu.memory_space<vmem>>[vector<16xi32>, vector<16xi32>], vector<16xf32>,
          %add3A_461 = arith.constant 29 : i32
          %add3A_462 = vector.broadcast %add3A_461 : i32 to vector<16xi32>
          %add3A_463 = arith.addi %broadcast_in_dim3A, %add3A_462 : vector<16xi32>
          %gather3A_464 = arith.constant 1 : i32
          %gather3A_465 = arith.constant 0 : i32
          %gather3A_466 = arith.constant 0 : i32
          %gather3A_467 = tpu.memref_slice %arg4[%gather3A_464, %gather3A_465, %gather3A_466] : memref<2x16x1024xf32, #tpu.memory_space<vmem>> -> memref<1x16x1024xf32, #tpu.memory_space<vmem>>
          %gather3A_468 = tpu.memref_squeeze %gather3A_467 : memref<1x16x1024xf32, #tpu.memory_space<vmem>> -> memref<16x1024xf32, #tpu.memory_space<vmem>>
          %gather3A_469 = tpu.vector_load_idx %gather3A_468[%iota3A, %add3A_463] : memref<16x1024xf32, #tpu.memory_space<vmem>>[vector<16xi32>, vector<16xi32>], vector<16xf32>,
          %add3A_470 = arith.constant 30 : i32
          %add3A_471 = vector.broadcast %add3A_470 : i32 to vector<16xi32>
          %add3A_472 = arith.addi %broadcast_in_dim3A, %add3A_471 : vector<16xi32>
          %gather3A_473 = arith.constant 1 : i32
          %gather3A_474 = arith.constant 0 : i32
          %gather3A_475 = arith.constant 0 : i32
          %gather3A_476 = tpu.memref_slice %arg4[%gather3A_473, %gather3A_474, %gather3A_475] : memref<2x16x1024xf32, #tpu.memory_space<vmem>> -> memref<1x16x1024xf32, #tpu.memory_space<vmem>>
          %gather3A_477 = tpu.memref_squeeze %gather3A_476 : memref<1x16x1024xf32, #tpu.memory_space<vmem>> -> memref<16x1024xf32, #tpu.memory_space<vmem>>
          %gather3A_478 = tpu.vector_load_idx %gather3A_477[%iota3A, %add3A_472] : memref<16x1024xf32, #tpu.memory_space<vmem>>[vector<16xi32>, vector<16xi32>], vector<16xf32>,
          %add3A_479 = arith.constant 31 : i32
          %add3A_480 = vector.broadcast %add3A_479 : i32 to vector<16xi32>
          %add3A_481 = arith.addi %broadcast_in_dim3A, %add3A_480 : vector<16xi32>
          %gather3A_482 = arith.constant 1 : i32
          %gather3A_483 = arith.constant 0 : i32
          %gather3A_484 = arith.constant 0 : i32
          %gather3A_485 = tpu.memref_slice %arg4[%gather3A_482, %gather3A_483, %gather3A_484] : memref<2x16x1024xf32, #tpu.memory_space<vmem>> -> memref<1x16x1024xf32, #tpu.memory_space<vmem>>
          %gather3A_486 = tpu.memref_squeeze %gather3A_485 : memref<1x16x1024xf32, #tpu.memory_space<vmem>> -> memref<16x1024xf32, #tpu.memory_space<vmem>>
          %gather3A_487 = tpu.vector_load_idx %gather3A_486[%iota3A, %add3A_481] : memref<16x1024xf32, #tpu.memory_space<vmem>>[vector<16xi32>, vector<16xi32>], vector<16xf32>,
          %mul3A_488 = arith.constant 4 : i32
          %mul3A_489 = arith.muli %scan3A_197, %mul3A_488 : i32
          %add3A_490 = arith.constant 0 : i32
          %add3A_491 = arith.addi %mul3A_489, %add3A_490 : i32
          %swap3A = arith.constant 1 : i32
          %swap3A_492 = arith.index_cast %swap3A : i32 to index
          %swap3A_493 = arith.index_cast %add3A_491 : i32 to index
          %swap3A_494 = arith.constant 0 : index
          %swap3A_495 = tpu.vector_load %arg5[%swap3A_492, %swap3A_493, %swap3A_494] {strides = array<i32>} : memref<2x128x128xf32, #tpu.memory_space<vmem>>, vector<16xf32>,
          tpu.vector_store %arg5[%swap3A_492, %swap3A_493, %swap3A_494], %gather3A_208 {strides = array<i32>} : memref<2x128x128xf32, #tpu.memory_space<vmem>>, vector<16xf32>,
          %mul3A_496 = arith.constant 4 : i32
          %mul3A_497 = arith.muli %scan3A_197, %mul3A_496 : i32
          %add3A_498 = arith.constant 0 : i32
          %add3A_499 = arith.addi %mul3A_497, %add3A_498 : i32
          %swap3A_500 = arith.constant 1 : i32
          %swap3A_501 = arith.index_cast %swap3A_500 : i32 to index
          %swap3A_502 = arith.index_cast %add3A_499 : i32 to index
          %swap3A_503 = arith.constant 16 : index
          %swap3A_504 = tpu.vector_load %arg5[%swap3A_501, %swap3A_502, %swap3A_503] {strides = array<i32>} : memref<2x128x128xf32, #tpu.memory_space<vmem>>, vector<16xf32>,
          tpu.vector_store %arg5[%swap3A_501, %swap3A_502, %swap3A_503], %gather3A_217 {strides = array<i32>} : memref<2x128x128xf32, #tpu.memory_space<vmem>>, vector<16xf32>,
          %mul3A_505 = arith.constant 4 : i32
          %mul3A_506 = arith.muli %scan3A_197, %mul3A_505 : i32
          %add3A_507 = arith.constant 0 : i32
          %add3A_508 = arith.addi %mul3A_506, %add3A_507 : i32
          %swap3A_509 = arith.constant 1 : i32
          %swap3A_510 = arith.index_cast %swap3A_509 : i32 to index
          %swap3A_511 = arith.index_cast %add3A_508 : i32 to index
          %swap3A_512 = arith.constant 32 : index
          %swap3A_513 = tpu.vector_load %arg5[%swap3A_510, %swap3A_511, %swap3A_512] {strides = array<i32>} : memref<2x128x128xf32, #tpu.memory_space<vmem>>, vector<16xf32>,
          tpu.vector_store %arg5[%swap3A_510, %swap3A_511, %swap3A_512], %gather3A_226 {strides = array<i32>} : memref<2x128x128xf32, #tpu.memory_space<vmem>>, vector<16xf32>,
          %mul3A_514 = arith.constant 4 : i32
          %mul3A_515 = arith.muli %scan3A_197, %mul3A_514 : i32
          %add3A_516 = arith.constant 0 : i32
          %add3A_517 = arith.addi %mul3A_515, %add3A_516 : i32
          %swap3A_518 = arith.constant 1 : i32
          %swap3A_519 = arith.index_cast %swap3A_518 : i32 to index
          %swap3A_520 = arith.index_cast %add3A_517 : i32 to index
          %swap3A_521 = arith.constant 48 : index
          %swap3A_522 = tpu.vector_load %arg5[%swap3A_519, %swap3A_520, %swap3A_521] {strides = array<i32>} : memref<2x128x128xf32, #tpu.memory_space<vmem>>, vector<16xf32>,
          tpu.vector_store %arg5[%swap3A_519, %swap3A_520, %swap3A_521], %gather3A_235 {strides = array<i32>} : memref<2x128x128xf32, #tpu.memory_space<vmem>>, vector<16xf32>,
          %mul3A_523 = arith.constant 4 : i32
          %mul3A_524 = arith.muli %scan3A_197, %mul3A_523 : i32
          %add3A_525 = arith.constant 0 : i32
          %add3A_526 = arith.addi %mul3A_524, %add3A_525 : i32
          %swap3A_527 = arith.constant 1 : i32
          %swap3A_528 = arith.index_cast %swap3A_527 : i32 to index
          %swap3A_529 = arith.index_cast %add3A_526 : i32 to index
          %swap3A_530 = arith.constant 64 : index
          %swap3A_531 = tpu.vector_load %arg5[%swap3A_528, %swap3A_529, %swap3A_530] {strides = array<i32>} : memref<2x128x128xf32, #tpu.memory_space<vmem>>, vector<16xf32>,
          tpu.vector_store %arg5[%swap3A_528, %swap3A_529, %swap3A_530], %gather3A_244 {strides = array<i32>} : memref<2x128x128xf32, #tpu.memory_space<vmem>>, vector<16xf32>,
          %mul3A_532 = arith.constant 4 : i32
          %mul3A_533 = arith.muli %scan3A_197, %mul3A_532 : i32
          %add3A_534 = arith.constant 0 : i32
          %add3A_535 = arith.addi %mul3A_533, %add3A_534 : i32
          %swap3A_536 = arith.constant 1 : i32
          %swap3A_537 = arith.index_cast %swap3A_536 : i32 to index
          %swap3A_538 = arith.index_cast %add3A_535 : i32 to index
          %swap3A_539 = arith.constant 80 : index
          %swap3A_540 = tpu.vector_load %arg5[%swap3A_537, %swap3A_538, %swap3A_539] {strides = array<i32>} : memref<2x128x128xf32, #tpu.memory_space<vmem>>, vector<16xf32>,
          tpu.vector_store %arg5[%swap3A_537, %swap3A_538, %swap3A_539], %gather3A_253 {strides = array<i32>} : memref<2x128x128xf32, #tpu.memory_space<vmem>>, vector<16xf32>,
          %mul3A_541 = arith.constant 4 : i32
          %mul3A_542 = arith.muli %scan3A_197, %mul3A_541 : i32
          %add3A_543 = arith.constant 0 : i32
          %add3A_544 = arith.addi %mul3A_542, %add3A_543 : i32
          %swap3A_545 = arith.constant 1 : i32
          %swap3A_546 = arith.index_cast %swap3A_545 : i32 to index
          %swap3A_547 = arith.index_cast %add3A_544 : i32 to index
          %swap3A_548 = arith.constant 96 : index
          %swap3A_549 = tpu.vector_load %arg5[%swap3A_546, %swap3A_547, %swap3A_548] {strides = array<i32>} : memref<2x128x128xf32, #tpu.memory_space<vmem>>, vector<16xf32>,
          tpu.vector_store %arg5[%swap3A_546, %swap3A_547, %swap3A_548], %gather3A_262 {strides = array<i32>} : memref<2x128x128xf32, #tpu.memory_space<vmem>>, vector<16xf32>,
          %mul3A_550 = arith.constant 4 : i32
          %mul3A_551 = arith.muli %scan3A_197, %mul3A_550 : i32
          %add3A_552 = arith.constant 0 : i32
          %add3A_553 = arith.addi %mul3A_551, %add3A_552 : i32
          %swap3A_554 = arith.constant 1 : i32
          %swap3A_555 = arith.index_cast %swap3A_554 : i32 to index
          %swap3A_556 = arith.index_cast %add3A_553 : i32 to index
          %swap3A_557 = arith.constant 112 : index
          %swap3A_558 = tpu.vector_load %arg5[%swap3A_555, %swap3A_556, %swap3A_557] {strides = array<i32>} : memref<2x128x128xf32, #tpu.memory_space<vmem>>, vector<16xf32>,
          tpu.vector_store %arg5[%swap3A_555, %swap3A_556, %swap3A_557], %gather3A_271 {strides = array<i32>} : memref<2x128x128xf32, #tpu.memory_space<vmem>>, vector<16xf32>,
          %mul3A_559 = arith.constant 4 : i32
          %mul3A_560 = arith.muli %scan3A_197, %mul3A_559 : i32
          %add3A_561 = arith.constant 1 : i32
          %add3A_562 = arith.addi %mul3A_560, %add3A_561 : i32
          %swap3A_563 = arith.constant 1 : i32
          %swap3A_564 = arith.index_cast %swap3A_563 : i32 to index
          %swap3A_565 = arith.index_cast %add3A_562 : i32 to index
          %swap3A_566 = arith.constant 0 : index
          %swap3A_567 = tpu.vector_load %arg5[%swap3A_564, %swap3A_565, %swap3A_566] {strides = array<i32>} : memref<2x128x128xf32, #tpu.memory_space<vmem>>, vector<16xf32>,
          tpu.vector_store %arg5[%swap3A_564, %swap3A_565, %swap3A_566], %gather3A_280 {strides = array<i32>} : memref<2x128x128xf32, #tpu.memory_space<vmem>>, vector<16xf32>,
          %mul3A_568 = arith.constant 4 : i32
          %mul3A_569 = arith.muli %scan3A_197, %mul3A_568 : i32
          %add3A_570 = arith.constant 1 : i32
          %add3A_571 = arith.addi %mul3A_569, %add3A_570 : i32
          %swap3A_572 = arith.constant 1 : i32
          %swap3A_573 = arith.index_cast %swap3A_572 : i32 to index
          %swap3A_574 = arith.index_cast %add3A_571 : i32 to index
          %swap3A_575 = arith.constant 16 : index
          %swap3A_576 = tpu.vector_load %arg5[%swap3A_573, %swap3A_574, %swap3A_575] {strides = array<i32>} : memref<2x128x128xf32, #tpu.memory_space<vmem>>, vector<16xf32>,
          tpu.vector_store %arg5[%swap3A_573, %swap3A_574, %swap3A_575], %gather3A_289 {strides = array<i32>} : memref<2x128x128xf32, #tpu.memory_space<vmem>>, vector<16xf32>,
          %mul3A_577 = arith.constant 4 : i32
          %mul3A_578 = arith.muli %scan3A_197, %mul3A_577 : i32
          %add3A_579 = arith.constant 1 : i32
          %add3A_580 = arith.addi %mul3A_578, %add3A_579 : i32
          %swap3A_581 = arith.constant 1 : i32
          %swap3A_582 = arith.index_cast %swap3A_581 : i32 to index
          %swap3A_583 = arith.index_cast %add3A_580 : i32 to index
          %swap3A_584 = arith.constant 32 : index
          %swap3A_585 = tpu.vector_load %arg5[%swap3A_582, %swap3A_583, %swap3A_584] {strides = array<i32>} : memref<2x128x128xf32, #tpu.memory_space<vmem>>, vector<16xf32>,
          tpu.vector_store %arg5[%swap3A_582, %swap3A_583, %swap3A_584], %gather3A_298 {strides = array<i32>} : memref<2x128x128xf32, #tpu.memory_space<vmem>>, vector<16xf32>,
          %mul3A_586 = arith.constant 4 : i32
          %mul3A_587 = arith.muli %scan3A_197, %mul3A_586 : i32
          %add3A_588 = arith.constant 1 : i32
          %add3A_589 = arith.addi %mul3A_587, %add3A_588 : i32
          %swap3A_590 = arith.constant 1 : i32
          %swap3A_591 = arith.index_cast %swap3A_590 : i32 to index
          %swap3A_592 = arith.index_cast %add3A_589 : i32 to index
          %swap3A_593 = arith.constant 48 : index
          %swap3A_594 = tpu.vector_load %arg5[%swap3A_591, %swap3A_592, %swap3A_593] {strides = array<i32>} : memref<2x128x128xf32, #tpu.memory_space<vmem>>, vector<16xf32>,
          tpu.vector_store %arg5[%swap3A_591, %swap3A_592, %swap3A_593], %gather3A_307 {strides = array<i32>} : memref<2x128x128xf32, #tpu.memory_space<vmem>>, vector<16xf32>,
          %mul3A_595 = arith.constant 4 : i32
          %mul3A_596 = arith.muli %scan3A_197, %mul3A_595 : i32
          %add3A_597 = arith.constant 1 : i32
          %add3A_598 = arith.addi %mul3A_596, %add3A_597 : i32
          %swap3A_599 = arith.constant 1 : i32
          %swap3A_600 = arith.index_cast %swap3A_599 : i32 to index
          %swap3A_601 = arith.index_cast %add3A_598 : i32 to index
          %swap3A_602 = arith.constant 64 : index
          %swap3A_603 = tpu.vector_load %arg5[%swap3A_600, %swap3A_601, %swap3A_602] {strides = array<i32>} : memref<2x128x128xf32, #tpu.memory_space<vmem>>, vector<16xf32>,
          tpu.vector_store %arg5[%swap3A_600, %swap3A_601, %swap3A_602], %gather3A_316 {strides = array<i32>} : memref<2x128x128xf32, #tpu.memory_space<vmem>>, vector<16xf32>,
          %mul3A_604 = arith.constant 4 : i32
          %mul3A_605 = arith.muli %scan3A_197, %mul3A_604 : i32
          %add3A_606 = arith.constant 1 : i32
          %add3A_607 = arith.addi %mul3A_605, %add3A_606 : i32
          %swap3A_608 = arith.constant 1 : i32
          %swap3A_609 = arith.index_cast %swap3A_608 : i32 to index
          %swap3A_610 = arith.index_cast %add3A_607 : i32 to index
          %swap3A_611 = arith.constant 80 : index
          %swap3A_612 = tpu.vector_load %arg5[%swap3A_609, %swap3A_610, %swap3A_611] {strides = array<i32>} : memref<2x128x128xf32, #tpu.memory_space<vmem>>, vector<16xf32>,
          tpu.vector_store %arg5[%swap3A_609, %swap3A_610, %swap3A_611], %gather3A_325 {strides = array<i32>} : memref<2x128x128xf32, #tpu.memory_space<vmem>>, vector<16xf32>,
          %mul3A_613 = arith.constant 4 : i32
          %mul3A_614 = arith.muli %scan3A_197, %mul3A_613 : i32
          %add3A_615 = arith.constant 1 : i32
          %add3A_616 = arith.addi %mul3A_614, %add3A_615 : i32
          %swap3A_617 = arith.constant 1 : i32
          %swap3A_618 = arith.index_cast %swap3A_617 : i32 to index
          %swap3A_619 = arith.index_cast %add3A_616 : i32 to index
          %swap3A_620 = arith.constant 96 : index
          %swap3A_621 = tpu.vector_load %arg5[%swap3A_618, %swap3A_619, %swap3A_620] {strides = array<i32>} : memref<2x128x128xf32, #tpu.memory_space<vmem>>, vector<16xf32>,
          tpu.vector_store %arg5[%swap3A_618, %swap3A_619, %swap3A_620], %gather3A_334 {strides = array<i32>} : memref<2x128x128xf32, #tpu.memory_space<vmem>>, vector<16xf32>,
          %mul3A_622 = arith.constant 4 : i32
          %mul3A_623 = arith.muli %scan3A_197, %mul3A_622 : i32
          %add3A_624 = arith.constant 1 : i32
          %add3A_625 = arith.addi %mul3A_623, %add3A_624 : i32
          %swap3A_626 = arith.constant 1 : i32
          %swap3A_627 = arith.index_cast %swap3A_626 : i32 to index
          %swap3A_628 = arith.index_cast %add3A_625 : i32 to index
          %swap3A_629 = arith.constant 112 : index
          %swap3A_630 = tpu.vector_load %arg5[%swap3A_627, %swap3A_628, %swap3A_629] {strides = array<i32>} : memref<2x128x128xf32, #tpu.memory_space<vmem>>, vector<16xf32>,
          tpu.vector_store %arg5[%swap3A_627, %swap3A_628, %swap3A_629], %gather3A_343 {strides = array<i32>} : memref<2x128x128xf32, #tpu.memory_space<vmem>>, vector<16xf32>,
          %mul3A_631 = arith.constant 4 : i32
          %mul3A_632 = arith.muli %scan3A_197, %mul3A_631 : i32
          %add3A_633 = arith.constant 2 : i32
          %add3A_634 = arith.addi %mul3A_632, %add3A_633 : i32
          %swap3A_635 = arith.constant 1 : i32
          %swap3A_636 = arith.index_cast %swap3A_635 : i32 to index
          %swap3A_637 = arith.index_cast %add3A_634 : i32 to index
          %swap3A_638 = arith.constant 0 : index
          %swap3A_639 = tpu.vector_load %arg5[%swap3A_636, %swap3A_637, %swap3A_638] {strides = array<i32>} : memref<2x128x128xf32, #tpu.memory_space<vmem>>, vector<16xf32>,
          tpu.vector_store %arg5[%swap3A_636, %swap3A_637, %swap3A_638], %gather3A_352 {strides = array<i32>} : memref<2x128x128xf32, #tpu.memory_space<vmem>>, vector<16xf32>,
          %mul3A_640 = arith.constant 4 : i32
          %mul3A_641 = arith.muli %scan3A_197, %mul3A_640 : i32
          %add3A_642 = arith.constant 2 : i32
          %add3A_643 = arith.addi %mul3A_641, %add3A_642 : i32
          %swap3A_644 = arith.constant 1 : i32
          %swap3A_645 = arith.index_cast %swap3A_644 : i32 to index
          %swap3A_646 = arith.index_cast %add3A_643 : i32 to index
          %swap3A_647 = arith.constant 16 : index
          %swap3A_648 = tpu.vector_load %arg5[%swap3A_645, %swap3A_646, %swap3A_647] {strides = array<i32>} : memref<2x128x128xf32, #tpu.memory_space<vmem>>, vector<16xf32>,
          tpu.vector_store %arg5[%swap3A_645, %swap3A_646, %swap3A_647], %gather3A_361 {strides = array<i32>} : memref<2x128x128xf32, #tpu.memory_space<vmem>>, vector<16xf32>,
          %mul3A_649 = arith.constant 4 : i32
          %mul3A_650 = arith.muli %scan3A_197, %mul3A_649 : i32
          %add3A_651 = arith.constant 2 : i32
          %add3A_652 = arith.addi %mul3A_650, %add3A_651 : i32
          %swap3A_653 = arith.constant 1 : i32
          %swap3A_654 = arith.index_cast %swap3A_653 : i32 to index
          %swap3A_655 = arith.index_cast %add3A_652 : i32 to index
          %swap3A_656 = arith.constant 32 : index
          %swap3A_657 = tpu.vector_load %arg5[%swap3A_654, %swap3A_655, %swap3A_656] {strides = array<i32>} : memref<2x128x128xf32, #tpu.memory_space<vmem>>, vector<16xf32>,
          tpu.vector_store %arg5[%swap3A_654, %swap3A_655, %swap3A_656], %gather3A_370 {strides = array<i32>} : memref<2x128x128xf32, #tpu.memory_space<vmem>>, vector<16xf32>,
          %mul3A_658 = arith.constant 4 : i32
          %mul3A_659 = arith.muli %scan3A_197, %mul3A_658 : i32
          %add3A_660 = arith.constant 2 : i32
          %add3A_661 = arith.addi %mul3A_659, %add3A_660 : i32
          %swap3A_662 = arith.constant 1 : i32
          %swap3A_663 = arith.index_cast %swap3A_662 : i32 to index
          %swap3A_664 = arith.index_cast %add3A_661 : i32 to index
          %swap3A_665 = arith.constant 48 : index
          %swap3A_666 = tpu.vector_load %arg5[%swap3A_663, %swap3A_664, %swap3A_665] {strides = array<i32>} : memref<2x128x128xf32, #tpu.memory_space<vmem>>, vector<16xf32>,
          tpu.vector_store %arg5[%swap3A_663, %swap3A_664, %swap3A_665], %gather3A_379 {strides = array<i32>} : memref<2x128x128xf32, #tpu.memory_space<vmem>>, vector<16xf32>,
          %mul3A_667 = arith.constant 4 : i32
          %mul3A_668 = arith.muli %scan3A_197, %mul3A_667 : i32
          %add3A_669 = arith.constant 2 : i32
          %add3A_670 = arith.addi %mul3A_668, %add3A_669 : i32
          %swap3A_671 = arith.constant 1 : i32
          %swap3A_672 = arith.index_cast %swap3A_671 : i32 to index
          %swap3A_673 = arith.index_cast %add3A_670 : i32 to index
          %swap3A_674 = arith.constant 64 : index
          %swap3A_675 = tpu.vector_load %arg5[%swap3A_672, %swap3A_673, %swap3A_674] {strides = array<i32>} : memref<2x128x128xf32, #tpu.memory_space<vmem>>, vector<16xf32>,
          tpu.vector_store %arg5[%swap3A_672, %swap3A_673, %swap3A_674], %gather3A_388 {strides = array<i32>} : memref<2x128x128xf32, #tpu.memory_space<vmem>>, vector<16xf32>,
          %mul3A_676 = arith.constant 4 : i32
          %mul3A_677 = arith.muli %scan3A_197, %mul3A_676 : i32
          %add3A_678 = arith.constant 2 : i32
          %add3A_679 = arith.addi %mul3A_677, %add3A_678 : i32
          %swap3A_680 = arith.constant 1 : i32
          %swap3A_681 = arith.index_cast %swap3A_680 : i32 to index
          %swap3A_682 = arith.index_cast %add3A_679 : i32 to index
          %swap3A_683 = arith.constant 80 : index
          %swap3A_684 = tpu.vector_load %arg5[%swap3A_681, %swap3A_682, %swap3A_683] {strides = array<i32>} : memref<2x128x128xf32, #tpu.memory_space<vmem>>, vector<16xf32>,
          tpu.vector_store %arg5[%swap3A_681, %swap3A_682, %swap3A_683], %gather3A_397 {strides = array<i32>} : memref<2x128x128xf32, #tpu.memory_space<vmem>>, vector<16xf32>,
          %mul3A_685 = arith.constant 4 : i32
          %mul3A_686 = arith.muli %scan3A_197, %mul3A_685 : i32
          %add3A_687 = arith.constant 2 : i32
          %add3A_688 = arith.addi %mul3A_686, %add3A_687 : i32
          %swap3A_689 = arith.constant 1 : i32
          %swap3A_690 = arith.index_cast %swap3A_689 : i32 to index
          %swap3A_691 = arith.index_cast %add3A_688 : i32 to index
          %swap3A_692 = arith.constant 96 : index
          %swap3A_693 = tpu.vector_load %arg5[%swap3A_690, %swap3A_691, %swap3A_692] {strides = array<i32>} : memref<2x128x128xf32, #tpu.memory_space<vmem>>, vector<16xf32>,
          tpu.vector_store %arg5[%swap3A_690, %swap3A_691, %swap3A_692], %gather3A_406 {strides = array<i32>} : memref<2x128x128xf32, #tpu.memory_space<vmem>>, vector<16xf32>,
          %mul3A_694 = arith.constant 4 : i32
          %mul3A_695 = arith.muli %scan3A_197, %mul3A_694 : i32
          %add3A_696 = arith.constant 2 : i32
          %add3A_697 = arith.addi %mul3A_695, %add3A_696 : i32
          %swap3A_698 = arith.constant 1 : i32
          %swap3A_699 = arith.index_cast %swap3A_698 : i32 to index
          %swap3A_700 = arith.index_cast %add3A_697 : i32 to index
          %swap3A_701 = arith.constant 112 : index
          %swap3A_702 = tpu.vector_load %arg5[%swap3A_699, %swap3A_700, %swap3A_701] {strides = array<i32>} : memref<2x128x128xf32, #tpu.memory_space<vmem>>, vector<16xf32>,
          tpu.vector_store %arg5[%swap3A_699, %swap3A_700, %swap3A_701], %gather3A_415 {strides = array<i32>} : memref<2x128x128xf32, #tpu.memory_space<vmem>>, vector<16xf32>,
          %mul3A_703 = arith.constant 4 : i32
          %mul3A_704 = arith.muli %scan3A_197, %mul3A_703 : i32
          %add3A_705 = arith.constant 3 : i32
          %add3A_706 = arith.addi %mul3A_704, %add3A_705 : i32
          %swap3A_707 = arith.constant 1 : i32
          %swap3A_708 = arith.index_cast %swap3A_707 : i32 to index
          %swap3A_709 = arith.index_cast %add3A_706 : i32 to index
          %swap3A_710 = arith.constant 0 : index
          %swap3A_711 = tpu.vector_load %arg5[%swap3A_708, %swap3A_709, %swap3A_710] {strides = array<i32>} : memref<2x128x128xf32, #tpu.memory_space<vmem>>, vector<16xf32>,
          tpu.vector_store %arg5[%swap3A_708, %swap3A_709, %swap3A_710], %gather3A_424 {strides = array<i32>} : memref<2x128x128xf32, #tpu.memory_space<vmem>>, vector<16xf32>,
          %mul3A_712 = arith.constant 4 : i32
          %mul3A_713 = arith.muli %scan3A_197, %mul3A_712 : i32
          %add3A_714 = arith.constant 3 : i32
          %add3A_715 = arith.addi %mul3A_713, %add3A_714 : i32
          %swap3A_716 = arith.constant 1 : i32
          %swap3A_717 = arith.index_cast %swap3A_716 : i32 to index
          %swap3A_718 = arith.index_cast %add3A_715 : i32 to index
          %swap3A_719 = arith.constant 16 : index
          %swap3A_720 = tpu.vector_load %arg5[%swap3A_717, %swap3A_718, %swap3A_719] {strides = array<i32>} : memref<2x128x128xf32, #tpu.memory_space<vmem>>, vector<16xf32>,
          tpu.vector_store %arg5[%swap3A_717, %swap3A_718, %swap3A_719], %gather3A_433 {strides = array<i32>} : memref<2x128x128xf32, #tpu.memory_space<vmem>>, vector<16xf32>,
          %mul3A_721 = arith.constant 4 : i32
          %mul3A_722 = arith.muli %scan3A_197, %mul3A_721 : i32
          %add3A_723 = arith.constant 3 : i32
          %add3A_724 = arith.addi %mul3A_722, %add3A_723 : i32
          %swap3A_725 = arith.constant 1 : i32
          %swap3A_726 = arith.index_cast %swap3A_725 : i32 to index
          %swap3A_727 = arith.index_cast %add3A_724 : i32 to index
          %swap3A_728 = arith.constant 32 : index
          %swap3A_729 = tpu.vector_load %arg5[%swap3A_726, %swap3A_727, %swap3A_728] {strides = array<i32>} : memref<2x128x128xf32, #tpu.memory_space<vmem>>, vector<16xf32>,
          tpu.vector_store %arg5[%swap3A_726, %swap3A_727, %swap3A_728], %gather3A_442 {strides = array<i32>} : memref<2x128x128xf32, #tpu.memory_space<vmem>>, vector<16xf32>,
          %mul3A_730 = arith.constant 4 : i32
          %mul3A_731 = arith.muli %scan3A_197, %mul3A_730 : i32
          %add3A_732 = arith.constant 3 : i32
          %add3A_733 = arith.addi %mul3A_731, %add3A_732 : i32
          %swap3A_734 = arith.constant 1 : i32
          %swap3A_735 = arith.index_cast %swap3A_734 : i32 to index
          %swap3A_736 = arith.index_cast %add3A_733 : i32 to index
          %swap3A_737 = arith.constant 48 : index
          %swap3A_738 = tpu.vector_load %arg5[%swap3A_735, %swap3A_736, %swap3A_737] {strides = array<i32>} : memref<2x128x128xf32, #tpu.memory_space<vmem>>, vector<16xf32>,
          tpu.vector_store %arg5[%swap3A_735, %swap3A_736, %swap3A_737], %gather3A_451 {strides = array<i32>} : memref<2x128x128xf32, #tpu.memory_space<vmem>>, vector<16xf32>,
          %mul3A_739 = arith.constant 4 : i32
          %mul3A_740 = arith.muli %scan3A_197, %mul3A_739 : i32
          %add3A_741 = arith.constant 3 : i32
          %add3A_742 = arith.addi %mul3A_740, %add3A_741 : i32
          %swap3A_743 = arith.constant 1 : i32
          %swap3A_744 = arith.index_cast %swap3A_743 : i32 to index
          %swap3A_745 = arith.index_cast %add3A_742 : i32 to index
          %swap3A_746 = arith.constant 64 : index
          %swap3A_747 = tpu.vector_load %arg5[%swap3A_744, %swap3A_745, %swap3A_746] {strides = array<i32>} : memref<2x128x128xf32, #tpu.memory_space<vmem>>, vector<16xf32>,
          tpu.vector_store %arg5[%swap3A_744, %swap3A_745, %swap3A_746], %gather3A_460 {strides = array<i32>} : memref<2x128x128xf32, #tpu.memory_space<vmem>>, vector<16xf32>,
          %mul3A_748 = arith.constant 4 : i32
          %mul3A_749 = arith.muli %scan3A_197, %mul3A_748 : i32
          %add3A_750 = arith.constant 3 : i32
          %add3A_751 = arith.addi %mul3A_749, %add3A_750 : i32
          %swap3A_752 = arith.constant 1 : i32
          %swap3A_753 = arith.index_cast %swap3A_752 : i32 to index
          %swap3A_754 = arith.index_cast %add3A_751 : i32 to index
          %swap3A_755 = arith.constant 80 : index
          %swap3A_756 = tpu.vector_load %arg5[%swap3A_753, %swap3A_754, %swap3A_755] {strides = array<i32>} : memref<2x128x128xf32, #tpu.memory_space<vmem>>, vector<16xf32>,
          tpu.vector_store %arg5[%swap3A_753, %swap3A_754, %swap3A_755], %gather3A_469 {strides = array<i32>} : memref<2x128x128xf32, #tpu.memory_space<vmem>>, vector<16xf32>,
          %mul3A_757 = arith.constant 4 : i32
          %mul3A_758 = arith.muli %scan3A_197, %mul3A_757 : i32
          %add3A_759 = arith.constant 3 : i32
          %add3A_760 = arith.addi %mul3A_758, %add3A_759 : i32
          %swap3A_761 = arith.constant 1 : i32
          %swap3A_762 = arith.index_cast %swap3A_761 : i32 to index
          %swap3A_763 = arith.index_cast %add3A_760 : i32 to index
          %swap3A_764 = arith.constant 96 : index
          %swap3A_765 = tpu.vector_load %arg5[%swap3A_762, %swap3A_763, %swap3A_764] {strides = array<i32>} : memref<2x128x128xf32, #tpu.memory_space<vmem>>, vector<16xf32>,
          tpu.vector_store %arg5[%swap3A_762, %swap3A_763, %swap3A_764], %gather3A_478 {strides = array<i32>} : memref<2x128x128xf32, #tpu.memory_space<vmem>>, vector<16xf32>,
          %mul3A_766 = arith.constant 4 : i32
          %mul3A_767 = arith.muli %scan3A_197, %mul3A_766 : i32
          %add3A_768 = arith.constant 3 : i32
          %add3A_769 = arith.addi %mul3A_767, %add3A_768 : i32
          %swap3A_770 = arith.constant 1 : i32
          %swap3A_771 = arith.index_cast %swap3A_770 : i32 to index
          %swap3A_772 = arith.index_cast %add3A_769 : i32 to index
          %swap3A_773 = arith.constant 112 : index
          %swap3A_774 = tpu.vector_load %arg5[%swap3A_771, %swap3A_772, %swap3A_773] {strides = array<i32>} : memref<2x128x128xf32, #tpu.memory_space<vmem>>, vector<16xf32>,
          tpu.vector_store %arg5[%swap3A_771, %swap3A_772, %swap3A_773], %gather3A_487 {strides = array<i32>} : memref<2x128x128xf32, #tpu.memory_space<vmem>>, vector<16xf32>,
          %scan3A_775 = arith.constant 0 : i32
          scf.yield %scan3A_775 : i32
        }
        %scan3A_196 = arith.constant 32 : i32
      } else {
      }
      %add3A_173 = arith.constant 1 : i32
      %add3A_174 = arith.addi %mul3A_36, %add3A_173 : i32
      %ge3A_175 = arith.constant 0 : i32
      %ge3A_176 = arith.cmpi sge, %add3A_174, %ge3A_175 : i32
      %lt3A_177 = arith.constant 31 : i32
      %lt3A_178 = arith.cmpi slt, %add3A_174, %lt3A_177 : i32
      %and3A_179 = arith.andi %ge3A_176, %lt3A_178 : i1
      %mul3A_180 = arith.constant 31 : i32
      %mul3A_181 = arith.muli %add3A, %mul3A_180 : i32
      %add3A_182 = arith.addi %mul3A_181, %add3A_174 : i32
      %lt3A_183 = arith.constant 976 : i32
      %lt3A_184 = arith.cmpi slt, %add3A_182, %lt3A_183 : i32
      %and3A_185 = arith.andi %and3A_179, %lt3A_184 : i1
      %convert_element_type3A_186 = arith.extui %and3A_185 : i1 to i32
      %cond3A_187 = arith.constant 0 : i32
      %cond3A_188 = arith.cmpi ne, %convert_element_type3A_186, %cond3A_187 : i32
      scf.if %cond3A_188 {
        %mul3A_190 = arith.constant 31 : i32
        %mul3A_191 = arith.muli %add3A, %mul3A_190 : i32
        %add3A_192 = arith.addi %mul3A_191, %add3A_174 : i32
        %mul3A_193 = arith.constant 128 : i32
        %mul3A_194 = arith.muli %add3A_192, %mul3A_193 : i32
        %multiple_of3A = tpu.assume_multiple %mul3A_194, 8 : i32
        %dma_start3A = arith.constant 1 : i32
        %dma_start3A_195 = arith.constant 0 : i32
        %dma_start3A_196 = arith.constant 0 : i32
        %dma_start3A_197 = tpu.memref_slice %arg5[%dma_start3A, %dma_start3A_195, %dma_start3A_196] : memref<2x128x128xf32, #tpu.memory_space<vmem>> -> memref<1x128x128xf32, #tpu.memory_space<vmem>>
        %dma_start3A_198 = tpu.memref_squeeze %dma_start3A_197 : memref<1x128x128xf32, #tpu.memory_space<vmem>> -> memref<128x128xf32, #tpu.memory_space<vmem>>
        %dma_start3A_199 = arith.constant 0 : i32
        %dma_start3A_200 = tpu.memref_slice %arg3[%multiple_of3A, %dma_start3A_199] : memref<125008x128xf32, #tpu.memory_space<hbm>> -> memref<128x128xf32, #tpu.memory_space<hbm>>
        %dma_start3A_201 = arith.constant 0 : i32
        %dma_start3A_202 = tpu.memref_slice %arg3[%multiple_of3A, %dma_start3A_201] : memref<125008x128xf32, #tpu.memory_space<hbm>> -> memref<128x128xf32, #tpu.memory_space<hbm>>
        %dma_start3A_203 = arith.constant 0 : i32
        %dma_start3A_204 = arith.constant 0 : i32
        %dma_start3A_205 = tpu.memref_slice %arg5[%dma_start3A, %dma_start3A_203, %dma_start3A_204] : memref<2x128x128xf32, #tpu.memory_space<vmem>> -> memref<1x128x128xf32, #tpu.memory_space<vmem>>
        %dma_start3A_206 = tpu.memref_squeeze %dma_start3A_205 : memref<1x128x128xf32, #tpu.memory_space<vmem>> -> memref<128x128xf32, #tpu.memory_space<vmem>>
        tpu.enqueue_dma source(%dma_start3A_206 : memref<128x128xf32, #tpu.memory_space<vmem>>) target(%dma_start3A_202 : memref<128x128xf32, #tpu.memory_space<hbm>>) target_semaphore(%arg9 : memref<!tpu.dma_semaphore, #tpu.memory_space<semaphore_mem>>)
      } else {
      }
      %scan3A_189 = arith.constant 0 : i32
      scf.yield %scan3A_189 : i32
    }
    %scan3A_15 = arith.constant 16 : i32
    %and3A_16 = arith.constant true
    %and3A_17 = arith.constant true
    %and3A_18 = arith.andi %and3A_16, %and3A_17 : i1
    %mul3A_19 = arith.constant 31 : i32
    %mul3A_20 = arith.muli %add3A, %mul3A_19 : i32
    %add3A_21 = arith.constant 30 : i32
    %add3A_22 = arith.addi %mul3A_20, %add3A_21 : i32
    %lt3A_23 = arith.constant 976 : i32
    %lt3A_24 = arith.cmpi slt, %add3A_22, %lt3A_23 : i32
    %and3A_25 = arith.andi %and3A_18, %lt3A_24 : i1
    %convert_element_type3A_26 = arith.extui %and3A_25 : i1 to i32
    %cond3A_27 = arith.constant 0 : i32
    %cond3A_28 = arith.cmpi ne, %convert_element_type3A_26, %cond3A_27 : i32
    scf.if %cond3A_28 {
      %mul3A_33 = arith.constant 31 : i32
      %mul3A_34 = arith.muli %add3A, %mul3A_33 : i32
      %add3A_35 = arith.constant 30 : i32
      %add3A_36 = arith.addi %mul3A_34, %add3A_35 : i32
      %mul3A_37 = arith.constant 128 : i32
      %mul3A_38 = arith.muli %add3A_36, %mul3A_37 : i32
      %multiple_of3A = tpu.assume_multiple %mul3A_38, 8 : i32
      %dma_wait3A = arith.constant 0 : i32
      %dma_wait3A_39 = arith.constant 0 : i32
      %dma_wait3A_40 = arith.constant 0 : i32
      %dma_wait3A_41 = tpu.memref_slice %arg5[%dma_wait3A, %dma_wait3A_39, %dma_wait3A_40] : memref<2x128x128xf32, #tpu.memory_space<vmem>> -> memref<1x128x128xf32, #tpu.memory_space<vmem>>
      %dma_wait3A_42 = tpu.memref_squeeze %dma_wait3A_41 : memref<1x128x128xf32, #tpu.memory_space<vmem>> -> memref<128x128xf32, #tpu.memory_space<vmem>>
      %dma_wait3A_43 = arith.constant 0 : i32
      %dma_wait3A_44 = tpu.memref_slice %arg3[%multiple_of3A, %dma_wait3A_43] : memref<125008x128xf32, #tpu.memory_space<hbm>> -> memref<128x128xf32, #tpu.memory_space<hbm>>
      %dma_wait3A_45 = arith.constant 0 : i32
      %dma_wait3A_46 = tpu.memref_slice %arg3[%multiple_of3A, %dma_wait3A_45] : memref<125008x128xf32, #tpu.memory_space<hbm>> -> memref<128x128xf32, #tpu.memory_space<hbm>>
      %dma_wait3A_47 = arith.constant 0 : i32
      %dma_wait3A_48 = arith.constant 0 : i32
      %dma_wait3A_49 = tpu.memref_slice %arg5[%dma_wait3A, %dma_wait3A_47, %dma_wait3A_48] : memref<2x128x128xf32, #tpu.memory_space<vmem>> -> memref<1x128x128xf32, #tpu.memory_space<vmem>>
      %dma_wait3A_50 = tpu.memref_squeeze %dma_wait3A_49 : memref<1x128x128xf32, #tpu.memory_space<vmem>> -> memref<128x128xf32, #tpu.memory_space<vmem>>
      tpu.wait_dma2 semaphore(%arg8 : memref<!tpu.dma_semaphore, #tpu.memory_space<semaphore_mem>>) src(%dma_wait3A_50 : memref<128x128xf32, #tpu.memory_space<vmem>>) dst(%dma_wait3A_46 : memref<128x128xf32, #tpu.memory_space<hbm>>)
    } else {
    }
    %eq3A = arith.constant 0 : i32
    %eq3A_29 = arith.cmpi eq, %add3A, %eq3A : i32
    %convert_element_type3A_30 = arith.extui %eq3A_29 : i1 to i32
    %cond3A_31 = arith.constant 0 : i32
    %cond3A_32 = arith.cmpi ne, %convert_element_type3A_30, %cond3A_31 : i32
    scf.if %cond3A_32 {
      %dma_start3A = arith.constant 0 : i32
      %dma_start3A_33 = arith.constant 0 : i32
      %dma_start3A_34 = arith.constant 0 : i32
      %dma_start3A_35 = arith.constant 0 : i32
      %dma_start3A_36 = tpu.memref_slice %arg4[%dma_start3A_33, %dma_start3A_34, %dma_start3A_35] : memref<2x16x1024xf32, #tpu.memory_space<vmem>> -> memref<1x8x640xf32, #tpu.memory_space<vmem>>
      %dma_start3A_37 = tpu.memref_squeeze %dma_start3A_36 : memref<1x8x640xf32, #tpu.memory_space<vmem>> -> memref<8x640xf32, #tpu.memory_space<vmem>>
      %dma_start3A_38 = arith.constant 0 : i32
      %dma_start3A_39 = arith.constant 999424 : i32
      %dma_start3A_40 = tpu.memref_slice %arg2[%dma_start3A, %dma_start3A_38, %dma_start3A_39] : memref<2x8x1000064xf32, #tpu.memory_space<hbm>> -> memref<1x8x640xf32, #tpu.memory_space<hbm>>
      %dma_start3A_41 = tpu.memref_squeeze %dma_start3A_40 : memref<1x8x640xf32, #tpu.memory_space<hbm>> -> memref<8x640xf32, #tpu.memory_space<hbm>>
      %dma_start3A_42 = arith.constant 0 : i32
      %dma_start3A_43 = arith.constant 0 : i32
      %dma_start3A_44 = tpu.memref_slice %arg4[%dma_start3A_33, %dma_start3A_42, %dma_start3A_43] : memref<2x16x1024xf32, #tpu.memory_space<vmem>> -> memref<1x8x640xf32, #tpu.memory_space<vmem>>
      %dma_start3A_45 = tpu.memref_squeeze %dma_start3A_44 : memref<1x8x640xf32, #tpu.memory_space<vmem>> -> memref<8x640xf32, #tpu.memory_space<vmem>>
      %dma_start3A_46 = arith.constant 0 : i32
      %dma_start3A_47 = arith.constant 999424 : i32
      %dma_start3A_48 = tpu.memref_slice %arg2[%dma_start3A, %dma_start3A_46, %dma_start3A_47] : memref<2x8x1000064xf32, #tpu.memory_space<hbm>> -> memref<1x8x640xf32, #tpu.memory_space<hbm>>
      %dma_start3A_49 = tpu.memref_squeeze %dma_start3A_48 : memref<1x8x640xf32, #tpu.memory_space<hbm>> -> memref<8x640xf32, #tpu.memory_space<hbm>>
      tpu.enqueue_dma source(%dma_start3A_49 : memref<8x640xf32, #tpu.memory_space<hbm>>) target(%dma_start3A_45 : memref<8x640xf32, #tpu.memory_space<vmem>>) target_semaphore(%arg6 : memref<!tpu.dma_semaphore, #tpu.memory_space<semaphore_mem>>)
      %dma_start3A_50 = arith.constant 1 : i32
      %dma_start3A_51 = arith.constant 0 : i32
      %dma_start3A_52 = arith.constant 8 : i32
      %dma_start3A_53 = arith.constant 0 : i32
      %dma_start3A_54 = tpu.memref_slice %arg4[%dma_start3A_51, %dma_start3A_52, %dma_start3A_53] : memref<2x16x1024xf32, #tpu.memory_space<vmem>> -> memref<1x8x640xf32, #tpu.memory_space<vmem>>
      %dma_start3A_55 = tpu.memref_squeeze %dma_start3A_54 : memref<1x8x640xf32, #tpu.memory_space<vmem>> -> memref<8x640xf32, #tpu.memory_space<vmem>>
      %dma_start3A_56 = arith.constant 0 : i32
      %dma_start3A_57 = arith.constant 999424 : i32
      %dma_start3A_58 = tpu.memref_slice %arg2[%dma_start3A_50, %dma_start3A_56, %dma_start3A_57] : memref<2x8x1000064xf32, #tpu.memory_space<hbm>> -> memref<1x8x640xf32, #tpu.memory_space<hbm>>
      %dma_start3A_59 = tpu.memref_squeeze %dma_start3A_58 : memref<1x8x640xf32, #tpu.memory_space<hbm>> -> memref<8x640xf32, #tpu.memory_space<hbm>>
      %dma_start3A_60 = arith.constant 8 : i32
      %dma_start3A_61 = arith.constant 0 : i32
      %dma_start3A_62 = tpu.memref_slice %arg4[%dma_start3A_51, %dma_start3A_60, %dma_start3A_61] : memref<2x16x1024xf32, #tpu.memory_space<vmem>> -> memref<1x8x640xf32, #tpu.memory_space<vmem>>
      %dma_start3A_63 = tpu.memref_squeeze %dma_start3A_62 : memref<1x8x640xf32, #tpu.memory_space<vmem>> -> memref<8x640xf32, #tpu.memory_space<vmem>>
      %dma_start3A_64 = arith.constant 0 : i32
      %dma_start3A_65 = arith.constant 999424 : i32
      %dma_start3A_66 = tpu.memref_slice %arg2[%dma_start3A_50, %dma_start3A_64, %dma_start3A_65] : memref<2x8x1000064xf32, #tpu.memory_space<hbm>> -> memref<1x8x640xf32, #tpu.memory_space<hbm>>
      %dma_start3A_67 = tpu.memref_squeeze %dma_start3A_66 : memref<1x8x640xf32, #tpu.memory_space<hbm>> -> memref<8x640xf32, #tpu.memory_space<hbm>>
      tpu.enqueue_dma source(%dma_start3A_67 : memref<8x640xf32, #tpu.memory_space<hbm>>) target(%dma_start3A_63 : memref<8x640xf32, #tpu.memory_space<vmem>>) target_semaphore(%arg6 : memref<!tpu.dma_semaphore, #tpu.memory_space<semaphore_mem>>)
      %dma_wait3A = arith.constant 0 : i32
      %dma_wait3A_68 = arith.constant 0 : i32
      %dma_wait3A_69 = arith.constant 0 : i32
      %dma_wait3A_70 = arith.constant 0 : i32
      %dma_wait3A_71 = tpu.memref_slice %arg4[%dma_wait3A_68, %dma_wait3A_69, %dma_wait3A_70] : memref<2x16x1024xf32, #tpu.memory_space<vmem>> -> memref<1x8x640xf32, #tpu.memory_space<vmem>>
      %dma_wait3A_72 = tpu.memref_squeeze %dma_wait3A_71 : memref<1x8x640xf32, #tpu.memory_space<vmem>> -> memref<8x640xf32, #tpu.memory_space<vmem>>
      %dma_wait3A_73 = arith.constant 0 : i32
      %dma_wait3A_74 = arith.constant 999424 : i32
      %dma_wait3A_75 = tpu.memref_slice %arg2[%dma_wait3A, %dma_wait3A_73, %dma_wait3A_74] : memref<2x8x1000064xf32, #tpu.memory_space<hbm>> -> memref<1x8x640xf32, #tpu.memory_space<hbm>>
      %dma_wait3A_76 = tpu.memref_squeeze %dma_wait3A_75 : memref<1x8x640xf32, #tpu.memory_space<hbm>> -> memref<8x640xf32, #tpu.memory_space<hbm>>
      %dma_wait3A_77 = arith.constant 0 : i32
      %dma_wait3A_78 = arith.constant 0 : i32
      %dma_wait3A_79 = tpu.memref_slice %arg4[%dma_wait3A_68, %dma_wait3A_77, %dma_wait3A_78] : memref<2x16x1024xf32, #tpu.memory_space<vmem>> -> memref<1x8x640xf32, #tpu.memory_space<vmem>>
      %dma_wait3A_80 = tpu.memref_squeeze %dma_wait3A_79 : memref<1x8x640xf32, #tpu.memory_space<vmem>> -> memref<8x640xf32, #tpu.memory_space<vmem>>
      %dma_wait3A_81 = arith.constant 0 : i32
      %dma_wait3A_82 = arith.constant 999424 : i32
      %dma_wait3A_83 = tpu.memref_slice %arg2[%dma_wait3A, %dma_wait3A_81, %dma_wait3A_82] : memref<2x8x1000064xf32, #tpu.memory_space<hbm>> -> memref<1x8x640xf32, #tpu.memory_space<hbm>>
      %dma_wait3A_84 = tpu.memref_squeeze %dma_wait3A_83 : memref<1x8x640xf32, #tpu.memory_space<hbm>> -> memref<8x640xf32, #tpu.memory_space<hbm>>
      tpu.wait_dma2 semaphore(%arg6 : memref<!tpu.dma_semaphore, #tpu.memory_space<semaphore_mem>>) src(%dma_wait3A_84 : memref<8x640xf32, #tpu.memory_space<hbm>>) dst(%dma_wait3A_80 : memref<8x640xf32, #tpu.memory_space<vmem>>)
      %dma_wait3A_85 = arith.constant 1 : i32
      %dma_wait3A_86 = arith.constant 0 : i32
      %dma_wait3A_87 = arith.constant 8 : i32
      %dma_wait3A_88 = arith.constant 0 : i32
      %dma_wait3A_89 = tpu.memref_slice %arg4[%dma_wait3A_86, %dma_wait3A_87, %dma_wait3A_88] : memref<2x16x1024xf32, #tpu.memory_space<vmem>> -> memref<1x8x640xf32, #tpu.memory_space<vmem>>
      %dma_wait3A_90 = tpu.memref_squeeze %dma_wait3A_89 : memref<1x8x640xf32, #tpu.memory_space<vmem>> -> memref<8x640xf32, #tpu.memory_space<vmem>>
      %dma_wait3A_91 = arith.constant 0 : i32
      %dma_wait3A_92 = arith.constant 999424 : i32
      %dma_wait3A_93 = tpu.memref_slice %arg2[%dma_wait3A_85, %dma_wait3A_91, %dma_wait3A_92] : memref<2x8x1000064xf32, #tpu.memory_space<hbm>> -> memref<1x8x640xf32, #tpu.memory_space<hbm>>
      %dma_wait3A_94 = tpu.memref_squeeze %dma_wait3A_93 : memref<1x8x640xf32, #tpu.memory_space<hbm>> -> memref<8x640xf32, #tpu.memory_space<hbm>>
      %dma_wait3A_95 = arith.constant 8 : i32
      %dma_wait3A_96 = arith.constant 0 : i32
      %dma_wait3A_97 = tpu.memref_slice %arg4[%dma_wait3A_86, %dma_wait3A_95, %dma_wait3A_96] : memref<2x16x1024xf32, #tpu.memory_space<vmem>> -> memref<1x8x640xf32, #tpu.memory_space<vmem>>
      %dma_wait3A_98 = tpu.memref_squeeze %dma_wait3A_97 : memref<1x8x640xf32, #tpu.memory_space<vmem>> -> memref<8x640xf32, #tpu.memory_space<vmem>>
      %dma_wait3A_99 = arith.constant 0 : i32
      %dma_wait3A_100 = arith.constant 999424 : i32
      %dma_wait3A_101 = tpu.memref_slice %arg2[%dma_wait3A_85, %dma_wait3A_99, %dma_wait3A_100] : memref<2x8x1000064xf32, #tpu.memory_space<hbm>> -> memref<1x8x640xf32, #tpu.memory_space<hbm>>
      %dma_wait3A_102 = tpu.memref_squeeze %dma_wait3A_101 : memref<1x8x640xf32, #tpu.memory_space<hbm>> -> memref<8x640xf32, #tpu.memory_space<hbm>>
      tpu.wait_dma2 semaphore(%arg6 : memref<!tpu.dma_semaphore, #tpu.memory_space<semaphore_mem>>) src(%dma_wait3A_102 : memref<8x640xf32, #tpu.memory_space<hbm>>) dst(%dma_wait3A_98 : memref<8x640xf32, #tpu.memory_space<vmem>>)
      %scan3A_103 = arith.constant 0 : i32
      %scan3A_104 = arith.constant 0 : i32
      %scan3A_105 = arith.constant 20 : i32
      %scan3A_106 = arith.addi %scan3A_104, %scan3A_105 : i32
      %scan3A_107 = arith.constant 1 : i32
      %scan3A_108 = scf.for %scan3A_110 = %scan3A_104 to %scan3A_106 step %scan3A_107 iter_args(%scan3A_111 = %scan3A_103) -> (i32)  : i32 {
        %mul3A_112 = arith.constant 32 : i32
        %mul3A_113 = arith.muli %scan3A_110, %mul3A_112 : i32
        %broadcast_in_dim3A = vector.broadcast %mul3A_113 : i32 to vector<16xi32>
        %add3A_114 = arith.constant 0 : i32
        %add3A_115 = vector.broadcast %add3A_114 : i32 to vector<16xi32>
        %add3A_116 = arith.addi %broadcast_in_dim3A, %add3A_115 : vector<16xi32>
        %gather3A = arith.constant 0 : i32
        %gather3A_117 = arith.constant 0 : i32
        %gather3A_118 = arith.constant 0 : i32
        %gather3A_119 = tpu.memref_slice %arg4[%gather3A, %gather3A_117, %gather3A_118] : memref<2x16x1024xf32, #tpu.memory_space<vmem>> -> memref<1x16x1024xf32, #tpu.memory_space<vmem>>
        %gather3A_120 = tpu.memref_squeeze %gather3A_119 : memref<1x16x1024xf32, #tpu.memory_space<vmem>> -> memref<16x1024xf32, #tpu.memory_space<vmem>>
        %gather3A_121 = tpu.vector_load_idx %gather3A_120[%iota3A, %add3A_116] : memref<16x1024xf32, #tpu.memory_space<vmem>>[vector<16xi32>, vector<16xi32>], vector<16xf32>,
        %add3A_122 = arith.constant 1 : i32
        %add3A_123 = vector.broadcast %add3A_122 : i32 to vector<16xi32>
        %add3A_124 = arith.addi %broadcast_in_dim3A, %add3A_123 : vector<16xi32>
        %gather3A_125 = arith.constant 0 : i32
        %gather3A_126 = arith.constant 0 : i32
        %gather3A_127 = arith.constant 0 : i32
        %gather3A_128 = tpu.memref_slice %arg4[%gather3A_125, %gather3A_126, %gather3A_127] : memref<2x16x1024xf32, #tpu.memory_space<vmem>> -> memref<1x16x1024xf32, #tpu.memory_space<vmem>>
        %gather3A_129 = tpu.memref_squeeze %gather3A_128 : memref<1x16x1024xf32, #tpu.memory_space<vmem>> -> memref<16x1024xf32, #tpu.memory_space<vmem>>
        %gather3A_130 = tpu.vector_load_idx %gather3A_129[%iota3A, %add3A_124] : memref<16x1024xf32, #tpu.memory_space<vmem>>[vector<16xi32>, vector<16xi32>], vector<16xf32>,
        %add3A_131 = arith.constant 2 : i32
        %add3A_132 = vector.broadcast %add3A_131 : i32 to vector<16xi32>
        %add3A_133 = arith.addi %broadcast_in_dim3A, %add3A_132 : vector<16xi32>
        %gather3A_134 = arith.constant 0 : i32
        %gather3A_135 = arith.constant 0 : i32
        %gather3A_136 = arith.constant 0 : i32
        %gather3A_137 = tpu.memref_slice %arg4[%gather3A_134, %gather3A_135, %gather3A_136] : memref<2x16x1024xf32, #tpu.memory_space<vmem>> -> memref<1x16x1024xf32, #tpu.memory_space<vmem>>
        %gather3A_138 = tpu.memref_squeeze %gather3A_137 : memref<1x16x1024xf32, #tpu.memory_space<vmem>> -> memref<16x1024xf32, #tpu.memory_space<vmem>>
        %gather3A_139 = tpu.vector_load_idx %gather3A_138[%iota3A, %add3A_133] : memref<16x1024xf32, #tpu.memory_space<vmem>>[vector<16xi32>, vector<16xi32>], vector<16xf32>,
        %add3A_140 = arith.constant 3 : i32
        %add3A_141 = vector.broadcast %add3A_140 : i32 to vector<16xi32>
        %add3A_142 = arith.addi %broadcast_in_dim3A, %add3A_141 : vector<16xi32>
        %gather3A_143 = arith.constant 0 : i32
        %gather3A_144 = arith.constant 0 : i32
        %gather3A_145 = arith.constant 0 : i32
        %gather3A_146 = tpu.memref_slice %arg4[%gather3A_143, %gather3A_144, %gather3A_145] : memref<2x16x1024xf32, #tpu.memory_space<vmem>> -> memref<1x16x1024xf32, #tpu.memory_space<vmem>>
        %gather3A_147 = tpu.memref_squeeze %gather3A_146 : memref<1x16x1024xf32, #tpu.memory_space<vmem>> -> memref<16x1024xf32, #tpu.memory_space<vmem>>
        %gather3A_148 = tpu.vector_load_idx %gather3A_147[%iota3A, %add3A_142] : memref<16x1024xf32, #tpu.memory_space<vmem>>[vector<16xi32>, vector<16xi32>], vector<16xf32>,
        %add3A_149 = arith.constant 4 : i32
        %add3A_150 = vector.broadcast %add3A_149 : i32 to vector<16xi32>
        %add3A_151 = arith.addi %broadcast_in_dim3A, %add3A_150 : vector<16xi32>
        %gather3A_152 = arith.constant 0 : i32
        %gather3A_153 = arith.constant 0 : i32
        %gather3A_154 = arith.constant 0 : i32
        %gather3A_155 = tpu.memref_slice %arg4[%gather3A_152, %gather3A_153, %gather3A_154] : memref<2x16x1024xf32, #tpu.memory_space<vmem>> -> memref<1x16x1024xf32, #tpu.memory_space<vmem>>
        %gather3A_156 = tpu.memref_squeeze %gather3A_155 : memref<1x16x1024xf32, #tpu.memory_space<vmem>> -> memref<16x1024xf32, #tpu.memory_space<vmem>>
        %gather3A_157 = tpu.vector_load_idx %gather3A_156[%iota3A, %add3A_151] : memref<16x1024xf32, #tpu.memory_space<vmem>>[vector<16xi32>, vector<16xi32>], vector<16xf32>,
        %add3A_158 = arith.constant 5 : i32
        %add3A_159 = vector.broadcast %add3A_158 : i32 to vector<16xi32>
        %add3A_160 = arith.addi %broadcast_in_dim3A, %add3A_159 : vector<16xi32>
        %gather3A_161 = arith.constant 0 : i32
        %gather3A_162 = arith.constant 0 : i32
        %gather3A_163 = arith.constant 0 : i32
        %gather3A_164 = tpu.memref_slice %arg4[%gather3A_161, %gather3A_162, %gather3A_163] : memref<2x16x1024xf32, #tpu.memory_space<vmem>> -> memref<1x16x1024xf32, #tpu.memory_space<vmem>>
        %gather3A_165 = tpu.memref_squeeze %gather3A_164 : memref<1x16x1024xf32, #tpu.memory_space<vmem>> -> memref<16x1024xf32, #tpu.memory_space<vmem>>
        %gather3A_166 = tpu.vector_load_idx %gather3A_165[%iota3A, %add3A_160] : memref<16x1024xf32, #tpu.memory_space<vmem>>[vector<16xi32>, vector<16xi32>], vector<16xf32>,
        %add3A_167 = arith.constant 6 : i32
        %add3A_168 = vector.broadcast %add3A_167 : i32 to vector<16xi32>
        %add3A_169 = arith.addi %broadcast_in_dim3A, %add3A_168 : vector<16xi32>
        %gather3A_170 = arith.constant 0 : i32
        %gather3A_171 = arith.constant 0 : i32
        %gather3A_172 = arith.constant 0 : i32
        %gather3A_173 = tpu.memref_slice %arg4[%gather3A_170, %gather3A_171, %gather3A_172] : memref<2x16x1024xf32, #tpu.memory_space<vmem>> -> memref<1x16x1024xf32, #tpu.memory_space<vmem>>
        %gather3A_174 = tpu.memref_squeeze %gather3A_173 : memref<1x16x1024xf32, #tpu.memory_space<vmem>> -> memref<16x1024xf32, #tpu.memory_space<vmem>>
        %gather3A_175 = tpu.vector_load_idx %gather3A_174[%iota3A, %add3A_169] : memref<16x1024xf32, #tpu.memory_space<vmem>>[vector<16xi32>, vector<16xi32>], vector<16xf32>,
        %add3A_176 = arith.constant 7 : i32
        %add3A_177 = vector.broadcast %add3A_176 : i32 to vector<16xi32>
        %add3A_178 = arith.addi %broadcast_in_dim3A, %add3A_177 : vector<16xi32>
        %gather3A_179 = arith.constant 0 : i32
        %gather3A_180 = arith.constant 0 : i32
        %gather3A_181 = arith.constant 0 : i32
        %gather3A_182 = tpu.memref_slice %arg4[%gather3A_179, %gather3A_180, %gather3A_181] : memref<2x16x1024xf32, #tpu.memory_space<vmem>> -> memref<1x16x1024xf32, #tpu.memory_space<vmem>>
        %gather3A_183 = tpu.memref_squeeze %gather3A_182 : memref<1x16x1024xf32, #tpu.memory_space<vmem>> -> memref<16x1024xf32, #tpu.memory_space<vmem>>
        %gather3A_184 = tpu.vector_load_idx %gather3A_183[%iota3A, %add3A_178] : memref<16x1024xf32, #tpu.memory_space<vmem>>[vector<16xi32>, vector<16xi32>], vector<16xf32>,
        %add3A_185 = arith.constant 8 : i32
        %add3A_186 = vector.broadcast %add3A_185 : i32 to vector<16xi32>
        %add3A_187 = arith.addi %broadcast_in_dim3A, %add3A_186 : vector<16xi32>
        %gather3A_188 = arith.constant 0 : i32
        %gather3A_189 = arith.constant 0 : i32
        %gather3A_190 = arith.constant 0 : i32
        %gather3A_191 = tpu.memref_slice %arg4[%gather3A_188, %gather3A_189, %gather3A_190] : memref<2x16x1024xf32, #tpu.memory_space<vmem>> -> memref<1x16x1024xf32, #tpu.memory_space<vmem>>
        %gather3A_192 = tpu.memref_squeeze %gather3A_191 : memref<1x16x1024xf32, #tpu.memory_space<vmem>> -> memref<16x1024xf32, #tpu.memory_space<vmem>>
        %gather3A_193 = tpu.vector_load_idx %gather3A_192[%iota3A, %add3A_187] : memref<16x1024xf32, #tpu.memory_space<vmem>>[vector<16xi32>, vector<16xi32>], vector<16xf32>,
        %add3A_194 = arith.constant 9 : i32
        %add3A_195 = vector.broadcast %add3A_194 : i32 to vector<16xi32>
        %add3A_196 = arith.addi %broadcast_in_dim3A, %add3A_195 : vector<16xi32>
        %gather3A_197 = arith.constant 0 : i32
        %gather3A_198 = arith.constant 0 : i32
        %gather3A_199 = arith.constant 0 : i32
        %gather3A_200 = tpu.memref_slice %arg4[%gather3A_197, %gather3A_198, %gather3A_199] : memref<2x16x1024xf32, #tpu.memory_space<vmem>> -> memref<1x16x1024xf32, #tpu.memory_space<vmem>>
        %gather3A_201 = tpu.memref_squeeze %gather3A_200 : memref<1x16x1024xf32, #tpu.memory_space<vmem>> -> memref<16x1024xf32, #tpu.memory_space<vmem>>
        %gather3A_202 = tpu.vector_load_idx %gather3A_201[%iota3A, %add3A_196] : memref<16x1024xf32, #tpu.memory_space<vmem>>[vector<16xi32>, vector<16xi32>], vector<16xf32>,
        %add3A_203 = arith.constant 10 : i32
        %add3A_204 = vector.broadcast %add3A_203 : i32 to vector<16xi32>
        %add3A_205 = arith.addi %broadcast_in_dim3A, %add3A_204 : vector<16xi32>
        %gather3A_206 = arith.constant 0 : i32
        %gather3A_207 = arith.constant 0 : i32
        %gather3A_208 = arith.constant 0 : i32
        %gather3A_209 = tpu.memref_slice %arg4[%gather3A_206, %gather3A_207, %gather3A_208] : memref<2x16x1024xf32, #tpu.memory_space<vmem>> -> memref<1x16x1024xf32, #tpu.memory_space<vmem>>
        %gather3A_210 = tpu.memref_squeeze %gather3A_209 : memref<1x16x1024xf32, #tpu.memory_space<vmem>> -> memref<16x1024xf32, #tpu.memory_space<vmem>>
        %gather3A_211 = tpu.vector_load_idx %gather3A_210[%iota3A, %add3A_205] : memref<16x1024xf32, #tpu.memory_space<vmem>>[vector<16xi32>, vector<16xi32>], vector<16xf32>,
        %add3A_212 = arith.constant 11 : i32
        %add3A_213 = vector.broadcast %add3A_212 : i32 to vector<16xi32>
        %add3A_214 = arith.addi %broadcast_in_dim3A, %add3A_213 : vector<16xi32>
        %gather3A_215 = arith.constant 0 : i32
        %gather3A_216 = arith.constant 0 : i32
        %gather3A_217 = arith.constant 0 : i32
        %gather3A_218 = tpu.memref_slice %arg4[%gather3A_215, %gather3A_216, %gather3A_217] : memref<2x16x1024xf32, #tpu.memory_space<vmem>> -> memref<1x16x1024xf32, #tpu.memory_space<vmem>>
        %gather3A_219 = tpu.memref_squeeze %gather3A_218 : memref<1x16x1024xf32, #tpu.memory_space<vmem>> -> memref<16x1024xf32, #tpu.memory_space<vmem>>
        %gather3A_220 = tpu.vector_load_idx %gather3A_219[%iota3A, %add3A_214] : memref<16x1024xf32, #tpu.memory_space<vmem>>[vector<16xi32>, vector<16xi32>], vector<16xf32>,
        %add3A_221 = arith.constant 12 : i32
        %add3A_222 = vector.broadcast %add3A_221 : i32 to vector<16xi32>
        %add3A_223 = arith.addi %broadcast_in_dim3A, %add3A_222 : vector<16xi32>
        %gather3A_224 = arith.constant 0 : i32
        %gather3A_225 = arith.constant 0 : i32
        %gather3A_226 = arith.constant 0 : i32
        %gather3A_227 = tpu.memref_slice %arg4[%gather3A_224, %gather3A_225, %gather3A_226] : memref<2x16x1024xf32, #tpu.memory_space<vmem>> -> memref<1x16x1024xf32, #tpu.memory_space<vmem>>
        %gather3A_228 = tpu.memref_squeeze %gather3A_227 : memref<1x16x1024xf32, #tpu.memory_space<vmem>> -> memref<16x1024xf32, #tpu.memory_space<vmem>>
        %gather3A_229 = tpu.vector_load_idx %gather3A_228[%iota3A, %add3A_223] : memref<16x1024xf32, #tpu.memory_space<vmem>>[vector<16xi32>, vector<16xi32>], vector<16xf32>,
        %add3A_230 = arith.constant 13 : i32
        %add3A_231 = vector.broadcast %add3A_230 : i32 to vector<16xi32>
        %add3A_232 = arith.addi %broadcast_in_dim3A, %add3A_231 : vector<16xi32>
        %gather3A_233 = arith.constant 0 : i32
        %gather3A_234 = arith.constant 0 : i32
        %gather3A_235 = arith.constant 0 : i32
        %gather3A_236 = tpu.memref_slice %arg4[%gather3A_233, %gather3A_234, %gather3A_235] : memref<2x16x1024xf32, #tpu.memory_space<vmem>> -> memref<1x16x1024xf32, #tpu.memory_space<vmem>>
        %gather3A_237 = tpu.memref_squeeze %gather3A_236 : memref<1x16x1024xf32, #tpu.memory_space<vmem>> -> memref<16x1024xf32, #tpu.memory_space<vmem>>
        %gather3A_238 = tpu.vector_load_idx %gather3A_237[%iota3A, %add3A_232] : memref<16x1024xf32, #tpu.memory_space<vmem>>[vector<16xi32>, vector<16xi32>], vector<16xf32>,
        %add3A_239 = arith.constant 14 : i32
        %add3A_240 = vector.broadcast %add3A_239 : i32 to vector<16xi32>
        %add3A_241 = arith.addi %broadcast_in_dim3A, %add3A_240 : vector<16xi32>
        %gather3A_242 = arith.constant 0 : i32
        %gather3A_243 = arith.constant 0 : i32
        %gather3A_244 = arith.constant 0 : i32
        %gather3A_245 = tpu.memref_slice %arg4[%gather3A_242, %gather3A_243, %gather3A_244] : memref<2x16x1024xf32, #tpu.memory_space<vmem>> -> memref<1x16x1024xf32, #tpu.memory_space<vmem>>
        %gather3A_246 = tpu.memref_squeeze %gather3A_245 : memref<1x16x1024xf32, #tpu.memory_space<vmem>> -> memref<16x1024xf32, #tpu.memory_space<vmem>>
        %gather3A_247 = tpu.vector_load_idx %gather3A_246[%iota3A, %add3A_241] : memref<16x1024xf32, #tpu.memory_space<vmem>>[vector<16xi32>, vector<16xi32>], vector<16xf32>,
        %add3A_248 = arith.constant 15 : i32
        %add3A_249 = vector.broadcast %add3A_248 : i32 to vector<16xi32>
        %add3A_250 = arith.addi %broadcast_in_dim3A, %add3A_249 : vector<16xi32>
        %gather3A_251 = arith.constant 0 : i32
        %gather3A_252 = arith.constant 0 : i32
        %gather3A_253 = arith.constant 0 : i32
        %gather3A_254 = tpu.memref_slice %arg4[%gather3A_251, %gather3A_252, %gather3A_253] : memref<2x16x1024xf32, #tpu.memory_space<vmem>> -> memref<1x16x1024xf32, #tpu.memory_space<vmem>>
        %gather3A_255 = tpu.memref_squeeze %gather3A_254 : memref<1x16x1024xf32, #tpu.memory_space<vmem>> -> memref<16x1024xf32, #tpu.memory_space<vmem>>
        %gather3A_256 = tpu.vector_load_idx %gather3A_255[%iota3A, %add3A_250] : memref<16x1024xf32, #tpu.memory_space<vmem>>[vector<16xi32>, vector<16xi32>], vector<16xf32>,
        %add3A_257 = arith.constant 16 : i32
        %add3A_258 = vector.broadcast %add3A_257 : i32 to vector<16xi32>
        %add3A_259 = arith.addi %broadcast_in_dim3A, %add3A_258 : vector<16xi32>
        %gather3A_260 = arith.constant 0 : i32
        %gather3A_261 = arith.constant 0 : i32
        %gather3A_262 = arith.constant 0 : i32
        %gather3A_263 = tpu.memref_slice %arg4[%gather3A_260, %gather3A_261, %gather3A_262] : memref<2x16x1024xf32, #tpu.memory_space<vmem>> -> memref<1x16x1024xf32, #tpu.memory_space<vmem>>
        %gather3A_264 = tpu.memref_squeeze %gather3A_263 : memref<1x16x1024xf32, #tpu.memory_space<vmem>> -> memref<16x1024xf32, #tpu.memory_space<vmem>>
        %gather3A_265 = tpu.vector_load_idx %gather3A_264[%iota3A, %add3A_259] : memref<16x1024xf32, #tpu.memory_space<vmem>>[vector<16xi32>, vector<16xi32>], vector<16xf32>,
        %add3A_266 = arith.constant 17 : i32
        %add3A_267 = vector.broadcast %add3A_266 : i32 to vector<16xi32>
        %add3A_268 = arith.addi %broadcast_in_dim3A, %add3A_267 : vector<16xi32>
        %gather3A_269 = arith.constant 0 : i32
        %gather3A_270 = arith.constant 0 : i32
        %gather3A_271 = arith.constant 0 : i32
        %gather3A_272 = tpu.memref_slice %arg4[%gather3A_269, %gather3A_270, %gather3A_271] : memref<2x16x1024xf32, #tpu.memory_space<vmem>> -> memref<1x16x1024xf32, #tpu.memory_space<vmem>>
        %gather3A_273 = tpu.memref_squeeze %gather3A_272 : memref<1x16x1024xf32, #tpu.memory_space<vmem>> -> memref<16x1024xf32, #tpu.memory_space<vmem>>
        %gather3A_274 = tpu.vector_load_idx %gather3A_273[%iota3A, %add3A_268] : memref<16x1024xf32, #tpu.memory_space<vmem>>[vector<16xi32>, vector<16xi32>], vector<16xf32>,
        %add3A_275 = arith.constant 18 : i32
        %add3A_276 = vector.broadcast %add3A_275 : i32 to vector<16xi32>
        %add3A_277 = arith.addi %broadcast_in_dim3A, %add3A_276 : vector<16xi32>
        %gather3A_278 = arith.constant 0 : i32
        %gather3A_279 = arith.constant 0 : i32
        %gather3A_280 = arith.constant 0 : i32
        %gather3A_281 = tpu.memref_slice %arg4[%gather3A_278, %gather3A_279, %gather3A_280] : memref<2x16x1024xf32, #tpu.memory_space<vmem>> -> memref<1x16x1024xf32, #tpu.memory_space<vmem>>
        %gather3A_282 = tpu.memref_squeeze %gather3A_281 : memref<1x16x1024xf32, #tpu.memory_space<vmem>> -> memref<16x1024xf32, #tpu.memory_space<vmem>>
        %gather3A_283 = tpu.vector_load_idx %gather3A_282[%iota3A, %add3A_277] : memref<16x1024xf32, #tpu.memory_space<vmem>>[vector<16xi32>, vector<16xi32>], vector<16xf32>,
        %add3A_284 = arith.constant 19 : i32
        %add3A_285 = vector.broadcast %add3A_284 : i32 to vector<16xi32>
        %add3A_286 = arith.addi %broadcast_in_dim3A, %add3A_285 : vector<16xi32>
        %gather3A_287 = arith.constant 0 : i32
        %gather3A_288 = arith.constant 0 : i32
        %gather3A_289 = arith.constant 0 : i32
        %gather3A_290 = tpu.memref_slice %arg4[%gather3A_287, %gather3A_288, %gather3A_289] : memref<2x16x1024xf32, #tpu.memory_space<vmem>> -> memref<1x16x1024xf32, #tpu.memory_space<vmem>>
        %gather3A_291 = tpu.memref_squeeze %gather3A_290 : memref<1x16x1024xf32, #tpu.memory_space<vmem>> -> memref<16x1024xf32, #tpu.memory_space<vmem>>
        %gather3A_292 = tpu.vector_load_idx %gather3A_291[%iota3A, %add3A_286] : memref<16x1024xf32, #tpu.memory_space<vmem>>[vector<16xi32>, vector<16xi32>], vector<16xf32>,
        %add3A_293 = arith.constant 20 : i32
        %add3A_294 = vector.broadcast %add3A_293 : i32 to vector<16xi32>
        %add3A_295 = arith.addi %broadcast_in_dim3A, %add3A_294 : vector<16xi32>
        %gather3A_296 = arith.constant 0 : i32
        %gather3A_297 = arith.constant 0 : i32
        %gather3A_298 = arith.constant 0 : i32
        %gather3A_299 = tpu.memref_slice %arg4[%gather3A_296, %gather3A_297, %gather3A_298] : memref<2x16x1024xf32, #tpu.memory_space<vmem>> -> memref<1x16x1024xf32, #tpu.memory_space<vmem>>
        %gather3A_300 = tpu.memref_squeeze %gather3A_299 : memref<1x16x1024xf32, #tpu.memory_space<vmem>> -> memref<16x1024xf32, #tpu.memory_space<vmem>>
        %gather3A_301 = tpu.vector_load_idx %gather3A_300[%iota3A, %add3A_295] : memref<16x1024xf32, #tpu.memory_space<vmem>>[vector<16xi32>, vector<16xi32>], vector<16xf32>,
        %add3A_302 = arith.constant 21 : i32
        %add3A_303 = vector.broadcast %add3A_302 : i32 to vector<16xi32>
        %add3A_304 = arith.addi %broadcast_in_dim3A, %add3A_303 : vector<16xi32>
        %gather3A_305 = arith.constant 0 : i32
        %gather3A_306 = arith.constant 0 : i32
        %gather3A_307 = arith.constant 0 : i32
        %gather3A_308 = tpu.memref_slice %arg4[%gather3A_305, %gather3A_306, %gather3A_307] : memref<2x16x1024xf32, #tpu.memory_space<vmem>> -> memref<1x16x1024xf32, #tpu.memory_space<vmem>>
        %gather3A_309 = tpu.memref_squeeze %gather3A_308 : memref<1x16x1024xf32, #tpu.memory_space<vmem>> -> memref<16x1024xf32, #tpu.memory_space<vmem>>
        %gather3A_310 = tpu.vector_load_idx %gather3A_309[%iota3A, %add3A_304] : memref<16x1024xf32, #tpu.memory_space<vmem>>[vector<16xi32>, vector<16xi32>], vector<16xf32>,
        %add3A_311 = arith.constant 22 : i32
        %add3A_312 = vector.broadcast %add3A_311 : i32 to vector<16xi32>
        %add3A_313 = arith.addi %broadcast_in_dim3A, %add3A_312 : vector<16xi32>
        %gather3A_314 = arith.constant 0 : i32
        %gather3A_315 = arith.constant 0 : i32
        %gather3A_316 = arith.constant 0 : i32
        %gather3A_317 = tpu.memref_slice %arg4[%gather3A_314, %gather3A_315, %gather3A_316] : memref<2x16x1024xf32, #tpu.memory_space<vmem>> -> memref<1x16x1024xf32, #tpu.memory_space<vmem>>
        %gather3A_318 = tpu.memref_squeeze %gather3A_317 : memref<1x16x1024xf32, #tpu.memory_space<vmem>> -> memref<16x1024xf32, #tpu.memory_space<vmem>>
        %gather3A_319 = tpu.vector_load_idx %gather3A_318[%iota3A, %add3A_313] : memref<16x1024xf32, #tpu.memory_space<vmem>>[vector<16xi32>, vector<16xi32>], vector<16xf32>,
        %add3A_320 = arith.constant 23 : i32
        %add3A_321 = vector.broadcast %add3A_320 : i32 to vector<16xi32>
        %add3A_322 = arith.addi %broadcast_in_dim3A, %add3A_321 : vector<16xi32>
        %gather3A_323 = arith.constant 0 : i32
        %gather3A_324 = arith.constant 0 : i32
        %gather3A_325 = arith.constant 0 : i32
        %gather3A_326 = tpu.memref_slice %arg4[%gather3A_323, %gather3A_324, %gather3A_325] : memref<2x16x1024xf32, #tpu.memory_space<vmem>> -> memref<1x16x1024xf32, #tpu.memory_space<vmem>>
        %gather3A_327 = tpu.memref_squeeze %gather3A_326 : memref<1x16x1024xf32, #tpu.memory_space<vmem>> -> memref<16x1024xf32, #tpu.memory_space<vmem>>
        %gather3A_328 = tpu.vector_load_idx %gather3A_327[%iota3A, %add3A_322] : memref<16x1024xf32, #tpu.memory_space<vmem>>[vector<16xi32>, vector<16xi32>], vector<16xf32>,
        %add3A_329 = arith.constant 24 : i32
        %add3A_330 = vector.broadcast %add3A_329 : i32 to vector<16xi32>
        %add3A_331 = arith.addi %broadcast_in_dim3A, %add3A_330 : vector<16xi32>
        %gather3A_332 = arith.constant 0 : i32
        %gather3A_333 = arith.constant 0 : i32
        %gather3A_334 = arith.constant 0 : i32
        %gather3A_335 = tpu.memref_slice %arg4[%gather3A_332, %gather3A_333, %gather3A_334] : memref<2x16x1024xf32, #tpu.memory_space<vmem>> -> memref<1x16x1024xf32, #tpu.memory_space<vmem>>
        %gather3A_336 = tpu.memref_squeeze %gather3A_335 : memref<1x16x1024xf32, #tpu.memory_space<vmem>> -> memref<16x1024xf32, #tpu.memory_space<vmem>>
        %gather3A_337 = tpu.vector_load_idx %gather3A_336[%iota3A, %add3A_331] : memref<16x1024xf32, #tpu.memory_space<vmem>>[vector<16xi32>, vector<16xi32>], vector<16xf32>,
        %add3A_338 = arith.constant 25 : i32
        %add3A_339 = vector.broadcast %add3A_338 : i32 to vector<16xi32>
        %add3A_340 = arith.addi %broadcast_in_dim3A, %add3A_339 : vector<16xi32>
        %gather3A_341 = arith.constant 0 : i32
        %gather3A_342 = arith.constant 0 : i32
        %gather3A_343 = arith.constant 0 : i32
        %gather3A_344 = tpu.memref_slice %arg4[%gather3A_341, %gather3A_342, %gather3A_343] : memref<2x16x1024xf32, #tpu.memory_space<vmem>> -> memref<1x16x1024xf32, #tpu.memory_space<vmem>>
        %gather3A_345 = tpu.memref_squeeze %gather3A_344 : memref<1x16x1024xf32, #tpu.memory_space<vmem>> -> memref<16x1024xf32, #tpu.memory_space<vmem>>
        %gather3A_346 = tpu.vector_load_idx %gather3A_345[%iota3A, %add3A_340] : memref<16x1024xf32, #tpu.memory_space<vmem>>[vector<16xi32>, vector<16xi32>], vector<16xf32>,
        %add3A_347 = arith.constant 26 : i32
        %add3A_348 = vector.broadcast %add3A_347 : i32 to vector<16xi32>
        %add3A_349 = arith.addi %broadcast_in_dim3A, %add3A_348 : vector<16xi32>
        %gather3A_350 = arith.constant 0 : i32
        %gather3A_351 = arith.constant 0 : i32
        %gather3A_352 = arith.constant 0 : i32
        %gather3A_353 = tpu.memref_slice %arg4[%gather3A_350, %gather3A_351, %gather3A_352] : memref<2x16x1024xf32, #tpu.memory_space<vmem>> -> memref<1x16x1024xf32, #tpu.memory_space<vmem>>
        %gather3A_354 = tpu.memref_squeeze %gather3A_353 : memref<1x16x1024xf32, #tpu.memory_space<vmem>> -> memref<16x1024xf32, #tpu.memory_space<vmem>>
        %gather3A_355 = tpu.vector_load_idx %gather3A_354[%iota3A, %add3A_349] : memref<16x1024xf32, #tpu.memory_space<vmem>>[vector<16xi32>, vector<16xi32>], vector<16xf32>,
        %add3A_356 = arith.constant 27 : i32
        %add3A_357 = vector.broadcast %add3A_356 : i32 to vector<16xi32>
        %add3A_358 = arith.addi %broadcast_in_dim3A, %add3A_357 : vector<16xi32>
        %gather3A_359 = arith.constant 0 : i32
        %gather3A_360 = arith.constant 0 : i32
        %gather3A_361 = arith.constant 0 : i32
        %gather3A_362 = tpu.memref_slice %arg4[%gather3A_359, %gather3A_360, %gather3A_361] : memref<2x16x1024xf32, #tpu.memory_space<vmem>> -> memref<1x16x1024xf32, #tpu.memory_space<vmem>>
        %gather3A_363 = tpu.memref_squeeze %gather3A_362 : memref<1x16x1024xf32, #tpu.memory_space<vmem>> -> memref<16x1024xf32, #tpu.memory_space<vmem>>
        %gather3A_364 = tpu.vector_load_idx %gather3A_363[%iota3A, %add3A_358] : memref<16x1024xf32, #tpu.memory_space<vmem>>[vector<16xi32>, vector<16xi32>], vector<16xf32>,
        %add3A_365 = arith.constant 28 : i32
        %add3A_366 = vector.broadcast %add3A_365 : i32 to vector<16xi32>
        %add3A_367 = arith.addi %broadcast_in_dim3A, %add3A_366 : vector<16xi32>
        %gather3A_368 = arith.constant 0 : i32
        %gather3A_369 = arith.constant 0 : i32
        %gather3A_370 = arith.constant 0 : i32
        %gather3A_371 = tpu.memref_slice %arg4[%gather3A_368, %gather3A_369, %gather3A_370] : memref<2x16x1024xf32, #tpu.memory_space<vmem>> -> memref<1x16x1024xf32, #tpu.memory_space<vmem>>
        %gather3A_372 = tpu.memref_squeeze %gather3A_371 : memref<1x16x1024xf32, #tpu.memory_space<vmem>> -> memref<16x1024xf32, #tpu.memory_space<vmem>>
        %gather3A_373 = tpu.vector_load_idx %gather3A_372[%iota3A, %add3A_367] : memref<16x1024xf32, #tpu.memory_space<vmem>>[vector<16xi32>, vector<16xi32>], vector<16xf32>,
        %add3A_374 = arith.constant 29 : i32
        %add3A_375 = vector.broadcast %add3A_374 : i32 to vector<16xi32>
        %add3A_376 = arith.addi %broadcast_in_dim3A, %add3A_375 : vector<16xi32>
        %gather3A_377 = arith.constant 0 : i32
        %gather3A_378 = arith.constant 0 : i32
        %gather3A_379 = arith.constant 0 : i32
        %gather3A_380 = tpu.memref_slice %arg4[%gather3A_377, %gather3A_378, %gather3A_379] : memref<2x16x1024xf32, #tpu.memory_space<vmem>> -> memref<1x16x1024xf32, #tpu.memory_space<vmem>>
        %gather3A_381 = tpu.memref_squeeze %gather3A_380 : memref<1x16x1024xf32, #tpu.memory_space<vmem>> -> memref<16x1024xf32, #tpu.memory_space<vmem>>
        %gather3A_382 = tpu.vector_load_idx %gather3A_381[%iota3A, %add3A_376] : memref<16x1024xf32, #tpu.memory_space<vmem>>[vector<16xi32>, vector<16xi32>], vector<16xf32>,
        %add3A_383 = arith.constant 30 : i32
        %add3A_384 = vector.broadcast %add3A_383 : i32 to vector<16xi32>
        %add3A_385 = arith.addi %broadcast_in_dim3A, %add3A_384 : vector<16xi32>
        %gather3A_386 = arith.constant 0 : i32
        %gather3A_387 = arith.constant 0 : i32
        %gather3A_388 = arith.constant 0 : i32
        %gather3A_389 = tpu.memref_slice %arg4[%gather3A_386, %gather3A_387, %gather3A_388] : memref<2x16x1024xf32, #tpu.memory_space<vmem>> -> memref<1x16x1024xf32, #tpu.memory_space<vmem>>
        %gather3A_390 = tpu.memref_squeeze %gather3A_389 : memref<1x16x1024xf32, #tpu.memory_space<vmem>> -> memref<16x1024xf32, #tpu.memory_space<vmem>>
        %gather3A_391 = tpu.vector_load_idx %gather3A_390[%iota3A, %add3A_385] : memref<16x1024xf32, #tpu.memory_space<vmem>>[vector<16xi32>, vector<16xi32>], vector<16xf32>,
        %add3A_392 = arith.constant 31 : i32
        %add3A_393 = vector.broadcast %add3A_392 : i32 to vector<16xi32>
        %add3A_394 = arith.addi %broadcast_in_dim3A, %add3A_393 : vector<16xi32>
        %gather3A_395 = arith.constant 0 : i32
        %gather3A_396 = arith.constant 0 : i32
        %gather3A_397 = arith.constant 0 : i32
        %gather3A_398 = tpu.memref_slice %arg4[%gather3A_395, %gather3A_396, %gather3A_397] : memref<2x16x1024xf32, #tpu.memory_space<vmem>> -> memref<1x16x1024xf32, #tpu.memory_space<vmem>>
        %gather3A_399 = tpu.memref_squeeze %gather3A_398 : memref<1x16x1024xf32, #tpu.memory_space<vmem>> -> memref<16x1024xf32, #tpu.memory_space<vmem>>
        %gather3A_400 = tpu.vector_load_idx %gather3A_399[%iota3A, %add3A_394] : memref<16x1024xf32, #tpu.memory_space<vmem>>[vector<16xi32>, vector<16xi32>], vector<16xf32>,
        %mul3A_401 = arith.constant 4 : i32
        %mul3A_402 = arith.muli %scan3A_110, %mul3A_401 : i32
        %add3A_403 = arith.constant 0 : i32
        %add3A_404 = arith.addi %mul3A_402, %add3A_403 : i32
        %swap3A = arith.constant 0 : i32
        %swap3A_405 = arith.index_cast %swap3A : i32 to index
        %swap3A_406 = arith.index_cast %add3A_404 : i32 to index
        %swap3A_407 = arith.constant 0 : index
        %swap3A_408 = tpu.vector_load %arg5[%swap3A_405, %swap3A_406, %swap3A_407] {strides = array<i32>} : memref<2x128x128xf32, #tpu.memory_space<vmem>>, vector<16xf32>,
        tpu.vector_store %arg5[%swap3A_405, %swap3A_406, %swap3A_407], %gather3A_121 {strides = array<i32>} : memref<2x128x128xf32, #tpu.memory_space<vmem>>, vector<16xf32>,
        %mul3A_409 = arith.constant 4 : i32
        %mul3A_410 = arith.muli %scan3A_110, %mul3A_409 : i32
        %add3A_411 = arith.constant 0 : i32
        %add3A_412 = arith.addi %mul3A_410, %add3A_411 : i32
        %swap3A_413 = arith.constant 0 : i32
        %swap3A_414 = arith.index_cast %swap3A_413 : i32 to index
        %swap3A_415 = arith.index_cast %add3A_412 : i32 to index
        %swap3A_416 = arith.constant 16 : index
        %swap3A_417 = tpu.vector_load %arg5[%swap3A_414, %swap3A_415, %swap3A_416] {strides = array<i32>} : memref<2x128x128xf32, #tpu.memory_space<vmem>>, vector<16xf32>,
        tpu.vector_store %arg5[%swap3A_414, %swap3A_415, %swap3A_416], %gather3A_130 {strides = array<i32>} : memref<2x128x128xf32, #tpu.memory_space<vmem>>, vector<16xf32>,
        %mul3A_418 = arith.constant 4 : i32
        %mul3A_419 = arith.muli %scan3A_110, %mul3A_418 : i32
        %add3A_420 = arith.constant 0 : i32
        %add3A_421 = arith.addi %mul3A_419, %add3A_420 : i32
        %swap3A_422 = arith.constant 0 : i32
        %swap3A_423 = arith.index_cast %swap3A_422 : i32 to index
        %swap3A_424 = arith.index_cast %add3A_421 : i32 to index
        %swap3A_425 = arith.constant 32 : index
        %swap3A_426 = tpu.vector_load %arg5[%swap3A_423, %swap3A_424, %swap3A_425] {strides = array<i32>} : memref<2x128x128xf32, #tpu.memory_space<vmem>>, vector<16xf32>,
        tpu.vector_store %arg5[%swap3A_423, %swap3A_424, %swap3A_425], %gather3A_139 {strides = array<i32>} : memref<2x128x128xf32, #tpu.memory_space<vmem>>, vector<16xf32>,
        %mul3A_427 = arith.constant 4 : i32
        %mul3A_428 = arith.muli %scan3A_110, %mul3A_427 : i32
        %add3A_429 = arith.constant 0 : i32
        %add3A_430 = arith.addi %mul3A_428, %add3A_429 : i32
        %swap3A_431 = arith.constant 0 : i32
        %swap3A_432 = arith.index_cast %swap3A_431 : i32 to index
        %swap3A_433 = arith.index_cast %add3A_430 : i32 to index
        %swap3A_434 = arith.constant 48 : index
        %swap3A_435 = tpu.vector_load %arg5[%swap3A_432, %swap3A_433, %swap3A_434] {strides = array<i32>} : memref<2x128x128xf32, #tpu.memory_space<vmem>>, vector<16xf32>,
        tpu.vector_store %arg5[%swap3A_432, %swap3A_433, %swap3A_434], %gather3A_148 {strides = array<i32>} : memref<2x128x128xf32, #tpu.memory_space<vmem>>, vector<16xf32>,
        %mul3A_436 = arith.constant 4 : i32
        %mul3A_437 = arith.muli %scan3A_110, %mul3A_436 : i32
        %add3A_438 = arith.constant 0 : i32
        %add3A_439 = arith.addi %mul3A_437, %add3A_438 : i32
        %swap3A_440 = arith.constant 0 : i32
        %swap3A_441 = arith.index_cast %swap3A_440 : i32 to index
        %swap3A_442 = arith.index_cast %add3A_439 : i32 to index
        %swap3A_443 = arith.constant 64 : index
        %swap3A_444 = tpu.vector_load %arg5[%swap3A_441, %swap3A_442, %swap3A_443] {strides = array<i32>} : memref<2x128x128xf32, #tpu.memory_space<vmem>>, vector<16xf32>,
        tpu.vector_store %arg5[%swap3A_441, %swap3A_442, %swap3A_443], %gather3A_157 {strides = array<i32>} : memref<2x128x128xf32, #tpu.memory_space<vmem>>, vector<16xf32>,
        %mul3A_445 = arith.constant 4 : i32
        %mul3A_446 = arith.muli %scan3A_110, %mul3A_445 : i32
        %add3A_447 = arith.constant 0 : i32
        %add3A_448 = arith.addi %mul3A_446, %add3A_447 : i32
        %swap3A_449 = arith.constant 0 : i32
        %swap3A_450 = arith.index_cast %swap3A_449 : i32 to index
        %swap3A_451 = arith.index_cast %add3A_448 : i32 to index
        %swap3A_452 = arith.constant 80 : index
        %swap3A_453 = tpu.vector_load %arg5[%swap3A_450, %swap3A_451, %swap3A_452] {strides = array<i32>} : memref<2x128x128xf32, #tpu.memory_space<vmem>>, vector<16xf32>,
        tpu.vector_store %arg5[%swap3A_450, %swap3A_451, %swap3A_452], %gather3A_166 {strides = array<i32>} : memref<2x128x128xf32, #tpu.memory_space<vmem>>, vector<16xf32>,
        %mul3A_454 = arith.constant 4 : i32
        %mul3A_455 = arith.muli %scan3A_110, %mul3A_454 : i32
        %add3A_456 = arith.constant 0 : i32
        %add3A_457 = arith.addi %mul3A_455, %add3A_456 : i32
        %swap3A_458 = arith.constant 0 : i32
        %swap3A_459 = arith.index_cast %swap3A_458 : i32 to index
        %swap3A_460 = arith.index_cast %add3A_457 : i32 to index
        %swap3A_461 = arith.constant 96 : index
        %swap3A_462 = tpu.vector_load %arg5[%swap3A_459, %swap3A_460, %swap3A_461] {strides = array<i32>} : memref<2x128x128xf32, #tpu.memory_space<vmem>>, vector<16xf32>,
        tpu.vector_store %arg5[%swap3A_459, %swap3A_460, %swap3A_461], %gather3A_175 {strides = array<i32>} : memref<2x128x128xf32, #tpu.memory_space<vmem>>, vector<16xf32>,
        %mul3A_463 = arith.constant 4 : i32
        %mul3A_464 = arith.muli %scan3A_110, %mul3A_463 : i32
        %add3A_465 = arith.constant 0 : i32
        %add3A_466 = arith.addi %mul3A_464, %add3A_465 : i32
        %swap3A_467 = arith.constant 0 : i32
        %swap3A_468 = arith.index_cast %swap3A_467 : i32 to index
        %swap3A_469 = arith.index_cast %add3A_466 : i32 to index
        %swap3A_470 = arith.constant 112 : index
        %swap3A_471 = tpu.vector_load %arg5[%swap3A_468, %swap3A_469, %swap3A_470] {strides = array<i32>} : memref<2x128x128xf32, #tpu.memory_space<vmem>>, vector<16xf32>,
        tpu.vector_store %arg5[%swap3A_468, %swap3A_469, %swap3A_470], %gather3A_184 {strides = array<i32>} : memref<2x128x128xf32, #tpu.memory_space<vmem>>, vector<16xf32>,
        %mul3A_472 = arith.constant 4 : i32
        %mul3A_473 = arith.muli %scan3A_110, %mul3A_472 : i32
        %add3A_474 = arith.constant 1 : i32
        %add3A_475 = arith.addi %mul3A_473, %add3A_474 : i32
        %swap3A_476 = arith.constant 0 : i32
        %swap3A_477 = arith.index_cast %swap3A_476 : i32 to index
        %swap3A_478 = arith.index_cast %add3A_475 : i32 to index
        %swap3A_479 = arith.constant 0 : index
        %swap3A_480 = tpu.vector_load %arg5[%swap3A_477, %swap3A_478, %swap3A_479] {strides = array<i32>} : memref<2x128x128xf32, #tpu.memory_space<vmem>>, vector<16xf32>,
        tpu.vector_store %arg5[%swap3A_477, %swap3A_478, %swap3A_479], %gather3A_193 {strides = array<i32>} : memref<2x128x128xf32, #tpu.memory_space<vmem>>, vector<16xf32>,
        %mul3A_481 = arith.constant 4 : i32
        %mul3A_482 = arith.muli %scan3A_110, %mul3A_481 : i32
        %add3A_483 = arith.constant 1 : i32
        %add3A_484 = arith.addi %mul3A_482, %add3A_483 : i32
        %swap3A_485 = arith.constant 0 : i32
        %swap3A_486 = arith.index_cast %swap3A_485 : i32 to index
        %swap3A_487 = arith.index_cast %add3A_484 : i32 to index
        %swap3A_488 = arith.constant 16 : index
        %swap3A_489 = tpu.vector_load %arg5[%swap3A_486, %swap3A_487, %swap3A_488] {strides = array<i32>} : memref<2x128x128xf32, #tpu.memory_space<vmem>>, vector<16xf32>,
        tpu.vector_store %arg5[%swap3A_486, %swap3A_487, %swap3A_488], %gather3A_202 {strides = array<i32>} : memref<2x128x128xf32, #tpu.memory_space<vmem>>, vector<16xf32>,
        %mul3A_490 = arith.constant 4 : i32
        %mul3A_491 = arith.muli %scan3A_110, %mul3A_490 : i32
        %add3A_492 = arith.constant 1 : i32
        %add3A_493 = arith.addi %mul3A_491, %add3A_492 : i32
        %swap3A_494 = arith.constant 0 : i32
        %swap3A_495 = arith.index_cast %swap3A_494 : i32 to index
        %swap3A_496 = arith.index_cast %add3A_493 : i32 to index
        %swap3A_497 = arith.constant 32 : index
        %swap3A_498 = tpu.vector_load %arg5[%swap3A_495, %swap3A_496, %swap3A_497] {strides = array<i32>} : memref<2x128x128xf32, #tpu.memory_space<vmem>>, vector<16xf32>,
        tpu.vector_store %arg5[%swap3A_495, %swap3A_496, %swap3A_497], %gather3A_211 {strides = array<i32>} : memref<2x128x128xf32, #tpu.memory_space<vmem>>, vector<16xf32>,
        %mul3A_499 = arith.constant 4 : i32
        %mul3A_500 = arith.muli %scan3A_110, %mul3A_499 : i32
        %add3A_501 = arith.constant 1 : i32
        %add3A_502 = arith.addi %mul3A_500, %add3A_501 : i32
        %swap3A_503 = arith.constant 0 : i32
        %swap3A_504 = arith.index_cast %swap3A_503 : i32 to index
        %swap3A_505 = arith.index_cast %add3A_502 : i32 to index
        %swap3A_506 = arith.constant 48 : index
        %swap3A_507 = tpu.vector_load %arg5[%swap3A_504, %swap3A_505, %swap3A_506] {strides = array<i32>} : memref<2x128x128xf32, #tpu.memory_space<vmem>>, vector<16xf32>,
        tpu.vector_store %arg5[%swap3A_504, %swap3A_505, %swap3A_506], %gather3A_220 {strides = array<i32>} : memref<2x128x128xf32, #tpu.memory_space<vmem>>, vector<16xf32>,
        %mul3A_508 = arith.constant 4 : i32
        %mul3A_509 = arith.muli %scan3A_110, %mul3A_508 : i32
        %add3A_510 = arith.constant 1 : i32
        %add3A_511 = arith.addi %mul3A_509, %add3A_510 : i32
        %swap3A_512 = arith.constant 0 : i32
        %swap3A_513 = arith.index_cast %swap3A_512 : i32 to index
        %swap3A_514 = arith.index_cast %add3A_511 : i32 to index
        %swap3A_515 = arith.constant 64 : index
        %swap3A_516 = tpu.vector_load %arg5[%swap3A_513, %swap3A_514, %swap3A_515] {strides = array<i32>} : memref<2x128x128xf32, #tpu.memory_space<vmem>>, vector<16xf32>,
        tpu.vector_store %arg5[%swap3A_513, %swap3A_514, %swap3A_515], %gather3A_229 {strides = array<i32>} : memref<2x128x128xf32, #tpu.memory_space<vmem>>, vector<16xf32>,
        %mul3A_517 = arith.constant 4 : i32
        %mul3A_518 = arith.muli %scan3A_110, %mul3A_517 : i32
        %add3A_519 = arith.constant 1 : i32
        %add3A_520 = arith.addi %mul3A_518, %add3A_519 : i32
        %swap3A_521 = arith.constant 0 : i32
        %swap3A_522 = arith.index_cast %swap3A_521 : i32 to index
        %swap3A_523 = arith.index_cast %add3A_520 : i32 to index
        %swap3A_524 = arith.constant 80 : index
        %swap3A_525 = tpu.vector_load %arg5[%swap3A_522, %swap3A_523, %swap3A_524] {strides = array<i32>} : memref<2x128x128xf32, #tpu.memory_space<vmem>>, vector<16xf32>,
        tpu.vector_store %arg5[%swap3A_522, %swap3A_523, %swap3A_524], %gather3A_238 {strides = array<i32>} : memref<2x128x128xf32, #tpu.memory_space<vmem>>, vector<16xf32>,
        %mul3A_526 = arith.constant 4 : i32
        %mul3A_527 = arith.muli %scan3A_110, %mul3A_526 : i32
        %add3A_528 = arith.constant 1 : i32
        %add3A_529 = arith.addi %mul3A_527, %add3A_528 : i32
        %swap3A_530 = arith.constant 0 : i32
        %swap3A_531 = arith.index_cast %swap3A_530 : i32 to index
        %swap3A_532 = arith.index_cast %add3A_529 : i32 to index
        %swap3A_533 = arith.constant 96 : index
        %swap3A_534 = tpu.vector_load %arg5[%swap3A_531, %swap3A_532, %swap3A_533] {strides = array<i32>} : memref<2x128x128xf32, #tpu.memory_space<vmem>>, vector<16xf32>,
        tpu.vector_store %arg5[%swap3A_531, %swap3A_532, %swap3A_533], %gather3A_247 {strides = array<i32>} : memref<2x128x128xf32, #tpu.memory_space<vmem>>, vector<16xf32>,
        %mul3A_535 = arith.constant 4 : i32
        %mul3A_536 = arith.muli %scan3A_110, %mul3A_535 : i32
        %add3A_537 = arith.constant 1 : i32
        %add3A_538 = arith.addi %mul3A_536, %add3A_537 : i32
        %swap3A_539 = arith.constant 0 : i32
        %swap3A_540 = arith.index_cast %swap3A_539 : i32 to index
        %swap3A_541 = arith.index_cast %add3A_538 : i32 to index
        %swap3A_542 = arith.constant 112 : index
        %swap3A_543 = tpu.vector_load %arg5[%swap3A_540, %swap3A_541, %swap3A_542] {strides = array<i32>} : memref<2x128x128xf32, #tpu.memory_space<vmem>>, vector<16xf32>,
        tpu.vector_store %arg5[%swap3A_540, %swap3A_541, %swap3A_542], %gather3A_256 {strides = array<i32>} : memref<2x128x128xf32, #tpu.memory_space<vmem>>, vector<16xf32>,
        %mul3A_544 = arith.constant 4 : i32
        %mul3A_545 = arith.muli %scan3A_110, %mul3A_544 : i32
        %add3A_546 = arith.constant 2 : i32
        %add3A_547 = arith.addi %mul3A_545, %add3A_546 : i32
        %swap3A_548 = arith.constant 0 : i32
        %swap3A_549 = arith.index_cast %swap3A_548 : i32 to index
        %swap3A_550 = arith.index_cast %add3A_547 : i32 to index
        %swap3A_551 = arith.constant 0 : index
        %swap3A_552 = tpu.vector_load %arg5[%swap3A_549, %swap3A_550, %swap3A_551] {strides = array<i32>} : memref<2x128x128xf32, #tpu.memory_space<vmem>>, vector<16xf32>,
        tpu.vector_store %arg5[%swap3A_549, %swap3A_550, %swap3A_551], %gather3A_265 {strides = array<i32>} : memref<2x128x128xf32, #tpu.memory_space<vmem>>, vector<16xf32>,
        %mul3A_553 = arith.constant 4 : i32
        %mul3A_554 = arith.muli %scan3A_110, %mul3A_553 : i32
        %add3A_555 = arith.constant 2 : i32
        %add3A_556 = arith.addi %mul3A_554, %add3A_555 : i32
        %swap3A_557 = arith.constant 0 : i32
        %swap3A_558 = arith.index_cast %swap3A_557 : i32 to index
        %swap3A_559 = arith.index_cast %add3A_556 : i32 to index
        %swap3A_560 = arith.constant 16 : index
        %swap3A_561 = tpu.vector_load %arg5[%swap3A_558, %swap3A_559, %swap3A_560] {strides = array<i32>} : memref<2x128x128xf32, #tpu.memory_space<vmem>>, vector<16xf32>,
        tpu.vector_store %arg5[%swap3A_558, %swap3A_559, %swap3A_560], %gather3A_274 {strides = array<i32>} : memref<2x128x128xf32, #tpu.memory_space<vmem>>, vector<16xf32>,
        %mul3A_562 = arith.constant 4 : i32
        %mul3A_563 = arith.muli %scan3A_110, %mul3A_562 : i32
        %add3A_564 = arith.constant 2 : i32
        %add3A_565 = arith.addi %mul3A_563, %add3A_564 : i32
        %swap3A_566 = arith.constant 0 : i32
        %swap3A_567 = arith.index_cast %swap3A_566 : i32 to index
        %swap3A_568 = arith.index_cast %add3A_565 : i32 to index
        %swap3A_569 = arith.constant 32 : index
        %swap3A_570 = tpu.vector_load %arg5[%swap3A_567, %swap3A_568, %swap3A_569] {strides = array<i32>} : memref<2x128x128xf32, #tpu.memory_space<vmem>>, vector<16xf32>,
        tpu.vector_store %arg5[%swap3A_567, %swap3A_568, %swap3A_569], %gather3A_283 {strides = array<i32>} : memref<2x128x128xf32, #tpu.memory_space<vmem>>, vector<16xf32>,
        %mul3A_571 = arith.constant 4 : i32
        %mul3A_572 = arith.muli %scan3A_110, %mul3A_571 : i32
        %add3A_573 = arith.constant 2 : i32
        %add3A_574 = arith.addi %mul3A_572, %add3A_573 : i32
        %swap3A_575 = arith.constant 0 : i32
        %swap3A_576 = arith.index_cast %swap3A_575 : i32 to index
        %swap3A_577 = arith.index_cast %add3A_574 : i32 to index
        %swap3A_578 = arith.constant 48 : index
        %swap3A_579 = tpu.vector_load %arg5[%swap3A_576, %swap3A_577, %swap3A_578] {strides = array<i32>} : memref<2x128x128xf32, #tpu.memory_space<vmem>>, vector<16xf32>,
        tpu.vector_store %arg5[%swap3A_576, %swap3A_577, %swap3A_578], %gather3A_292 {strides = array<i32>} : memref<2x128x128xf32, #tpu.memory_space<vmem>>, vector<16xf32>,
        %mul3A_580 = arith.constant 4 : i32
        %mul3A_581 = arith.muli %scan3A_110, %mul3A_580 : i32
        %add3A_582 = arith.constant 2 : i32
        %add3A_583 = arith.addi %mul3A_581, %add3A_582 : i32
        %swap3A_584 = arith.constant 0 : i32
        %swap3A_585 = arith.index_cast %swap3A_584 : i32 to index
        %swap3A_586 = arith.index_cast %add3A_583 : i32 to index
        %swap3A_587 = arith.constant 64 : index
        %swap3A_588 = tpu.vector_load %arg5[%swap3A_585, %swap3A_586, %swap3A_587] {strides = array<i32>} : memref<2x128x128xf32, #tpu.memory_space<vmem>>, vector<16xf32>,
        tpu.vector_store %arg5[%swap3A_585, %swap3A_586, %swap3A_587], %gather3A_301 {strides = array<i32>} : memref<2x128x128xf32, #tpu.memory_space<vmem>>, vector<16xf32>,
        %mul3A_589 = arith.constant 4 : i32
        %mul3A_590 = arith.muli %scan3A_110, %mul3A_589 : i32
        %add3A_591 = arith.constant 2 : i32
        %add3A_592 = arith.addi %mul3A_590, %add3A_591 : i32
        %swap3A_593 = arith.constant 0 : i32
        %swap3A_594 = arith.index_cast %swap3A_593 : i32 to index
        %swap3A_595 = arith.index_cast %add3A_592 : i32 to index
        %swap3A_596 = arith.constant 80 : index
        %swap3A_597 = tpu.vector_load %arg5[%swap3A_594, %swap3A_595, %swap3A_596] {strides = array<i32>} : memref<2x128x128xf32, #tpu.memory_space<vmem>>, vector<16xf32>,
        tpu.vector_store %arg5[%swap3A_594, %swap3A_595, %swap3A_596], %gather3A_310 {strides = array<i32>} : memref<2x128x128xf32, #tpu.memory_space<vmem>>, vector<16xf32>,
        %mul3A_598 = arith.constant 4 : i32
        %mul3A_599 = arith.muli %scan3A_110, %mul3A_598 : i32
        %add3A_600 = arith.constant 2 : i32
        %add3A_601 = arith.addi %mul3A_599, %add3A_600 : i32
        %swap3A_602 = arith.constant 0 : i32
        %swap3A_603 = arith.index_cast %swap3A_602 : i32 to index
        %swap3A_604 = arith.index_cast %add3A_601 : i32 to index
        %swap3A_605 = arith.constant 96 : index
        %swap3A_606 = tpu.vector_load %arg5[%swap3A_603, %swap3A_604, %swap3A_605] {strides = array<i32>} : memref<2x128x128xf32, #tpu.memory_space<vmem>>, vector<16xf32>,
        tpu.vector_store %arg5[%swap3A_603, %swap3A_604, %swap3A_605], %gather3A_319 {strides = array<i32>} : memref<2x128x128xf32, #tpu.memory_space<vmem>>, vector<16xf32>,
        %mul3A_607 = arith.constant 4 : i32
        %mul3A_608 = arith.muli %scan3A_110, %mul3A_607 : i32
        %add3A_609 = arith.constant 2 : i32
        %add3A_610 = arith.addi %mul3A_608, %add3A_609 : i32
        %swap3A_611 = arith.constant 0 : i32
        %swap3A_612 = arith.index_cast %swap3A_611 : i32 to index
        %swap3A_613 = arith.index_cast %add3A_610 : i32 to index
        %swap3A_614 = arith.constant 112 : index
        %swap3A_615 = tpu.vector_load %arg5[%swap3A_612, %swap3A_613, %swap3A_614] {strides = array<i32>} : memref<2x128x128xf32, #tpu.memory_space<vmem>>, vector<16xf32>,
        tpu.vector_store %arg5[%swap3A_612, %swap3A_613, %swap3A_614], %gather3A_328 {strides = array<i32>} : memref<2x128x128xf32, #tpu.memory_space<vmem>>, vector<16xf32>,
        %mul3A_616 = arith.constant 4 : i32
        %mul3A_617 = arith.muli %scan3A_110, %mul3A_616 : i32
        %add3A_618 = arith.constant 3 : i32
        %add3A_619 = arith.addi %mul3A_617, %add3A_618 : i32
        %swap3A_620 = arith.constant 0 : i32
        %swap3A_621 = arith.index_cast %swap3A_620 : i32 to index
        %swap3A_622 = arith.index_cast %add3A_619 : i32 to index
        %swap3A_623 = arith.constant 0 : index
        %swap3A_624 = tpu.vector_load %arg5[%swap3A_621, %swap3A_622, %swap3A_623] {strides = array<i32>} : memref<2x128x128xf32, #tpu.memory_space<vmem>>, vector<16xf32>,
        tpu.vector_store %arg5[%swap3A_621, %swap3A_622, %swap3A_623], %gather3A_337 {strides = array<i32>} : memref<2x128x128xf32, #tpu.memory_space<vmem>>, vector<16xf32>,
        %mul3A_625 = arith.constant 4 : i32
        %mul3A_626 = arith.muli %scan3A_110, %mul3A_625 : i32
        %add3A_627 = arith.constant 3 : i32
        %add3A_628 = arith.addi %mul3A_626, %add3A_627 : i32
        %swap3A_629 = arith.constant 0 : i32
        %swap3A_630 = arith.index_cast %swap3A_629 : i32 to index
        %swap3A_631 = arith.index_cast %add3A_628 : i32 to index
        %swap3A_632 = arith.constant 16 : index
        %swap3A_633 = tpu.vector_load %arg5[%swap3A_630, %swap3A_631, %swap3A_632] {strides = array<i32>} : memref<2x128x128xf32, #tpu.memory_space<vmem>>, vector<16xf32>,
        tpu.vector_store %arg5[%swap3A_630, %swap3A_631, %swap3A_632], %gather3A_346 {strides = array<i32>} : memref<2x128x128xf32, #tpu.memory_space<vmem>>, vector<16xf32>,
        %mul3A_634 = arith.constant 4 : i32
        %mul3A_635 = arith.muli %scan3A_110, %mul3A_634 : i32
        %add3A_636 = arith.constant 3 : i32
        %add3A_637 = arith.addi %mul3A_635, %add3A_636 : i32
        %swap3A_638 = arith.constant 0 : i32
        %swap3A_639 = arith.index_cast %swap3A_638 : i32 to index
        %swap3A_640 = arith.index_cast %add3A_637 : i32 to index
        %swap3A_641 = arith.constant 32 : index
        %swap3A_642 = tpu.vector_load %arg5[%swap3A_639, %swap3A_640, %swap3A_641] {strides = array<i32>} : memref<2x128x128xf32, #tpu.memory_space<vmem>>, vector<16xf32>,
        tpu.vector_store %arg5[%swap3A_639, %swap3A_640, %swap3A_641], %gather3A_355 {strides = array<i32>} : memref<2x128x128xf32, #tpu.memory_space<vmem>>, vector<16xf32>,
        %mul3A_643 = arith.constant 4 : i32
        %mul3A_644 = arith.muli %scan3A_110, %mul3A_643 : i32
        %add3A_645 = arith.constant 3 : i32
        %add3A_646 = arith.addi %mul3A_644, %add3A_645 : i32
        %swap3A_647 = arith.constant 0 : i32
        %swap3A_648 = arith.index_cast %swap3A_647 : i32 to index
        %swap3A_649 = arith.index_cast %add3A_646 : i32 to index
        %swap3A_650 = arith.constant 48 : index
        %swap3A_651 = tpu.vector_load %arg5[%swap3A_648, %swap3A_649, %swap3A_650] {strides = array<i32>} : memref<2x128x128xf32, #tpu.memory_space<vmem>>, vector<16xf32>,
        tpu.vector_store %arg5[%swap3A_648, %swap3A_649, %swap3A_650], %gather3A_364 {strides = array<i32>} : memref<2x128x128xf32, #tpu.memory_space<vmem>>, vector<16xf32>,
        %mul3A_652 = arith.constant 4 : i32
        %mul3A_653 = arith.muli %scan3A_110, %mul3A_652 : i32
        %add3A_654 = arith.constant 3 : i32
        %add3A_655 = arith.addi %mul3A_653, %add3A_654 : i32
        %swap3A_656 = arith.constant 0 : i32
        %swap3A_657 = arith.index_cast %swap3A_656 : i32 to index
        %swap3A_658 = arith.index_cast %add3A_655 : i32 to index
        %swap3A_659 = arith.constant 64 : index
        %swap3A_660 = tpu.vector_load %arg5[%swap3A_657, %swap3A_658, %swap3A_659] {strides = array<i32>} : memref<2x128x128xf32, #tpu.memory_space<vmem>>, vector<16xf32>,
        tpu.vector_store %arg5[%swap3A_657, %swap3A_658, %swap3A_659], %gather3A_373 {strides = array<i32>} : memref<2x128x128xf32, #tpu.memory_space<vmem>>, vector<16xf32>,
        %mul3A_661 = arith.constant 4 : i32
        %mul3A_662 = arith.muli %scan3A_110, %mul3A_661 : i32
        %add3A_663 = arith.constant 3 : i32
        %add3A_664 = arith.addi %mul3A_662, %add3A_663 : i32
        %swap3A_665 = arith.constant 0 : i32
        %swap3A_666 = arith.index_cast %swap3A_665 : i32 to index
        %swap3A_667 = arith.index_cast %add3A_664 : i32 to index
        %swap3A_668 = arith.constant 80 : index
        %swap3A_669 = tpu.vector_load %arg5[%swap3A_666, %swap3A_667, %swap3A_668] {strides = array<i32>} : memref<2x128x128xf32, #tpu.memory_space<vmem>>, vector<16xf32>,
        tpu.vector_store %arg5[%swap3A_666, %swap3A_667, %swap3A_668], %gather3A_382 {strides = array<i32>} : memref<2x128x128xf32, #tpu.memory_space<vmem>>, vector<16xf32>,
        %mul3A_670 = arith.constant 4 : i32
        %mul3A_671 = arith.muli %scan3A_110, %mul3A_670 : i32
        %add3A_672 = arith.constant 3 : i32
        %add3A_673 = arith.addi %mul3A_671, %add3A_672 : i32
        %swap3A_674 = arith.constant 0 : i32
        %swap3A_675 = arith.index_cast %swap3A_674 : i32 to index
        %swap3A_676 = arith.index_cast %add3A_673 : i32 to index
        %swap3A_677 = arith.constant 96 : index
        %swap3A_678 = tpu.vector_load %arg5[%swap3A_675, %swap3A_676, %swap3A_677] {strides = array<i32>} : memref<2x128x128xf32, #tpu.memory_space<vmem>>, vector<16xf32>,
        tpu.vector_store %arg5[%swap3A_675, %swap3A_676, %swap3A_677], %gather3A_391 {strides = array<i32>} : memref<2x128x128xf32, #tpu.memory_space<vmem>>, vector<16xf32>,
        %mul3A_679 = arith.constant 4 : i32
        %mul3A_680 = arith.muli %scan3A_110, %mul3A_679 : i32
        %add3A_681 = arith.constant 3 : i32
        %add3A_682 = arith.addi %mul3A_680, %add3A_681 : i32
        %swap3A_683 = arith.constant 0 : i32
        %swap3A_684 = arith.index_cast %swap3A_683 : i32 to index
        %swap3A_685 = arith.index_cast %add3A_682 : i32 to index
        %swap3A_686 = arith.constant 112 : index
        %swap3A_687 = tpu.vector_load %arg5[%swap3A_684, %swap3A_685, %swap3A_686] {strides = array<i32>} : memref<2x128x128xf32, #tpu.memory_space<vmem>>, vector<16xf32>,
        tpu.vector_store %arg5[%swap3A_684, %swap3A_685, %swap3A_686], %gather3A_400 {strides = array<i32>} : memref<2x128x128xf32, #tpu.memory_space<vmem>>, vector<16xf32>,
        %scan3A_688 = arith.constant 0 : i32
        scf.yield %scan3A_688 : i32
      }
      %scan3A_109 = arith.constant 20 : i32
      %run_scoped3A = arith.constant 0 : i32
      "tpu.region"() ({
        %run_scoped3A_110 = tpu.sem_alloc : memref<!tpu.dma_semaphore, #tpu.memory_space<semaphore_mem>>
        %dma_start3A_111 = arith.constant 0 : i32
        %dma_start3A_112 = arith.constant 0 : i32
        %dma_start3A_113 = tpu.memref_slice %arg5[%run_scoped3A, %dma_start3A_111, %dma_start3A_112] : memref<2x128x128xf32, #tpu.memory_space<vmem>> -> memref<1x80x128xf32, #tpu.memory_space<vmem>>
        %dma_start3A_114 = tpu.memref_squeeze %dma_start3A_113 : memref<1x80x128xf32, #tpu.memory_space<vmem>> -> memref<80x128xf32, #tpu.memory_space<vmem>>
        %dma_start3A_115 = arith.constant 124928 : i32
        %dma_start3A_116 = arith.constant 0 : i32
        %dma_start3A_117 = tpu.memref_slice %arg3[%dma_start3A_115, %dma_start3A_116] : memref<125008x128xf32, #tpu.memory_space<hbm>> -> memref<80x128xf32, #tpu.memory_space<hbm>>
        %dma_start3A_118 = arith.constant 124928 : i32
        %dma_start3A_119 = arith.constant 0 : i32
        %dma_start3A_120 = tpu.memref_slice %arg3[%dma_start3A_118, %dma_start3A_119] : memref<125008x128xf32, #tpu.memory_space<hbm>> -> memref<80x128xf32, #tpu.memory_space<hbm>>
        %dma_start3A_121 = arith.constant 0 : i32
        %dma_start3A_122 = arith.constant 0 : i32
        %dma_start3A_123 = tpu.memref_slice %arg5[%run_scoped3A, %dma_start3A_121, %dma_start3A_122] : memref<2x128x128xf32, #tpu.memory_space<vmem>> -> memref<1x80x128xf32, #tpu.memory_space<vmem>>
        %dma_start3A_124 = tpu.memref_squeeze %dma_start3A_123 : memref<1x80x128xf32, #tpu.memory_space<vmem>> -> memref<80x128xf32, #tpu.memory_space<vmem>>
        tpu.enqueue_dma source(%dma_start3A_124 : memref<80x128xf32, #tpu.memory_space<vmem>>) target(%dma_start3A_120 : memref<80x128xf32, #tpu.memory_space<hbm>>) target_semaphore(%run_scoped3A_110 : memref<!tpu.dma_semaphore, #tpu.memory_space<semaphore_mem>>)
        %dma_wait3A_125 = arith.constant 0 : i32
        %dma_wait3A_126 = arith.constant 0 : i32
        %dma_wait3A_127 = tpu.memref_slice %arg5[%run_scoped3A, %dma_wait3A_125, %dma_wait3A_126] : memref<2x128x128xf32, #tpu.memory_space<vmem>> -> memref<1x80x128xf32, #tpu.memory_space<vmem>>
        %dma_wait3A_128 = tpu.memref_squeeze %dma_wait3A_127 : memref<1x80x128xf32, #tpu.memory_space<vmem>> -> memref<80x128xf32, #tpu.memory_space<vmem>>
        %dma_wait3A_129 = arith.constant 124928 : i32
        %dma_wait3A_130 = arith.constant 0 : i32
        %dma_wait3A_131 = tpu.memref_slice %arg3[%dma_wait3A_129, %dma_wait3A_130] : memref<125008x128xf32, #tpu.memory_space<hbm>> -> memref<80x128xf32, #tpu.memory_space<hbm>>
        %dma_wait3A_132 = arith.constant 124928 : i32
        %dma_wait3A_133 = arith.constant 0 : i32
        %dma_wait3A_134 = tpu.memref_slice %arg3[%dma_wait3A_132, %dma_wait3A_133] : memref<125008x128xf32, #tpu.memory_space<hbm>> -> memref<80x128xf32, #tpu.memory_space<hbm>>
        %dma_wait3A_135 = arith.constant 0 : i32
        %dma_wait3A_136 = arith.constant 0 : i32
        %dma_wait3A_137 = tpu.memref_slice %arg5[%run_scoped3A, %dma_wait3A_135, %dma_wait3A_136] : memref<2x128x128xf32, #tpu.memory_space<vmem>> -> memref<1x80x128xf32, #tpu.memory_space<vmem>>
        %dma_wait3A_138 = tpu.memref_squeeze %dma_wait3A_137 : memref<1x80x128xf32, #tpu.memory_space<vmem>> -> memref<80x128xf32, #tpu.memory_space<vmem>>
        tpu.wait_dma2 semaphore(%run_scoped3A_110 : memref<!tpu.dma_semaphore, #tpu.memory_space<semaphore_mem>>) src(%dma_wait3A_138 : memref<80x128xf32, #tpu.memory_space<vmem>>) dst(%dma_wait3A_134 : memref<80x128xf32, #tpu.memory_space<hbm>>)
        tpu.yield
      }) : () -> ()
    } else {
    }
    return
  }
}

#map = affine_map<(d0, d1) -> (0, 0)>
#map1 = affine_map<(d0, d1) -> (0)>
module attributes {stable_mosaic.version = 14 : i64} {
  func.func @k(%arg0: i32, %arg1: i32, %arg2: memref<3328x128xi32, #tpu.memory_space<hbm>>, %arg3: memref<3328x128xi32, #tpu.memory_space<hbm>>, %arg4: memref<1000064x16xf32, #tpu.memory_space<hbm>>, %arg5: memref<62504x16xf32, #tpu.memory_space<hbm>>, %arg6: memref<425984x16xf32, #tpu.memory_space<hbm>>, %arg7: memref<425984xf32, #tpu.memory_space<hbm>>, %arg8: memref<104x128xi32, #tpu.memory_space<vmem>>, %arg9: memref<104x128xi32, #tpu.memory_space<vmem>>, %arg10: memref<1024x16xf32, #tpu.memory_space<vmem>>, %arg11: memref<1024x16xf32, #tpu.memory_space<vmem>>, %arg12: memref<1024xf32, #tpu.memory_space<vmem>>, %arg13: memref<!tpu.dma_semaphore, #tpu.memory_space<semaphore_mem>>, %arg14: memref<!tpu.dma_semaphore, #tpu.memory_space<semaphore_mem>>) attributes {dimension_semantics = [#tpu.dimension_semantics<core_parallel>, #tpu.dimension_semantics<subcore_parallel>], iteration_bounds = array<i64: 2, 16>, scalar_prefetch = 0 : i64, scratch_operands = 7 : i64, tpu.core_type = #tpu.core_type<sc_vector_subcore>, window_params = [{transform_indices = #map}, {transform_indices = #map}, {transform_indices = #map}, {transform_indices = #map}, {transform_indices = #map}, {transform_indices = #map1}]} {
    %mul3A = arith.constant 2 : i32
    %mul3A_0 = arith.muli %arg1, %mul3A : i32
    %add3A = arith.addi %mul3A_0, %arg0 : i32
    %mul3A_1 = arith.constant 104 : i32
    %mul3A_2 = arith.muli %add3A, %mul3A_1 : i32
    "tpu.region"() ({
      %run_scoped3A = tpu.sem_alloc : memref<!tpu.dma_semaphore, #tpu.memory_space<semaphore_mem>>
      %dma_start3A = arith.constant 0 : i32
      %dma_start3A_11 = tpu.memref_slice %arg2[%mul3A_2, %dma_start3A] : memref<3328x128xi32, #tpu.memory_space<hbm>> -> memref<104x128xi32, #tpu.memory_space<hbm>>
      %dma_start3A_12 = arith.constant 0 : i32
      %dma_start3A_13 = tpu.memref_slice %arg2[%mul3A_2, %dma_start3A_12] : memref<3328x128xi32, #tpu.memory_space<hbm>> -> memref<104x128xi32, #tpu.memory_space<hbm>>
      tpu.enqueue_dma source(%dma_start3A_13 : memref<104x128xi32, #tpu.memory_space<hbm>>) target(%arg8 : memref<104x128xi32, #tpu.memory_space<vmem>>) target_semaphore(%run_scoped3A : memref<!tpu.dma_semaphore, #tpu.memory_space<semaphore_mem>>)
      %dma_wait3A = arith.constant 0 : i32
      %dma_wait3A_14 = tpu.memref_slice %arg2[%mul3A_2, %dma_wait3A] : memref<3328x128xi32, #tpu.memory_space<hbm>> -> memref<104x128xi32, #tpu.memory_space<hbm>>
      %dma_wait3A_15 = arith.constant 0 : i32
      %dma_wait3A_16 = tpu.memref_slice %arg2[%mul3A_2, %dma_wait3A_15] : memref<3328x128xi32, #tpu.memory_space<hbm>> -> memref<104x128xi32, #tpu.memory_space<hbm>>
      tpu.wait_dma2 semaphore(%run_scoped3A : memref<!tpu.dma_semaphore, #tpu.memory_space<semaphore_mem>>) src(%dma_wait3A_16 : memref<104x128xi32, #tpu.memory_space<hbm>>) dst(%arg8 : memref<104x128xi32, #tpu.memory_space<vmem>>)
      tpu.yield
    }) : () -> ()
    %mul3A_3 = arith.constant 104 : i32
    %mul3A_4 = arith.muli %add3A, %mul3A_3 : i32
    "tpu.region"() ({
      %run_scoped3A = tpu.sem_alloc : memref<!tpu.dma_semaphore, #tpu.memory_space<semaphore_mem>>
      %dma_start3A = arith.constant 0 : i32
      %dma_start3A_11 = tpu.memref_slice %arg3[%mul3A_4, %dma_start3A] : memref<3328x128xi32, #tpu.memory_space<hbm>> -> memref<104x128xi32, #tpu.memory_space<hbm>>
      %dma_start3A_12 = arith.constant 0 : i32
      %dma_start3A_13 = tpu.memref_slice %arg3[%mul3A_4, %dma_start3A_12] : memref<3328x128xi32, #tpu.memory_space<hbm>> -> memref<104x128xi32, #tpu.memory_space<hbm>>
      tpu.enqueue_dma source(%dma_start3A_13 : memref<104x128xi32, #tpu.memory_space<hbm>>) target(%arg9 : memref<104x128xi32, #tpu.memory_space<vmem>>) target_semaphore(%run_scoped3A : memref<!tpu.dma_semaphore, #tpu.memory_space<semaphore_mem>>)
      %dma_wait3A = arith.constant 0 : i32
      %dma_wait3A_14 = tpu.memref_slice %arg3[%mul3A_4, %dma_wait3A] : memref<3328x128xi32, #tpu.memory_space<hbm>> -> memref<104x128xi32, #tpu.memory_space<hbm>>
      %dma_wait3A_15 = arith.constant 0 : i32
      %dma_wait3A_16 = tpu.memref_slice %arg3[%mul3A_4, %dma_wait3A_15] : memref<3328x128xi32, #tpu.memory_space<hbm>> -> memref<104x128xi32, #tpu.memory_space<hbm>>
      tpu.wait_dma2 semaphore(%run_scoped3A : memref<!tpu.dma_semaphore, #tpu.memory_space<semaphore_mem>>) src(%dma_wait3A_16 : memref<104x128xi32, #tpu.memory_space<hbm>>) dst(%arg9 : memref<104x128xi32, #tpu.memory_space<vmem>>)
      tpu.yield
    }) : () -> ()
    %scan3A = arith.constant 0 : i32
    %scan3A_5 = arith.constant 0 : i32
    %scan3A_6 = arith.constant 13 : i32
    %scan3A_7 = arith.addi %scan3A_5, %scan3A_6 : i32
    %scan3A_8 = arith.constant 1 : i32
    %scan3A_9 = scf.for %scan3A_11 = %scan3A_5 to %scan3A_7 step %scan3A_8 iter_args(%scan3A_12 = %scan3A) -> (i32)  : i32 {
      %mul3A_13 = arith.constant 8 : i32
      %mul3A_14 = arith.muli %scan3A_11, %mul3A_13 : i32
      %add3A_15 = arith.constant 0 : i32
      %add3A_16 = arith.addi %mul3A_14, %add3A_15 : i32
      %dma_start3A = arith.constant 0 : i32
      %dma_start3A_17 = arith.constant 0 : i32
      %dma_start3A_18 = tpu.memref_slice %arg10[%dma_start3A, %dma_start3A_17] : memref<1024x16xf32, #tpu.memory_space<vmem>> -> memref<128x16xf32, #tpu.memory_space<vmem>>
      %dma_start3A_19 = arith.constant 0 : i32
      %dma_start3A_20 = tpu.memref_slice %arg8[%add3A_16, %dma_start3A_19] : memref<104x128xi32, #tpu.memory_space<vmem>> -> memref<1x128xi32, #tpu.memory_space<vmem>>
      %dma_start3A_21 = tpu.memref_squeeze %dma_start3A_20 : memref<1x128xi32, #tpu.memory_space<vmem>> -> memref<128xi32, #tpu.memory_space<vmem>>
      %dma_start3A_22 = arith.constant 0 : i32
      %dma_start3A_23 = arith.constant 0 : i32
      %dma_start3A_24 = tpu.memref_slice %arg4[%dma_start3A_22, %dma_start3A_23] : memref<1000064x16xf32, #tpu.memory_space<hbm>> -> memref<1000064x16xf32, #tpu.memory_space<hbm>>
      tpu.enqueue_indirect_dma source(%dma_start3A_24 : memref<1000064x16xf32, #tpu.memory_space<hbm>>) target(%dma_start3A_18 : memref<128x16xf32, #tpu.memory_space<vmem>>) offsets(%dma_start3A_21 : memref<128xi32, #tpu.memory_space<vmem>>) semaphore(%arg13 : memref<!tpu.dma_semaphore, #tpu.memory_space<semaphore_mem>>)
      %dma_start3A_25 = arith.constant 0 : i32
      %dma_start3A_26 = arith.constant 0 : i32
      %dma_start3A_27 = tpu.memref_slice %arg11[%dma_start3A_25, %dma_start3A_26] : memref<1024x16xf32, #tpu.memory_space<vmem>> -> memref<128x16xf32, #tpu.memory_space<vmem>>
      %dma_start3A_28 = arith.constant 0 : i32
      %dma_start3A_29 = tpu.memref_slice %arg9[%add3A_16, %dma_start3A_28] : memref<104x128xi32, #tpu.memory_space<vmem>> -> memref<1x128xi32, #tpu.memory_space<vmem>>
      %dma_start3A_30 = tpu.memref_squeeze %dma_start3A_29 : memref<1x128xi32, #tpu.memory_space<vmem>> -> memref<128xi32, #tpu.memory_space<vmem>>
      %dma_start3A_31 = arith.constant 0 : i32
      %dma_start3A_32 = arith.constant 0 : i32
      %dma_start3A_33 = tpu.memref_slice %arg5[%dma_start3A_31, %dma_start3A_32] : memref<62504x16xf32, #tpu.memory_space<hbm>> -> memref<62504x16xf32, #tpu.memory_space<hbm>>
      tpu.enqueue_indirect_dma source(%dma_start3A_33 : memref<62504x16xf32, #tpu.memory_space<hbm>>) target(%dma_start3A_27 : memref<128x16xf32, #tpu.memory_space<vmem>>) offsets(%dma_start3A_30 : memref<128xi32, #tpu.memory_space<vmem>>) semaphore(%arg14 : memref<!tpu.dma_semaphore, #tpu.memory_space<semaphore_mem>>)
      %mul3A_34 = arith.constant 8 : i32
      %mul3A_35 = arith.muli %scan3A_11, %mul3A_34 : i32
      %add3A_36 = arith.constant 1 : i32
      %add3A_37 = arith.addi %mul3A_35, %add3A_36 : i32
      %dma_start3A_38 = arith.constant 128 : i32
      %dma_start3A_39 = arith.constant 0 : i32
      %dma_start3A_40 = tpu.memref_slice %arg10[%dma_start3A_38, %dma_start3A_39] : memref<1024x16xf32, #tpu.memory_space<vmem>> -> memref<128x16xf32, #tpu.memory_space<vmem>>
      %dma_start3A_41 = arith.constant 0 : i32
      %dma_start3A_42 = tpu.memref_slice %arg8[%add3A_37, %dma_start3A_41] : memref<104x128xi32, #tpu.memory_space<vmem>> -> memref<1x128xi32, #tpu.memory_space<vmem>>
      %dma_start3A_43 = tpu.memref_squeeze %dma_start3A_42 : memref<1x128xi32, #tpu.memory_space<vmem>> -> memref<128xi32, #tpu.memory_space<vmem>>
      %dma_start3A_44 = arith.constant 0 : i32
      %dma_start3A_45 = arith.constant 0 : i32
      %dma_start3A_46 = tpu.memref_slice %arg4[%dma_start3A_44, %dma_start3A_45] : memref<1000064x16xf32, #tpu.memory_space<hbm>> -> memref<1000064x16xf32, #tpu.memory_space<hbm>>
      tpu.enqueue_indirect_dma source(%dma_start3A_46 : memref<1000064x16xf32, #tpu.memory_space<hbm>>) target(%dma_start3A_40 : memref<128x16xf32, #tpu.memory_space<vmem>>) offsets(%dma_start3A_43 : memref<128xi32, #tpu.memory_space<vmem>>) semaphore(%arg13 : memref<!tpu.dma_semaphore, #tpu.memory_space<semaphore_mem>>)
      %dma_start3A_47 = arith.constant 128 : i32
      %dma_start3A_48 = arith.constant 0 : i32
      %dma_start3A_49 = tpu.memref_slice %arg11[%dma_start3A_47, %dma_start3A_48] : memref<1024x16xf32, #tpu.memory_space<vmem>> -> memref<128x16xf32, #tpu.memory_space<vmem>>
      %dma_start3A_50 = arith.constant 0 : i32
      %dma_start3A_51 = tpu.memref_slice %arg9[%add3A_37, %dma_start3A_50] : memref<104x128xi32, #tpu.memory_space<vmem>> -> memref<1x128xi32, #tpu.memory_space<vmem>>
      %dma_start3A_52 = tpu.memref_squeeze %dma_start3A_51 : memref<1x128xi32, #tpu.memory_space<vmem>> -> memref<128xi32, #tpu.memory_space<vmem>>
      %dma_start3A_53 = arith.constant 0 : i32
      %dma_start3A_54 = arith.constant 0 : i32
      %dma_start3A_55 = tpu.memref_slice %arg5[%dma_start3A_53, %dma_start3A_54] : memref<62504x16xf32, #tpu.memory_space<hbm>> -> memref<62504x16xf32, #tpu.memory_space<hbm>>
      tpu.enqueue_indirect_dma source(%dma_start3A_55 : memref<62504x16xf32, #tpu.memory_space<hbm>>) target(%dma_start3A_49 : memref<128x16xf32, #tpu.memory_space<vmem>>) offsets(%dma_start3A_52 : memref<128xi32, #tpu.memory_space<vmem>>) semaphore(%arg14 : memref<!tpu.dma_semaphore, #tpu.memory_space<semaphore_mem>>)
      %mul3A_56 = arith.constant 8 : i32
      %mul3A_57 = arith.muli %scan3A_11, %mul3A_56 : i32
      %add3A_58 = arith.constant 2 : i32
      %add3A_59 = arith.addi %mul3A_57, %add3A_58 : i32
      %dma_start3A_60 = arith.constant 256 : i32
      %dma_start3A_61 = arith.constant 0 : i32
      %dma_start3A_62 = tpu.memref_slice %arg10[%dma_start3A_60, %dma_start3A_61] : memref<1024x16xf32, #tpu.memory_space<vmem>> -> memref<128x16xf32, #tpu.memory_space<vmem>>
      %dma_start3A_63 = arith.constant 0 : i32
      %dma_start3A_64 = tpu.memref_slice %arg8[%add3A_59, %dma_start3A_63] : memref<104x128xi32, #tpu.memory_space<vmem>> -> memref<1x128xi32, #tpu.memory_space<vmem>>
      %dma_start3A_65 = tpu.memref_squeeze %dma_start3A_64 : memref<1x128xi32, #tpu.memory_space<vmem>> -> memref<128xi32, #tpu.memory_space<vmem>>
      %dma_start3A_66 = arith.constant 0 : i32
      %dma_start3A_67 = arith.constant 0 : i32
      %dma_start3A_68 = tpu.memref_slice %arg4[%dma_start3A_66, %dma_start3A_67] : memref<1000064x16xf32, #tpu.memory_space<hbm>> -> memref<1000064x16xf32, #tpu.memory_space<hbm>>
      tpu.enqueue_indirect_dma source(%dma_start3A_68 : memref<1000064x16xf32, #tpu.memory_space<hbm>>) target(%dma_start3A_62 : memref<128x16xf32, #tpu.memory_space<vmem>>) offsets(%dma_start3A_65 : memref<128xi32, #tpu.memory_space<vmem>>) semaphore(%arg13 : memref<!tpu.dma_semaphore, #tpu.memory_space<semaphore_mem>>)
      %dma_start3A_69 = arith.constant 256 : i32
      %dma_start3A_70 = arith.constant 0 : i32
      %dma_start3A_71 = tpu.memref_slice %arg11[%dma_start3A_69, %dma_start3A_70] : memref<1024x16xf32, #tpu.memory_space<vmem>> -> memref<128x16xf32, #tpu.memory_space<vmem>>
      %dma_start3A_72 = arith.constant 0 : i32
      %dma_start3A_73 = tpu.memref_slice %arg9[%add3A_59, %dma_start3A_72] : memref<104x128xi32, #tpu.memory_space<vmem>> -> memref<1x128xi32, #tpu.memory_space<vmem>>
      %dma_start3A_74 = tpu.memref_squeeze %dma_start3A_73 : memref<1x128xi32, #tpu.memory_space<vmem>> -> memref<128xi32, #tpu.memory_space<vmem>>
      %dma_start3A_75 = arith.constant 0 : i32
      %dma_start3A_76 = arith.constant 0 : i32
      %dma_start3A_77 = tpu.memref_slice %arg5[%dma_start3A_75, %dma_start3A_76] : memref<62504x16xf32, #tpu.memory_space<hbm>> -> memref<62504x16xf32, #tpu.memory_space<hbm>>
      tpu.enqueue_indirect_dma source(%dma_start3A_77 : memref<62504x16xf32, #tpu.memory_space<hbm>>) target(%dma_start3A_71 : memref<128x16xf32, #tpu.memory_space<vmem>>) offsets(%dma_start3A_74 : memref<128xi32, #tpu.memory_space<vmem>>) semaphore(%arg14 : memref<!tpu.dma_semaphore, #tpu.memory_space<semaphore_mem>>)
      %mul3A_78 = arith.constant 8 : i32
      %mul3A_79 = arith.muli %scan3A_11, %mul3A_78 : i32
      %add3A_80 = arith.constant 3 : i32
      %add3A_81 = arith.addi %mul3A_79, %add3A_80 : i32
      %dma_start3A_82 = arith.constant 384 : i32
      %dma_start3A_83 = arith.constant 0 : i32
      %dma_start3A_84 = tpu.memref_slice %arg10[%dma_start3A_82, %dma_start3A_83] : memref<1024x16xf32, #tpu.memory_space<vmem>> -> memref<128x16xf32, #tpu.memory_space<vmem>>
      %dma_start3A_85 = arith.constant 0 : i32
      %dma_start3A_86 = tpu.memref_slice %arg8[%add3A_81, %dma_start3A_85] : memref<104x128xi32, #tpu.memory_space<vmem>> -> memref<1x128xi32, #tpu.memory_space<vmem>>
      %dma_start3A_87 = tpu.memref_squeeze %dma_start3A_86 : memref<1x128xi32, #tpu.memory_space<vmem>> -> memref<128xi32, #tpu.memory_space<vmem>>
      %dma_start3A_88 = arith.constant 0 : i32
      %dma_start3A_89 = arith.constant 0 : i32
      %dma_start3A_90 = tpu.memref_slice %arg4[%dma_start3A_88, %dma_start3A_89] : memref<1000064x16xf32, #tpu.memory_space<hbm>> -> memref<1000064x16xf32, #tpu.memory_space<hbm>>
      tpu.enqueue_indirect_dma source(%dma_start3A_90 : memref<1000064x16xf32, #tpu.memory_space<hbm>>) target(%dma_start3A_84 : memref<128x16xf32, #tpu.memory_space<vmem>>) offsets(%dma_start3A_87 : memref<128xi32, #tpu.memory_space<vmem>>) semaphore(%arg13 : memref<!tpu.dma_semaphore, #tpu.memory_space<semaphore_mem>>)
      %dma_start3A_91 = arith.constant 384 : i32
      %dma_start3A_92 = arith.constant 0 : i32
      %dma_start3A_93 = tpu.memref_slice %arg11[%dma_start3A_91, %dma_start3A_92] : memref<1024x16xf32, #tpu.memory_space<vmem>> -> memref<128x16xf32, #tpu.memory_space<vmem>>
      %dma_start3A_94 = arith.constant 0 : i32
      %dma_start3A_95 = tpu.memref_slice %arg9[%add3A_81, %dma_start3A_94] : memref<104x128xi32, #tpu.memory_space<vmem>> -> memref<1x128xi32, #tpu.memory_space<vmem>>
      %dma_start3A_96 = tpu.memref_squeeze %dma_start3A_95 : memref<1x128xi32, #tpu.memory_space<vmem>> -> memref<128xi32, #tpu.memory_space<vmem>>
      %dma_start3A_97 = arith.constant 0 : i32
      %dma_start3A_98 = arith.constant 0 : i32
      %dma_start3A_99 = tpu.memref_slice %arg5[%dma_start3A_97, %dma_start3A_98] : memref<62504x16xf32, #tpu.memory_space<hbm>> -> memref<62504x16xf32, #tpu.memory_space<hbm>>
      tpu.enqueue_indirect_dma source(%dma_start3A_99 : memref<62504x16xf32, #tpu.memory_space<hbm>>) target(%dma_start3A_93 : memref<128x16xf32, #tpu.memory_space<vmem>>) offsets(%dma_start3A_96 : memref<128xi32, #tpu.memory_space<vmem>>) semaphore(%arg14 : memref<!tpu.dma_semaphore, #tpu.memory_space<semaphore_mem>>)
      %mul3A_100 = arith.constant 8 : i32
      %mul3A_101 = arith.muli %scan3A_11, %mul3A_100 : i32
      %add3A_102 = arith.constant 4 : i32
      %add3A_103 = arith.addi %mul3A_101, %add3A_102 : i32
      %dma_start3A_104 = arith.constant 512 : i32
      %dma_start3A_105 = arith.constant 0 : i32
      %dma_start3A_106 = tpu.memref_slice %arg10[%dma_start3A_104, %dma_start3A_105] : memref<1024x16xf32, #tpu.memory_space<vmem>> -> memref<128x16xf32, #tpu.memory_space<vmem>>
      %dma_start3A_107 = arith.constant 0 : i32
      %dma_start3A_108 = tpu.memref_slice %arg8[%add3A_103, %dma_start3A_107] : memref<104x128xi32, #tpu.memory_space<vmem>> -> memref<1x128xi32, #tpu.memory_space<vmem>>
      %dma_start3A_109 = tpu.memref_squeeze %dma_start3A_108 : memref<1x128xi32, #tpu.memory_space<vmem>> -> memref<128xi32, #tpu.memory_space<vmem>>
      %dma_start3A_110 = arith.constant 0 : i32
      %dma_start3A_111 = arith.constant 0 : i32
      %dma_start3A_112 = tpu.memref_slice %arg4[%dma_start3A_110, %dma_start3A_111] : memref<1000064x16xf32, #tpu.memory_space<hbm>> -> memref<1000064x16xf32, #tpu.memory_space<hbm>>
      tpu.enqueue_indirect_dma source(%dma_start3A_112 : memref<1000064x16xf32, #tpu.memory_space<hbm>>) target(%dma_start3A_106 : memref<128x16xf32, #tpu.memory_space<vmem>>) offsets(%dma_start3A_109 : memref<128xi32, #tpu.memory_space<vmem>>) semaphore(%arg13 : memref<!tpu.dma_semaphore, #tpu.memory_space<semaphore_mem>>)
      %dma_start3A_113 = arith.constant 512 : i32
      %dma_start3A_114 = arith.constant 0 : i32
      %dma_start3A_115 = tpu.memref_slice %arg11[%dma_start3A_113, %dma_start3A_114] : memref<1024x16xf32, #tpu.memory_space<vmem>> -> memref<128x16xf32, #tpu.memory_space<vmem>>
      %dma_start3A_116 = arith.constant 0 : i32
      %dma_start3A_117 = tpu.memref_slice %arg9[%add3A_103, %dma_start3A_116] : memref<104x128xi32, #tpu.memory_space<vmem>> -> memref<1x128xi32, #tpu.memory_space<vmem>>
      %dma_start3A_118 = tpu.memref_squeeze %dma_start3A_117 : memref<1x128xi32, #tpu.memory_space<vmem>> -> memref<128xi32, #tpu.memory_space<vmem>>
      %dma_start3A_119 = arith.constant 0 : i32
      %dma_start3A_120 = arith.constant 0 : i32
      %dma_start3A_121 = tpu.memref_slice %arg5[%dma_start3A_119, %dma_start3A_120] : memref<62504x16xf32, #tpu.memory_space<hbm>> -> memref<62504x16xf32, #tpu.memory_space<hbm>>
      tpu.enqueue_indirect_dma source(%dma_start3A_121 : memref<62504x16xf32, #tpu.memory_space<hbm>>) target(%dma_start3A_115 : memref<128x16xf32, #tpu.memory_space<vmem>>) offsets(%dma_start3A_118 : memref<128xi32, #tpu.memory_space<vmem>>) semaphore(%arg14 : memref<!tpu.dma_semaphore, #tpu.memory_space<semaphore_mem>>)
      %mul3A_122 = arith.constant 8 : i32
      %mul3A_123 = arith.muli %scan3A_11, %mul3A_122 : i32
      %add3A_124 = arith.constant 5 : i32
      %add3A_125 = arith.addi %mul3A_123, %add3A_124 : i32
      %dma_start3A_126 = arith.constant 640 : i32
      %dma_start3A_127 = arith.constant 0 : i32
      %dma_start3A_128 = tpu.memref_slice %arg10[%dma_start3A_126, %dma_start3A_127] : memref<1024x16xf32, #tpu.memory_space<vmem>> -> memref<128x16xf32, #tpu.memory_space<vmem>>
      %dma_start3A_129 = arith.constant 0 : i32
      %dma_start3A_130 = tpu.memref_slice %arg8[%add3A_125, %dma_start3A_129] : memref<104x128xi32, #tpu.memory_space<vmem>> -> memref<1x128xi32, #tpu.memory_space<vmem>>
      %dma_start3A_131 = tpu.memref_squeeze %dma_start3A_130 : memref<1x128xi32, #tpu.memory_space<vmem>> -> memref<128xi32, #tpu.memory_space<vmem>>
      %dma_start3A_132 = arith.constant 0 : i32
      %dma_start3A_133 = arith.constant 0 : i32
      %dma_start3A_134 = tpu.memref_slice %arg4[%dma_start3A_132, %dma_start3A_133] : memref<1000064x16xf32, #tpu.memory_space<hbm>> -> memref<1000064x16xf32, #tpu.memory_space<hbm>>
      tpu.enqueue_indirect_dma source(%dma_start3A_134 : memref<1000064x16xf32, #tpu.memory_space<hbm>>) target(%dma_start3A_128 : memref<128x16xf32, #tpu.memory_space<vmem>>) offsets(%dma_start3A_131 : memref<128xi32, #tpu.memory_space<vmem>>) semaphore(%arg13 : memref<!tpu.dma_semaphore, #tpu.memory_space<semaphore_mem>>)
      %dma_start3A_135 = arith.constant 640 : i32
      %dma_start3A_136 = arith.constant 0 : i32
      %dma_start3A_137 = tpu.memref_slice %arg11[%dma_start3A_135, %dma_start3A_136] : memref<1024x16xf32, #tpu.memory_space<vmem>> -> memref<128x16xf32, #tpu.memory_space<vmem>>
      %dma_start3A_138 = arith.constant 0 : i32
      %dma_start3A_139 = tpu.memref_slice %arg9[%add3A_125, %dma_start3A_138] : memref<104x128xi32, #tpu.memory_space<vmem>> -> memref<1x128xi32, #tpu.memory_space<vmem>>
      %dma_start3A_140 = tpu.memref_squeeze %dma_start3A_139 : memref<1x128xi32, #tpu.memory_space<vmem>> -> memref<128xi32, #tpu.memory_space<vmem>>
      %dma_start3A_141 = arith.constant 0 : i32
      %dma_start3A_142 = arith.constant 0 : i32
      %dma_start3A_143 = tpu.memref_slice %arg5[%dma_start3A_141, %dma_start3A_142] : memref<62504x16xf32, #tpu.memory_space<hbm>> -> memref<62504x16xf32, #tpu.memory_space<hbm>>
      tpu.enqueue_indirect_dma source(%dma_start3A_143 : memref<62504x16xf32, #tpu.memory_space<hbm>>) target(%dma_start3A_137 : memref<128x16xf32, #tpu.memory_space<vmem>>) offsets(%dma_start3A_140 : memref<128xi32, #tpu.memory_space<vmem>>) semaphore(%arg14 : memref<!tpu.dma_semaphore, #tpu.memory_space<semaphore_mem>>)
      %mul3A_144 = arith.constant 8 : i32
      %mul3A_145 = arith.muli %scan3A_11, %mul3A_144 : i32
      %add3A_146 = arith.constant 6 : i32
      %add3A_147 = arith.addi %mul3A_145, %add3A_146 : i32
      %dma_start3A_148 = arith.constant 768 : i32
      %dma_start3A_149 = arith.constant 0 : i32
      %dma_start3A_150 = tpu.memref_slice %arg10[%dma_start3A_148, %dma_start3A_149] : memref<1024x16xf32, #tpu.memory_space<vmem>> -> memref<128x16xf32, #tpu.memory_space<vmem>>
      %dma_start3A_151 = arith.constant 0 : i32
      %dma_start3A_152 = tpu.memref_slice %arg8[%add3A_147, %dma_start3A_151] : memref<104x128xi32, #tpu.memory_space<vmem>> -> memref<1x128xi32, #tpu.memory_space<vmem>>
      %dma_start3A_153 = tpu.memref_squeeze %dma_start3A_152 : memref<1x128xi32, #tpu.memory_space<vmem>> -> memref<128xi32, #tpu.memory_space<vmem>>
      %dma_start3A_154 = arith.constant 0 : i32
      %dma_start3A_155 = arith.constant 0 : i32
      %dma_start3A_156 = tpu.memref_slice %arg4[%dma_start3A_154, %dma_start3A_155] : memref<1000064x16xf32, #tpu.memory_space<hbm>> -> memref<1000064x16xf32, #tpu.memory_space<hbm>>
      tpu.enqueue_indirect_dma source(%dma_start3A_156 : memref<1000064x16xf32, #tpu.memory_space<hbm>>) target(%dma_start3A_150 : memref<128x16xf32, #tpu.memory_space<vmem>>) offsets(%dma_start3A_153 : memref<128xi32, #tpu.memory_space<vmem>>) semaphore(%arg13 : memref<!tpu.dma_semaphore, #tpu.memory_space<semaphore_mem>>)
      %dma_start3A_157 = arith.constant 768 : i32
      %dma_start3A_158 = arith.constant 0 : i32
      %dma_start3A_159 = tpu.memref_slice %arg11[%dma_start3A_157, %dma_start3A_158] : memref<1024x16xf32, #tpu.memory_space<vmem>> -> memref<128x16xf32, #tpu.memory_space<vmem>>
      %dma_start3A_160 = arith.constant 0 : i32
      %dma_start3A_161 = tpu.memref_slice %arg9[%add3A_147, %dma_start3A_160] : memref<104x128xi32, #tpu.memory_space<vmem>> -> memref<1x128xi32, #tpu.memory_space<vmem>>
      %dma_start3A_162 = tpu.memref_squeeze %dma_start3A_161 : memref<1x128xi32, #tpu.memory_space<vmem>> -> memref<128xi32, #tpu.memory_space<vmem>>
      %dma_start3A_163 = arith.constant 0 : i32
      %dma_start3A_164 = arith.constant 0 : i32
      %dma_start3A_165 = tpu.memref_slice %arg5[%dma_start3A_163, %dma_start3A_164] : memref<62504x16xf32, #tpu.memory_space<hbm>> -> memref<62504x16xf32, #tpu.memory_space<hbm>>
      tpu.enqueue_indirect_dma source(%dma_start3A_165 : memref<62504x16xf32, #tpu.memory_space<hbm>>) target(%dma_start3A_159 : memref<128x16xf32, #tpu.memory_space<vmem>>) offsets(%dma_start3A_162 : memref<128xi32, #tpu.memory_space<vmem>>) semaphore(%arg14 : memref<!tpu.dma_semaphore, #tpu.memory_space<semaphore_mem>>)
      %mul3A_166 = arith.constant 8 : i32
      %mul3A_167 = arith.muli %scan3A_11, %mul3A_166 : i32
      %add3A_168 = arith.constant 7 : i32
      %add3A_169 = arith.addi %mul3A_167, %add3A_168 : i32
      %dma_start3A_170 = arith.constant 896 : i32
      %dma_start3A_171 = arith.constant 0 : i32
      %dma_start3A_172 = tpu.memref_slice %arg10[%dma_start3A_170, %dma_start3A_171] : memref<1024x16xf32, #tpu.memory_space<vmem>> -> memref<128x16xf32, #tpu.memory_space<vmem>>
      %dma_start3A_173 = arith.constant 0 : i32
      %dma_start3A_174 = tpu.memref_slice %arg8[%add3A_169, %dma_start3A_173] : memref<104x128xi32, #tpu.memory_space<vmem>> -> memref<1x128xi32, #tpu.memory_space<vmem>>
      %dma_start3A_175 = tpu.memref_squeeze %dma_start3A_174 : memref<1x128xi32, #tpu.memory_space<vmem>> -> memref<128xi32, #tpu.memory_space<vmem>>
      %dma_start3A_176 = arith.constant 0 : i32
      %dma_start3A_177 = arith.constant 0 : i32
      %dma_start3A_178 = tpu.memref_slice %arg4[%dma_start3A_176, %dma_start3A_177] : memref<1000064x16xf32, #tpu.memory_space<hbm>> -> memref<1000064x16xf32, #tpu.memory_space<hbm>>
      tpu.enqueue_indirect_dma source(%dma_start3A_178 : memref<1000064x16xf32, #tpu.memory_space<hbm>>) target(%dma_start3A_172 : memref<128x16xf32, #tpu.memory_space<vmem>>) offsets(%dma_start3A_175 : memref<128xi32, #tpu.memory_space<vmem>>) semaphore(%arg13 : memref<!tpu.dma_semaphore, #tpu.memory_space<semaphore_mem>>)
      %dma_start3A_179 = arith.constant 896 : i32
      %dma_start3A_180 = arith.constant 0 : i32
      %dma_start3A_181 = tpu.memref_slice %arg11[%dma_start3A_179, %dma_start3A_180] : memref<1024x16xf32, #tpu.memory_space<vmem>> -> memref<128x16xf32, #tpu.memory_space<vmem>>
      %dma_start3A_182 = arith.constant 0 : i32
      %dma_start3A_183 = tpu.memref_slice %arg9[%add3A_169, %dma_start3A_182] : memref<104x128xi32, #tpu.memory_space<vmem>> -> memref<1x128xi32, #tpu.memory_space<vmem>>
      %dma_start3A_184 = tpu.memref_squeeze %dma_start3A_183 : memref<1x128xi32, #tpu.memory_space<vmem>> -> memref<128xi32, #tpu.memory_space<vmem>>
      %dma_start3A_185 = arith.constant 0 : i32
      %dma_start3A_186 = arith.constant 0 : i32
      %dma_start3A_187 = tpu.memref_slice %arg5[%dma_start3A_185, %dma_start3A_186] : memref<62504x16xf32, #tpu.memory_space<hbm>> -> memref<62504x16xf32, #tpu.memory_space<hbm>>
      tpu.enqueue_indirect_dma source(%dma_start3A_187 : memref<62504x16xf32, #tpu.memory_space<hbm>>) target(%dma_start3A_181 : memref<128x16xf32, #tpu.memory_space<vmem>>) offsets(%dma_start3A_184 : memref<128xi32, #tpu.memory_space<vmem>>) semaphore(%arg14 : memref<!tpu.dma_semaphore, #tpu.memory_space<semaphore_mem>>)
      %dma_wait3A = arith.constant 0 : i32
      %dma_wait3A_188 = arith.constant 0 : i32
      %dma_wait3A_189 = tpu.memref_slice %arg10[%dma_wait3A, %dma_wait3A_188] : memref<1024x16xf32, #tpu.memory_space<vmem>> -> memref<128x16xf32, #tpu.memory_space<vmem>>
      %dma_wait3A_190 = arith.constant 0 : i32
      %dma_wait3A_191 = tpu.memref_slice %arg8[%add3A_16, %dma_wait3A_190] : memref<104x128xi32, #tpu.memory_space<vmem>> -> memref<1x128xi32, #tpu.memory_space<vmem>>
      %dma_wait3A_192 = tpu.memref_squeeze %dma_wait3A_191 : memref<1x128xi32, #tpu.memory_space<vmem>> -> memref<128xi32, #tpu.memory_space<vmem>>
      %dma_wait3A_193 = arith.constant 0 : i32
      %dma_wait3A_194 = arith.constant 0 : i32
      %dma_wait3A_195 = tpu.memref_slice %arg4[%dma_wait3A_193, %dma_wait3A_194] : memref<1000064x16xf32, #tpu.memory_space<hbm>> -> memref<1000064x16xf32, #tpu.memory_space<hbm>>
      tpu.wait_indirect_dma semaphore(%arg13 : memref<!tpu.dma_semaphore, #tpu.memory_space<semaphore_mem>>) src(%dma_wait3A_195 : memref<1000064x16xf32, #tpu.memory_space<hbm>>) dst(%dma_wait3A_189 : memref<128x16xf32, #tpu.memory_space<vmem>>)
      %dma_wait3A_196 = arith.constant 0 : i32
      %dma_wait3A_197 = arith.constant 0 : i32
      %dma_wait3A_198 = tpu.memref_slice %arg11[%dma_wait3A_196, %dma_wait3A_197] : memref<1024x16xf32, #tpu.memory_space<vmem>> -> memref<128x16xf32, #tpu.memory_space<vmem>>
      %dma_wait3A_199 = arith.constant 0 : i32
      %dma_wait3A_200 = tpu.memref_slice %arg9[%add3A_16, %dma_wait3A_199] : memref<104x128xi32, #tpu.memory_space<vmem>> -> memref<1x128xi32, #tpu.memory_space<vmem>>
      %dma_wait3A_201 = tpu.memref_squeeze %dma_wait3A_200 : memref<1x128xi32, #tpu.memory_space<vmem>> -> memref<128xi32, #tpu.memory_space<vmem>>
      %dma_wait3A_202 = arith.constant 0 : i32
      %dma_wait3A_203 = arith.constant 0 : i32
      %dma_wait3A_204 = tpu.memref_slice %arg5[%dma_wait3A_202, %dma_wait3A_203] : memref<62504x16xf32, #tpu.memory_space<hbm>> -> memref<62504x16xf32, #tpu.memory_space<hbm>>
      tpu.wait_indirect_dma semaphore(%arg14 : memref<!tpu.dma_semaphore, #tpu.memory_space<semaphore_mem>>) src(%dma_wait3A_204 : memref<62504x16xf32, #tpu.memory_space<hbm>>) dst(%dma_wait3A_198 : memref<128x16xf32, #tpu.memory_space<vmem>>)
      %dma_wait3A_205 = arith.constant 128 : i32
      %dma_wait3A_206 = arith.constant 0 : i32
      %dma_wait3A_207 = tpu.memref_slice %arg10[%dma_wait3A_205, %dma_wait3A_206] : memref<1024x16xf32, #tpu.memory_space<vmem>> -> memref<128x16xf32, #tpu.memory_space<vmem>>
      %dma_wait3A_208 = arith.constant 0 : i32
      %dma_wait3A_209 = tpu.memref_slice %arg8[%add3A_37, %dma_wait3A_208] : memref<104x128xi32, #tpu.memory_space<vmem>> -> memref<1x128xi32, #tpu.memory_space<vmem>>
      %dma_wait3A_210 = tpu.memref_squeeze %dma_wait3A_209 : memref<1x128xi32, #tpu.memory_space<vmem>> -> memref<128xi32, #tpu.memory_space<vmem>>
      %dma_wait3A_211 = arith.constant 0 : i32
      %dma_wait3A_212 = arith.constant 0 : i32
      %dma_wait3A_213 = tpu.memref_slice %arg4[%dma_wait3A_211, %dma_wait3A_212] : memref<1000064x16xf32, #tpu.memory_space<hbm>> -> memref<1000064x16xf32, #tpu.memory_space<hbm>>
      tpu.wait_indirect_dma semaphore(%arg13 : memref<!tpu.dma_semaphore, #tpu.memory_space<semaphore_mem>>) src(%dma_wait3A_213 : memref<1000064x16xf32, #tpu.memory_space<hbm>>) dst(%dma_wait3A_207 : memref<128x16xf32, #tpu.memory_space<vmem>>)
      %dma_wait3A_214 = arith.constant 128 : i32
      %dma_wait3A_215 = arith.constant 0 : i32
      %dma_wait3A_216 = tpu.memref_slice %arg11[%dma_wait3A_214, %dma_wait3A_215] : memref<1024x16xf32, #tpu.memory_space<vmem>> -> memref<128x16xf32, #tpu.memory_space<vmem>>
      %dma_wait3A_217 = arith.constant 0 : i32
      %dma_wait3A_218 = tpu.memref_slice %arg9[%add3A_37, %dma_wait3A_217] : memref<104x128xi32, #tpu.memory_space<vmem>> -> memref<1x128xi32, #tpu.memory_space<vmem>>
      %dma_wait3A_219 = tpu.memref_squeeze %dma_wait3A_218 : memref<1x128xi32, #tpu.memory_space<vmem>> -> memref<128xi32, #tpu.memory_space<vmem>>
      %dma_wait3A_220 = arith.constant 0 : i32
      %dma_wait3A_221 = arith.constant 0 : i32
      %dma_wait3A_222 = tpu.memref_slice %arg5[%dma_wait3A_220, %dma_wait3A_221] : memref<62504x16xf32, #tpu.memory_space<hbm>> -> memref<62504x16xf32, #tpu.memory_space<hbm>>
      tpu.wait_indirect_dma semaphore(%arg14 : memref<!tpu.dma_semaphore, #tpu.memory_space<semaphore_mem>>) src(%dma_wait3A_222 : memref<62504x16xf32, #tpu.memory_space<hbm>>) dst(%dma_wait3A_216 : memref<128x16xf32, #tpu.memory_space<vmem>>)
      %dma_wait3A_223 = arith.constant 256 : i32
      %dma_wait3A_224 = arith.constant 0 : i32
      %dma_wait3A_225 = tpu.memref_slice %arg10[%dma_wait3A_223, %dma_wait3A_224] : memref<1024x16xf32, #tpu.memory_space<vmem>> -> memref<128x16xf32, #tpu.memory_space<vmem>>
      %dma_wait3A_226 = arith.constant 0 : i32
      %dma_wait3A_227 = tpu.memref_slice %arg8[%add3A_59, %dma_wait3A_226] : memref<104x128xi32, #tpu.memory_space<vmem>> -> memref<1x128xi32, #tpu.memory_space<vmem>>
      %dma_wait3A_228 = tpu.memref_squeeze %dma_wait3A_227 : memref<1x128xi32, #tpu.memory_space<vmem>> -> memref<128xi32, #tpu.memory_space<vmem>>
      %dma_wait3A_229 = arith.constant 0 : i32
      %dma_wait3A_230 = arith.constant 0 : i32
      %dma_wait3A_231 = tpu.memref_slice %arg4[%dma_wait3A_229, %dma_wait3A_230] : memref<1000064x16xf32, #tpu.memory_space<hbm>> -> memref<1000064x16xf32, #tpu.memory_space<hbm>>
      tpu.wait_indirect_dma semaphore(%arg13 : memref<!tpu.dma_semaphore, #tpu.memory_space<semaphore_mem>>) src(%dma_wait3A_231 : memref<1000064x16xf32, #tpu.memory_space<hbm>>) dst(%dma_wait3A_225 : memref<128x16xf32, #tpu.memory_space<vmem>>)
      %dma_wait3A_232 = arith.constant 256 : i32
      %dma_wait3A_233 = arith.constant 0 : i32
      %dma_wait3A_234 = tpu.memref_slice %arg11[%dma_wait3A_232, %dma_wait3A_233] : memref<1024x16xf32, #tpu.memory_space<vmem>> -> memref<128x16xf32, #tpu.memory_space<vmem>>
      %dma_wait3A_235 = arith.constant 0 : i32
      %dma_wait3A_236 = tpu.memref_slice %arg9[%add3A_59, %dma_wait3A_235] : memref<104x128xi32, #tpu.memory_space<vmem>> -> memref<1x128xi32, #tpu.memory_space<vmem>>
      %dma_wait3A_237 = tpu.memref_squeeze %dma_wait3A_236 : memref<1x128xi32, #tpu.memory_space<vmem>> -> memref<128xi32, #tpu.memory_space<vmem>>
      %dma_wait3A_238 = arith.constant 0 : i32
      %dma_wait3A_239 = arith.constant 0 : i32
      %dma_wait3A_240 = tpu.memref_slice %arg5[%dma_wait3A_238, %dma_wait3A_239] : memref<62504x16xf32, #tpu.memory_space<hbm>> -> memref<62504x16xf32, #tpu.memory_space<hbm>>
      tpu.wait_indirect_dma semaphore(%arg14 : memref<!tpu.dma_semaphore, #tpu.memory_space<semaphore_mem>>) src(%dma_wait3A_240 : memref<62504x16xf32, #tpu.memory_space<hbm>>) dst(%dma_wait3A_234 : memref<128x16xf32, #tpu.memory_space<vmem>>)
      %dma_wait3A_241 = arith.constant 384 : i32
      %dma_wait3A_242 = arith.constant 0 : i32
      %dma_wait3A_243 = tpu.memref_slice %arg10[%dma_wait3A_241, %dma_wait3A_242] : memref<1024x16xf32, #tpu.memory_space<vmem>> -> memref<128x16xf32, #tpu.memory_space<vmem>>
      %dma_wait3A_244 = arith.constant 0 : i32
      %dma_wait3A_245 = tpu.memref_slice %arg8[%add3A_81, %dma_wait3A_244] : memref<104x128xi32, #tpu.memory_space<vmem>> -> memref<1x128xi32, #tpu.memory_space<vmem>>
      %dma_wait3A_246 = tpu.memref_squeeze %dma_wait3A_245 : memref<1x128xi32, #tpu.memory_space<vmem>> -> memref<128xi32, #tpu.memory_space<vmem>>
      %dma_wait3A_247 = arith.constant 0 : i32
      %dma_wait3A_248 = arith.constant 0 : i32
      %dma_wait3A_249 = tpu.memref_slice %arg4[%dma_wait3A_247, %dma_wait3A_248] : memref<1000064x16xf32, #tpu.memory_space<hbm>> -> memref<1000064x16xf32, #tpu.memory_space<hbm>>
      tpu.wait_indirect_dma semaphore(%arg13 : memref<!tpu.dma_semaphore, #tpu.memory_space<semaphore_mem>>) src(%dma_wait3A_249 : memref<1000064x16xf32, #tpu.memory_space<hbm>>) dst(%dma_wait3A_243 : memref<128x16xf32, #tpu.memory_space<vmem>>)
      %dma_wait3A_250 = arith.constant 384 : i32
      %dma_wait3A_251 = arith.constant 0 : i32
      %dma_wait3A_252 = tpu.memref_slice %arg11[%dma_wait3A_250, %dma_wait3A_251] : memref<1024x16xf32, #tpu.memory_space<vmem>> -> memref<128x16xf32, #tpu.memory_space<vmem>>
      %dma_wait3A_253 = arith.constant 0 : i32
      %dma_wait3A_254 = tpu.memref_slice %arg9[%add3A_81, %dma_wait3A_253] : memref<104x128xi32, #tpu.memory_space<vmem>> -> memref<1x128xi32, #tpu.memory_space<vmem>>
      %dma_wait3A_255 = tpu.memref_squeeze %dma_wait3A_254 : memref<1x128xi32, #tpu.memory_space<vmem>> -> memref<128xi32, #tpu.memory_space<vmem>>
      %dma_wait3A_256 = arith.constant 0 : i32
      %dma_wait3A_257 = arith.constant 0 : i32
      %dma_wait3A_258 = tpu.memref_slice %arg5[%dma_wait3A_256, %dma_wait3A_257] : memref<62504x16xf32, #tpu.memory_space<hbm>> -> memref<62504x16xf32, #tpu.memory_space<hbm>>
      tpu.wait_indirect_dma semaphore(%arg14 : memref<!tpu.dma_semaphore, #tpu.memory_space<semaphore_mem>>) src(%dma_wait3A_258 : memref<62504x16xf32, #tpu.memory_space<hbm>>) dst(%dma_wait3A_252 : memref<128x16xf32, #tpu.memory_space<vmem>>)
      %dma_wait3A_259 = arith.constant 512 : i32
      %dma_wait3A_260 = arith.constant 0 : i32
      %dma_wait3A_261 = tpu.memref_slice %arg10[%dma_wait3A_259, %dma_wait3A_260] : memref<1024x16xf32, #tpu.memory_space<vmem>> -> memref<128x16xf32, #tpu.memory_space<vmem>>
      %dma_wait3A_262 = arith.constant 0 : i32
      %dma_wait3A_263 = tpu.memref_slice %arg8[%add3A_103, %dma_wait3A_262] : memref<104x128xi32, #tpu.memory_space<vmem>> -> memref<1x128xi32, #tpu.memory_space<vmem>>
      %dma_wait3A_264 = tpu.memref_squeeze %dma_wait3A_263 : memref<1x128xi32, #tpu.memory_space<vmem>> -> memref<128xi32, #tpu.memory_space<vmem>>
      %dma_wait3A_265 = arith.constant 0 : i32
      %dma_wait3A_266 = arith.constant 0 : i32
      %dma_wait3A_267 = tpu.memref_slice %arg4[%dma_wait3A_265, %dma_wait3A_266] : memref<1000064x16xf32, #tpu.memory_space<hbm>> -> memref<1000064x16xf32, #tpu.memory_space<hbm>>
      tpu.wait_indirect_dma semaphore(%arg13 : memref<!tpu.dma_semaphore, #tpu.memory_space<semaphore_mem>>) src(%dma_wait3A_267 : memref<1000064x16xf32, #tpu.memory_space<hbm>>) dst(%dma_wait3A_261 : memref<128x16xf32, #tpu.memory_space<vmem>>)
      %dma_wait3A_268 = arith.constant 512 : i32
      %dma_wait3A_269 = arith.constant 0 : i32
      %dma_wait3A_270 = tpu.memref_slice %arg11[%dma_wait3A_268, %dma_wait3A_269] : memref<1024x16xf32, #tpu.memory_space<vmem>> -> memref<128x16xf32, #tpu.memory_space<vmem>>
      %dma_wait3A_271 = arith.constant 0 : i32
      %dma_wait3A_272 = tpu.memref_slice %arg9[%add3A_103, %dma_wait3A_271] : memref<104x128xi32, #tpu.memory_space<vmem>> -> memref<1x128xi32, #tpu.memory_space<vmem>>
      %dma_wait3A_273 = tpu.memref_squeeze %dma_wait3A_272 : memref<1x128xi32, #tpu.memory_space<vmem>> -> memref<128xi32, #tpu.memory_space<vmem>>
      %dma_wait3A_274 = arith.constant 0 : i32
      %dma_wait3A_275 = arith.constant 0 : i32
      %dma_wait3A_276 = tpu.memref_slice %arg5[%dma_wait3A_274, %dma_wait3A_275] : memref<62504x16xf32, #tpu.memory_space<hbm>> -> memref<62504x16xf32, #tpu.memory_space<hbm>>
      tpu.wait_indirect_dma semaphore(%arg14 : memref<!tpu.dma_semaphore, #tpu.memory_space<semaphore_mem>>) src(%dma_wait3A_276 : memref<62504x16xf32, #tpu.memory_space<hbm>>) dst(%dma_wait3A_270 : memref<128x16xf32, #tpu.memory_space<vmem>>)
      %dma_wait3A_277 = arith.constant 640 : i32
      %dma_wait3A_278 = arith.constant 0 : i32
      %dma_wait3A_279 = tpu.memref_slice %arg10[%dma_wait3A_277, %dma_wait3A_278] : memref<1024x16xf32, #tpu.memory_space<vmem>> -> memref<128x16xf32, #tpu.memory_space<vmem>>
      %dma_wait3A_280 = arith.constant 0 : i32
      %dma_wait3A_281 = tpu.memref_slice %arg8[%add3A_125, %dma_wait3A_280] : memref<104x128xi32, #tpu.memory_space<vmem>> -> memref<1x128xi32, #tpu.memory_space<vmem>>
      %dma_wait3A_282 = tpu.memref_squeeze %dma_wait3A_281 : memref<1x128xi32, #tpu.memory_space<vmem>> -> memref<128xi32, #tpu.memory_space<vmem>>
      %dma_wait3A_283 = arith.constant 0 : i32
      %dma_wait3A_284 = arith.constant 0 : i32
      %dma_wait3A_285 = tpu.memref_slice %arg4[%dma_wait3A_283, %dma_wait3A_284] : memref<1000064x16xf32, #tpu.memory_space<hbm>> -> memref<1000064x16xf32, #tpu.memory_space<hbm>>
      tpu.wait_indirect_dma semaphore(%arg13 : memref<!tpu.dma_semaphore, #tpu.memory_space<semaphore_mem>>) src(%dma_wait3A_285 : memref<1000064x16xf32, #tpu.memory_space<hbm>>) dst(%dma_wait3A_279 : memref<128x16xf32, #tpu.memory_space<vmem>>)
      %dma_wait3A_286 = arith.constant 640 : i32
      %dma_wait3A_287 = arith.constant 0 : i32
      %dma_wait3A_288 = tpu.memref_slice %arg11[%dma_wait3A_286, %dma_wait3A_287] : memref<1024x16xf32, #tpu.memory_space<vmem>> -> memref<128x16xf32, #tpu.memory_space<vmem>>
      %dma_wait3A_289 = arith.constant 0 : i32
      %dma_wait3A_290 = tpu.memref_slice %arg9[%add3A_125, %dma_wait3A_289] : memref<104x128xi32, #tpu.memory_space<vmem>> -> memref<1x128xi32, #tpu.memory_space<vmem>>
      %dma_wait3A_291 = tpu.memref_squeeze %dma_wait3A_290 : memref<1x128xi32, #tpu.memory_space<vmem>> -> memref<128xi32, #tpu.memory_space<vmem>>
      %dma_wait3A_292 = arith.constant 0 : i32
      %dma_wait3A_293 = arith.constant 0 : i32
      %dma_wait3A_294 = tpu.memref_slice %arg5[%dma_wait3A_292, %dma_wait3A_293] : memref<62504x16xf32, #tpu.memory_space<hbm>> -> memref<62504x16xf32, #tpu.memory_space<hbm>>
      tpu.wait_indirect_dma semaphore(%arg14 : memref<!tpu.dma_semaphore, #tpu.memory_space<semaphore_mem>>) src(%dma_wait3A_294 : memref<62504x16xf32, #tpu.memory_space<hbm>>) dst(%dma_wait3A_288 : memref<128x16xf32, #tpu.memory_space<vmem>>)
      %dma_wait3A_295 = arith.constant 768 : i32
      %dma_wait3A_296 = arith.constant 0 : i32
      %dma_wait3A_297 = tpu.memref_slice %arg10[%dma_wait3A_295, %dma_wait3A_296] : memref<1024x16xf32, #tpu.memory_space<vmem>> -> memref<128x16xf32, #tpu.memory_space<vmem>>
      %dma_wait3A_298 = arith.constant 0 : i32
      %dma_wait3A_299 = tpu.memref_slice %arg8[%add3A_147, %dma_wait3A_298] : memref<104x128xi32, #tpu.memory_space<vmem>> -> memref<1x128xi32, #tpu.memory_space<vmem>>
      %dma_wait3A_300 = tpu.memref_squeeze %dma_wait3A_299 : memref<1x128xi32, #tpu.memory_space<vmem>> -> memref<128xi32, #tpu.memory_space<vmem>>
      %dma_wait3A_301 = arith.constant 0 : i32
      %dma_wait3A_302 = arith.constant 0 : i32
      %dma_wait3A_303 = tpu.memref_slice %arg4[%dma_wait3A_301, %dma_wait3A_302] : memref<1000064x16xf32, #tpu.memory_space<hbm>> -> memref<1000064x16xf32, #tpu.memory_space<hbm>>
      tpu.wait_indirect_dma semaphore(%arg13 : memref<!tpu.dma_semaphore, #tpu.memory_space<semaphore_mem>>) src(%dma_wait3A_303 : memref<1000064x16xf32, #tpu.memory_space<hbm>>) dst(%dma_wait3A_297 : memref<128x16xf32, #tpu.memory_space<vmem>>)
      %dma_wait3A_304 = arith.constant 768 : i32
      %dma_wait3A_305 = arith.constant 0 : i32
      %dma_wait3A_306 = tpu.memref_slice %arg11[%dma_wait3A_304, %dma_wait3A_305] : memref<1024x16xf32, #tpu.memory_space<vmem>> -> memref<128x16xf32, #tpu.memory_space<vmem>>
      %dma_wait3A_307 = arith.constant 0 : i32
      %dma_wait3A_308 = tpu.memref_slice %arg9[%add3A_147, %dma_wait3A_307] : memref<104x128xi32, #tpu.memory_space<vmem>> -> memref<1x128xi32, #tpu.memory_space<vmem>>
      %dma_wait3A_309 = tpu.memref_squeeze %dma_wait3A_308 : memref<1x128xi32, #tpu.memory_space<vmem>> -> memref<128xi32, #tpu.memory_space<vmem>>
      %dma_wait3A_310 = arith.constant 0 : i32
      %dma_wait3A_311 = arith.constant 0 : i32
      %dma_wait3A_312 = tpu.memref_slice %arg5[%dma_wait3A_310, %dma_wait3A_311] : memref<62504x16xf32, #tpu.memory_space<hbm>> -> memref<62504x16xf32, #tpu.memory_space<hbm>>
      tpu.wait_indirect_dma semaphore(%arg14 : memref<!tpu.dma_semaphore, #tpu.memory_space<semaphore_mem>>) src(%dma_wait3A_312 : memref<62504x16xf32, #tpu.memory_space<hbm>>) dst(%dma_wait3A_306 : memref<128x16xf32, #tpu.memory_space<vmem>>)
      %dma_wait3A_313 = arith.constant 896 : i32
      %dma_wait3A_314 = arith.constant 0 : i32
      %dma_wait3A_315 = tpu.memref_slice %arg10[%dma_wait3A_313, %dma_wait3A_314] : memref<1024x16xf32, #tpu.memory_space<vmem>> -> memref<128x16xf32, #tpu.memory_space<vmem>>
      %dma_wait3A_316 = arith.constant 0 : i32
      %dma_wait3A_317 = tpu.memref_slice %arg8[%add3A_169, %dma_wait3A_316] : memref<104x128xi32, #tpu.memory_space<vmem>> -> memref<1x128xi32, #tpu.memory_space<vmem>>
      %dma_wait3A_318 = tpu.memref_squeeze %dma_wait3A_317 : memref<1x128xi32, #tpu.memory_space<vmem>> -> memref<128xi32, #tpu.memory_space<vmem>>
      %dma_wait3A_319 = arith.constant 0 : i32
      %dma_wait3A_320 = arith.constant 0 : i32
      %dma_wait3A_321 = tpu.memref_slice %arg4[%dma_wait3A_319, %dma_wait3A_320] : memref<1000064x16xf32, #tpu.memory_space<hbm>> -> memref<1000064x16xf32, #tpu.memory_space<hbm>>
      tpu.wait_indirect_dma semaphore(%arg13 : memref<!tpu.dma_semaphore, #tpu.memory_space<semaphore_mem>>) src(%dma_wait3A_321 : memref<1000064x16xf32, #tpu.memory_space<hbm>>) dst(%dma_wait3A_315 : memref<128x16xf32, #tpu.memory_space<vmem>>)
      %dma_wait3A_322 = arith.constant 896 : i32
      %dma_wait3A_323 = arith.constant 0 : i32
      %dma_wait3A_324 = tpu.memref_slice %arg11[%dma_wait3A_322, %dma_wait3A_323] : memref<1024x16xf32, #tpu.memory_space<vmem>> -> memref<128x16xf32, #tpu.memory_space<vmem>>
      %dma_wait3A_325 = arith.constant 0 : i32
      %dma_wait3A_326 = tpu.memref_slice %arg9[%add3A_169, %dma_wait3A_325] : memref<104x128xi32, #tpu.memory_space<vmem>> -> memref<1x128xi32, #tpu.memory_space<vmem>>
      %dma_wait3A_327 = tpu.memref_squeeze %dma_wait3A_326 : memref<1x128xi32, #tpu.memory_space<vmem>> -> memref<128xi32, #tpu.memory_space<vmem>>
      %dma_wait3A_328 = arith.constant 0 : i32
      %dma_wait3A_329 = arith.constant 0 : i32
      %dma_wait3A_330 = tpu.memref_slice %arg5[%dma_wait3A_328, %dma_wait3A_329] : memref<62504x16xf32, #tpu.memory_space<hbm>> -> memref<62504x16xf32, #tpu.memory_space<hbm>>
      tpu.wait_indirect_dma semaphore(%arg14 : memref<!tpu.dma_semaphore, #tpu.memory_space<semaphore_mem>>) src(%dma_wait3A_330 : memref<62504x16xf32, #tpu.memory_space<hbm>>) dst(%dma_wait3A_324 : memref<128x16xf32, #tpu.memory_space<vmem>>)
      %mul3A_331 = arith.constant 8 : i32
      %mul3A_332 = arith.muli %scan3A_11, %mul3A_331 : i32
      %add3A_333 = arith.constant 0 : i32
      %add3A_334 = arith.addi %mul3A_332, %add3A_333 : i32
      %get3A = arith.index_cast %add3A_334 : i32 to index
      %get3A_335 = arith.constant 0 : index
      %get3A_336 = tpu.vector_load %arg8[%get3A, %get3A_335] {strides = array<i32>} : memref<104x128xi32, #tpu.memory_space<vmem>>, vector<16xi32>,
      %and3A = arith.constant 15 : i32
      %and3A_337 = vector.broadcast %and3A : i32 to vector<16xi32>
      %and3A_338 = arith.andi %get3A_336, %and3A_337 : vector<16xi32>
      %iota3A = tpu.iota {dimensions = array<i32: 0>} : vector<16xi32>
      %add3A_339 = arith.constant 0 : i32
      %add3A_340 = vector.broadcast %add3A_339 : i32 to vector<16xi32>
      %add3A_341 = arith.addi %iota3A, %add3A_340 : vector<16xi32>
      %gather3A = tpu.vector_load_idx %arg11[%add3A_341, %and3A_338] : memref<1024x16xf32, #tpu.memory_space<vmem>>[vector<16xi32>, vector<16xi32>], vector<16xf32>,
      %swap3A = arith.constant 0 : index
      %swap3A_342 = tpu.vector_load %arg12[%swap3A] {strides = array<i32>} : memref<1024xf32, #tpu.memory_space<vmem>>, vector<16xf32>,
      tpu.vector_store %arg12[%swap3A], %gather3A {strides = array<i32>} : memref<1024xf32, #tpu.memory_space<vmem>>, vector<16xf32>,
      %get3A_343 = arith.index_cast %add3A_334 : i32 to index
      %get3A_344 = arith.constant 16 : index
      %get3A_345 = tpu.vector_load %arg8[%get3A_343, %get3A_344] {strides = array<i32>} : memref<104x128xi32, #tpu.memory_space<vmem>>, vector<16xi32>,
      %and3A_346 = arith.constant 15 : i32
      %and3A_347 = vector.broadcast %and3A_346 : i32 to vector<16xi32>
      %and3A_348 = arith.andi %get3A_345, %and3A_347 : vector<16xi32>
      %iota3A_349 = tpu.iota {dimensions = array<i32: 0>} : vector<16xi32>
      %add3A_350 = arith.constant 16 : i32
      %add3A_351 = vector.broadcast %add3A_350 : i32 to vector<16xi32>
      %add3A_352 = arith.addi %iota3A_349, %add3A_351 : vector<16xi32>
      %gather3A_353 = tpu.vector_load_idx %arg11[%add3A_352, %and3A_348] : memref<1024x16xf32, #tpu.memory_space<vmem>>[vector<16xi32>, vector<16xi32>], vector<16xf32>,
      %swap3A_354 = arith.constant 16 : index
      %swap3A_355 = tpu.vector_load %arg12[%swap3A_354] {strides = array<i32>} : memref<1024xf32, #tpu.memory_space<vmem>>, vector<16xf32>,
      tpu.vector_store %arg12[%swap3A_354], %gather3A_353 {strides = array<i32>} : memref<1024xf32, #tpu.memory_space<vmem>>, vector<16xf32>,
      %get3A_356 = arith.index_cast %add3A_334 : i32 to index
      %get3A_357 = arith.constant 32 : index
      %get3A_358 = tpu.vector_load %arg8[%get3A_356, %get3A_357] {strides = array<i32>} : memref<104x128xi32, #tpu.memory_space<vmem>>, vector<16xi32>,
      %and3A_359 = arith.constant 15 : i32
      %and3A_360 = vector.broadcast %and3A_359 : i32 to vector<16xi32>
      %and3A_361 = arith.andi %get3A_358, %and3A_360 : vector<16xi32>
      %iota3A_362 = tpu.iota {dimensions = array<i32: 0>} : vector<16xi32>
      %add3A_363 = arith.constant 32 : i32
      %add3A_364 = vector.broadcast %add3A_363 : i32 to vector<16xi32>
      %add3A_365 = arith.addi %iota3A_362, %add3A_364 : vector<16xi32>
      %gather3A_366 = tpu.vector_load_idx %arg11[%add3A_365, %and3A_361] : memref<1024x16xf32, #tpu.memory_space<vmem>>[vector<16xi32>, vector<16xi32>], vector<16xf32>,
      %swap3A_367 = arith.constant 32 : index
      %swap3A_368 = tpu.vector_load %arg12[%swap3A_367] {strides = array<i32>} : memref<1024xf32, #tpu.memory_space<vmem>>, vector<16xf32>,
      tpu.vector_store %arg12[%swap3A_367], %gather3A_366 {strides = array<i32>} : memref<1024xf32, #tpu.memory_space<vmem>>, vector<16xf32>,
      %get3A_369 = arith.index_cast %add3A_334 : i32 to index
      %get3A_370 = arith.constant 48 : index
      %get3A_371 = tpu.vector_load %arg8[%get3A_369, %get3A_370] {strides = array<i32>} : memref<104x128xi32, #tpu.memory_space<vmem>>, vector<16xi32>,
      %and3A_372 = arith.constant 15 : i32
      %and3A_373 = vector.broadcast %and3A_372 : i32 to vector<16xi32>
      %and3A_374 = arith.andi %get3A_371, %and3A_373 : vector<16xi32>
      %iota3A_375 = tpu.iota {dimensions = array<i32: 0>} : vector<16xi32>
      %add3A_376 = arith.constant 48 : i32
      %add3A_377 = vector.broadcast %add3A_376 : i32 to vector<16xi32>
      %add3A_378 = arith.addi %iota3A_375, %add3A_377 : vector<16xi32>
      %gather3A_379 = tpu.vector_load_idx %arg11[%add3A_378, %and3A_374] : memref<1024x16xf32, #tpu.memory_space<vmem>>[vector<16xi32>, vector<16xi32>], vector<16xf32>,
      %swap3A_380 = arith.constant 48 : index
      %swap3A_381 = tpu.vector_load %arg12[%swap3A_380] {strides = array<i32>} : memref<1024xf32, #tpu.memory_space<vmem>>, vector<16xf32>,
      tpu.vector_store %arg12[%swap3A_380], %gather3A_379 {strides = array<i32>} : memref<1024xf32, #tpu.memory_space<vmem>>, vector<16xf32>,
      %get3A_382 = arith.index_cast %add3A_334 : i32 to index
      %get3A_383 = arith.constant 64 : index
      %get3A_384 = tpu.vector_load %arg8[%get3A_382, %get3A_383] {strides = array<i32>} : memref<104x128xi32, #tpu.memory_space<vmem>>, vector<16xi32>,
      %and3A_385 = arith.constant 15 : i32
      %and3A_386 = vector.broadcast %and3A_385 : i32 to vector<16xi32>
      %and3A_387 = arith.andi %get3A_384, %and3A_386 : vector<16xi32>
      %iota3A_388 = tpu.iota {dimensions = array<i32: 0>} : vector<16xi32>
      %add3A_389 = arith.constant 64 : i32
      %add3A_390 = vector.broadcast %add3A_389 : i32 to vector<16xi32>
      %add3A_391 = arith.addi %iota3A_388, %add3A_390 : vector<16xi32>
      %gather3A_392 = tpu.vector_load_idx %arg11[%add3A_391, %and3A_387] : memref<1024x16xf32, #tpu.memory_space<vmem>>[vector<16xi32>, vector<16xi32>], vector<16xf32>,
      %swap3A_393 = arith.constant 64 : index
      %swap3A_394 = tpu.vector_load %arg12[%swap3A_393] {strides = array<i32>} : memref<1024xf32, #tpu.memory_space<vmem>>, vector<16xf32>,
      tpu.vector_store %arg12[%swap3A_393], %gather3A_392 {strides = array<i32>} : memref<1024xf32, #tpu.memory_space<vmem>>, vector<16xf32>,
      %get3A_395 = arith.index_cast %add3A_334 : i32 to index
      %get3A_396 = arith.constant 80 : index
      %get3A_397 = tpu.vector_load %arg8[%get3A_395, %get3A_396] {strides = array<i32>} : memref<104x128xi32, #tpu.memory_space<vmem>>, vector<16xi32>,
      %and3A_398 = arith.constant 15 : i32
      %and3A_399 = vector.broadcast %and3A_398 : i32 to vector<16xi32>
      %and3A_400 = arith.andi %get3A_397, %and3A_399 : vector<16xi32>
      %iota3A_401 = tpu.iota {dimensions = array<i32: 0>} : vector<16xi32>
      %add3A_402 = arith.constant 80 : i32
      %add3A_403 = vector.broadcast %add3A_402 : i32 to vector<16xi32>
      %add3A_404 = arith.addi %iota3A_401, %add3A_403 : vector<16xi32>
      %gather3A_405 = tpu.vector_load_idx %arg11[%add3A_404, %and3A_400] : memref<1024x16xf32, #tpu.memory_space<vmem>>[vector<16xi32>, vector<16xi32>], vector<16xf32>,
      %swap3A_406 = arith.constant 80 : index
      %swap3A_407 = tpu.vector_load %arg12[%swap3A_406] {strides = array<i32>} : memref<1024xf32, #tpu.memory_space<vmem>>, vector<16xf32>,
      tpu.vector_store %arg12[%swap3A_406], %gather3A_405 {strides = array<i32>} : memref<1024xf32, #tpu.memory_space<vmem>>, vector<16xf32>,
      %get3A_408 = arith.index_cast %add3A_334 : i32 to index
      %get3A_409 = arith.constant 96 : index
      %get3A_410 = tpu.vector_load %arg8[%get3A_408, %get3A_409] {strides = array<i32>} : memref<104x128xi32, #tpu.memory_space<vmem>>, vector<16xi32>,
      %and3A_411 = arith.constant 15 : i32
      %and3A_412 = vector.broadcast %and3A_411 : i32 to vector<16xi32>
      %and3A_413 = arith.andi %get3A_410, %and3A_412 : vector<16xi32>
      %iota3A_414 = tpu.iota {dimensions = array<i32: 0>} : vector<16xi32>
      %add3A_415 = arith.constant 96 : i32
      %add3A_416 = vector.broadcast %add3A_415 : i32 to vector<16xi32>
      %add3A_417 = arith.addi %iota3A_414, %add3A_416 : vector<16xi32>
      %gather3A_418 = tpu.vector_load_idx %arg11[%add3A_417, %and3A_413] : memref<1024x16xf32, #tpu.memory_space<vmem>>[vector<16xi32>, vector<16xi32>], vector<16xf32>,
      %swap3A_419 = arith.constant 96 : index
      %swap3A_420 = tpu.vector_load %arg12[%swap3A_419] {strides = array<i32>} : memref<1024xf32, #tpu.memory_space<vmem>>, vector<16xf32>,
      tpu.vector_store %arg12[%swap3A_419], %gather3A_418 {strides = array<i32>} : memref<1024xf32, #tpu.memory_space<vmem>>, vector<16xf32>,
      %get3A_421 = arith.index_cast %add3A_334 : i32 to index
      %get3A_422 = arith.constant 112 : index
      %get3A_423 = tpu.vector_load %arg8[%get3A_421, %get3A_422] {strides = array<i32>} : memref<104x128xi32, #tpu.memory_space<vmem>>, vector<16xi32>,
      %and3A_424 = arith.constant 15 : i32
      %and3A_425 = vector.broadcast %and3A_424 : i32 to vector<16xi32>
      %and3A_426 = arith.andi %get3A_423, %and3A_425 : vector<16xi32>
      %iota3A_427 = tpu.iota {dimensions = array<i32: 0>} : vector<16xi32>
      %add3A_428 = arith.constant 112 : i32
      %add3A_429 = vector.broadcast %add3A_428 : i32 to vector<16xi32>
      %add3A_430 = arith.addi %iota3A_427, %add3A_429 : vector<16xi32>
      %gather3A_431 = tpu.vector_load_idx %arg11[%add3A_430, %and3A_426] : memref<1024x16xf32, #tpu.memory_space<vmem>>[vector<16xi32>, vector<16xi32>], vector<16xf32>,
      %swap3A_432 = arith.constant 112 : index
      %swap3A_433 = tpu.vector_load %arg12[%swap3A_432] {strides = array<i32>} : memref<1024xf32, #tpu.memory_space<vmem>>, vector<16xf32>,
      tpu.vector_store %arg12[%swap3A_432], %gather3A_431 {strides = array<i32>} : memref<1024xf32, #tpu.memory_space<vmem>>, vector<16xf32>,
      %mul3A_434 = arith.constant 8 : i32
      %mul3A_435 = arith.muli %scan3A_11, %mul3A_434 : i32
      %add3A_436 = arith.constant 1 : i32
      %add3A_437 = arith.addi %mul3A_435, %add3A_436 : i32
      %get3A_438 = arith.index_cast %add3A_437 : i32 to index
      %get3A_439 = arith.constant 0 : index
      %get3A_440 = tpu.vector_load %arg8[%get3A_438, %get3A_439] {strides = array<i32>} : memref<104x128xi32, #tpu.memory_space<vmem>>, vector<16xi32>,
      %and3A_441 = arith.constant 15 : i32
      %and3A_442 = vector.broadcast %and3A_441 : i32 to vector<16xi32>
      %and3A_443 = arith.andi %get3A_440, %and3A_442 : vector<16xi32>
      %iota3A_444 = tpu.iota {dimensions = array<i32: 0>} : vector<16xi32>
      %add3A_445 = arith.constant 128 : i32
      %add3A_446 = vector.broadcast %add3A_445 : i32 to vector<16xi32>
      %add3A_447 = arith.addi %iota3A_444, %add3A_446 : vector<16xi32>
      %gather3A_448 = tpu.vector_load_idx %arg11[%add3A_447, %and3A_443] : memref<1024x16xf32, #tpu.memory_space<vmem>>[vector<16xi32>, vector<16xi32>], vector<16xf32>,
      %swap3A_449 = arith.constant 128 : index
      %swap3A_450 = tpu.vector_load %arg12[%swap3A_449] {strides = array<i32>} : memref<1024xf32, #tpu.memory_space<vmem>>, vector<16xf32>,
      tpu.vector_store %arg12[%swap3A_449], %gather3A_448 {strides = array<i32>} : memref<1024xf32, #tpu.memory_space<vmem>>, vector<16xf32>,
      %get3A_451 = arith.index_cast %add3A_437 : i32 to index
      %get3A_452 = arith.constant 16 : index
      %get3A_453 = tpu.vector_load %arg8[%get3A_451, %get3A_452] {strides = array<i32>} : memref<104x128xi32, #tpu.memory_space<vmem>>, vector<16xi32>,
      %and3A_454 = arith.constant 15 : i32
      %and3A_455 = vector.broadcast %and3A_454 : i32 to vector<16xi32>
      %and3A_456 = arith.andi %get3A_453, %and3A_455 : vector<16xi32>
      %iota3A_457 = tpu.iota {dimensions = array<i32: 0>} : vector<16xi32>
      %add3A_458 = arith.constant 144 : i32
      %add3A_459 = vector.broadcast %add3A_458 : i32 to vector<16xi32>
      %add3A_460 = arith.addi %iota3A_457, %add3A_459 : vector<16xi32>
      %gather3A_461 = tpu.vector_load_idx %arg11[%add3A_460, %and3A_456] : memref<1024x16xf32, #tpu.memory_space<vmem>>[vector<16xi32>, vector<16xi32>], vector<16xf32>,
      %swap3A_462 = arith.constant 144 : index
      %swap3A_463 = tpu.vector_load %arg12[%swap3A_462] {strides = array<i32>} : memref<1024xf32, #tpu.memory_space<vmem>>, vector<16xf32>,
      tpu.vector_store %arg12[%swap3A_462], %gather3A_461 {strides = array<i32>} : memref<1024xf32, #tpu.memory_space<vmem>>, vector<16xf32>,
      %get3A_464 = arith.index_cast %add3A_437 : i32 to index
      %get3A_465 = arith.constant 32 : index
      %get3A_466 = tpu.vector_load %arg8[%get3A_464, %get3A_465] {strides = array<i32>} : memref<104x128xi32, #tpu.memory_space<vmem>>, vector<16xi32>,
      %and3A_467 = arith.constant 15 : i32
      %and3A_468 = vector.broadcast %and3A_467 : i32 to vector<16xi32>
      %and3A_469 = arith.andi %get3A_466, %and3A_468 : vector<16xi32>
      %iota3A_470 = tpu.iota {dimensions = array<i32: 0>} : vector<16xi32>
      %add3A_471 = arith.constant 160 : i32
      %add3A_472 = vector.broadcast %add3A_471 : i32 to vector<16xi32>
      %add3A_473 = arith.addi %iota3A_470, %add3A_472 : vector<16xi32>
      %gather3A_474 = tpu.vector_load_idx %arg11[%add3A_473, %and3A_469] : memref<1024x16xf32, #tpu.memory_space<vmem>>[vector<16xi32>, vector<16xi32>], vector<16xf32>,
      %swap3A_475 = arith.constant 160 : index
      %swap3A_476 = tpu.vector_load %arg12[%swap3A_475] {strides = array<i32>} : memref<1024xf32, #tpu.memory_space<vmem>>, vector<16xf32>,
      tpu.vector_store %arg12[%swap3A_475], %gather3A_474 {strides = array<i32>} : memref<1024xf32, #tpu.memory_space<vmem>>, vector<16xf32>,
      %get3A_477 = arith.index_cast %add3A_437 : i32 to index
      %get3A_478 = arith.constant 48 : index
      %get3A_479 = tpu.vector_load %arg8[%get3A_477, %get3A_478] {strides = array<i32>} : memref<104x128xi32, #tpu.memory_space<vmem>>, vector<16xi32>,
      %and3A_480 = arith.constant 15 : i32
      %and3A_481 = vector.broadcast %and3A_480 : i32 to vector<16xi32>
      %and3A_482 = arith.andi %get3A_479, %and3A_481 : vector<16xi32>
      %iota3A_483 = tpu.iota {dimensions = array<i32: 0>} : vector<16xi32>
      %add3A_484 = arith.constant 176 : i32
      %add3A_485 = vector.broadcast %add3A_484 : i32 to vector<16xi32>
      %add3A_486 = arith.addi %iota3A_483, %add3A_485 : vector<16xi32>
      %gather3A_487 = tpu.vector_load_idx %arg11[%add3A_486, %and3A_482] : memref<1024x16xf32, #tpu.memory_space<vmem>>[vector<16xi32>, vector<16xi32>], vector<16xf32>,
      %swap3A_488 = arith.constant 176 : index
      %swap3A_489 = tpu.vector_load %arg12[%swap3A_488] {strides = array<i32>} : memref<1024xf32, #tpu.memory_space<vmem>>, vector<16xf32>,
      tpu.vector_store %arg12[%swap3A_488], %gather3A_487 {strides = array<i32>} : memref<1024xf32, #tpu.memory_space<vmem>>, vector<16xf32>,
      %get3A_490 = arith.index_cast %add3A_437 : i32 to index
      %get3A_491 = arith.constant 64 : index
      %get3A_492 = tpu.vector_load %arg8[%get3A_490, %get3A_491] {strides = array<i32>} : memref<104x128xi32, #tpu.memory_space<vmem>>, vector<16xi32>,
      %and3A_493 = arith.constant 15 : i32
      %and3A_494 = vector.broadcast %and3A_493 : i32 to vector<16xi32>
      %and3A_495 = arith.andi %get3A_492, %and3A_494 : vector<16xi32>
      %iota3A_496 = tpu.iota {dimensions = array<i32: 0>} : vector<16xi32>
      %add3A_497 = arith.constant 192 : i32
      %add3A_498 = vector.broadcast %add3A_497 : i32 to vector<16xi32>
      %add3A_499 = arith.addi %iota3A_496, %add3A_498 : vector<16xi32>
      %gather3A_500 = tpu.vector_load_idx %arg11[%add3A_499, %and3A_495] : memref<1024x16xf32, #tpu.memory_space<vmem>>[vector<16xi32>, vector<16xi32>], vector<16xf32>,
      %swap3A_501 = arith.constant 192 : index
      %swap3A_502 = tpu.vector_load %arg12[%swap3A_501] {strides = array<i32>} : memref<1024xf32, #tpu.memory_space<vmem>>, vector<16xf32>,
      tpu.vector_store %arg12[%swap3A_501], %gather3A_500 {strides = array<i32>} : memref<1024xf32, #tpu.memory_space<vmem>>, vector<16xf32>,
      %get3A_503 = arith.index_cast %add3A_437 : i32 to index
      %get3A_504 = arith.constant 80 : index
      %get3A_505 = tpu.vector_load %arg8[%get3A_503, %get3A_504] {strides = array<i32>} : memref<104x128xi32, #tpu.memory_space<vmem>>, vector<16xi32>,
      %and3A_506 = arith.constant 15 : i32
      %and3A_507 = vector.broadcast %and3A_506 : i32 to vector<16xi32>
      %and3A_508 = arith.andi %get3A_505, %and3A_507 : vector<16xi32>
      %iota3A_509 = tpu.iota {dimensions = array<i32: 0>} : vector<16xi32>
      %add3A_510 = arith.constant 208 : i32
      %add3A_511 = vector.broadcast %add3A_510 : i32 to vector<16xi32>
      %add3A_512 = arith.addi %iota3A_509, %add3A_511 : vector<16xi32>
      %gather3A_513 = tpu.vector_load_idx %arg11[%add3A_512, %and3A_508] : memref<1024x16xf32, #tpu.memory_space<vmem>>[vector<16xi32>, vector<16xi32>], vector<16xf32>,
      %swap3A_514 = arith.constant 208 : index
      %swap3A_515 = tpu.vector_load %arg12[%swap3A_514] {strides = array<i32>} : memref<1024xf32, #tpu.memory_space<vmem>>, vector<16xf32>,
      tpu.vector_store %arg12[%swap3A_514], %gather3A_513 {strides = array<i32>} : memref<1024xf32, #tpu.memory_space<vmem>>, vector<16xf32>,
      %get3A_516 = arith.index_cast %add3A_437 : i32 to index
      %get3A_517 = arith.constant 96 : index
      %get3A_518 = tpu.vector_load %arg8[%get3A_516, %get3A_517] {strides = array<i32>} : memref<104x128xi32, #tpu.memory_space<vmem>>, vector<16xi32>,
      %and3A_519 = arith.constant 15 : i32
      %and3A_520 = vector.broadcast %and3A_519 : i32 to vector<16xi32>
      %and3A_521 = arith.andi %get3A_518, %and3A_520 : vector<16xi32>
      %iota3A_522 = tpu.iota {dimensions = array<i32: 0>} : vector<16xi32>
      %add3A_523 = arith.constant 224 : i32
      %add3A_524 = vector.broadcast %add3A_523 : i32 to vector<16xi32>
      %add3A_525 = arith.addi %iota3A_522, %add3A_524 : vector<16xi32>
      %gather3A_526 = tpu.vector_load_idx %arg11[%add3A_525, %and3A_521] : memref<1024x16xf32, #tpu.memory_space<vmem>>[vector<16xi32>, vector<16xi32>], vector<16xf32>,
      %swap3A_527 = arith.constant 224 : index
      %swap3A_528 = tpu.vector_load %arg12[%swap3A_527] {strides = array<i32>} : memref<1024xf32, #tpu.memory_space<vmem>>, vector<16xf32>,
      tpu.vector_store %arg12[%swap3A_527], %gather3A_526 {strides = array<i32>} : memref<1024xf32, #tpu.memory_space<vmem>>, vector<16xf32>,
      %get3A_529 = arith.index_cast %add3A_437 : i32 to index
      %get3A_530 = arith.constant 112 : index
      %get3A_531 = tpu.vector_load %arg8[%get3A_529, %get3A_530] {strides = array<i32>} : memref<104x128xi32, #tpu.memory_space<vmem>>, vector<16xi32>,
      %and3A_532 = arith.constant 15 : i32
      %and3A_533 = vector.broadcast %and3A_532 : i32 to vector<16xi32>
      %and3A_534 = arith.andi %get3A_531, %and3A_533 : vector<16xi32>
      %iota3A_535 = tpu.iota {dimensions = array<i32: 0>} : vector<16xi32>
      %add3A_536 = arith.constant 240 : i32
      %add3A_537 = vector.broadcast %add3A_536 : i32 to vector<16xi32>
      %add3A_538 = arith.addi %iota3A_535, %add3A_537 : vector<16xi32>
      %gather3A_539 = tpu.vector_load_idx %arg11[%add3A_538, %and3A_534] : memref<1024x16xf32, #tpu.memory_space<vmem>>[vector<16xi32>, vector<16xi32>], vector<16xf32>,
      %swap3A_540 = arith.constant 240 : index
      %swap3A_541 = tpu.vector_load %arg12[%swap3A_540] {strides = array<i32>} : memref<1024xf32, #tpu.memory_space<vmem>>, vector<16xf32>,
      tpu.vector_store %arg12[%swap3A_540], %gather3A_539 {strides = array<i32>} : memref<1024xf32, #tpu.memory_space<vmem>>, vector<16xf32>,
      %mul3A_542 = arith.constant 8 : i32
      %mul3A_543 = arith.muli %scan3A_11, %mul3A_542 : i32
      %add3A_544 = arith.constant 2 : i32
      %add3A_545 = arith.addi %mul3A_543, %add3A_544 : i32
      %get3A_546 = arith.index_cast %add3A_545 : i32 to index
      %get3A_547 = arith.constant 0 : index
      %get3A_548 = tpu.vector_load %arg8[%get3A_546, %get3A_547] {strides = array<i32>} : memref<104x128xi32, #tpu.memory_space<vmem>>, vector<16xi32>,
      %and3A_549 = arith.constant 15 : i32
      %and3A_550 = vector.broadcast %and3A_549 : i32 to vector<16xi32>
      %and3A_551 = arith.andi %get3A_548, %and3A_550 : vector<16xi32>
      %iota3A_552 = tpu.iota {dimensions = array<i32: 0>} : vector<16xi32>
      %add3A_553 = arith.constant 256 : i32
      %add3A_554 = vector.broadcast %add3A_553 : i32 to vector<16xi32>
      %add3A_555 = arith.addi %iota3A_552, %add3A_554 : vector<16xi32>
      %gather3A_556 = tpu.vector_load_idx %arg11[%add3A_555, %and3A_551] : memref<1024x16xf32, #tpu.memory_space<vmem>>[vector<16xi32>, vector<16xi32>], vector<16xf32>,
      %swap3A_557 = arith.constant 256 : index
      %swap3A_558 = tpu.vector_load %arg12[%swap3A_557] {strides = array<i32>} : memref<1024xf32, #tpu.memory_space<vmem>>, vector<16xf32>,
      tpu.vector_store %arg12[%swap3A_557], %gather3A_556 {strides = array<i32>} : memref<1024xf32, #tpu.memory_space<vmem>>, vector<16xf32>,
      %get3A_559 = arith.index_cast %add3A_545 : i32 to index
      %get3A_560 = arith.constant 16 : index
      %get3A_561 = tpu.vector_load %arg8[%get3A_559, %get3A_560] {strides = array<i32>} : memref<104x128xi32, #tpu.memory_space<vmem>>, vector<16xi32>,
      %and3A_562 = arith.constant 15 : i32
      %and3A_563 = vector.broadcast %and3A_562 : i32 to vector<16xi32>
      %and3A_564 = arith.andi %get3A_561, %and3A_563 : vector<16xi32>
      %iota3A_565 = tpu.iota {dimensions = array<i32: 0>} : vector<16xi32>
      %add3A_566 = arith.constant 272 : i32
      %add3A_567 = vector.broadcast %add3A_566 : i32 to vector<16xi32>
      %add3A_568 = arith.addi %iota3A_565, %add3A_567 : vector<16xi32>
      %gather3A_569 = tpu.vector_load_idx %arg11[%add3A_568, %and3A_564] : memref<1024x16xf32, #tpu.memory_space<vmem>>[vector<16xi32>, vector<16xi32>], vector<16xf32>,
      %swap3A_570 = arith.constant 272 : index
      %swap3A_571 = tpu.vector_load %arg12[%swap3A_570] {strides = array<i32>} : memref<1024xf32, #tpu.memory_space<vmem>>, vector<16xf32>,
      tpu.vector_store %arg12[%swap3A_570], %gather3A_569 {strides = array<i32>} : memref<1024xf32, #tpu.memory_space<vmem>>, vector<16xf32>,
      %get3A_572 = arith.index_cast %add3A_545 : i32 to index
      %get3A_573 = arith.constant 32 : index
      %get3A_574 = tpu.vector_load %arg8[%get3A_572, %get3A_573] {strides = array<i32>} : memref<104x128xi32, #tpu.memory_space<vmem>>, vector<16xi32>,
      %and3A_575 = arith.constant 15 : i32
      %and3A_576 = vector.broadcast %and3A_575 : i32 to vector<16xi32>
      %and3A_577 = arith.andi %get3A_574, %and3A_576 : vector<16xi32>
      %iota3A_578 = tpu.iota {dimensions = array<i32: 0>} : vector<16xi32>
      %add3A_579 = arith.constant 288 : i32
      %add3A_580 = vector.broadcast %add3A_579 : i32 to vector<16xi32>
      %add3A_581 = arith.addi %iota3A_578, %add3A_580 : vector<16xi32>
      %gather3A_582 = tpu.vector_load_idx %arg11[%add3A_581, %and3A_577] : memref<1024x16xf32, #tpu.memory_space<vmem>>[vector<16xi32>, vector<16xi32>], vector<16xf32>,
      %swap3A_583 = arith.constant 288 : index
      %swap3A_584 = tpu.vector_load %arg12[%swap3A_583] {strides = array<i32>} : memref<1024xf32, #tpu.memory_space<vmem>>, vector<16xf32>,
      tpu.vector_store %arg12[%swap3A_583], %gather3A_582 {strides = array<i32>} : memref<1024xf32, #tpu.memory_space<vmem>>, vector<16xf32>,
      %get3A_585 = arith.index_cast %add3A_545 : i32 to index
      %get3A_586 = arith.constant 48 : index
      %get3A_587 = tpu.vector_load %arg8[%get3A_585, %get3A_586] {strides = array<i32>} : memref<104x128xi32, #tpu.memory_space<vmem>>, vector<16xi32>,
      %and3A_588 = arith.constant 15 : i32
      %and3A_589 = vector.broadcast %and3A_588 : i32 to vector<16xi32>
      %and3A_590 = arith.andi %get3A_587, %and3A_589 : vector<16xi32>
      %iota3A_591 = tpu.iota {dimensions = array<i32: 0>} : vector<16xi32>
      %add3A_592 = arith.constant 304 : i32
      %add3A_593 = vector.broadcast %add3A_592 : i32 to vector<16xi32>
      %add3A_594 = arith.addi %iota3A_591, %add3A_593 : vector<16xi32>
      %gather3A_595 = tpu.vector_load_idx %arg11[%add3A_594, %and3A_590] : memref<1024x16xf32, #tpu.memory_space<vmem>>[vector<16xi32>, vector<16xi32>], vector<16xf32>,
      %swap3A_596 = arith.constant 304 : index
      %swap3A_597 = tpu.vector_load %arg12[%swap3A_596] {strides = array<i32>} : memref<1024xf32, #tpu.memory_space<vmem>>, vector<16xf32>,
      tpu.vector_store %arg12[%swap3A_596], %gather3A_595 {strides = array<i32>} : memref<1024xf32, #tpu.memory_space<vmem>>, vector<16xf32>,
      %get3A_598 = arith.index_cast %add3A_545 : i32 to index
      %get3A_599 = arith.constant 64 : index
      %get3A_600 = tpu.vector_load %arg8[%get3A_598, %get3A_599] {strides = array<i32>} : memref<104x128xi32, #tpu.memory_space<vmem>>, vector<16xi32>,
      %and3A_601 = arith.constant 15 : i32
      %and3A_602 = vector.broadcast %and3A_601 : i32 to vector<16xi32>
      %and3A_603 = arith.andi %get3A_600, %and3A_602 : vector<16xi32>
      %iota3A_604 = tpu.iota {dimensions = array<i32: 0>} : vector<16xi32>
      %add3A_605 = arith.constant 320 : i32
      %add3A_606 = vector.broadcast %add3A_605 : i32 to vector<16xi32>
      %add3A_607 = arith.addi %iota3A_604, %add3A_606 : vector<16xi32>
      %gather3A_608 = tpu.vector_load_idx %arg11[%add3A_607, %and3A_603] : memref<1024x16xf32, #tpu.memory_space<vmem>>[vector<16xi32>, vector<16xi32>], vector<16xf32>,
      %swap3A_609 = arith.constant 320 : index
      %swap3A_610 = tpu.vector_load %arg12[%swap3A_609] {strides = array<i32>} : memref<1024xf32, #tpu.memory_space<vmem>>, vector<16xf32>,
      tpu.vector_store %arg12[%swap3A_609], %gather3A_608 {strides = array<i32>} : memref<1024xf32, #tpu.memory_space<vmem>>, vector<16xf32>,
      %get3A_611 = arith.index_cast %add3A_545 : i32 to index
      %get3A_612 = arith.constant 80 : index
      %get3A_613 = tpu.vector_load %arg8[%get3A_611, %get3A_612] {strides = array<i32>} : memref<104x128xi32, #tpu.memory_space<vmem>>, vector<16xi32>,
      %and3A_614 = arith.constant 15 : i32
      %and3A_615 = vector.broadcast %and3A_614 : i32 to vector<16xi32>
      %and3A_616 = arith.andi %get3A_613, %and3A_615 : vector<16xi32>
      %iota3A_617 = tpu.iota {dimensions = array<i32: 0>} : vector<16xi32>
      %add3A_618 = arith.constant 336 : i32
      %add3A_619 = vector.broadcast %add3A_618 : i32 to vector<16xi32>
      %add3A_620 = arith.addi %iota3A_617, %add3A_619 : vector<16xi32>
      %gather3A_621 = tpu.vector_load_idx %arg11[%add3A_620, %and3A_616] : memref<1024x16xf32, #tpu.memory_space<vmem>>[vector<16xi32>, vector<16xi32>], vector<16xf32>,
      %swap3A_622 = arith.constant 336 : index
      %swap3A_623 = tpu.vector_load %arg12[%swap3A_622] {strides = array<i32>} : memref<1024xf32, #tpu.memory_space<vmem>>, vector<16xf32>,
      tpu.vector_store %arg12[%swap3A_622], %gather3A_621 {strides = array<i32>} : memref<1024xf32, #tpu.memory_space<vmem>>, vector<16xf32>,
      %get3A_624 = arith.index_cast %add3A_545 : i32 to index
      %get3A_625 = arith.constant 96 : index
      %get3A_626 = tpu.vector_load %arg8[%get3A_624, %get3A_625] {strides = array<i32>} : memref<104x128xi32, #tpu.memory_space<vmem>>, vector<16xi32>,
      %and3A_627 = arith.constant 15 : i32
      %and3A_628 = vector.broadcast %and3A_627 : i32 to vector<16xi32>
      %and3A_629 = arith.andi %get3A_626, %and3A_628 : vector<16xi32>
      %iota3A_630 = tpu.iota {dimensions = array<i32: 0>} : vector<16xi32>
      %add3A_631 = arith.constant 352 : i32
      %add3A_632 = vector.broadcast %add3A_631 : i32 to vector<16xi32>
      %add3A_633 = arith.addi %iota3A_630, %add3A_632 : vector<16xi32>
      %gather3A_634 = tpu.vector_load_idx %arg11[%add3A_633, %and3A_629] : memref<1024x16xf32, #tpu.memory_space<vmem>>[vector<16xi32>, vector<16xi32>], vector<16xf32>,
      %swap3A_635 = arith.constant 352 : index
      %swap3A_636 = tpu.vector_load %arg12[%swap3A_635] {strides = array<i32>} : memref<1024xf32, #tpu.memory_space<vmem>>, vector<16xf32>,
      tpu.vector_store %arg12[%swap3A_635], %gather3A_634 {strides = array<i32>} : memref<1024xf32, #tpu.memory_space<vmem>>, vector<16xf32>,
      %get3A_637 = arith.index_cast %add3A_545 : i32 to index
      %get3A_638 = arith.constant 112 : index
      %get3A_639 = tpu.vector_load %arg8[%get3A_637, %get3A_638] {strides = array<i32>} : memref<104x128xi32, #tpu.memory_space<vmem>>, vector<16xi32>,
      %and3A_640 = arith.constant 15 : i32
      %and3A_641 = vector.broadcast %and3A_640 : i32 to vector<16xi32>
      %and3A_642 = arith.andi %get3A_639, %and3A_641 : vector<16xi32>
      %iota3A_643 = tpu.iota {dimensions = array<i32: 0>} : vector<16xi32>
      %add3A_644 = arith.constant 368 : i32
      %add3A_645 = vector.broadcast %add3A_644 : i32 to vector<16xi32>
      %add3A_646 = arith.addi %iota3A_643, %add3A_645 : vector<16xi32>
      %gather3A_647 = tpu.vector_load_idx %arg11[%add3A_646, %and3A_642] : memref<1024x16xf32, #tpu.memory_space<vmem>>[vector<16xi32>, vector<16xi32>], vector<16xf32>,
      %swap3A_648 = arith.constant 368 : index
      %swap3A_649 = tpu.vector_load %arg12[%swap3A_648] {strides = array<i32>} : memref<1024xf32, #tpu.memory_space<vmem>>, vector<16xf32>,
      tpu.vector_store %arg12[%swap3A_648], %gather3A_647 {strides = array<i32>} : memref<1024xf32, #tpu.memory_space<vmem>>, vector<16xf32>,
      %mul3A_650 = arith.constant 8 : i32
      %mul3A_651 = arith.muli %scan3A_11, %mul3A_650 : i32
      %add3A_652 = arith.constant 3 : i32
      %add3A_653 = arith.addi %mul3A_651, %add3A_652 : i32
      %get3A_654 = arith.index_cast %add3A_653 : i32 to index
      %get3A_655 = arith.constant 0 : index
      %get3A_656 = tpu.vector_load %arg8[%get3A_654, %get3A_655] {strides = array<i32>} : memref<104x128xi32, #tpu.memory_space<vmem>>, vector<16xi32>,
      %and3A_657 = arith.constant 15 : i32
      %and3A_658 = vector.broadcast %and3A_657 : i32 to vector<16xi32>
      %and3A_659 = arith.andi %get3A_656, %and3A_658 : vector<16xi32>
      %iota3A_660 = tpu.iota {dimensions = array<i32: 0>} : vector<16xi32>
      %add3A_661 = arith.constant 384 : i32
      %add3A_662 = vector.broadcast %add3A_661 : i32 to vector<16xi32>
      %add3A_663 = arith.addi %iota3A_660, %add3A_662 : vector<16xi32>
      %gather3A_664 = tpu.vector_load_idx %arg11[%add3A_663, %and3A_659] : memref<1024x16xf32, #tpu.memory_space<vmem>>[vector<16xi32>, vector<16xi32>], vector<16xf32>,
      %swap3A_665 = arith.constant 384 : index
      %swap3A_666 = tpu.vector_load %arg12[%swap3A_665] {strides = array<i32>} : memref<1024xf32, #tpu.memory_space<vmem>>, vector<16xf32>,
      tpu.vector_store %arg12[%swap3A_665], %gather3A_664 {strides = array<i32>} : memref<1024xf32, #tpu.memory_space<vmem>>, vector<16xf32>,
      %get3A_667 = arith.index_cast %add3A_653 : i32 to index
      %get3A_668 = arith.constant 16 : index
      %get3A_669 = tpu.vector_load %arg8[%get3A_667, %get3A_668] {strides = array<i32>} : memref<104x128xi32, #tpu.memory_space<vmem>>, vector<16xi32>,
      %and3A_670 = arith.constant 15 : i32
      %and3A_671 = vector.broadcast %and3A_670 : i32 to vector<16xi32>
      %and3A_672 = arith.andi %get3A_669, %and3A_671 : vector<16xi32>
      %iota3A_673 = tpu.iota {dimensions = array<i32: 0>} : vector<16xi32>
      %add3A_674 = arith.constant 400 : i32
      %add3A_675 = vector.broadcast %add3A_674 : i32 to vector<16xi32>
      %add3A_676 = arith.addi %iota3A_673, %add3A_675 : vector<16xi32>
      %gather3A_677 = tpu.vector_load_idx %arg11[%add3A_676, %and3A_672] : memref<1024x16xf32, #tpu.memory_space<vmem>>[vector<16xi32>, vector<16xi32>], vector<16xf32>,
      %swap3A_678 = arith.constant 400 : index
      %swap3A_679 = tpu.vector_load %arg12[%swap3A_678] {strides = array<i32>} : memref<1024xf32, #tpu.memory_space<vmem>>, vector<16xf32>,
      tpu.vector_store %arg12[%swap3A_678], %gather3A_677 {strides = array<i32>} : memref<1024xf32, #tpu.memory_space<vmem>>, vector<16xf32>,
      %get3A_680 = arith.index_cast %add3A_653 : i32 to index
      %get3A_681 = arith.constant 32 : index
      %get3A_682 = tpu.vector_load %arg8[%get3A_680, %get3A_681] {strides = array<i32>} : memref<104x128xi32, #tpu.memory_space<vmem>>, vector<16xi32>,
      %and3A_683 = arith.constant 15 : i32
      %and3A_684 = vector.broadcast %and3A_683 : i32 to vector<16xi32>
      %and3A_685 = arith.andi %get3A_682, %and3A_684 : vector<16xi32>
      %iota3A_686 = tpu.iota {dimensions = array<i32: 0>} : vector<16xi32>
      %add3A_687 = arith.constant 416 : i32
      %add3A_688 = vector.broadcast %add3A_687 : i32 to vector<16xi32>
      %add3A_689 = arith.addi %iota3A_686, %add3A_688 : vector<16xi32>
      %gather3A_690 = tpu.vector_load_idx %arg11[%add3A_689, %and3A_685] : memref<1024x16xf32, #tpu.memory_space<vmem>>[vector<16xi32>, vector<16xi32>], vector<16xf32>,
      %swap3A_691 = arith.constant 416 : index
      %swap3A_692 = tpu.vector_load %arg12[%swap3A_691] {strides = array<i32>} : memref<1024xf32, #tpu.memory_space<vmem>>, vector<16xf32>,
      tpu.vector_store %arg12[%swap3A_691], %gather3A_690 {strides = array<i32>} : memref<1024xf32, #tpu.memory_space<vmem>>, vector<16xf32>,
      %get3A_693 = arith.index_cast %add3A_653 : i32 to index
      %get3A_694 = arith.constant 48 : index
      %get3A_695 = tpu.vector_load %arg8[%get3A_693, %get3A_694] {strides = array<i32>} : memref<104x128xi32, #tpu.memory_space<vmem>>, vector<16xi32>,
      %and3A_696 = arith.constant 15 : i32
      %and3A_697 = vector.broadcast %and3A_696 : i32 to vector<16xi32>
      %and3A_698 = arith.andi %get3A_695, %and3A_697 : vector<16xi32>
      %iota3A_699 = tpu.iota {dimensions = array<i32: 0>} : vector<16xi32>
      %add3A_700 = arith.constant 432 : i32
      %add3A_701 = vector.broadcast %add3A_700 : i32 to vector<16xi32>
      %add3A_702 = arith.addi %iota3A_699, %add3A_701 : vector<16xi32>
      %gather3A_703 = tpu.vector_load_idx %arg11[%add3A_702, %and3A_698] : memref<1024x16xf32, #tpu.memory_space<vmem>>[vector<16xi32>, vector<16xi32>], vector<16xf32>,
      %swap3A_704 = arith.constant 432 : index
      %swap3A_705 = tpu.vector_load %arg12[%swap3A_704] {strides = array<i32>} : memref<1024xf32, #tpu.memory_space<vmem>>, vector<16xf32>,
      tpu.vector_store %arg12[%swap3A_704], %gather3A_703 {strides = array<i32>} : memref<1024xf32, #tpu.memory_space<vmem>>, vector<16xf32>,
      %get3A_706 = arith.index_cast %add3A_653 : i32 to index
      %get3A_707 = arith.constant 64 : index
      %get3A_708 = tpu.vector_load %arg8[%get3A_706, %get3A_707] {strides = array<i32>} : memref<104x128xi32, #tpu.memory_space<vmem>>, vector<16xi32>,
      %and3A_709 = arith.constant 15 : i32
      %and3A_710 = vector.broadcast %and3A_709 : i32 to vector<16xi32>
      %and3A_711 = arith.andi %get3A_708, %and3A_710 : vector<16xi32>
      %iota3A_712 = tpu.iota {dimensions = array<i32: 0>} : vector<16xi32>
      %add3A_713 = arith.constant 448 : i32
      %add3A_714 = vector.broadcast %add3A_713 : i32 to vector<16xi32>
      %add3A_715 = arith.addi %iota3A_712, %add3A_714 : vector<16xi32>
      %gather3A_716 = tpu.vector_load_idx %arg11[%add3A_715, %and3A_711] : memref<1024x16xf32, #tpu.memory_space<vmem>>[vector<16xi32>, vector<16xi32>], vector<16xf32>,
      %swap3A_717 = arith.constant 448 : index
      %swap3A_718 = tpu.vector_load %arg12[%swap3A_717] {strides = array<i32>} : memref<1024xf32, #tpu.memory_space<vmem>>, vector<16xf32>,
      tpu.vector_store %arg12[%swap3A_717], %gather3A_716 {strides = array<i32>} : memref<1024xf32, #tpu.memory_space<vmem>>, vector<16xf32>,
      %get3A_719 = arith.index_cast %add3A_653 : i32 to index
      %get3A_720 = arith.constant 80 : index
      %get3A_721 = tpu.vector_load %arg8[%get3A_719, %get3A_720] {strides = array<i32>} : memref<104x128xi32, #tpu.memory_space<vmem>>, vector<16xi32>,
      %and3A_722 = arith.constant 15 : i32
      %and3A_723 = vector.broadcast %and3A_722 : i32 to vector<16xi32>
      %and3A_724 = arith.andi %get3A_721, %and3A_723 : vector<16xi32>
      %iota3A_725 = tpu.iota {dimensions = array<i32: 0>} : vector<16xi32>
      %add3A_726 = arith.constant 464 : i32
      %add3A_727 = vector.broadcast %add3A_726 : i32 to vector<16xi32>
      %add3A_728 = arith.addi %iota3A_725, %add3A_727 : vector<16xi32>
      %gather3A_729 = tpu.vector_load_idx %arg11[%add3A_728, %and3A_724] : memref<1024x16xf32, #tpu.memory_space<vmem>>[vector<16xi32>, vector<16xi32>], vector<16xf32>,
      %swap3A_730 = arith.constant 464 : index
      %swap3A_731 = tpu.vector_load %arg12[%swap3A_730] {strides = array<i32>} : memref<1024xf32, #tpu.memory_space<vmem>>, vector<16xf32>,
      tpu.vector_store %arg12[%swap3A_730], %gather3A_729 {strides = array<i32>} : memref<1024xf32, #tpu.memory_space<vmem>>, vector<16xf32>,
      %get3A_732 = arith.index_cast %add3A_653 : i32 to index
      %get3A_733 = arith.constant 96 : index
      %get3A_734 = tpu.vector_load %arg8[%get3A_732, %get3A_733] {strides = array<i32>} : memref<104x128xi32, #tpu.memory_space<vmem>>, vector<16xi32>,
      %and3A_735 = arith.constant 15 : i32
      %and3A_736 = vector.broadcast %and3A_735 : i32 to vector<16xi32>
      %and3A_737 = arith.andi %get3A_734, %and3A_736 : vector<16xi32>
      %iota3A_738 = tpu.iota {dimensions = array<i32: 0>} : vector<16xi32>
      %add3A_739 = arith.constant 480 : i32
      %add3A_740 = vector.broadcast %add3A_739 : i32 to vector<16xi32>
      %add3A_741 = arith.addi %iota3A_738, %add3A_740 : vector<16xi32>
      %gather3A_742 = tpu.vector_load_idx %arg11[%add3A_741, %and3A_737] : memref<1024x16xf32, #tpu.memory_space<vmem>>[vector<16xi32>, vector<16xi32>], vector<16xf32>,
      %swap3A_743 = arith.constant 480 : index
      %swap3A_744 = tpu.vector_load %arg12[%swap3A_743] {strides = array<i32>} : memref<1024xf32, #tpu.memory_space<vmem>>, vector<16xf32>,
      tpu.vector_store %arg12[%swap3A_743], %gather3A_742 {strides = array<i32>} : memref<1024xf32, #tpu.memory_space<vmem>>, vector<16xf32>,
      %get3A_745 = arith.index_cast %add3A_653 : i32 to index
      %get3A_746 = arith.constant 112 : index
      %get3A_747 = tpu.vector_load %arg8[%get3A_745, %get3A_746] {strides = array<i32>} : memref<104x128xi32, #tpu.memory_space<vmem>>, vector<16xi32>,
      %and3A_748 = arith.constant 15 : i32
      %and3A_749 = vector.broadcast %and3A_748 : i32 to vector<16xi32>
      %and3A_750 = arith.andi %get3A_747, %and3A_749 : vector<16xi32>
      %iota3A_751 = tpu.iota {dimensions = array<i32: 0>} : vector<16xi32>
      %add3A_752 = arith.constant 496 : i32
      %add3A_753 = vector.broadcast %add3A_752 : i32 to vector<16xi32>
      %add3A_754 = arith.addi %iota3A_751, %add3A_753 : vector<16xi32>
      %gather3A_755 = tpu.vector_load_idx %arg11[%add3A_754, %and3A_750] : memref<1024x16xf32, #tpu.memory_space<vmem>>[vector<16xi32>, vector<16xi32>], vector<16xf32>,
      %swap3A_756 = arith.constant 496 : index
      %swap3A_757 = tpu.vector_load %arg12[%swap3A_756] {strides = array<i32>} : memref<1024xf32, #tpu.memory_space<vmem>>, vector<16xf32>,
      tpu.vector_store %arg12[%swap3A_756], %gather3A_755 {strides = array<i32>} : memref<1024xf32, #tpu.memory_space<vmem>>, vector<16xf32>,
      %mul3A_758 = arith.constant 8 : i32
      %mul3A_759 = arith.muli %scan3A_11, %mul3A_758 : i32
      %add3A_760 = arith.constant 4 : i32
      %add3A_761 = arith.addi %mul3A_759, %add3A_760 : i32
      %get3A_762 = arith.index_cast %add3A_761 : i32 to index
      %get3A_763 = arith.constant 0 : index
      %get3A_764 = tpu.vector_load %arg8[%get3A_762, %get3A_763] {strides = array<i32>} : memref<104x128xi32, #tpu.memory_space<vmem>>, vector<16xi32>,
      %and3A_765 = arith.constant 15 : i32
      %and3A_766 = vector.broadcast %and3A_765 : i32 to vector<16xi32>
      %and3A_767 = arith.andi %get3A_764, %and3A_766 : vector<16xi32>
      %iota3A_768 = tpu.iota {dimensions = array<i32: 0>} : vector<16xi32>
      %add3A_769 = arith.constant 512 : i32
      %add3A_770 = vector.broadcast %add3A_769 : i32 to vector<16xi32>
      %add3A_771 = arith.addi %iota3A_768, %add3A_770 : vector<16xi32>
      %gather3A_772 = tpu.vector_load_idx %arg11[%add3A_771, %and3A_767] : memref<1024x16xf32, #tpu.memory_space<vmem>>[vector<16xi32>, vector<16xi32>], vector<16xf32>,
      %swap3A_773 = arith.constant 512 : index
      %swap3A_774 = tpu.vector_load %arg12[%swap3A_773] {strides = array<i32>} : memref<1024xf32, #tpu.memory_space<vmem>>, vector<16xf32>,
      tpu.vector_store %arg12[%swap3A_773], %gather3A_772 {strides = array<i32>} : memref<1024xf32, #tpu.memory_space<vmem>>, vector<16xf32>,
      %get3A_775 = arith.index_cast %add3A_761 : i32 to index
      %get3A_776 = arith.constant 16 : index
      %get3A_777 = tpu.vector_load %arg8[%get3A_775, %get3A_776] {strides = array<i32>} : memref<104x128xi32, #tpu.memory_space<vmem>>, vector<16xi32>,
      %and3A_778 = arith.constant 15 : i32
      %and3A_779 = vector.broadcast %and3A_778 : i32 to vector<16xi32>
      %and3A_780 = arith.andi %get3A_777, %and3A_779 : vector<16xi32>
      %iota3A_781 = tpu.iota {dimensions = array<i32: 0>} : vector<16xi32>
      %add3A_782 = arith.constant 528 : i32
      %add3A_783 = vector.broadcast %add3A_782 : i32 to vector<16xi32>
      %add3A_784 = arith.addi %iota3A_781, %add3A_783 : vector<16xi32>
      %gather3A_785 = tpu.vector_load_idx %arg11[%add3A_784, %and3A_780] : memref<1024x16xf32, #tpu.memory_space<vmem>>[vector<16xi32>, vector<16xi32>], vector<16xf32>,
      %swap3A_786 = arith.constant 528 : index
      %swap3A_787 = tpu.vector_load %arg12[%swap3A_786] {strides = array<i32>} : memref<1024xf32, #tpu.memory_space<vmem>>, vector<16xf32>,
      tpu.vector_store %arg12[%swap3A_786], %gather3A_785 {strides = array<i32>} : memref<1024xf32, #tpu.memory_space<vmem>>, vector<16xf32>,
      %get3A_788 = arith.index_cast %add3A_761 : i32 to index
      %get3A_789 = arith.constant 32 : index
      %get3A_790 = tpu.vector_load %arg8[%get3A_788, %get3A_789] {strides = array<i32>} : memref<104x128xi32, #tpu.memory_space<vmem>>, vector<16xi32>,
      %and3A_791 = arith.constant 15 : i32
      %and3A_792 = vector.broadcast %and3A_791 : i32 to vector<16xi32>
      %and3A_793 = arith.andi %get3A_790, %and3A_792 : vector<16xi32>
      %iota3A_794 = tpu.iota {dimensions = array<i32: 0>} : vector<16xi32>
      %add3A_795 = arith.constant 544 : i32
      %add3A_796 = vector.broadcast %add3A_795 : i32 to vector<16xi32>
      %add3A_797 = arith.addi %iota3A_794, %add3A_796 : vector<16xi32>
      %gather3A_798 = tpu.vector_load_idx %arg11[%add3A_797, %and3A_793] : memref<1024x16xf32, #tpu.memory_space<vmem>>[vector<16xi32>, vector<16xi32>], vector<16xf32>,
      %swap3A_799 = arith.constant 544 : index
      %swap3A_800 = tpu.vector_load %arg12[%swap3A_799] {strides = array<i32>} : memref<1024xf32, #tpu.memory_space<vmem>>, vector<16xf32>,
      tpu.vector_store %arg12[%swap3A_799], %gather3A_798 {strides = array<i32>} : memref<1024xf32, #tpu.memory_space<vmem>>, vector<16xf32>,
      %get3A_801 = arith.index_cast %add3A_761 : i32 to index
      %get3A_802 = arith.constant 48 : index
      %get3A_803 = tpu.vector_load %arg8[%get3A_801, %get3A_802] {strides = array<i32>} : memref<104x128xi32, #tpu.memory_space<vmem>>, vector<16xi32>,
      %and3A_804 = arith.constant 15 : i32
      %and3A_805 = vector.broadcast %and3A_804 : i32 to vector<16xi32>
      %and3A_806 = arith.andi %get3A_803, %and3A_805 : vector<16xi32>
      %iota3A_807 = tpu.iota {dimensions = array<i32: 0>} : vector<16xi32>
      %add3A_808 = arith.constant 560 : i32
      %add3A_809 = vector.broadcast %add3A_808 : i32 to vector<16xi32>
      %add3A_810 = arith.addi %iota3A_807, %add3A_809 : vector<16xi32>
      %gather3A_811 = tpu.vector_load_idx %arg11[%add3A_810, %and3A_806] : memref<1024x16xf32, #tpu.memory_space<vmem>>[vector<16xi32>, vector<16xi32>], vector<16xf32>,
      %swap3A_812 = arith.constant 560 : index
      %swap3A_813 = tpu.vector_load %arg12[%swap3A_812] {strides = array<i32>} : memref<1024xf32, #tpu.memory_space<vmem>>, vector<16xf32>,
      tpu.vector_store %arg12[%swap3A_812], %gather3A_811 {strides = array<i32>} : memref<1024xf32, #tpu.memory_space<vmem>>, vector<16xf32>,
      %get3A_814 = arith.index_cast %add3A_761 : i32 to index
      %get3A_815 = arith.constant 64 : index
      %get3A_816 = tpu.vector_load %arg8[%get3A_814, %get3A_815] {strides = array<i32>} : memref<104x128xi32, #tpu.memory_space<vmem>>, vector<16xi32>,
      %and3A_817 = arith.constant 15 : i32
      %and3A_818 = vector.broadcast %and3A_817 : i32 to vector<16xi32>
      %and3A_819 = arith.andi %get3A_816, %and3A_818 : vector<16xi32>
      %iota3A_820 = tpu.iota {dimensions = array<i32: 0>} : vector<16xi32>
      %add3A_821 = arith.constant 576 : i32
      %add3A_822 = vector.broadcast %add3A_821 : i32 to vector<16xi32>
      %add3A_823 = arith.addi %iota3A_820, %add3A_822 : vector<16xi32>
      %gather3A_824 = tpu.vector_load_idx %arg11[%add3A_823, %and3A_819] : memref<1024x16xf32, #tpu.memory_space<vmem>>[vector<16xi32>, vector<16xi32>], vector<16xf32>,
      %swap3A_825 = arith.constant 576 : index
      %swap3A_826 = tpu.vector_load %arg12[%swap3A_825] {strides = array<i32>} : memref<1024xf32, #tpu.memory_space<vmem>>, vector<16xf32>,
      tpu.vector_store %arg12[%swap3A_825], %gather3A_824 {strides = array<i32>} : memref<1024xf32, #tpu.memory_space<vmem>>, vector<16xf32>,
      %get3A_827 = arith.index_cast %add3A_761 : i32 to index
      %get3A_828 = arith.constant 80 : index
      %get3A_829 = tpu.vector_load %arg8[%get3A_827, %get3A_828] {strides = array<i32>} : memref<104x128xi32, #tpu.memory_space<vmem>>, vector<16xi32>,
      %and3A_830 = arith.constant 15 : i32
      %and3A_831 = vector.broadcast %and3A_830 : i32 to vector<16xi32>
      %and3A_832 = arith.andi %get3A_829, %and3A_831 : vector<16xi32>
      %iota3A_833 = tpu.iota {dimensions = array<i32: 0>} : vector<16xi32>
      %add3A_834 = arith.constant 592 : i32
      %add3A_835 = vector.broadcast %add3A_834 : i32 to vector<16xi32>
      %add3A_836 = arith.addi %iota3A_833, %add3A_835 : vector<16xi32>
      %gather3A_837 = tpu.vector_load_idx %arg11[%add3A_836, %and3A_832] : memref<1024x16xf32, #tpu.memory_space<vmem>>[vector<16xi32>, vector<16xi32>], vector<16xf32>,
      %swap3A_838 = arith.constant 592 : index
      %swap3A_839 = tpu.vector_load %arg12[%swap3A_838] {strides = array<i32>} : memref<1024xf32, #tpu.memory_space<vmem>>, vector<16xf32>,
      tpu.vector_store %arg12[%swap3A_838], %gather3A_837 {strides = array<i32>} : memref<1024xf32, #tpu.memory_space<vmem>>, vector<16xf32>,
      %get3A_840 = arith.index_cast %add3A_761 : i32 to index
      %get3A_841 = arith.constant 96 : index
      %get3A_842 = tpu.vector_load %arg8[%get3A_840, %get3A_841] {strides = array<i32>} : memref<104x128xi32, #tpu.memory_space<vmem>>, vector<16xi32>,
      %and3A_843 = arith.constant 15 : i32
      %and3A_844 = vector.broadcast %and3A_843 : i32 to vector<16xi32>
      %and3A_845 = arith.andi %get3A_842, %and3A_844 : vector<16xi32>
      %iota3A_846 = tpu.iota {dimensions = array<i32: 0>} : vector<16xi32>
      %add3A_847 = arith.constant 608 : i32
      %add3A_848 = vector.broadcast %add3A_847 : i32 to vector<16xi32>
      %add3A_849 = arith.addi %iota3A_846, %add3A_848 : vector<16xi32>
      %gather3A_850 = tpu.vector_load_idx %arg11[%add3A_849, %and3A_845] : memref<1024x16xf32, #tpu.memory_space<vmem>>[vector<16xi32>, vector<16xi32>], vector<16xf32>,
      %swap3A_851 = arith.constant 608 : index
      %swap3A_852 = tpu.vector_load %arg12[%swap3A_851] {strides = array<i32>} : memref<1024xf32, #tpu.memory_space<vmem>>, vector<16xf32>,
      tpu.vector_store %arg12[%swap3A_851], %gather3A_850 {strides = array<i32>} : memref<1024xf32, #tpu.memory_space<vmem>>, vector<16xf32>,
      %get3A_853 = arith.index_cast %add3A_761 : i32 to index
      %get3A_854 = arith.constant 112 : index
      %get3A_855 = tpu.vector_load %arg8[%get3A_853, %get3A_854] {strides = array<i32>} : memref<104x128xi32, #tpu.memory_space<vmem>>, vector<16xi32>,
      %and3A_856 = arith.constant 15 : i32
      %and3A_857 = vector.broadcast %and3A_856 : i32 to vector<16xi32>
      %and3A_858 = arith.andi %get3A_855, %and3A_857 : vector<16xi32>
      %iota3A_859 = tpu.iota {dimensions = array<i32: 0>} : vector<16xi32>
      %add3A_860 = arith.constant 624 : i32
      %add3A_861 = vector.broadcast %add3A_860 : i32 to vector<16xi32>
      %add3A_862 = arith.addi %iota3A_859, %add3A_861 : vector<16xi32>
      %gather3A_863 = tpu.vector_load_idx %arg11[%add3A_862, %and3A_858] : memref<1024x16xf32, #tpu.memory_space<vmem>>[vector<16xi32>, vector<16xi32>], vector<16xf32>,
      %swap3A_864 = arith.constant 624 : index
      %swap3A_865 = tpu.vector_load %arg12[%swap3A_864] {strides = array<i32>} : memref<1024xf32, #tpu.memory_space<vmem>>, vector<16xf32>,
      tpu.vector_store %arg12[%swap3A_864], %gather3A_863 {strides = array<i32>} : memref<1024xf32, #tpu.memory_space<vmem>>, vector<16xf32>,
      %mul3A_866 = arith.constant 8 : i32
      %mul3A_867 = arith.muli %scan3A_11, %mul3A_866 : i32
      %add3A_868 = arith.constant 5 : i32
      %add3A_869 = arith.addi %mul3A_867, %add3A_868 : i32
      %get3A_870 = arith.index_cast %add3A_869 : i32 to index
      %get3A_871 = arith.constant 0 : index
      %get3A_872 = tpu.vector_load %arg8[%get3A_870, %get3A_871] {strides = array<i32>} : memref<104x128xi32, #tpu.memory_space<vmem>>, vector<16xi32>,
      %and3A_873 = arith.constant 15 : i32
      %and3A_874 = vector.broadcast %and3A_873 : i32 to vector<16xi32>
      %and3A_875 = arith.andi %get3A_872, %and3A_874 : vector<16xi32>
      %iota3A_876 = tpu.iota {dimensions = array<i32: 0>} : vector<16xi32>
      %add3A_877 = arith.constant 640 : i32
      %add3A_878 = vector.broadcast %add3A_877 : i32 to vector<16xi32>
      %add3A_879 = arith.addi %iota3A_876, %add3A_878 : vector<16xi32>
      %gather3A_880 = tpu.vector_load_idx %arg11[%add3A_879, %and3A_875] : memref<1024x16xf32, #tpu.memory_space<vmem>>[vector<16xi32>, vector<16xi32>], vector<16xf32>,
      %swap3A_881 = arith.constant 640 : index
      %swap3A_882 = tpu.vector_load %arg12[%swap3A_881] {strides = array<i32>} : memref<1024xf32, #tpu.memory_space<vmem>>, vector<16xf32>,
      tpu.vector_store %arg12[%swap3A_881], %gather3A_880 {strides = array<i32>} : memref<1024xf32, #tpu.memory_space<vmem>>, vector<16xf32>,
      %get3A_883 = arith.index_cast %add3A_869 : i32 to index
      %get3A_884 = arith.constant 16 : index
      %get3A_885 = tpu.vector_load %arg8[%get3A_883, %get3A_884] {strides = array<i32>} : memref<104x128xi32, #tpu.memory_space<vmem>>, vector<16xi32>,
      %and3A_886 = arith.constant 15 : i32
      %and3A_887 = vector.broadcast %and3A_886 : i32 to vector<16xi32>
      %and3A_888 = arith.andi %get3A_885, %and3A_887 : vector<16xi32>
      %iota3A_889 = tpu.iota {dimensions = array<i32: 0>} : vector<16xi32>
      %add3A_890 = arith.constant 656 : i32
      %add3A_891 = vector.broadcast %add3A_890 : i32 to vector<16xi32>
      %add3A_892 = arith.addi %iota3A_889, %add3A_891 : vector<16xi32>
      %gather3A_893 = tpu.vector_load_idx %arg11[%add3A_892, %and3A_888] : memref<1024x16xf32, #tpu.memory_space<vmem>>[vector<16xi32>, vector<16xi32>], vector<16xf32>,
      %swap3A_894 = arith.constant 656 : index
      %swap3A_895 = tpu.vector_load %arg12[%swap3A_894] {strides = array<i32>} : memref<1024xf32, #tpu.memory_space<vmem>>, vector<16xf32>,
      tpu.vector_store %arg12[%swap3A_894], %gather3A_893 {strides = array<i32>} : memref<1024xf32, #tpu.memory_space<vmem>>, vector<16xf32>,
      %get3A_896 = arith.index_cast %add3A_869 : i32 to index
      %get3A_897 = arith.constant 32 : index
      %get3A_898 = tpu.vector_load %arg8[%get3A_896, %get3A_897] {strides = array<i32>} : memref<104x128xi32, #tpu.memory_space<vmem>>, vector<16xi32>,
      %and3A_899 = arith.constant 15 : i32
      %and3A_900 = vector.broadcast %and3A_899 : i32 to vector<16xi32>
      %and3A_901 = arith.andi %get3A_898, %and3A_900 : vector<16xi32>
      %iota3A_902 = tpu.iota {dimensions = array<i32: 0>} : vector<16xi32>
      %add3A_903 = arith.constant 672 : i32
      %add3A_904 = vector.broadcast %add3A_903 : i32 to vector<16xi32>
      %add3A_905 = arith.addi %iota3A_902, %add3A_904 : vector<16xi32>
      %gather3A_906 = tpu.vector_load_idx %arg11[%add3A_905, %and3A_901] : memref<1024x16xf32, #tpu.memory_space<vmem>>[vector<16xi32>, vector<16xi32>], vector<16xf32>,
      %swap3A_907 = arith.constant 672 : index
      %swap3A_908 = tpu.vector_load %arg12[%swap3A_907] {strides = array<i32>} : memref<1024xf32, #tpu.memory_space<vmem>>, vector<16xf32>,
      tpu.vector_store %arg12[%swap3A_907], %gather3A_906 {strides = array<i32>} : memref<1024xf32, #tpu.memory_space<vmem>>, vector<16xf32>,
      %get3A_909 = arith.index_cast %add3A_869 : i32 to index
      %get3A_910 = arith.constant 48 : index
      %get3A_911 = tpu.vector_load %arg8[%get3A_909, %get3A_910] {strides = array<i32>} : memref<104x128xi32, #tpu.memory_space<vmem>>, vector<16xi32>,
      %and3A_912 = arith.constant 15 : i32
      %and3A_913 = vector.broadcast %and3A_912 : i32 to vector<16xi32>
      %and3A_914 = arith.andi %get3A_911, %and3A_913 : vector<16xi32>
      %iota3A_915 = tpu.iota {dimensions = array<i32: 0>} : vector<16xi32>
      %add3A_916 = arith.constant 688 : i32
      %add3A_917 = vector.broadcast %add3A_916 : i32 to vector<16xi32>
      %add3A_918 = arith.addi %iota3A_915, %add3A_917 : vector<16xi32>
      %gather3A_919 = tpu.vector_load_idx %arg11[%add3A_918, %and3A_914] : memref<1024x16xf32, #tpu.memory_space<vmem>>[vector<16xi32>, vector<16xi32>], vector<16xf32>,
      %swap3A_920 = arith.constant 688 : index
      %swap3A_921 = tpu.vector_load %arg12[%swap3A_920] {strides = array<i32>} : memref<1024xf32, #tpu.memory_space<vmem>>, vector<16xf32>,
      tpu.vector_store %arg12[%swap3A_920], %gather3A_919 {strides = array<i32>} : memref<1024xf32, #tpu.memory_space<vmem>>, vector<16xf32>,
      %get3A_922 = arith.index_cast %add3A_869 : i32 to index
      %get3A_923 = arith.constant 64 : index
      %get3A_924 = tpu.vector_load %arg8[%get3A_922, %get3A_923] {strides = array<i32>} : memref<104x128xi32, #tpu.memory_space<vmem>>, vector<16xi32>,
      %and3A_925 = arith.constant 15 : i32
      %and3A_926 = vector.broadcast %and3A_925 : i32 to vector<16xi32>
      %and3A_927 = arith.andi %get3A_924, %and3A_926 : vector<16xi32>
      %iota3A_928 = tpu.iota {dimensions = array<i32: 0>} : vector<16xi32>
      %add3A_929 = arith.constant 704 : i32
      %add3A_930 = vector.broadcast %add3A_929 : i32 to vector<16xi32>
      %add3A_931 = arith.addi %iota3A_928, %add3A_930 : vector<16xi32>
      %gather3A_932 = tpu.vector_load_idx %arg11[%add3A_931, %and3A_927] : memref<1024x16xf32, #tpu.memory_space<vmem>>[vector<16xi32>, vector<16xi32>], vector<16xf32>,
      %swap3A_933 = arith.constant 704 : index
      %swap3A_934 = tpu.vector_load %arg12[%swap3A_933] {strides = array<i32>} : memref<1024xf32, #tpu.memory_space<vmem>>, vector<16xf32>,
      tpu.vector_store %arg12[%swap3A_933], %gather3A_932 {strides = array<i32>} : memref<1024xf32, #tpu.memory_space<vmem>>, vector<16xf32>,
      %get3A_935 = arith.index_cast %add3A_869 : i32 to index
      %get3A_936 = arith.constant 80 : index
      %get3A_937 = tpu.vector_load %arg8[%get3A_935, %get3A_936] {strides = array<i32>} : memref<104x128xi32, #tpu.memory_space<vmem>>, vector<16xi32>,
      %and3A_938 = arith.constant 15 : i32
      %and3A_939 = vector.broadcast %and3A_938 : i32 to vector<16xi32>
      %and3A_940 = arith.andi %get3A_937, %and3A_939 : vector<16xi32>
      %iota3A_941 = tpu.iota {dimensions = array<i32: 0>} : vector<16xi32>
      %add3A_942 = arith.constant 720 : i32
      %add3A_943 = vector.broadcast %add3A_942 : i32 to vector<16xi32>
      %add3A_944 = arith.addi %iota3A_941, %add3A_943 : vector<16xi32>
      %gather3A_945 = tpu.vector_load_idx %arg11[%add3A_944, %and3A_940] : memref<1024x16xf32, #tpu.memory_space<vmem>>[vector<16xi32>, vector<16xi32>], vector<16xf32>,
      %swap3A_946 = arith.constant 720 : index
      %swap3A_947 = tpu.vector_load %arg12[%swap3A_946] {strides = array<i32>} : memref<1024xf32, #tpu.memory_space<vmem>>, vector<16xf32>,
      tpu.vector_store %arg12[%swap3A_946], %gather3A_945 {strides = array<i32>} : memref<1024xf32, #tpu.memory_space<vmem>>, vector<16xf32>,
      %get3A_948 = arith.index_cast %add3A_869 : i32 to index
      %get3A_949 = arith.constant 96 : index
      %get3A_950 = tpu.vector_load %arg8[%get3A_948, %get3A_949] {strides = array<i32>} : memref<104x128xi32, #tpu.memory_space<vmem>>, vector<16xi32>,
      %and3A_951 = arith.constant 15 : i32
      %and3A_952 = vector.broadcast %and3A_951 : i32 to vector<16xi32>
      %and3A_953 = arith.andi %get3A_950, %and3A_952 : vector<16xi32>
      %iota3A_954 = tpu.iota {dimensions = array<i32: 0>} : vector<16xi32>
      %add3A_955 = arith.constant 736 : i32
      %add3A_956 = vector.broadcast %add3A_955 : i32 to vector<16xi32>
      %add3A_957 = arith.addi %iota3A_954, %add3A_956 : vector<16xi32>
      %gather3A_958 = tpu.vector_load_idx %arg11[%add3A_957, %and3A_953] : memref<1024x16xf32, #tpu.memory_space<vmem>>[vector<16xi32>, vector<16xi32>], vector<16xf32>,
      %swap3A_959 = arith.constant 736 : index
      %swap3A_960 = tpu.vector_load %arg12[%swap3A_959] {strides = array<i32>} : memref<1024xf32, #tpu.memory_space<vmem>>, vector<16xf32>,
      tpu.vector_store %arg12[%swap3A_959], %gather3A_958 {strides = array<i32>} : memref<1024xf32, #tpu.memory_space<vmem>>, vector<16xf32>,
      %get3A_961 = arith.index_cast %add3A_869 : i32 to index
      %get3A_962 = arith.constant 112 : index
      %get3A_963 = tpu.vector_load %arg8[%get3A_961, %get3A_962] {strides = array<i32>} : memref<104x128xi32, #tpu.memory_space<vmem>>, vector<16xi32>,
      %and3A_964 = arith.constant 15 : i32
      %and3A_965 = vector.broadcast %and3A_964 : i32 to vector<16xi32>
      %and3A_966 = arith.andi %get3A_963, %and3A_965 : vector<16xi32>
      %iota3A_967 = tpu.iota {dimensions = array<i32: 0>} : vector<16xi32>
      %add3A_968 = arith.constant 752 : i32
      %add3A_969 = vector.broadcast %add3A_968 : i32 to vector<16xi32>
      %add3A_970 = arith.addi %iota3A_967, %add3A_969 : vector<16xi32>
      %gather3A_971 = tpu.vector_load_idx %arg11[%add3A_970, %and3A_966] : memref<1024x16xf32, #tpu.memory_space<vmem>>[vector<16xi32>, vector<16xi32>], vector<16xf32>,
      %swap3A_972 = arith.constant 752 : index
      %swap3A_973 = tpu.vector_load %arg12[%swap3A_972] {strides = array<i32>} : memref<1024xf32, #tpu.memory_space<vmem>>, vector<16xf32>,
      tpu.vector_store %arg12[%swap3A_972], %gather3A_971 {strides = array<i32>} : memref<1024xf32, #tpu.memory_space<vmem>>, vector<16xf32>,
      %mul3A_974 = arith.constant 8 : i32
      %mul3A_975 = arith.muli %scan3A_11, %mul3A_974 : i32
      %add3A_976 = arith.constant 6 : i32
      %add3A_977 = arith.addi %mul3A_975, %add3A_976 : i32
      %get3A_978 = arith.index_cast %add3A_977 : i32 to index
      %get3A_979 = arith.constant 0 : index
      %get3A_980 = tpu.vector_load %arg8[%get3A_978, %get3A_979] {strides = array<i32>} : memref<104x128xi32, #tpu.memory_space<vmem>>, vector<16xi32>,
      %and3A_981 = arith.constant 15 : i32
      %and3A_982 = vector.broadcast %and3A_981 : i32 to vector<16xi32>
      %and3A_983 = arith.andi %get3A_980, %and3A_982 : vector<16xi32>
      %iota3A_984 = tpu.iota {dimensions = array<i32: 0>} : vector<16xi32>
      %add3A_985 = arith.constant 768 : i32
      %add3A_986 = vector.broadcast %add3A_985 : i32 to vector<16xi32>
      %add3A_987 = arith.addi %iota3A_984, %add3A_986 : vector<16xi32>
      %gather3A_988 = tpu.vector_load_idx %arg11[%add3A_987, %and3A_983] : memref<1024x16xf32, #tpu.memory_space<vmem>>[vector<16xi32>, vector<16xi32>], vector<16xf32>,
      %swap3A_989 = arith.constant 768 : index
      %swap3A_990 = tpu.vector_load %arg12[%swap3A_989] {strides = array<i32>} : memref<1024xf32, #tpu.memory_space<vmem>>, vector<16xf32>,
      tpu.vector_store %arg12[%swap3A_989], %gather3A_988 {strides = array<i32>} : memref<1024xf32, #tpu.memory_space<vmem>>, vector<16xf32>,
      %get3A_991 = arith.index_cast %add3A_977 : i32 to index
      %get3A_992 = arith.constant 16 : index
      %get3A_993 = tpu.vector_load %arg8[%get3A_991, %get3A_992] {strides = array<i32>} : memref<104x128xi32, #tpu.memory_space<vmem>>, vector<16xi32>,
      %and3A_994 = arith.constant 15 : i32
      %and3A_995 = vector.broadcast %and3A_994 : i32 to vector<16xi32>
      %and3A_996 = arith.andi %get3A_993, %and3A_995 : vector<16xi32>
      %iota3A_997 = tpu.iota {dimensions = array<i32: 0>} : vector<16xi32>
      %add3A_998 = arith.constant 784 : i32
      %add3A_999 = vector.broadcast %add3A_998 : i32 to vector<16xi32>
      %add3A_1000 = arith.addi %iota3A_997, %add3A_999 : vector<16xi32>
      %gather3A_1001 = tpu.vector_load_idx %arg11[%add3A_1000, %and3A_996] : memref<1024x16xf32, #tpu.memory_space<vmem>>[vector<16xi32>, vector<16xi32>], vector<16xf32>,
      %swap3A_1002 = arith.constant 784 : index
      %swap3A_1003 = tpu.vector_load %arg12[%swap3A_1002] {strides = array<i32>} : memref<1024xf32, #tpu.memory_space<vmem>>, vector<16xf32>,
      tpu.vector_store %arg12[%swap3A_1002], %gather3A_1001 {strides = array<i32>} : memref<1024xf32, #tpu.memory_space<vmem>>, vector<16xf32>,
      %get3A_1004 = arith.index_cast %add3A_977 : i32 to index
      %get3A_1005 = arith.constant 32 : index
      %get3A_1006 = tpu.vector_load %arg8[%get3A_1004, %get3A_1005] {strides = array<i32>} : memref<104x128xi32, #tpu.memory_space<vmem>>, vector<16xi32>,
      %and3A_1007 = arith.constant 15 : i32
      %and3A_1008 = vector.broadcast %and3A_1007 : i32 to vector<16xi32>
      %and3A_1009 = arith.andi %get3A_1006, %and3A_1008 : vector<16xi32>
      %iota3A_1010 = tpu.iota {dimensions = array<i32: 0>} : vector<16xi32>
      %add3A_1011 = arith.constant 800 : i32
      %add3A_1012 = vector.broadcast %add3A_1011 : i32 to vector<16xi32>
      %add3A_1013 = arith.addi %iota3A_1010, %add3A_1012 : vector<16xi32>
      %gather3A_1014 = tpu.vector_load_idx %arg11[%add3A_1013, %and3A_1009] : memref<1024x16xf32, #tpu.memory_space<vmem>>[vector<16xi32>, vector<16xi32>], vector<16xf32>,
      %swap3A_1015 = arith.constant 800 : index
      %swap3A_1016 = tpu.vector_load %arg12[%swap3A_1015] {strides = array<i32>} : memref<1024xf32, #tpu.memory_space<vmem>>, vector<16xf32>,
      tpu.vector_store %arg12[%swap3A_1015], %gather3A_1014 {strides = array<i32>} : memref<1024xf32, #tpu.memory_space<vmem>>, vector<16xf32>,
      %get3A_1017 = arith.index_cast %add3A_977 : i32 to index
      %get3A_1018 = arith.constant 48 : index
      %get3A_1019 = tpu.vector_load %arg8[%get3A_1017, %get3A_1018] {strides = array<i32>} : memref<104x128xi32, #tpu.memory_space<vmem>>, vector<16xi32>,
      %and3A_1020 = arith.constant 15 : i32
      %and3A_1021 = vector.broadcast %and3A_1020 : i32 to vector<16xi32>
      %and3A_1022 = arith.andi %get3A_1019, %and3A_1021 : vector<16xi32>
      %iota3A_1023 = tpu.iota {dimensions = array<i32: 0>} : vector<16xi32>
      %add3A_1024 = arith.constant 816 : i32
      %add3A_1025 = vector.broadcast %add3A_1024 : i32 to vector<16xi32>
      %add3A_1026 = arith.addi %iota3A_1023, %add3A_1025 : vector<16xi32>
      %gather3A_1027 = tpu.vector_load_idx %arg11[%add3A_1026, %and3A_1022] : memref<1024x16xf32, #tpu.memory_space<vmem>>[vector<16xi32>, vector<16xi32>], vector<16xf32>,
      %swap3A_1028 = arith.constant 816 : index
      %swap3A_1029 = tpu.vector_load %arg12[%swap3A_1028] {strides = array<i32>} : memref<1024xf32, #tpu.memory_space<vmem>>, vector<16xf32>,
      tpu.vector_store %arg12[%swap3A_1028], %gather3A_1027 {strides = array<i32>} : memref<1024xf32, #tpu.memory_space<vmem>>, vector<16xf32>,
      %get3A_1030 = arith.index_cast %add3A_977 : i32 to index
      %get3A_1031 = arith.constant 64 : index
      %get3A_1032 = tpu.vector_load %arg8[%get3A_1030, %get3A_1031] {strides = array<i32>} : memref<104x128xi32, #tpu.memory_space<vmem>>, vector<16xi32>,
      %and3A_1033 = arith.constant 15 : i32
      %and3A_1034 = vector.broadcast %and3A_1033 : i32 to vector<16xi32>
      %and3A_1035 = arith.andi %get3A_1032, %and3A_1034 : vector<16xi32>
      %iota3A_1036 = tpu.iota {dimensions = array<i32: 0>} : vector<16xi32>
      %add3A_1037 = arith.constant 832 : i32
      %add3A_1038 = vector.broadcast %add3A_1037 : i32 to vector<16xi32>
      %add3A_1039 = arith.addi %iota3A_1036, %add3A_1038 : vector<16xi32>
      %gather3A_1040 = tpu.vector_load_idx %arg11[%add3A_1039, %and3A_1035] : memref<1024x16xf32, #tpu.memory_space<vmem>>[vector<16xi32>, vector<16xi32>], vector<16xf32>,
      %swap3A_1041 = arith.constant 832 : index
      %swap3A_1042 = tpu.vector_load %arg12[%swap3A_1041] {strides = array<i32>} : memref<1024xf32, #tpu.memory_space<vmem>>, vector<16xf32>,
      tpu.vector_store %arg12[%swap3A_1041], %gather3A_1040 {strides = array<i32>} : memref<1024xf32, #tpu.memory_space<vmem>>, vector<16xf32>,
      %get3A_1043 = arith.index_cast %add3A_977 : i32 to index
      %get3A_1044 = arith.constant 80 : index
      %get3A_1045 = tpu.vector_load %arg8[%get3A_1043, %get3A_1044] {strides = array<i32>} : memref<104x128xi32, #tpu.memory_space<vmem>>, vector<16xi32>,
      %and3A_1046 = arith.constant 15 : i32
      %and3A_1047 = vector.broadcast %and3A_1046 : i32 to vector<16xi32>
      %and3A_1048 = arith.andi %get3A_1045, %and3A_1047 : vector<16xi32>
      %iota3A_1049 = tpu.iota {dimensions = array<i32: 0>} : vector<16xi32>
      %add3A_1050 = arith.constant 848 : i32
      %add3A_1051 = vector.broadcast %add3A_1050 : i32 to vector<16xi32>
      %add3A_1052 = arith.addi %iota3A_1049, %add3A_1051 : vector<16xi32>
      %gather3A_1053 = tpu.vector_load_idx %arg11[%add3A_1052, %and3A_1048] : memref<1024x16xf32, #tpu.memory_space<vmem>>[vector<16xi32>, vector<16xi32>], vector<16xf32>,
      %swap3A_1054 = arith.constant 848 : index
      %swap3A_1055 = tpu.vector_load %arg12[%swap3A_1054] {strides = array<i32>} : memref<1024xf32, #tpu.memory_space<vmem>>, vector<16xf32>,
      tpu.vector_store %arg12[%swap3A_1054], %gather3A_1053 {strides = array<i32>} : memref<1024xf32, #tpu.memory_space<vmem>>, vector<16xf32>,
      %get3A_1056 = arith.index_cast %add3A_977 : i32 to index
      %get3A_1057 = arith.constant 96 : index
      %get3A_1058 = tpu.vector_load %arg8[%get3A_1056, %get3A_1057] {strides = array<i32>} : memref<104x128xi32, #tpu.memory_space<vmem>>, vector<16xi32>,
      %and3A_1059 = arith.constant 15 : i32
      %and3A_1060 = vector.broadcast %and3A_1059 : i32 to vector<16xi32>
      %and3A_1061 = arith.andi %get3A_1058, %and3A_1060 : vector<16xi32>
      %iota3A_1062 = tpu.iota {dimensions = array<i32: 0>} : vector<16xi32>
      %add3A_1063 = arith.constant 864 : i32
      %add3A_1064 = vector.broadcast %add3A_1063 : i32 to vector<16xi32>
      %add3A_1065 = arith.addi %iota3A_1062, %add3A_1064 : vector<16xi32>
      %gather3A_1066 = tpu.vector_load_idx %arg11[%add3A_1065, %and3A_1061] : memref<1024x16xf32, #tpu.memory_space<vmem>>[vector<16xi32>, vector<16xi32>], vector<16xf32>,
      %swap3A_1067 = arith.constant 864 : index
      %swap3A_1068 = tpu.vector_load %arg12[%swap3A_1067] {strides = array<i32>} : memref<1024xf32, #tpu.memory_space<vmem>>, vector<16xf32>,
      tpu.vector_store %arg12[%swap3A_1067], %gather3A_1066 {strides = array<i32>} : memref<1024xf32, #tpu.memory_space<vmem>>, vector<16xf32>,
      %get3A_1069 = arith.index_cast %add3A_977 : i32 to index
      %get3A_1070 = arith.constant 112 : index
      %get3A_1071 = tpu.vector_load %arg8[%get3A_1069, %get3A_1070] {strides = array<i32>} : memref<104x128xi32, #tpu.memory_space<vmem>>, vector<16xi32>,
      %and3A_1072 = arith.constant 15 : i32
      %and3A_1073 = vector.broadcast %and3A_1072 : i32 to vector<16xi32>
      %and3A_1074 = arith.andi %get3A_1071, %and3A_1073 : vector<16xi32>
      %iota3A_1075 = tpu.iota {dimensions = array<i32: 0>} : vector<16xi32>
      %add3A_1076 = arith.constant 880 : i32
      %add3A_1077 = vector.broadcast %add3A_1076 : i32 to vector<16xi32>
      %add3A_1078 = arith.addi %iota3A_1075, %add3A_1077 : vector<16xi32>
      %gather3A_1079 = tpu.vector_load_idx %arg11[%add3A_1078, %and3A_1074] : memref<1024x16xf32, #tpu.memory_space<vmem>>[vector<16xi32>, vector<16xi32>], vector<16xf32>,
      %swap3A_1080 = arith.constant 880 : index
      %swap3A_1081 = tpu.vector_load %arg12[%swap3A_1080] {strides = array<i32>} : memref<1024xf32, #tpu.memory_space<vmem>>, vector<16xf32>,
      tpu.vector_store %arg12[%swap3A_1080], %gather3A_1079 {strides = array<i32>} : memref<1024xf32, #tpu.memory_space<vmem>>, vector<16xf32>,
      %mul3A_1082 = arith.constant 8 : i32
      %mul3A_1083 = arith.muli %scan3A_11, %mul3A_1082 : i32
      %add3A_1084 = arith.constant 7 : i32
      %add3A_1085 = arith.addi %mul3A_1083, %add3A_1084 : i32
      %get3A_1086 = arith.index_cast %add3A_1085 : i32 to index
      %get3A_1087 = arith.constant 0 : index
      %get3A_1088 = tpu.vector_load %arg8[%get3A_1086, %get3A_1087] {strides = array<i32>} : memref<104x128xi32, #tpu.memory_space<vmem>>, vector<16xi32>,
      %and3A_1089 = arith.constant 15 : i32
      %and3A_1090 = vector.broadcast %and3A_1089 : i32 to vector<16xi32>
      %and3A_1091 = arith.andi %get3A_1088, %and3A_1090 : vector<16xi32>
      %iota3A_1092 = tpu.iota {dimensions = array<i32: 0>} : vector<16xi32>
      %add3A_1093 = arith.constant 896 : i32
      %add3A_1094 = vector.broadcast %add3A_1093 : i32 to vector<16xi32>
      %add3A_1095 = arith.addi %iota3A_1092, %add3A_1094 : vector<16xi32>
      %gather3A_1096 = tpu.vector_load_idx %arg11[%add3A_1095, %and3A_1091] : memref<1024x16xf32, #tpu.memory_space<vmem>>[vector<16xi32>, vector<16xi32>], vector<16xf32>,
      %swap3A_1097 = arith.constant 896 : index
      %swap3A_1098 = tpu.vector_load %arg12[%swap3A_1097] {strides = array<i32>} : memref<1024xf32, #tpu.memory_space<vmem>>, vector<16xf32>,
      tpu.vector_store %arg12[%swap3A_1097], %gather3A_1096 {strides = array<i32>} : memref<1024xf32, #tpu.memory_space<vmem>>, vector<16xf32>,
      %get3A_1099 = arith.index_cast %add3A_1085 : i32 to index
      %get3A_1100 = arith.constant 16 : index
      %get3A_1101 = tpu.vector_load %arg8[%get3A_1099, %get3A_1100] {strides = array<i32>} : memref<104x128xi32, #tpu.memory_space<vmem>>, vector<16xi32>,
      %and3A_1102 = arith.constant 15 : i32
      %and3A_1103 = vector.broadcast %and3A_1102 : i32 to vector<16xi32>
      %and3A_1104 = arith.andi %get3A_1101, %and3A_1103 : vector<16xi32>
      %iota3A_1105 = tpu.iota {dimensions = array<i32: 0>} : vector<16xi32>
      %add3A_1106 = arith.constant 912 : i32
      %add3A_1107 = vector.broadcast %add3A_1106 : i32 to vector<16xi32>
      %add3A_1108 = arith.addi %iota3A_1105, %add3A_1107 : vector<16xi32>
      %gather3A_1109 = tpu.vector_load_idx %arg11[%add3A_1108, %and3A_1104] : memref<1024x16xf32, #tpu.memory_space<vmem>>[vector<16xi32>, vector<16xi32>], vector<16xf32>,
      %swap3A_1110 = arith.constant 912 : index
      %swap3A_1111 = tpu.vector_load %arg12[%swap3A_1110] {strides = array<i32>} : memref<1024xf32, #tpu.memory_space<vmem>>, vector<16xf32>,
      tpu.vector_store %arg12[%swap3A_1110], %gather3A_1109 {strides = array<i32>} : memref<1024xf32, #tpu.memory_space<vmem>>, vector<16xf32>,
      %get3A_1112 = arith.index_cast %add3A_1085 : i32 to index
      %get3A_1113 = arith.constant 32 : index
      %get3A_1114 = tpu.vector_load %arg8[%get3A_1112, %get3A_1113] {strides = array<i32>} : memref<104x128xi32, #tpu.memory_space<vmem>>, vector<16xi32>,
      %and3A_1115 = arith.constant 15 : i32
      %and3A_1116 = vector.broadcast %and3A_1115 : i32 to vector<16xi32>
      %and3A_1117 = arith.andi %get3A_1114, %and3A_1116 : vector<16xi32>
      %iota3A_1118 = tpu.iota {dimensions = array<i32: 0>} : vector<16xi32>
      %add3A_1119 = arith.constant 928 : i32
      %add3A_1120 = vector.broadcast %add3A_1119 : i32 to vector<16xi32>
      %add3A_1121 = arith.addi %iota3A_1118, %add3A_1120 : vector<16xi32>
      %gather3A_1122 = tpu.vector_load_idx %arg11[%add3A_1121, %and3A_1117] : memref<1024x16xf32, #tpu.memory_space<vmem>>[vector<16xi32>, vector<16xi32>], vector<16xf32>,
      %swap3A_1123 = arith.constant 928 : index
      %swap3A_1124 = tpu.vector_load %arg12[%swap3A_1123] {strides = array<i32>} : memref<1024xf32, #tpu.memory_space<vmem>>, vector<16xf32>,
      tpu.vector_store %arg12[%swap3A_1123], %gather3A_1122 {strides = array<i32>} : memref<1024xf32, #tpu.memory_space<vmem>>, vector<16xf32>,
      %get3A_1125 = arith.index_cast %add3A_1085 : i32 to index
      %get3A_1126 = arith.constant 48 : index
      %get3A_1127 = tpu.vector_load %arg8[%get3A_1125, %get3A_1126] {strides = array<i32>} : memref<104x128xi32, #tpu.memory_space<vmem>>, vector<16xi32>,
      %and3A_1128 = arith.constant 15 : i32
      %and3A_1129 = vector.broadcast %and3A_1128 : i32 to vector<16xi32>
      %and3A_1130 = arith.andi %get3A_1127, %and3A_1129 : vector<16xi32>
      %iota3A_1131 = tpu.iota {dimensions = array<i32: 0>} : vector<16xi32>
      %add3A_1132 = arith.constant 944 : i32
      %add3A_1133 = vector.broadcast %add3A_1132 : i32 to vector<16xi32>
      %add3A_1134 = arith.addi %iota3A_1131, %add3A_1133 : vector<16xi32>
      %gather3A_1135 = tpu.vector_load_idx %arg11[%add3A_1134, %and3A_1130] : memref<1024x16xf32, #tpu.memory_space<vmem>>[vector<16xi32>, vector<16xi32>], vector<16xf32>,
      %swap3A_1136 = arith.constant 944 : index
      %swap3A_1137 = tpu.vector_load %arg12[%swap3A_1136] {strides = array<i32>} : memref<1024xf32, #tpu.memory_space<vmem>>, vector<16xf32>,
      tpu.vector_store %arg12[%swap3A_1136], %gather3A_1135 {strides = array<i32>} : memref<1024xf32, #tpu.memory_space<vmem>>, vector<16xf32>,
      %get3A_1138 = arith.index_cast %add3A_1085 : i32 to index
      %get3A_1139 = arith.constant 64 : index
      %get3A_1140 = tpu.vector_load %arg8[%get3A_1138, %get3A_1139] {strides = array<i32>} : memref<104x128xi32, #tpu.memory_space<vmem>>, vector<16xi32>,
      %and3A_1141 = arith.constant 15 : i32
      %and3A_1142 = vector.broadcast %and3A_1141 : i32 to vector<16xi32>
      %and3A_1143 = arith.andi %get3A_1140, %and3A_1142 : vector<16xi32>
      %iota3A_1144 = tpu.iota {dimensions = array<i32: 0>} : vector<16xi32>
      %add3A_1145 = arith.constant 960 : i32
      %add3A_1146 = vector.broadcast %add3A_1145 : i32 to vector<16xi32>
      %add3A_1147 = arith.addi %iota3A_1144, %add3A_1146 : vector<16xi32>
      %gather3A_1148 = tpu.vector_load_idx %arg11[%add3A_1147, %and3A_1143] : memref<1024x16xf32, #tpu.memory_space<vmem>>[vector<16xi32>, vector<16xi32>], vector<16xf32>,
      %swap3A_1149 = arith.constant 960 : index
      %swap3A_1150 = tpu.vector_load %arg12[%swap3A_1149] {strides = array<i32>} : memref<1024xf32, #tpu.memory_space<vmem>>, vector<16xf32>,
      tpu.vector_store %arg12[%swap3A_1149], %gather3A_1148 {strides = array<i32>} : memref<1024xf32, #tpu.memory_space<vmem>>, vector<16xf32>,
      %get3A_1151 = arith.index_cast %add3A_1085 : i32 to index
      %get3A_1152 = arith.constant 80 : index
      %get3A_1153 = tpu.vector_load %arg8[%get3A_1151, %get3A_1152] {strides = array<i32>} : memref<104x128xi32, #tpu.memory_space<vmem>>, vector<16xi32>,
      %and3A_1154 = arith.constant 15 : i32
      %and3A_1155 = vector.broadcast %and3A_1154 : i32 to vector<16xi32>
      %and3A_1156 = arith.andi %get3A_1153, %and3A_1155 : vector<16xi32>
      %iota3A_1157 = tpu.iota {dimensions = array<i32: 0>} : vector<16xi32>
      %add3A_1158 = arith.constant 976 : i32
      %add3A_1159 = vector.broadcast %add3A_1158 : i32 to vector<16xi32>
      %add3A_1160 = arith.addi %iota3A_1157, %add3A_1159 : vector<16xi32>
      %gather3A_1161 = tpu.vector_load_idx %arg11[%add3A_1160, %and3A_1156] : memref<1024x16xf32, #tpu.memory_space<vmem>>[vector<16xi32>, vector<16xi32>], vector<16xf32>,
      %swap3A_1162 = arith.constant 976 : index
      %swap3A_1163 = tpu.vector_load %arg12[%swap3A_1162] {strides = array<i32>} : memref<1024xf32, #tpu.memory_space<vmem>>, vector<16xf32>,
      tpu.vector_store %arg12[%swap3A_1162], %gather3A_1161 {strides = array<i32>} : memref<1024xf32, #tpu.memory_space<vmem>>, vector<16xf32>,
      %get3A_1164 = arith.index_cast %add3A_1085 : i32 to index
      %get3A_1165 = arith.constant 96 : index
      %get3A_1166 = tpu.vector_load %arg8[%get3A_1164, %get3A_1165] {strides = array<i32>} : memref<104x128xi32, #tpu.memory_space<vmem>>, vector<16xi32>,
      %and3A_1167 = arith.constant 15 : i32
      %and3A_1168 = vector.broadcast %and3A_1167 : i32 to vector<16xi32>
      %and3A_1169 = arith.andi %get3A_1166, %and3A_1168 : vector<16xi32>
      %iota3A_1170 = tpu.iota {dimensions = array<i32: 0>} : vector<16xi32>
      %add3A_1171 = arith.constant 992 : i32
      %add3A_1172 = vector.broadcast %add3A_1171 : i32 to vector<16xi32>
      %add3A_1173 = arith.addi %iota3A_1170, %add3A_1172 : vector<16xi32>
      %gather3A_1174 = tpu.vector_load_idx %arg11[%add3A_1173, %and3A_1169] : memref<1024x16xf32, #tpu.memory_space<vmem>>[vector<16xi32>, vector<16xi32>], vector<16xf32>,
      %swap3A_1175 = arith.constant 992 : index
      %swap3A_1176 = tpu.vector_load %arg12[%swap3A_1175] {strides = array<i32>} : memref<1024xf32, #tpu.memory_space<vmem>>, vector<16xf32>,
      tpu.vector_store %arg12[%swap3A_1175], %gather3A_1174 {strides = array<i32>} : memref<1024xf32, #tpu.memory_space<vmem>>, vector<16xf32>,
      %get3A_1177 = arith.index_cast %add3A_1085 : i32 to index
      %get3A_1178 = arith.constant 112 : index
      %get3A_1179 = tpu.vector_load %arg8[%get3A_1177, %get3A_1178] {strides = array<i32>} : memref<104x128xi32, #tpu.memory_space<vmem>>, vector<16xi32>,
      %and3A_1180 = arith.constant 15 : i32
      %and3A_1181 = vector.broadcast %and3A_1180 : i32 to vector<16xi32>
      %and3A_1182 = arith.andi %get3A_1179, %and3A_1181 : vector<16xi32>
      %iota3A_1183 = tpu.iota {dimensions = array<i32: 0>} : vector<16xi32>
      %add3A_1184 = arith.constant 1008 : i32
      %add3A_1185 = vector.broadcast %add3A_1184 : i32 to vector<16xi32>
      %add3A_1186 = arith.addi %iota3A_1183, %add3A_1185 : vector<16xi32>
      %gather3A_1187 = tpu.vector_load_idx %arg11[%add3A_1186, %and3A_1182] : memref<1024x16xf32, #tpu.memory_space<vmem>>[vector<16xi32>, vector<16xi32>], vector<16xf32>,
      %swap3A_1188 = arith.constant 1008 : index
      %swap3A_1189 = tpu.vector_load %arg12[%swap3A_1188] {strides = array<i32>} : memref<1024xf32, #tpu.memory_space<vmem>>, vector<16xf32>,
      tpu.vector_store %arg12[%swap3A_1188], %gather3A_1187 {strides = array<i32>} : memref<1024xf32, #tpu.memory_space<vmem>>, vector<16xf32>,
      %mul3A_1190 = arith.constant 13312 : i32
      %mul3A_1191 = arith.muli %add3A, %mul3A_1190 : i32
      %mul3A_1192 = arith.constant 1024 : i32
      %mul3A_1193 = arith.muli %scan3A_11, %mul3A_1192 : i32
      %add3A_1194 = arith.addi %mul3A_1191, %mul3A_1193 : i32
      "tpu.region"() ({
        %run_scoped3A = tpu.sem_alloc : memref<!tpu.dma_semaphore, #tpu.memory_space<semaphore_mem>>
        %dma_start3A_1196 = arith.constant 0 : i32
        %dma_start3A_1197 = tpu.memref_slice %arg6[%add3A_1194, %dma_start3A_1196] : memref<425984x16xf32, #tpu.memory_space<hbm>> -> memref<1024x16xf32, #tpu.memory_space<hbm>>
        %dma_start3A_1198 = arith.constant 0 : i32
        %dma_start3A_1199 = tpu.memref_slice %arg6[%add3A_1194, %dma_start3A_1198] : memref<425984x16xf32, #tpu.memory_space<hbm>> -> memref<1024x16xf32, #tpu.memory_space<hbm>>
        tpu.enqueue_dma source(%arg10 : memref<1024x16xf32, #tpu.memory_space<vmem>>) target(%dma_start3A_1199 : memref<1024x16xf32, #tpu.memory_space<hbm>>) target_semaphore(%run_scoped3A : memref<!tpu.dma_semaphore, #tpu.memory_space<semaphore_mem>>)
        %dma_wait3A_1200 = arith.constant 0 : i32
        %dma_wait3A_1201 = tpu.memref_slice %arg6[%add3A_1194, %dma_wait3A_1200] : memref<425984x16xf32, #tpu.memory_space<hbm>> -> memref<1024x16xf32, #tpu.memory_space<hbm>>
        %dma_wait3A_1202 = arith.constant 0 : i32
        %dma_wait3A_1203 = tpu.memref_slice %arg6[%add3A_1194, %dma_wait3A_1202] : memref<425984x16xf32, #tpu.memory_space<hbm>> -> memref<1024x16xf32, #tpu.memory_space<hbm>>
        tpu.wait_dma2 semaphore(%run_scoped3A : memref<!tpu.dma_semaphore, #tpu.memory_space<semaphore_mem>>) src(%arg10 : memref<1024x16xf32, #tpu.memory_space<vmem>>) dst(%dma_wait3A_1203 : memref<1024x16xf32, #tpu.memory_space<hbm>>)
        tpu.yield
      }) : () -> ()
      "tpu.region"() ({
        %run_scoped3A = tpu.sem_alloc : memref<!tpu.dma_semaphore, #tpu.memory_space<semaphore_mem>>
        %dma_start3A_1196 = tpu.memref_slice %arg7[%add3A_1194] : memref<425984xf32, #tpu.memory_space<hbm>> -> memref<1024xf32, #tpu.memory_space<hbm>>
        %dma_start3A_1197 = tpu.memref_slice %arg7[%add3A_1194] : memref<425984xf32, #tpu.memory_space<hbm>> -> memref<1024xf32, #tpu.memory_space<hbm>>
        tpu.enqueue_dma source(%arg12 : memref<1024xf32, #tpu.memory_space<vmem>>) target(%dma_start3A_1197 : memref<1024xf32, #tpu.memory_space<hbm>>) target_semaphore(%run_scoped3A : memref<!tpu.dma_semaphore, #tpu.memory_space<semaphore_mem>>)
        %dma_wait3A_1198 = tpu.memref_slice %arg7[%add3A_1194] : memref<425984xf32, #tpu.memory_space<hbm>> -> memref<1024xf32, #tpu.memory_space<hbm>>
        %dma_wait3A_1199 = tpu.memref_slice %arg7[%add3A_1194] : memref<425984xf32, #tpu.memory_space<hbm>> -> memref<1024xf32, #tpu.memory_space<hbm>>
        tpu.wait_dma2 semaphore(%run_scoped3A : memref<!tpu.dma_semaphore, #tpu.memory_space<semaphore_mem>>) src(%arg12 : memref<1024xf32, #tpu.memory_space<vmem>>) dst(%dma_wait3A_1199 : memref<1024xf32, #tpu.memory_space<hbm>>)
        tpu.yield
      }) : () -> ()
      %scan3A_1195 = arith.constant 0 : i32
      scf.yield %scan3A_1195 : i32
    }
    %scan3A_10 = arith.constant 13 : i32
    return
  }
}

module attributes {stable_mosaic.version = 14 : i64} {
  func.func @_tc_body(%arg0: i32, %arg1: memref<1024x416xf32, #tpu.memory_space<vmem>>, %arg2: memref<1024x26xf32, #tpu.memory_space<vmem>>, %arg3: memref<416x32xf32, #tpu.memory_space<vmem>>, %arg4: memref<1x32xf32, #tpu.memory_space<vmem>>, %arg5: memref<32x32xf32, #tpu.memory_space<vmem>>, %arg6: memref<1x32xf32, #tpu.memory_space<vmem>>, %arg7: memref<416x16xf32, #tpu.memory_space<vmem>>, %arg8: memref<1xf32, #tpu.memory_space<smem>>, %arg9: memref<1024xf32, #tpu.memory_space<vmem>>) attributes {dimension_semantics = [#tpu.dimension_semantics<arbitrary>], iteration_bounds = array<i64: 16>, scalar_prefetch = 0 : i64, scratch_operands = 0 : i64, tpu.core_type = #tpu.core_type<tc>, window_params = [{transform_indices = @transform_0, window_bounds = array<i64: 1024, 416>}, {transform_indices = @transform_1, window_bounds = array<i64: 1024, 26>}, {pipeline_mode = #tpu.pipeline_mode<synchronous>, transform_indices = @transform_2, window_bounds = array<i64: 416, 32>}, {pipeline_mode = #tpu.pipeline_mode<synchronous>, transform_indices = @transform_3, window_bounds = array<i64: 1, 32>}, {pipeline_mode = #tpu.pipeline_mode<synchronous>, transform_indices = @transform_4, window_bounds = array<i64: 32, 32>}, {pipeline_mode = #tpu.pipeline_mode<synchronous>, transform_indices = @transform_5, window_bounds = array<i64: 1, 32>}, {pipeline_mode = #tpu.pipeline_mode<synchronous>, transform_indices = @transform_6, window_bounds = array<i64: 416, 16>}, {transform_indices = @transform_7, window_bounds = array<i64: 1>}, {transform_indices = @transform_8, window_bounds = array<i64: 1024>}]} {
    %get3A = arith.constant 0 : index
    %get3A_0 = arith.constant 0 : index
    %get3A_1 = vector.load %arg1[%get3A, %get3A_0] : memref<1024x416xf32, #tpu.memory_space<vmem>>, vector<1024x416xf32>
    %get3A_2 = arith.constant 0 : index
    %get3A_3 = arith.constant 0 : index
    %get3A_4 = vector.load %arg3[%get3A_2, %get3A_3] : memref<416x32xf32, #tpu.memory_space<vmem>>, vector<416x32xf32>
    %dot_general3A = arith.constant dense<0.000000e+00> : vector<1024x32xf32>
    %dot_general3A_5 = tpu.matmul %get3A_1, %get3A_4, %dot_general3A {dimension_numbers = #tpu.dot_dimension_numbers<[1], [0], [0], [1], [0, 0, 1, 1], [], []>, transpose_lhs_hint = false} : vector<1024x416xf32>, vector<416x32xf32>, vector<1024x32xf32> -> vector<1024x32xf32>
    %get3A_6 = arith.constant 0 : index
    %get3A_7 = arith.constant 0 : index
    %get3A_8 = vector.load %arg4[%get3A_6, %get3A_7] : memref<1x32xf32, #tpu.memory_space<vmem>>, vector<1x32xf32>
    %add3A = vector.broadcast %get3A_8 : vector<1x32xf32> to vector<1024x32xf32>
    %add3A_9 = arith.addf %dot_general3A_5, %add3A : vector<1024x32xf32>
    %max3A = arith.constant 0.000000e+00 : f32
    %max3A_10 = vector.broadcast %max3A : f32 to vector<1024x32xf32>
    %max3A_11 = arith.maximumf %add3A_9, %max3A_10 : vector<1024x32xf32>
    %get3A_12 = arith.constant 0 : index
    %get3A_13 = arith.constant 0 : index
    %get3A_14 = vector.load %arg5[%get3A_12, %get3A_13] : memref<32x32xf32, #tpu.memory_space<vmem>>, vector<32x32xf32>
    %dot_general3A_15 = arith.constant dense<0.000000e+00> : vector<1024x32xf32>
    %dot_general3A_16 = tpu.matmul %max3A_11, %get3A_14, %dot_general3A_15 {dimension_numbers = #tpu.dot_dimension_numbers<[1], [0], [0], [1], [0, 0, 1, 1], [], []>, transpose_lhs_hint = false} : vector<1024x32xf32>, vector<32x32xf32>, vector<1024x32xf32> -> vector<1024x32xf32>
    %get3A_17 = arith.constant 0 : index
    %get3A_18 = arith.constant 0 : index
    %get3A_19 = vector.load %arg6[%get3A_17, %get3A_18] : memref<1x32xf32, #tpu.memory_space<vmem>>, vector<1x32xf32>
    %add3A_20 = vector.broadcast %get3A_19 : vector<1x32xf32> to vector<1024x32xf32>
    %add3A_21 = arith.addf %dot_general3A_16, %add3A_20 : vector<1024x32xf32>
    %max3A_22 = arith.constant 0.000000e+00 : f32
    %max3A_23 = vector.broadcast %max3A_22 : f32 to vector<1024x32xf32>
    %max3A_24 = arith.maximumf %add3A_21, %max3A_23 : vector<1024x32xf32>
    %get3A_25 = arith.constant 0 : index
    %get3A_26 = arith.constant 0 : index
    %get3A_27 = vector.load %arg7[%get3A_25, %get3A_26] : memref<416x16xf32, #tpu.memory_space<vmem>>, vector<416x16xf32>
    %dot_general3A_28 = arith.constant dense<0.000000e+00> : vector<1024x16xf32>
    %dot_general3A_29 = tpu.matmul %get3A_1, %get3A_27, %dot_general3A_28 {dimension_numbers = #tpu.dot_dimension_numbers<[1], [0], [0], [1], [0, 0, 1, 1], [], []>, transpose_lhs_hint = false} : vector<1024x416xf32>, vector<416x16xf32>, vector<1024x16xf32> -> vector<1024x16xf32>
    %mul3A = arith.mulf %dot_general3A_29, %dot_general3A_29 : vector<1024x16xf32>
    %reduce_sum3A = arith.constant dense<0.000000e+00> : vector<1024xf32>
    %reduce_sum3A_30 = vector.multi_reduction <add>, %mul3A, %reduce_sum3A [1] : vector<1024x16xf32> to vector<1024xf32>
    %mul3A_31 = arith.mulf %get3A_1, %get3A_1 : vector<1024x416xf32>
    %reduce_sum3A_32 = arith.constant dense<0.000000e+00> : vector<1024xf32>
    %reduce_sum3A_33 = vector.multi_reduction <add>, %mul3A_31, %reduce_sum3A_32 [1] : vector<1024x416xf32> to vector<1024xf32>
    %sub3A = arith.subf %reduce_sum3A_30, %reduce_sum3A_33 : vector<1024xf32>
    %mul3A_34 = arith.constant 5.000000e-01 : f32
    %mul3A_35 = vector.broadcast %mul3A_34 : f32 to vector<1024xf32>
    %mul3A_36 = arith.mulf %mul3A_35, %sub3A : vector<1024xf32>
    %get3A_37 = arith.constant 0 : index
    %get3A_38 = arith.constant 0 : index
    %get3A_39 = vector.load %arg2[%get3A_37, %get3A_38] : memref<1024x26xf32, #tpu.memory_space<vmem>>, vector<1024x26xf32>
    %reduce_sum3A_40 = arith.constant dense<0.000000e+00> : vector<1024xf32>
    %reduce_sum3A_41 = vector.multi_reduction <add>, %get3A_39, %reduce_sum3A_40 [1] : vector<1024x26xf32> to vector<1024xf32>
    %add3A_42 = arith.addf %reduce_sum3A_41, %mul3A_36 : vector<1024xf32>
    %reduce_sum3A_43 = arith.constant dense<0.000000e+00> : vector<1024xf32>
    %reduce_sum3A_44 = vector.multi_reduction <add>, %max3A_24, %reduce_sum3A_43 [1] : vector<1024x32xf32> to vector<1024xf32>
    %add3A_45 = arith.addf %add3A_42, %reduce_sum3A_44 : vector<1024xf32>
    %get3A_46 = arith.constant 0 : index
    %get3A_47 = memref.load %arg8[%get3A_46] : memref<1xf32, #tpu.memory_space<smem>>
    %add3A_48 = vector.broadcast %get3A_47 : f32 to vector<1024xf32>
    %add3A_49 = arith.addf %add3A_45, %add3A_48 : vector<1024xf32>
    %swap3A = arith.constant 0 : index
    %swap3A_50 = vector.load %arg9[%swap3A] : memref<1024xf32, #tpu.memory_space<vmem>>, vector<1024xf32>
    tpu.vector_store %arg9[%swap3A], %add3A_49 {strides = array<i32>} : memref<1024xf32, #tpu.memory_space<vmem>>, vector<1024xf32>,
    return
  }
  func.func @transform_0(%arg0: i32) -> (i32, i32) {
    %c0_i32 = arith.constant 0 : i32
    %c0_i32_0 = arith.constant 0 : i32
    return %arg0, %c0_i32 : i32, i32
  }
  func.func @transform_1(%arg0: i32) -> (i32, i32) {
    %c0_i32 = arith.constant 0 : i32
    %c0_i32_0 = arith.constant 0 : i32
    return %arg0, %c0_i32 : i32, i32
  }
  func.func @transform_2(%arg0: i32) -> (i32, i32) {
    %c0_i32 = arith.constant 0 : i32
    %c0_i32_0 = arith.constant 0 : i32
    %c0_i32_1 = arith.constant 0 : i32
    return %c0_i32, %c0_i32_0 : i32, i32
  }
  func.func @transform_3(%arg0: i32) -> (i32, i32) {
    %c0_i32 = arith.constant 0 : i32
    %c0_i32_0 = arith.constant 0 : i32
    %c0_i32_1 = arith.constant 0 : i32
    return %c0_i32, %c0_i32_0 : i32, i32
  }
  func.func @transform_4(%arg0: i32) -> (i32, i32) {
    %c0_i32 = arith.constant 0 : i32
    %c0_i32_0 = arith.constant 0 : i32
    %c0_i32_1 = arith.constant 0 : i32
    return %c0_i32, %c0_i32_0 : i32, i32
  }
  func.func @transform_5(%arg0: i32) -> (i32, i32) {
    %c0_i32 = arith.constant 0 : i32
    %c0_i32_0 = arith.constant 0 : i32
    %c0_i32_1 = arith.constant 0 : i32
    return %c0_i32, %c0_i32_0 : i32, i32
  }
  func.func @transform_6(%arg0: i32) -> (i32, i32) {
    %c0_i32 = arith.constant 0 : i32
    %c0_i32_0 = arith.constant 0 : i32
    %c0_i32_1 = arith.constant 0 : i32
    return %c0_i32, %c0_i32_0 : i32, i32
  }
  func.func @transform_7(%arg0: i32) -> i32 {
    %c0_i32 = arith.constant 0 : i32
    %c0_i32_0 = arith.constant 0 : i32
    return %c0_i32 : i32
  }
  func.func @transform_8(%arg0: i32) -> i32 {
    %c0_i32 = arith.constant 0 : i32
    return %arg0 : i32
  }
}

</mosaic_0001>

<sc_bundles>
// kernel: kernel.5.cloned.1.call-start
scs
__scs_entry_jumppad:
0x0: {  	(pc) =	sbr.rel $0x88, $3  }
0x1: {  	(tag) =	ssettag $0x0;
	lr =	simm.s32 $0x1  }
0x2: {  	[smem:$0x3F99] =	sst lr;
	_ =	strace $0xD0000000  }
0x3: {  	_ = 	snop  }
0x4: {  	_ = 	snop  }
0x5: {  	_ = 	snop  }
0x6: {  	_ = 	snop  }
0x7: {  	_ = 	snop  }
__scs_overlays_trampoline_lowered:
0x8: {  	[smem:$0x3FA8] =	sst s0  }
0x9: {  	[smem:$0x3FA9] =	sst s1  }
0xa: {  	[smem:$0x3FAA] =	sst s2  }
0xb: {  	[smem:$0x3FAB] =	sst s3  }
0xc: {  	[smem:$0x3FAC] =	sst s4  }
0xd: {  	[smem:$0x3FAD] =	sst s5  }
0xe: {  	[smem:$0x3FAE] =	sst s6  }
0xf: {  	[smem:$0x3FAF] =	sst s7  }
0x10: {  	[smem:$0x3FB0] =	sst s8  }
0x11: {  	[smem:$0x3FB1] =	sst s9;
	s0 =	simm.s32 @!p0 $0x0  }
0x12: {  	s1 =	sld [smem:$0x3F97];
	s0 =	simm.s32 @p0 $0x1  }
0x13: {  	[smem:$0x3FB2] =	sst s0;
	s0 =	simm.s32 @!p1 $0x0  }
0x14: {  	s2 =	sld [smem:$0x3F96];
	s0 =	simm.s32 @p1 $0x1  }
0x15: {  	[smem:$0x3FB3] =	sst s0;
	s0 =	simm.s32 @!p2 $0x0  }
0x16: {  	s3 =	sld [smem:$0x3FDB];
	s0 =	simm.s32 @p2 $0x1  }
0x17: {  	s4 =	simm.s32 $0x1BF5;
	[smem:$0x3FB5] =	sst s0  }
0x18: {  	s0 =	sld [smem:$0x3F98];
	_ =	swait.ge [sflag:s4], $0x0  }
0x19: {  	s7 =	sld [smem:$0x3F99]  }
0x1a: {  	s8 =	sadd.s32 $0xFFFFE003, lr  }
0x1b: {  	s9 =	sadd.s32 $0xFFFFFEF7, lr;
	s5 =	simm.s32 $0xFFFFFFFF;
	p2 =	slt.u32 s8, $0xFFFFF086  }
0x1c: {  	p1 =	slt.u32 s9, $0xF7A;
	s5 =	simm.s32 @!p2 $0x0  }
0x1d: {  	s5 =	simm.s32 @p1 $0x1;
	p0 =	seq.s32 s7, s2  }
0x1e: {  	s7 =	smul.u32 @!p0 $0xF7A, s2;
	p2 =	seq.s32 @!p0 s5, $0x0  }
0x1f: {  	s9 =	smul.u32 $0xF7A, s1;
	s8 =	simm.s32 @!p0 $0x1BF5;
	p2 =	por !p2, p0  }
0x20: {  	[sflag:s8] =	ssyncset.s32 @!p0 $0xFFFFF086;
	s6 =	sadd.s32 @!p0 s3, s7;
	s7 =	simm.s32 @!p0 $0x108  }
0x21: {  	s3 =	sadd.s32 s3, s9;
	s6 =	sadd.s32 @!p0 $0x88, s6;
	s7 =	simm.s32 @p2 $0x1082  }
0x22: {  	[simem:s7], [sflag:s8] =	dma.local @!p0 [hbm:s6], $0xF7A  }
0x23: {  	s9 =	sor.u32 $0xD0000000, s2;
	s6 =	simm.s32 $0x108;
	_ =	swait.ge @!p0 [sflag:s8], $0x0  }
0x24: {  	s3 =	sadd.s32 $0x88, s3;
	s6 =	simm.s32 @!p1 $0x1082;
	[sflag:s4] =	ssyncset.s32 $0xFFFFF086  }
0x25: {  	[simem:s6], [sflag:s4] =	dma.local [hbm:s3], $0xF7A  }
0x26: {  	[smem:$0x3F99] =	sst s1;
	(tag) =	ssettag s2;
	_ =	strace s9  }
0x27: {  	s1 =	sld [smem:$0x3FA9]  }
0x28: {  	s2 =	sld [smem:$0x3FAA]  }
0x29: {  	s4 =	sld [smem:$0x3FAC]  }
0x2a: {  	p0 =	seq.s32 s5, $0x0;
	s5 =	sld [smem:$0x3FAD]  }
0x2b: {  	s6 =	sld [smem:$0x3FAE]  }
0x2c: {  	s7 =	sld [smem:$0x3FAF]  }
0x2d: {  	s3 =	simm.s32 $0x108;
	s8 =	sld [smem:$0x3FB0]  }
0x2e: {  	s3 =	simm.s32 @!p0 $0x1082;
	s9 =	sld [smem:$0x3FB1]  }
0x2f: {  	lr =	sadd.s32 s0, s3;
	s0 =	sld [smem:$0x3FA8]  }
0x30: {  	s3 =	sld [smem:$0x3FAB]  }
0x31: {  	[smem:$0x3FB4] =	sst s10  }
0x32: {  	s10 =	sld [smem:$0x3FB2];
	_ =	sdelay $0x3  }
0x33: {  	p0 =	seq.s32 s10, $0x1;
	s10 =	sld [smem:$0x3FB4];
	_ =	sdelay $0x3  }
0x34: {  	[smem:$0x3FB4] =	sst s10  }
0x35: {  	s10 =	sld [smem:$0x3FB3];
	_ =	sdelay $0x3  }
0x36: {  	p1 =	seq.s32 s10, $0x1;
	s10 =	sld [smem:$0x3FB4];
	_ =	sdelay $0x3  }
0x37: {  	[smem:$0x3FB4] =	sst s10  }
0x38: {  	s10 =	sld [smem:$0x3FB5]  }
0x39: {  	_ = 	snop;
	(pc) =	sbr.ind lr, $3  }
0x3a: {  	_ = 	snop  }
0x3b: {  	_ = 	snop  }
0x3c: {  	p2 =	seq.s32 s10, $0x1;
	s10 =	sld [smem:$0x3FB4]  }
0x3d: {  	_ =	shalt  }
0x3e: {  	_ =	shalt  }
0x3f: {  	_ =	shalt  }
0x40: {  	_ =	shalt  }
0x41: {  	_ =	shalt  }
0x42: {  	_ =	shalt  }
0x43: {  	_ =	shalt  }
0x44: {  	_ =	shalt  }
0x45: {  	_ =	shalt  }
0x46: {  	_ =	shalt  }
0x47: {  	_ =	shalt  }
0x48: {  	_ =	shalt  }
0x49: {  	_ =	shalt  }
0x4a: {  	_ =	shalt  }
0x4b: {  	_ =	shalt  }
0x4c: {  	_ =	shalt  }
0x4d: {  	_ =	shalt  }
0x4e: {  	_ =	shalt  }
0x4f: {  	_ =	shalt  }
0x50: {  	_ =	shalt  }
0x51: {  	_ =	shalt  }
0x52: {  	_ =	shalt  }
0x53: {  	_ =	shalt  }
0x54: {  	_ =	shalt  }
0x55: {  	_ =	shalt  }
0x56: {  	_ =	shalt  }
0x57: {  	_ =	shalt  }
0x58: {  	_ =	shalt  }
0x59: {  	_ =	shalt  }
0x5a: {  	_ =	shalt  }
0x5b: {  	_ =	shalt  }
0x5c: {  	_ =	shalt  }
0x5d: {  	_ =	shalt  }
0x5e: {  	_ =	shalt  }
0x5f: {  	_ =	shalt  }
0x60: {  	_ =	shalt  }
0x61: {  	_ =	shalt  }
0x62: {  	_ =	shalt  }
0x63: {  	_ =	shalt  }
0x64: {  	_ =	shalt  }
0x65: {  	_ =	shalt  }
0x66: {  	_ =	shalt  }
0x67: {  	_ =	shalt  }
0x68: {  	_ =	shalt  }
0x69: {  	_ =	shalt  }
0x6a: {  	_ =	shalt  }
0x6b: {  	_ =	shalt  }
0x6c: {  	_ =	shalt  }
0x6d: {  	_ =	shalt  }
0x6e: {  	_ =	shalt  }
0x6f: {  	_ =	shalt  }
0x70: {  	_ =	shalt  }
0x71: {  	_ =	shalt  }
0x72: {  	_ =	shalt  }
0x73: {  	_ =	shalt  }
0x74: {  	_ =	shalt  }
0x75: {  	_ =	shalt  }
0x76: {  	_ =	shalt  }
0x77: {  	_ =	shalt  }
0x78: {  	_ =	shalt  }
0x79: {  	_ =	shalt  }
0x7a: {  	_ =	shalt  }
0x7b: {  	_ =	shalt  }
0x7c: {  	_ =	shalt  }
0x7d: {  	_ =	shalt  }
0x7e: {  	_ =	shalt  }
0x7f: {  	_ =	shalt  }
0x80: {  	_ =	shalt  }
0x81: {  	_ =	shalt  }
0x82: {  	_ =	shalt  }
0x83: {  	_ =	shalt  }
0x84: {  	_ =	shalt  }
0x85: {  	_ =	shalt  }
0x86: {  	_ =	shalt  }
0x87: {  	_ =	shalt  }
.Lfunc_end0:
.L_simem_size_0:
called_computation_lowered:
.L_overlay_start_0:
0x88: {  	s2 =	sld [smem:$0x3FD9]  }
0x89: {  	s3 =	sld [smem:$0x3FFE];
	_ =	sdelay $0x1  }
0x8a: {  	s1 =	srdreg.scid  }
0x8b: {  	s0 =	sand.u32 $0x1, s1  }
0x8c: {  	s16 =	sshll.u32 s0, $0xA;
	s2 =	sadd.s32 s3, s2  }
0x8d: {  	s2 =	sadd.s32 s2, s16  }
0x8e: {  	[smem:$0x3FC0] =	sst s2  }
0x8f: {  	_ = 	snop  }
0x90: {  	(tm) =	ssettm $0x1  }
0x91: {  	s17 =	sld [smem:$0x3FFB];
	_ =	sdelay $0x3  }
0x92: {  	_ =	strace s17  }
0x93: {  	s2 =	sld [smem:$0x3FFC];
	_ =	sdelay $0x3  }
0x94: {  	_ =	strace s2  }
0x95: {  	s2 =	sld [smem:$0x3FFD];
	_ =	sdelay $0x3  }
0x96: {  	_ =	strace s2  }
0x97: {  	_ =	strace $0x8FFFFFFF  }
0x98: {  	s18 =	sld [smem:$0x3FDB];
	_ =	sdelay $0x1  }
0x99: {  	s19 =	simm.s32 $_scs_section_size  }
0x9a: {  	s4 =	simm.s32 $_size__tile_overlayer_lowered;
	s5 =	simm.s32 $_tile_overlayer_lowered  }
0x9b: {  	s22 =	simm.s32 $0x1BFF;
	s21 =	sshll.u32 s5, $0x1;
	s2 =	sadd.s32 s19, s18  }
0x9c: {  	s6 =	simm.s32 $0x0;
	s20 =	sshll.u32 s4, $0x1;
	s4 =	sadd.s32 s21, s2  }
0x9d: {  	[timem:s6], [sflag:s22] =	dma.local [hbm:s4], s20  }
0x9e: {  	_ =	swait.ge [sflag:s22], s20  }
0x9f: {  	s3 =	ssub.s32 $0x0, s20;
	[sflag:s22] =	ssyncset.done $0x0  }
0xa0: {  	[sflag:s22] =	ssyncadd.s32 s3;
	_ =	sdelay $0x1  }
0xa1: {  	s23 =	simm.s32 $0x1B8B  }
0xa2: {  	_ =	swait.ge [sflag:s23], $0x1  }
0xa3: {  	[sflag:s23] =	ssyncset.done $0x0  }
0xa4: {  	s25 =	simm.s32 $0x1B8E;
	s24 =	sld [smem:$0x3FFE];
	[sflag:s23] =	ssyncadd.s32 $0xFFFFFFFF  }
0xa5: {  	s26 =	simm.s32 $execute0_lowered;
	[smem:$0x3FD2] =	sst s25  }
0xa6: {  	s4 =	sshll.u32 s26, $0x1;
	_ =	strace $0x80000046;
	[dreg:$0x1] =	wrdreg $0xFFFFFFFF  }
0xa7: {  	s28 =	simm.s32 $_size_execute0_lowered;
	s2 =	sadd.s32 s2, s4;
	[dreg:$0x0] =	wrdreg $0x0  }
0xa8: {  	s4 =	sshll.u32 s28, $0x1;
	[dreg:$0x2] =	wrdreg s2  }
0xa9: {  	[dreg:$0x3] =	wrdreg s4  }
0xaa: {  	[dreg:$0x4] =	wrdreg $0xC0  }
0xab: {  	_ =	task [dreg:s6], $0x5FFFF  }
0xac: {  	[dreg:$0x1] =	wrdreg $0xFFFFFFFF  }
0xad: {  	[dreg:$0x0] =	wrdreg $0x60  }
0xae: {  	[dreg:$0x2] =	wrdreg s24  }
0xaf: {  	[dreg:$0x3] =	wrdreg $0x9  }
0xb0: {  	_ =	task.clear_ibuf [dreg:s6], $0x4FFFF;
	_ =	strace $0x90000046  }
0xb1: {  	s29 =	simm.s32 $0x9;
	_ =	strace $0x80000048  }
0xb2: {  	_ =	swait.ge [sflag:s29], $0x1  }
0xb3: {  	[sflag:s29] =	ssyncadd.s32 $0xFFFFFFFF  }
0xb4: {  	_ =	strace $0x90000048  }
0xb5: {  	_ =	sfence  }
0xb6: {  	s30 =	sld [smem:$0x0];
	_ =	sdelay $0x2  }
0xb7: {  	s31 =	sshll.u32 s1, $0xD;
	s1 =	sshrl.u32 s1, $0x2  }
0xb8: {  	s3 =	sand.u32 $0x4000, s31;
	s1 =	sadd.s32 s1, s30  }
0xb9: {  	s0 =	sor.u32 s3, s0;
	s1 =	sshll.u32 s1, $0x11  }
0xba: {  	s0 =	sor.u32 s1, s0  }
0xbb: {  	s0 =	sadd.s32 $0x8F2B, s0  }
0xbc: {  	[sflag:s0] =	ssyncadd.remote.s32 $0x1  }
0xbd: {  	_ =	sfence.sel $0xFFFF  }
0xbe: {  	[dreg:$0x0] =	wrdreg $0xFFFFFFFF;
	(pc) =	sbr.abs _section_cstart, $3  }
0xbf: {  	[dreg:$0x1] =	wrdreg $0xFFFFFFFF  }
0xc0: {  	_ =	task.clear_ibuf [dreg:s6], $0x2FFFF;
	_ =	strace $0x9FFFFFFF  }
0xc1: {  	(tm) =	ssettm $0x7FFFFFFF  }
tec
execute0_lowered:
.L_overlay_start_1:
0x0: {  	(tag) =	ssettag $0x1  }
0x1: {  	v0 =	vimm.s32 $0x2380;
	vm13 =	vcmask $0x300  }
0x2: {  	v1 =	vimm.s32 $0x2381;
	vm14 =	vcmask $0x704;
	vm12 =	vcmask $0xB08  }
0x3: {  	vm11 =	vcmask $0xF0C;
	vm10 =	vcmask $0x1310;
	vm9 =	vcmask $0x1714  }
0x4: {  	vm8 =	vcmask $0x1B18;
	vm7 =	vcmask $0x1F1C;
	vm6 =	vcmask $0x2320  }
0x5: {  	vm5 =	vcmask $0x2724;
	vm4 =	vcmask $0x2B28;
	vm3 =	vcmask $0x2F2C  }
0x6: {  	vm2 =	vcmask $0x3330;
	vm1 =	vcmask $0x3734;
	vm0 =	vcmask $0x3B38  }
0x7: {  	v2 =	vimm.s32 $0x2382;
	v3 =	vimm.s32 $0x2383;
	v4 =	vimm.s32 $0x2384  }
0x8: {  	v5 =	vimm.s32 $0x2385;
	v6 =	vimm.s32 $0x2386;
	v7 =	vimm.s32 $0x2387  }
0x9: {  	v8 =	vimm.s32 $0x2388;
	v9 =	vimm.s32 $0x2389;
	v10 =	vimm.s32 $0x238A  }
0xa: {  	v11 =	vimm.s32 $0x238B;
	v12 =	vimm.s32 $0x238C;
	v13 =	vimm.s32 $0x238D  }
0xb: {  	v14 =	vimm.s32 $0x238E;
	v15 =	vimm.s32 $0x238F;
	v16 =	vimm.s32 $0x2390  }
0xc: {  	v17 =	vimm.s32 $0x2391;
	v18 =	vimm.s32 $0x2392;
	v19 =	vimm.s32 $0x2393  }
0xd: {  	v20 =	vimm.s32 $0x2394;
	v21 =	vimm.s32 $0x2395;
	v22 =	vimm.s32 $0x2396  }
0xe: {  	v23 =	vimm.s32 $0x2397;
	v24 =	vimm.s32 $0x2398;
	v25 =	vimm.s32 $0x2399  }
0xf: {  	v26 =	vimm.s32 $0x239A;
	v27 =	vimm.s32 $0x239B;
	v28 =	vimm.s32 $0x239C  }
0x10: {  	v29 =	vimm.s32 $0x239D;
	v30 =	vimm.s32 $0x239E;
	v31 =	vimm.s32 $0x239F  }
0x11: {  	v0 =	vsel vm13, $0x0, v0;
	v1 =	vsel vm13, $0x1, v1;
	v2 =	vsel vm13, $0x2, v2  }
0x12: {  	v3 =	vsel vm13, $0x3, v3;
	v4 =	vsel vm13, $0x4, v4;
	v5 =	vsel vm13, $0x5, v5  }
0x13: {  	v6 =	vsel vm13, $0x6, v6;
	v7 =	vsel vm13, $0x7, v7;
	v8 =	vsel vm13, $0x8, v8  }
0x14: {  	v9 =	vsel vm13, $0x9, v9;
	v10 =	vsel vm13, $0xA, v10;
	v11 =	vsel vm13, $0xB, v11  }
0x15: {  	v12 =	vsel vm13, $0xC, v12;
	v13 =	vsel vm13, $0xD, v13;
	v14 =	vsel vm13, $0xE, v14  }
0x16: {  	v15 =	vsel vm13, $0xF, v15;
	v16 =	vsel vm13, $0x10, v16;
	v17 =	vsel vm13, $0x11, v17  }
0x17: {  	v18 =	vsel vm13, $0x12, v18;
	v19 =	vsel vm13, $0x13, v19;
	v20 =	vsel vm13, $0x14, v20  }
0x18: {  	v21 =	vsel vm13, $0x15, v21;
	v22 =	vsel vm13, $0x16, v22;
	v23 =	vsel vm13, $0x17, v23  }
0x19: {  	v24 =	vsel vm13, $0x18, v24;
	v25 =	vsel vm13, $0x19, v25;
	v26 =	vsel vm13, $0x1A, v26  }
0x1a: {  	v27 =	vsel vm13, $0x1B, v27;
	v28 =	vsel vm13, $0x1C, v28;
	v29 =	vsel vm13, $0x1D, v29  }
0x1b: {  	v30 =	vsel vm13, $0x1E, v30;
	v31 =	vsel vm13, $0x1F, v31;
	v0 =	vsel vm14, $0x80, v0  }
0x1c: {  	v1 =	vsel vm14, $0x81, v1;
	v2 =	vsel vm14, $0x82, v2;
	v3 =	vsel vm14, $0x83, v3  }
0x1d: {  	v4 =	vsel vm14, $0x84, v4;
	v5 =	vsel vm14, $0x85, v5;
	v6 =	vsel vm14, $0x86, v6  }
0x1e: {  	v7 =	vsel vm14, $0x87, v7;
	v8 =	vsel vm14, $0x88, v8;
	v9 =	vsel vm14, $0x89, v9  }
0x1f: {  	v10 =	vsel vm14, $0x8A, v10;
	v11 =	vsel vm14, $0x8B, v11;
	v12 =	vsel vm14, $0x8C, v12  }
0x20: {  	v13 =	vsel vm14, $0x8D, v13;
	v14 =	vsel vm14, $0x8E, v14;
	v15 =	vsel vm14, $0x8F, v15  }
0x21: {  	v16 =	vsel vm14, $0x90, v16;
	v17 =	vsel vm14, $0x91, v17;
	v18 =	vsel vm14, $0x92, v18  }
0x22: {  	v19 =	vsel vm14, $0x93, v19;
	v20 =	vsel vm14, $0x94, v20;
	v21 =	vsel vm14, $0x95, v21  }
0x23: {  	v22 =	vsel vm14, $0x96, v22;
	v23 =	vsel vm14, $0x97, v23;
	v24 =	vsel vm14, $0x98, v24  }
0x24: {  	v25 =	vsel vm14, $0x99, v25;
	v26 =	vsel vm14, $0x9A, v26;
	v27 =	vsel vm14, $0x9B, v27  }
0x25: {  	v28 =	vsel vm14, $0x9C, v28;
	v29 =	vsel vm14, $0x9D, v29;
	v30 =	vsel vm14, $0x9E, v30  }
0x26: {  	v31 =	vsel vm14, $0x9F, v31;
	v0 =	vsel vm12, $0x100, v0;
	v1 =	vsel vm12, $0x101, v1  }
0x27: {  	v2 =	vsel vm12, $0x102, v2;
	v3 =	vsel vm12, $0x103, v3;
	v4 =	vsel vm12, $0x104, v4  }
0x28: {  	v5 =	vsel vm12, $0x105, v5;
	v6 =	vsel vm12, $0x106, v6;
	v7 =	vsel vm12, $0x107, v7  }
0x29: {  	v8 =	vsel vm12, $0x108, v8;
	v9 =	vsel vm12, $0x109, v9;
	v10 =	vsel vm12, $0x10A, v10  }
0x2a: {  	v11 =	vsel vm12, $0x10B, v11;
	v12 =	vsel vm12, $0x10C, v12;
	v13 =	vsel vm12, $0x10D, v13  }
0x2b: {  	v14 =	vsel vm12, $0x10E, v14;
	v15 =	vsel vm12, $0x10F, v15;
	v16 =	vsel vm12, $0x110, v16  }
0x2c: {  	v17 =	vsel vm12, $0x111, v17;
	v18 =	vsel vm12, $0x112, v18;
	v19 =	vsel vm12, $0x113, v19  }
0x2d: {  	v20 =	vsel vm12, $0x114, v20;
	v21 =	vsel vm12, $0x115, v21;
	v22 =	vsel vm12, $0x116, v22  }
0x2e: {  	v23 =	vsel vm12, $0x117, v23;
	v24 =	vsel vm12, $0x118, v24;
	v25 =	vsel vm12, $0x119, v25  }
0x2f: {  	v26 =	vsel vm12, $0x11A, v26;
	v27 =	vsel vm12, $0x11B, v27;
	v28 =	vsel vm12, $0x11C, v28  }
0x30: {  	v29 =	vsel vm12, $0x11D, v29;
	v30 =	vsel vm12, $0x11E, v30;
	v31 =	vsel vm12, $0x11F, v31  }
0x31: {  	v0 =	vsel vm11, $0x180, v0;
	v1 =	vsel vm11, $0x181, v1;
	v2 =	vsel vm11, $0x182, v2  }
0x32: {  	v3 =	vsel vm11, $0x183, v3;
	v4 =	vsel vm11, $0x184, v4;
	v5 =	vsel vm11, $0x185, v5  }
0x33: {  	v6 =	vsel vm11, $0x186, v6;
	v7 =	vsel vm11, $0x187, v7;
	v8 =	vsel vm11, $0x188, v8  }
0x34: {  	v9 =	vsel vm11, $0x189, v9;
	v10 =	vsel vm11, $0x18A, v10;
	v11 =	vsel vm11, $0x18B, v11  }
0x35: {  	v12 =	vsel vm11, $0x18C, v12;
	v13 =	vsel vm11, $0x18D, v13;
	v14 =	vsel vm11, $0x18E, v14  }
0x36: {  	v15 =	vsel vm11, $0x18F, v15;
	v16 =	vsel vm11, $0x190, v16;
	v17 =	vsel vm11, $0x191, v17  }
0x37: {  	v18 =	vsel vm11, $0x192, v18;
	v19 =	vsel vm11, $0x193, v19;
	v20 =	vsel vm11, $0x194, v20  }
0x38: {  	v21 =	vsel vm11, $0x195, v21;
	v22 =	vsel vm11, $0x196, v22;
	v23 =	vsel vm11, $0x197, v23  }
0x39: {  	v24 =	vsel vm11, $0x198, v24;
	v25 =	vsel vm11, $0x199, v25;
	v26 =	vsel vm11, $0x19A, v26  }
0x3a: {  	v27 =	vsel vm11, $0x19B, v27;
	v28 =	vsel vm11, $0x19C, v28;
	v29 =	vsel vm11, $0x19D, v29  }
0x3b: {  	v30 =	vsel vm11, $0x19E, v30;
	v31 =	vsel vm11, $0x19F, v31;
	v0 =	vsel vm10, $0x200, v0  }
0x3c: {  	v1 =	vsel vm10, $0x201, v1;
	v2 =	vsel vm10, $0x202, v2;
	v3 =	vsel vm10, $0x203, v3  }
0x3d: {  	v4 =	vsel vm10, $0x204, v4;
	v5 =	vsel vm10, $0x205, v5;
	v6 =	vsel vm10, $0x206, v6  }
0x3e: {  	v7 =	vsel vm10, $0x207, v7;
	v8 =	vsel vm10, $0x208, v8;
	v9 =	vsel vm10, $0x209, v9  }
0x3f: {  	v10 =	vsel vm10, $0x20A, v10;
	v11 =	vsel vm10, $0x20B, v11;
	v12 =	vsel vm10, $0x20C, v12  }
0x40: {  	v13 =	vsel vm10, $0x20D, v13;
	v14 =	vsel vm10, $0x20E, v14;
	v15 =	vsel vm10, $0x20F, v15  }
0x41: {  	v16 =	vsel vm10, $0x210, v16;
	v17 =	vsel vm10, $0x211, v17;
	v18 =	vsel vm10, $0x212, v18  }
0x42: {  	v19 =	vsel vm10, $0x213, v19;
	v20 =	vsel vm10, $0x214, v20;
	v21 =	vsel vm10, $0x215, v21  }
0x43: {  	v22 =	vsel vm10, $0x216, v22;
	v23 =	vsel vm10, $0x217, v23;
	v24 =	vsel vm10, $0x218, v24  }
0x44: {  	v25 =	vsel vm10, $0x219, v25;
	v26 =	vsel vm10, $0x21A, v26;
	v27 =	vsel vm10, $0x21B, v27  }
0x45: {  	v28 =	vsel vm10, $0x21C, v28;
	v29 =	vsel vm10, $0x21D, v29;
	v30 =	vsel vm10, $0x21E, v30  }
0x46: {  	v31 =	vsel vm10, $0x21F, v31;
	v0 =	vsel vm9, $0x280, v0;
	v1 =	vsel vm9, $0x281, v1  }
0x47: {  	v2 =	vsel vm9, $0x282, v2;
	v3 =	vsel vm9, $0x283, v3;
	v4 =	vsel vm9, $0x284, v4  }
0x48: {  	v5 =	vsel vm9, $0x285, v5;
	v6 =	vsel vm9, $0x286, v6;
	v7 =	vsel vm9, $0x287, v7  }
0x49: {  	v8 =	vsel vm9, $0x288, v8;
	v9 =	vsel vm9, $0x289, v9;
	v10 =	vsel vm9, $0x28A, v10  }
0x4a: {  	v11 =	vsel vm9, $0x28B, v11;
	v12 =	vsel vm9, $0x28C, v12;
	v13 =	vsel vm9, $0x28D, v13  }
0x4b: {  	v14 =	vsel vm9, $0x28E, v14;
	v15 =	vsel vm9, $0x28F, v15;
	v16 =	vsel vm9, $0x290, v16  }
0x4c: {  	v17 =	vsel vm9, $0x291, v17;
	v18 =	vsel vm9, $0x292, v18;
	v19 =	vsel vm9, $0x293, v19  }
0x4d: {  	v20 =	vsel vm9, $0x294, v20;
	v21 =	vsel vm9, $0x295, v21;
	v22 =	vsel vm9, $0x296, v22  }
0x4e: {  	v23 =	vsel vm9, $0x297, v23;
	v24 =	vsel vm9, $0x298, v24;
	v25 =	vsel vm9, $0x299, v25  }
0x4f: {  	v26 =	vsel vm9, $0x29A, v26;
	v27 =	vsel vm9, $0x29B, v27;
	v28 =	vsel vm9, $0x29C, v28  }
0x50: {  	v29 =	vsel vm9, $0x29D, v29;
	v30 =	vsel vm9, $0x29E, v30;
	v31 =	vsel vm9, $0x29F, v31  }
0x51: {  	v0 =	vsel vm8, $0x300, v0;
	v1 =	vsel vm8, $0x301, v1;
	v2 =	vsel vm8, $0x302, v2  }
0x52: {  	v3 =	vsel vm8, $0x303, v3;
	v4 =	vsel vm8, $0x304, v4;
	v5 =	vsel vm8, $0x305, v5  }
0x53: {  	v6 =	vsel vm8, $0x306, v6;
	v7 =	vsel vm8, $0x307, v7;
	v8 =	vsel vm8, $0x308, v8  }
0x54: {  	v9 =	vsel vm8, $0x309, v9;
	v10 =	vsel vm8, $0x30A, v10;
	v11 =	vsel vm8, $0x30B, v11  }
0x55: {  	v12 =	vsel vm8, $0x30C, v12;
	v13 =	vsel vm8, $0x30D, v13;
	v14 =	vsel vm8, $0x30E, v14  }
0x56: {  	v15 =	vsel vm8, $0x30F, v15;
	v16 =	vsel vm8, $0x310, v16;
	v17 =	vsel vm8, $0x311, v17  }
0x57: {  	v18 =	vsel vm8, $0x312, v18;
	v19 =	vsel vm8, $0x313, v19;
	v20 =	vsel vm8, $0x314, v20  }
0x58: {  	v21 =	vsel vm8, $0x315, v21;
	v22 =	vsel vm8, $0x316, v22;
	v23 =	vsel vm8, $0x317, v23  }
0x59: {  	v24 =	vsel vm8, $0x318, v24;
	v25 =	vsel vm8, $0x319, v25;
	v26 =	vsel vm8, $0x31A, v26  }
0x5a: {  	v27 =	vsel vm8, $0x31B, v27;
	v28 =	vsel vm8, $0x31C, v28;
	v29 =	vsel vm8, $0x31D, v29  }
0x5b: {  	v30 =	vsel vm8, $0x31E, v30;
	v31 =	vsel vm8, $0x31F, v31;
	v0 =	vsel vm7, $0x380, v0  }
0x5c: {  	v1 =	vsel vm7, $0x381, v1;
	v2 =	vsel vm7, $0x382, v2;
	v3 =	vsel vm7, $0x383, v3  }
0x5d: {  	v4 =	vsel vm7, $0x384, v4;
	v5 =	vsel vm7, $0x385, v5;
	v6 =	vsel vm7, $0x386, v6  }
0x5e: {  	v7 =	vsel vm7, $0x387, v7;
	v8 =	vsel vm7, $0x388, v8;
	v9 =	vsel vm7, $0x389, v9  }
0x5f: {  	v10 =	vsel vm7, $0x38A, v10;
	v11 =	vsel vm7, $0x38B, v11;
	v12 =	vsel vm7, $0x38C, v12  }
0x60: {  	v13 =	vsel vm7, $0x38D, v13;
	v14 =	vsel vm7, $0x38E, v14;
	v15 =	vsel vm7, $0x38F, v15  }
0x61: {  	v16 =	vsel vm7, $0x390, v16;
	v17 =	vsel vm7, $0x391, v17;
	v18 =	vsel vm7, $0x392, v18  }
0x62: {  	v19 =	vsel vm7, $0x393, v19;
	v20 =	vsel vm7, $0x394, v20;
	v21 =	vsel vm7, $0x395, v21  }
0x63: {  	v22 =	vsel vm7, $0x396, v22;
	v23 =	vsel vm7, $0x397, v23;
	v24 =	vsel vm7, $0x398, v24  }
0x64: {  	v25 =	vsel vm7, $0x399, v25;
	v26 =	vsel vm7, $0x39A, v26;
	v27 =	vsel vm7, $0x39B, v27  }
0x65: {  	v28 =	vsel vm7, $0x39C, v28;
	v29 =	vsel vm7, $0x39D, v29;
	v30 =	vsel vm7, $0x39E, v30  }
0x66: {  	v31 =	vsel vm7, $0x39F, v31;
	v0 =	vsel vm6, $0x2000, v0;
	v1 =	vsel vm6, $0x2001, v1  }
0x67: {  	v2 =	vsel vm6, $0x2002, v2;
	v3 =	vsel vm6, $0x2003, v3;
	v4 =	vsel vm6, $0x2004, v4  }
0x68: {  	v5 =	vsel vm6, $0x2005, v5;
	v6 =	vsel vm6, $0x2006, v6;
	v7 =	vsel vm6, $0x2007, v7  }
0x69: {  	v8 =	vsel vm6, $0x2008, v8;
	v9 =	vsel vm6, $0x2009, v9;
	v10 =	vsel vm6, $0x200A, v10  }
0x6a: {  	v11 =	vsel vm6, $0x200B, v11;
	v12 =	vsel vm6, $0x200C, v12;
	v13 =	vsel vm6, $0x200D, v13  }
0x6b: {  	v14 =	vsel vm6, $0x200E, v14;
	v15 =	vsel vm6, $0x200F, v15;
	v16 =	vsel vm6, $0x2010, v16  }
0x6c: {  	v17 =	vsel vm6, $0x2011, v17;
	v18 =	vsel vm6, $0x2012, v18;
	v19 =	vsel vm6, $0x2013, v19  }
0x6d: {  	v20 =	vsel vm6, $0x2014, v20;
	v21 =	vsel vm6, $0x2015, v21;
	v22 =	vsel vm6, $0x2016, v22  }
0x6e: {  	v23 =	vsel vm6, $0x2017, v23;
	v24 =	vsel vm6, $0x2018, v24;
	v25 =	vsel vm6, $0x2019, v25  }
0x6f: {  	v26 =	vsel vm6, $0x201A, v26;
	v27 =	vsel vm6, $0x201B, v27;
	v28 =	vsel vm6, $0x201C, v28  }
0x70: {  	v29 =	vsel vm6, $0x201D, v29;
	v30 =	vsel vm6, $0x201E, v30;
	v31 =	vsel vm6, $0x201F, v31  }
0x71: {  	v0 =	vsel vm5, $0x2080, v0;
	v1 =	vsel vm5, $0x2081, v1;
	v2 =	vsel vm5, $0x2082, v2  }
0x72: {  	v3 =	vsel vm5, $0x2083, v3;
	v4 =	vsel vm5, $0x2084, v4;
	v5 =	vsel vm5, $0x2085, v5  }
0x73: {  	v6 =	vsel vm5, $0x2086, v6;
	v7 =	vsel vm5, $0x2087, v7;
	v8 =	vsel vm5, $0x2088, v8  }
0x74: {  	v9 =	vsel vm5, $0x2089, v9;
	v10 =	vsel vm5, $0x208A, v10;
	v11 =	vsel vm5, $0x208B, v11  }
0x75: {  	v12 =	vsel vm5, $0x208C, v12;
	v13 =	vsel vm5, $0x208D, v13;
	v14 =	vsel vm5, $0x208E, v14  }
0x76: {  	v15 =	vsel vm5, $0x208F, v15;
	v16 =	vsel vm5, $0x2090, v16;
	v17 =	vsel vm5, $0x2091, v17  }
0x77: {  	v18 =	vsel vm5, $0x2092, v18;
	v19 =	vsel vm5, $0x2093, v19;
	v20 =	vsel vm5, $0x2094, v20  }
0x78: {  	v21 =	vsel vm5, $0x2095, v21;
	v22 =	vsel vm5, $0x2096, v22;
	v23 =	vsel vm5, $0x2097, v23  }
0x79: {  	v24 =	vsel vm5, $0x2098, v24;
	v25 =	vsel vm5, $0x2099, v25;
	v26 =	vsel vm5, $0x209A, v26  }
0x7a: {  	v27 =	vsel vm5, $0x209B, v27;
	v28 =	vsel vm5, $0x209C, v28;
	v29 =	vsel vm5, $0x209D, v29  }
0x7b: {  	v30 =	vsel vm5, $0x209E, v30;
	v31 =	vsel vm5, $0x209F, v31;
	v0 =	vsel vm4, $0x2100, v0  }
0x7c: {  	v1 =	vsel vm4, $0x2101, v1;
	v2 =	vsel vm4, $0x2102, v2;
	v3 =	vsel vm4, $0x2103, v3  }
0x7d: {  	v4 =	vsel vm4, $0x2104, v4;
	v5 =	vsel vm4, $0x2105, v5;
	v6 =	vsel vm4, $0x2106, v6  }
0x7e: {  	v7 =	vsel vm4, $0x2107, v7;
	v8 =	vsel vm4, $0x2108, v8;
	v9 =	vsel vm4, $0x2109, v9  }
0x7f: {  	v10 =	vsel vm4, $0x210A, v10;
	v11 =	vsel vm4, $0x210B, v11;
	v12 =	vsel vm4, $0x210C, v12  }
0x80: {  	v13 =	vsel vm4, $0x210D, v13;
	v14 =	vsel vm4, $0x210E, v14;
	v15 =	vsel vm4, $0x210F, v15  }
0x81: {  	v16 =	vsel vm4, $0x2110, v16;
	v17 =	vsel vm4, $0x2111, v17;
	v18 =	vsel vm4, $0x2112, v18  }
0x82: {  	v19 =	vsel vm4, $0x2113, v19;
	v20 =	vsel vm4, $0x2114, v20;
	v21 =	vsel vm4, $0x2115, v21  }
0x83: {  	v22 =	vsel vm4, $0x2116, v22;
	v23 =	vsel vm4, $0x2117, v23;
	v24 =	vsel vm4, $0x2118, v24  }
0x84: {  	v25 =	vsel vm4, $0x2119, v25;
	v26 =	vsel vm4, $0x211A, v26;
	v27 =	vsel vm4, $0x211B, v27  }
0x85: {  	v28 =	vsel vm4, $0x211C, v28;
	v29 =	vsel vm4, $0x211D, v29;
	v30 =	vsel vm4, $0x211E, v30  }
0x86: {  	v31 =	vsel vm4, $0x211F, v31;
	v0 =	vsel vm3, $0x2180, v0;
	v1 =	vsel vm3, $0x2181, v1  }
0x87: {  	v2 =	vsel vm3, $0x2182, v2;
	v3 =	vsel vm3, $0x2183, v3;
	v4 =	vsel vm3, $0x2184, v4  }
0x88: {  	v5 =	vsel vm3, $0x2185, v5;
	v6 =	vsel vm3, $0x2186, v6;
	v7 =	vsel vm3, $0x2187, v7  }
0x89: {  	v8 =	vsel vm3, $0x2188, v8;
	v9 =	vsel vm3, $0x2189, v9;
	v10 =	vsel vm3, $0x218A, v10  }
0x8a: {  	v11 =	vsel vm3, $0x218B, v11;
	v12 =	vsel vm3, $0x218C, v12;
	v13 =	vsel vm3, $0x218D, v13  }
0x8b: {  	v14 =	vsel vm3, $0x218E, v14;
	v15 =	vsel vm3, $0x218F, v15;
	v16 =	vsel vm3, $0x2190, v16  }
0x8c: {  	v17 =	vsel vm3, $0x2191, v17;
	v18 =	vsel vm3, $0x2192, v18;
	v19 =	vsel vm3, $0x2193, v19  }
0x8d: {  	v20 =	vsel vm3, $0x2194, v20;
	v21 =	vsel vm3, $0x2195, v21;
	v22 =	vsel vm3, $0x2196, v22  }
0x8e: {  	v23 =	vsel vm3, $0x2197, v23;
	v24 =	vsel vm3, $0x2198, v24;
	v25 =	vsel vm3, $0x2199, v25  }
0x8f: {  	v26 =	vsel vm3, $0x219A, v26;
	v27 =	vsel vm3, $0x219B, v27;
	v28 =	vsel vm3, $0x219C, v28  }
0x90: {  	v29 =	vsel vm3, $0x219D, v29;
	v30 =	vsel vm3, $0x219E, v30;
	v31 =	vsel vm3, $0x219F, v31  }
0x91: {  	v0 =	vsel vm2, $0x2200, v0;
	v1 =	vsel vm2, $0x2201, v1;
	v2 =	vsel vm2, $0x2202, v2  }
0x92: {  	v3 =	vsel vm2, $0x2203, v3;
	v4 =	vsel vm2, $0x2204, v4;
	v5 =	vsel vm2, $0x2205, v5  }
0x93: {  	v6 =	vsel vm2, $0x2206, v6;
	v7 =	vsel vm2, $0x2207, v7;
	v8 =	vsel vm2, $0x2208, v8  }
0x94: {  	v9 =	vsel vm2, $0x2209, v9;
	v10 =	vsel vm2, $0x220A, v10;
	v11 =	vsel vm2, $0x220B, v11  }
0x95: {  	v12 =	vsel vm2, $0x220C, v12;
	v13 =	vsel vm2, $0x220D, v13;
	v14 =	vsel vm2, $0x220E, v14  }
0x96: {  	v15 =	vsel vm2, $0x220F, v15;
	v16 =	vsel vm2, $0x2210, v16;
	v17 =	vsel vm2, $0x2211, v17  }
0x97: {  	v18 =	vsel vm2, $0x2212, v18;
	v19 =	vsel vm2, $0x2213, v19;
	v20 =	vsel vm2, $0x2214, v20  }
0x98: {  	v21 =	vsel vm2, $0x2215, v21;
	v22 =	vsel vm2, $0x2216, v22;
	v23 =	vsel vm2, $0x2217, v23  }
0x99: {  	v24 =	vsel vm2, $0x2218, v24;
	v25 =	vsel vm2, $0x2219, v25;
	v26 =	vsel vm2, $0x221A, v26  }
0x9a: {  	v27 =	vsel vm2, $0x221B, v27;
	v28 =	vsel vm2, $0x221C, v28;
	v29 =	vsel vm2, $0x221D, v29  }
0x9b: {  	v30 =	vsel vm2, $0x221E, v30;
	v31 =	vsel vm2, $0x221F, v31;
	v0 =	vsel vm1, $0x2280, v0  }
0x9c: {  	v1 =	vsel vm1, $0x2281, v1;
	v2 =	vsel vm1, $0x2282, v2;
	v3 =	vsel vm1, $0x2283, v3  }
0x9d: {  	v4 =	vsel vm1, $0x2284, v4;
	v5 =	vsel vm1, $0x2285, v5;
	v6 =	vsel vm1, $0x2286, v6  }
0x9e: {  	v7 =	vsel vm1, $0x2287, v7;
	v8 =	vsel vm1, $0x2288, v8;
	v9 =	vsel vm1, $0x2289, v9  }
0x9f: {  	v10 =	vsel vm1, $0x228A, v10;
	v11 =	vsel vm1, $0x228B, v11;
	v12 =	vsel vm1, $0x228C, v12  }
0xa0: {  	v13 =	vsel vm1, $0x228D, v13;
	v14 =	vsel vm1, $0x228E, v14;
	v15 =	vsel vm1, $0x228F, v15  }
0xa1: {  	v16 =	vsel vm1, $0x2290, v16;
	v17 =	vsel vm1, $0x2291, v17;
	v18 =	vsel vm1, $0x2292, v18  }
0xa2: {  	v19 =	vsel vm1, $0x2293, v19;
	v20 =	vsel vm1, $0x2294, v20;
	v21 =	vsel vm1, $0x2295, v21  }
0xa3: {  	v22 =	vsel vm1, $0x2296, v22;
	v23 =	vsel vm1, $0x2297, v23;
	v24 =	vsel vm1, $0x2298, v24  }
0xa4: {  	s1 =	srdreg.scid;
	s0 =	stileid.u32;
	v25 =	vsel vm1, $0x2299, v25;
	v26 =	vsel vm1, $0x229A, v26;
	v27 =	vsel vm1, $0x229B, v27  }
0xa5: {  	s13 =	rddreg [dreg:$0x0];
	s2 =	simm.s32 $0x0;
	s15 =	simm.s32 $0x2000;
	v28 =	vsel vm1, $0x229C, v28;
	v29 =	vsel vm1, $0x229D, v29;
	v30 =	vsel vm1, $0x229E, v30  }
0xa6: {  	s16 =	simm.s32 $0x8000;
	s18 =	simm.s32 $0xC000;
	s19 =	simm.s32 $0x1;
	v31 =	vsel vm1, $0x229F, v31;
	v58 =	vsel vm0, $0x2300, v0;
	v1 =	vsel vm0, $0x2301, v1  }
0xa7: {  	s20 =	simm.s32 $0x5;
	s21 =	simm.s32 $0x0;
	s4 =	sand.u32 $0x1, s1;
	v2 =	vsel vm0, $0x2302, v2;
	v3 =	vsel vm0, $0x2303, v3;
	v4 =	vsel vm0, $0x2304, v4  }
0xa8: {  	s3 =	sshll.u32 s0, $0x1;
	[smem:$0x7FF] =	sst s2;
	s9 =	sadd.s32 $0xF5880, s13;
	v5 =	vsel vm0, $0x2305, v5;
	v6 =	vsel vm0, $0x2306, v6;
	v7 =	vsel vm0, $0x2307, v7  }
0xa9: {  	s11 =	sadd.s32 $0xF5600, s13;
	s12 =	sadd.s32 $0x1E9880, s13;
	s17 =	sor.u32 s4, s3;
	v8 =	vsel vm0, $0x2308, v8;
	v9 =	vsel vm0, $0x2309, v9;
	v10 =	vsel vm0, $0x230A, v10  }
0xaa: {  	s1 =	rddreg [dreg:$0x1];
	_ =	strace $0x80000047;
	s5 =	smul.u32 $0x3E000, s17;
	v11 =	vsel vm0, $0x230B, v11;
	v12 =	vsel vm0, $0x230C, v12;
	v13 =	vsel vm0, $0x230D, v13  }
0xab: {  	s3 =	sadd.s32 $0x1600, s13;
	s6 =	ssub.s32 $0x2, s4;
	s4 =	smul.u32 $0x1F, s17;
	v14 =	vsel vm0, $0x230E, v14;
	v15 =	vsel vm0, $0x230F, v15;
	v16 =	vsel vm0, $0x2310, v16  }
.Ltmp0:
0xac: {  	s7 =	sshrl.u32 s6, $0x1;
	p0 =	seq.s32 s17, $0x1F;
	v17 =	vsel vm0, $0x2311, v17;
	v55 =	vsel vm0, $0x2316, v22;
	v22 =	vsel vm0, $0x231E, v30;
	(pc) =	sbr.rel .LBB2_1-.Ltmp0, $4  }
0xad: {  	s14 =	ssub.s32 s6, s7;
	p1 =	sne.s32 @!p0 s17, $0x0;
	s17 =	simm.s32 $0x4000;
	v18 =	vsel vm0, $0x2312, v18;
	v19 =	vsel vm0, $0x2313, v19;
	v20 =	vsel vm0, $0x2314, v20;
	[tilespmem:$0x1FFC0] =	vst v22  }
0xae: {  	s8 =	sshrl.u32 s5, $0x3;
	s5 =	sadd.s32 $0x1E9C00, s13;
	s10 =	sadd.s32 $0x2, s4;
	v21 =	vsel vm0, $0x2315, v21;
	v56 =	vsel vm0, $0x2317, v23;
	v57 =	vsel vm0, $0x2318, v24;
	[tilespmem:$0x1FFD0] =	vst v58  }
0xaf: {  	s13 =	sadd.s32 $0x3D1C00, s13;
	s14 =	smax.u32 s14, $0x1;
	s6 =	sadd.s32 s3, s8;
	v59 =	vsel vm0, $0x2319, v25;
	v60 =	vsel vm0, $0x231A, v26;
	v30 =	vsel vm0, $0x231F, v31;
	[tilespmem:$0x1FFE0] =	vst v21  }
0xb0: {  	p1 =	por p0, p1;
	s8 =	ssub.s32 $0x3D0, s4;
	s7 =	sadd.s32 $0xF4280, s6;
	v61 =	vsel vm0, $0x231B, v27;
	v62 =	vsel vm0, $0x231C, v28;
	v0 =	vsel vm0, $0x231D, v29;
	[tilespmem:$0x1FFF0] =	vst v30  }
.LBB2_11:
.Ltmp1:
0xb1: {  	(pc) =	sbr.rel @!p1 .LBB2_12-.Ltmp1, $4  }
0xb2: {  	s22 =	simm.s32 @!p0 $0x3  }
0xb3: {  	_ =	swait.ge @!p0 [sflag:s22], $0x4000  }
0xb4: {  	[sflag:s22] =	ssyncset.done @!p0 $0x0  }
0xb5: {  	[sflag:s22] =	ssyncadd.s32 @!p0 $0xFFFFC000  }
.LBB2_15:
0xb6: {  	s21 =	sadd.s32 $0x1, s21  }
0xb7: {  	p2 =	sne.s32 s21, s14  }
.Ltmp2:
0xb8: {  	_ = 	snop;
	(pc) =	sbr.rel @!p2 .LBB2_16-.Ltmp2, $1  }
0xb9: {  	_ =	sdelay $0x3  }
.LBB2_1:
.Ltmp3:
0xba: {  	(pc) =	sbr.rel .LBB2_2-.Ltmp3, $4  }
0xbb: {  	_ = 	snop  }
0xbc: {  	[tilespmem:s2], [sflag:$0x1] =	stream.linear.gather [hbm4b:s6+s2], $0x2000, $0x38;
	[tilespmem:$0x10000] =	vst v63  }
0xbd: {  	s22 =	simm.s32 $0x0  }
0xbe: {  	[tilespmem:s15], [sflag:$0x1] =	stream.linear.gather [hbm4b:s7+s2], $0x2000, $0x38;
	[tilespmem:$0x10000] =	vst v63  }
.LBB2_10:
0xbf: {  	s22 =	sadd.s32 $0x1, s22  }
0xc0: {  	p2 =	sne.s32 s22, $0x10  }
.Ltmp4:
0xc1: {  	_ = 	snop;
	(pc) =	sbr.rel @!p2 .LBB2_11-.Ltmp4, $1  }
0xc2: {  	_ =	sdelay $0x3  }
.LBB2_2:
0xc3: {  	s24 =	sshllo.u32 s22, $0x1  }
0xc4: {  	s23 =	sadd.s32 s4, s24  }
0xc5: {  	p2 =	slt.u32 s24, $0x1F;
	p3 =	slt.u32 s23, $0x3D0  }
0xc6: {  	p2 =	por !p2, !p3  }
0xc7: {  	p2 =	por !p2, !p2  }
0xc8: {  	s25 =	sshll.u32 @p2 s23, $0xA  }
0xc9: {  	s26 =	simm.s32 @p2 $0x0;
	s28 =	simm.s32 @p2 $0x4000;
	s24 =	sadd.s32 @p2 s3, s25  }
0xca: {  	[tilespmem:s28], [sflag:$0x2] =	stream.linear.gather @p2 [hbm4b:s24+s26], $0x2000, $0x38;
	[tilespmem:$0x10000] =	vst v63  }
0xcb: {  	s25 =	sadd.s32 @p2 s25, s9;
	s24 =	sshll.u32 s22, $0x1;
	s28 =	simm.s32 @p2 $0x6000  }
0xcc: {  	[tilespmem:s28], [sflag:$0x2] =	stream.linear.gather @p2 [hbm4b:s25+s26], $0x2000, $0x38;
	[tilespmem:$0x10000] =	vst v63  }
0xcd: {  	s25 =	sadd.s32 s4, s24  }
0xce: {  	p3 =	sgt.u32 s25, $0x3CF  }
0xcf: {  	s26 =	simm.s32 @!p3 $0x1  }
0xd0: {  	_ =	swait.ge @!p3 [sflag:s26], $0x2000  }
0xd1: {  	s28 =	sadd.s32 $0xFFFFFFFE, s24;
	[sflag:s26] =	ssyncset.done @!p3 $0x0  }
0xd2: {  	p4 =	sgt.u32 s28, $0x1E;
	[sflag:s26] =	ssyncadd.s32 @!p3 $0xFFFFE000  }
0xd3: {  	p5 =	sge.s32 @!p4 s28, s8;
	_ =	swait.ge @!p3 [sflag:s26], $0x2000  }
.Ltmp5:
0xd4: {  	p4 =	por p5, p4;
	[sflag:s26] =	ssyncset.done @!p3 $0x0;
	(pc) =	sbr.rel @p3 .LBB2_6-.Ltmp5, $4  }
0xd5: {  	[sflag:s26] =	ssyncadd.s32 @!p3 $0xFFFFE000;
	s26 =	simm.s32 @!p4 $0x3  }
0xd6: {  	_ =	swait.ge @!p4 [sflag:s26], $0x4000  }
0xd7: {  	[sflag:s26] =	ssyncset.done @!p4 $0x0  }
0xd8: {  	[sflag:s26] =	ssyncadd.s32 @!p4 $0xFFFFC000  }
0xd9: {  	s26 =	simm.s32 $0x0  }
0xda: {  	v32 =	vmov s26  }
0xdb: {  	v33 =	vshll.u32 v32, $0x3  }
0xdc: {  	v32 =	vand.u32 $0x60, v32;
	v33 =	vand.u32 $0x1C00, v33  }
0xdd: {  	v32 =	vor.u32 v32, v33  }
0xde: {  	v33 =	vor.u32 v58, v32  }
0xdf: {  	v34 =	vor.u32 v1, v32  }
0xe0: {  	v35 =	vor.u32 v2, v32  }
0xe1: {  	v36 =	vor.u32 v3, v32  }
0xe2: {  	v37 =	vor.u32 v4, v32  }
0xe3: {  	v38 =	vor.u32 v5, v32;
	v23 =	vld.idx.msk [tilespmem:v33+s2+$0x0], $0xffff  }
0xe4: {  	v39 =	vor.u32 v6, v32;
	v34 =	vld.idx.msk [tilespmem:v34+s2+$0x0], $0xffff  }
0xe5: {  	v40 =	vor.u32 v7, v32;
	v35 =	vld.idx.msk [tilespmem:v35+s2+$0x0], $0xffff  }
0xe6: {  	v41 =	vor.u32 v8, v32;
	v36 =	vld.idx.msk [tilespmem:v36+s2+$0x0], $0xffff  }
0xe7: {  	v42 =	vor.u32 v9, v32;
	v37 =	vld.idx.msk [tilespmem:v37+s2+$0x0], $0xffff  }
0xe8: {  	v43 =	vor.u32 v10, v32;
	v38 =	vld.idx.msk [tilespmem:v38+s2+$0x0], $0xffff  }
0xe9: {  	v44 =	vor.u32 v11, v32;
	v39 =	vld.idx.msk [tilespmem:v39+s2+$0x0], $0xffff  }
0xea: {  	v45 =	vor.u32 v12, v32;
	v40 =	vld.idx.msk [tilespmem:v40+s2+$0x0], $0xffff  }
0xeb: {  	v46 =	vor.u32 v13, v32;
	v41 =	vld.idx.msk [tilespmem:v41+s2+$0x0], $0xffff  }
0xec: {  	v47 =	vor.u32 v14, v32;
	v42 =	vld.idx.msk [tilespmem:v42+s2+$0x0], $0xffff  }
0xed: {  	v48 =	vor.u32 v15, v32;
	v43 =	vld.idx.msk [tilespmem:v43+s2+$0x0], $0xffff  }
0xee: {  	v49 =	vor.u32 v16, v32;
	v44 =	vld.idx.msk [tilespmem:v44+s2+$0x0], $0xffff  }
0xef: {  	v50 =	vor.u32 v17, v32;
	v45 =	vld.idx.msk [tilespmem:v45+s2+$0x0], $0xffff  }
0xf0: {  	v51 =	vor.u32 v18, v32;
	v46 =	vld.idx.msk [tilespmem:v46+s2+$0x0], $0xffff  }
0xf1: {  	v52 =	vor.u32 v19, v32;
	v47 =	vld.idx.msk [tilespmem:v47+s2+$0x0], $0xffff  }
0xf2: {  	v53 =	vor.u32 v20, v32;
	v48 =	vld.idx.msk [tilespmem:v48+s2+$0x0], $0xffff  }
0xf3: {  	v54 =	vor.u32 v21, v32;
	v49 =	vld.idx.msk [tilespmem:v49+s2+$0x0], $0xffff  }
0xf4: {  	v63 =	vor.u32 v55, v32;
	v50 =	vld.idx.msk [tilespmem:v50+s2+$0x0], $0xffff  }
0xf5: {  	v25 =	vmov v56;
	v56 =	vor.u32 v56, v32;
	v51 =	vld.idx.msk [tilespmem:v51+s2+$0x0], $0xffff  }
0xf6: {  	v26 =	vmov v57;
	v57 =	vor.u32 v57, v32;
	v52 =	vld.idx.msk [tilespmem:v52+s2+$0x0], $0xffff  }
0xf7: {  	v28 =	vmov v60;
	v60 =	vor.u32 v60, v32;
	v53 =	vld.idx.msk [tilespmem:v53+s2+$0x0], $0xffff  }
0xf8: {  	v29 =	vmov v61;
	v61 =	vor.u32 v61, v32;
	v54 =	vld.idx.msk [tilespmem:v54+s2+$0x0], $0xffff  }
0xf9: {  	v24 =	vmovc v55;
	v31 =	vmov v22;
	v22 =	vmov v62;
	v62 =	vor.u32 v62, v32;
	v55 =	vld.idx.msk [tilespmem:v63+s2+$0x0], $0xffff  }
0xfa: {  	v33 =	vor.u32 v59, v32;
	v56 =	vld.idx.msk [tilespmem:v56+s2+$0x0], $0xffff  }
0xfb: {  	v57 =	vld.idx.msk [tilespmem:v57+s2+$0x0], $0xffff;
	v63 =	vor.u32 v0, v32  }
0xfc: {  	v60 =	vld.idx.msk [tilespmem:v60+s2+$0x0], $0xffff;
	[tilespmem:$0x1FFB0] =	vst v23;
	v23 =	vmov v58;
	v58 =	vor.u32 v30, v32  }
0xfd: {  	v61 =	vld.idx.msk [tilespmem:v61+s2+$0x0], $0xffff;
	v32 =	vor.u32 v31, v32  }
0xfe: {  	v62 =	vld.idx.msk [tilespmem:v62+s2+$0x0], $0xffff  }
0xff: {  	v27 =	vmov v59;
	v59 =	vld.idx.msk [tilespmem:v33+s2+$0x0], $0xffff  }
0x100: {  	v63 =	vld.idx.msk [tilespmem:v63+s2+$0x0], $0xffff  }
0x101: {  	s26 =	simm.s32 $0x8100;
	v58 =	vld.idx.msk [tilespmem:v58+s2+$0x0], $0xffff  }
0x102: {  	v33 =	vld.idx.msk [tilespmem:v32+s2+$0x0], $0xffff;
	[tilespmem:s26+$0xFFFFFF10] =	vst v34  }
0x103: {  	[tilespmem:s26+$0xFFFFFF20] =	vst v35  }
0x104: {  	[tilespmem:s26+$0xFFFFFF30] =	vst v36  }
0x105: {  	[tilespmem:s26+$0xFFFFFF40] =	vst v37  }
0x106: {  	[tilespmem:s26+$0xFFFFFF50] =	vst v38  }
0x107: {  	[tilespmem:s26+$0xFFFFFF60] =	vst v39  }
0x108: {  	[tilespmem:s26+$0xFFFFFF70] =	vst v40  }
0x109: {  	[tilespmem:s26+$0xFFFFFF80] =	vst v41  }
0x10a: {  	[tilespmem:s26+$0xFFFFFF90] =	vst v42  }
0x10b: {  	[tilespmem:s26+$0xFFFFFFA0] =	vst v43  }
0x10c: {  	[tilespmem:s26+$0xFFFFFFB0] =	vst v44  }
0x10d: {  	[tilespmem:s26+$0xFFFFFFC0] =	vst v45  }
0x10e: {  	[tilespmem:s26+$0xFFFFFFD0] =	vst v46  }
0x10f: {  	[tilespmem:s26+$0xFFFFFFE0] =	vst v47  }
0x110: {  	[tilespmem:s26+$0xFFFFFFF0] =	vst v48  }
0x111: {  	[tilespmem:s26+$0x0] =	vst v49  }
0x112: {  	[tilespmem:s26+$0x10] =	vst v50  }
0x113: {  	[tilespmem:s26+$0x20] =	vst v51  }
0x114: {  	[tilespmem:s26+$0x30] =	vst v52  }
0x115: {  	[tilespmem:s26+$0x40] =	vst v53  }
0x116: {  	v30 =	vmov v21;
	v21 =	vmov v20;
	v20 =	vmov v19;
	[tilespmem:s26+$0x50] =	vst v54  }
0x117: {  	v19 =	vmovc v18;
	v18 =	vmovc v17;
	v17 =	vmov v16;
	v16 =	vmov v15;
	v15 =	vmov v14;
	[tilespmem:s26+$0x60] =	vst v55  }
0x118: {  	s28 =	simm.s32 $0x20;
	v14 =	vmovc v13;
	v13 =	vmovc v12;
	v12 =	vmov v11;
	v11 =	vmov v10;
	v10 =	vmov v9;
	[tilespmem:s26+$0x70] =	vst v56  }
0x119: {  	v9 =	vmovc v8;
	v8 =	vmovc v7;
	v7 =	vmov v6;
	v6 =	vmov v5;
	v46 =	vmov s28;
	[tilespmem:s26+$0x80] =	vst v57  }
0x11a: {  	v5 =	vmovc v4;
	v4 =	vmovc v3;
	v3 =	vmov v2;
	v2 =	vmov v1;
	v1 =	vld [tilespmem:$0x1FFB0];
	[tilespmem:s26+$0x90] =	vst v59;
	v47 =	vshll.u32 v46, $0x3  }
0x11b: {  	[tilespmem:s26+$0xA0] =	vst v60;
	v32 =	vand.u32 $0x60, v46;
	v34 =	vand.u32 $0x1C00, v47  }
0x11c: {  	[tilespmem:s26+$0xB0] =	vst v61;
	v32 =	vor.u32 v32, v34  }
0x11d: {  	[tilespmem:s26+$0xC0] =	vst v62;
	v34 =	vor.u32 v23, v32  }
0x11e: {  	[tilespmem:s26+$0xD0] =	vst v63;
	v48 =	vor.u32 v2, v32  }
0x11f: {  	[tilespmem:s26+$0xFFFFFF00] =	vst v1;
	v49 =	vor.u32 v3, v32  }
0x120: {  	v50 =	vor.u32 v4, v32;
	[tilespmem:s26+$0xF0] =	vst v58  }
0x121: {  	v51 =	vor.u32 v5, v32;
	v23 =	vld [tilespmem:$0x1FFF0];
	[tilespmem:s26+$0xE0] =	vst v33  }
0x122: {  	v52 =	vor.u32 v6, v32;
	v33 =	vld.idx.msk [tilespmem:v34+s2+$0x0], $0xffff  }
0x123: {  	v53 =	vor.u32 v7, v32;
	v34 =	vld.idx.msk [tilespmem:v48+s2+$0x0], $0xffff  }
0x124: {  	v54 =	vor.u32 v8, v32;
	v35 =	vld.idx.msk [tilespmem:v49+s2+$0x0], $0xffff  }
0x125: {  	v55 =	vor.u32 v9, v32;
	v36 =	vld.idx.msk [tilespmem:v50+s2+$0x0], $0xffff  }
0x126: {  	v56 =	vor.u32 v10, v32;
	v37 =	vld.idx.msk [tilespmem:v51+s2+$0x0], $0xffff  }
0x127: {  	v57 =	vor.u32 v11, v32;
	v38 =	vld.idx.msk [tilespmem:v52+s2+$0x0], $0xffff  }
0x128: {  	v59 =	vor.u32 v13, v32;
	v39 =	vld.idx.msk [tilespmem:v53+s2+$0x0], $0xffff  }
0x129: {  	v60 =	vor.u32 v14, v32;
	v40 =	vld.idx.msk [tilespmem:v54+s2+$0x0], $0xffff  }
0x12a: {  	v61 =	vor.u32 v15, v32;
	v41 =	vld.idx.msk [tilespmem:v55+s2+$0x0], $0xffff  }
0x12b: {  	v62 =	vor.u32 v16, v32;
	v42 =	vld.idx.msk [tilespmem:v56+s2+$0x0], $0xffff  }
0x12c: {  	v63 =	vor.u32 v17, v32;
	v43 =	vld.idx.msk [tilespmem:v57+s2+$0x0], $0xffff  }
0x12d: {  	v1 =	vmovc v2;
	v2 =	vmovc v3;
	v3 =	vmov v4;
	v4 =	vmov v5;
	v58 =	vor.u32 v12, v32;
	v45 =	vld.idx.msk [tilespmem:v59+s2+$0x0], $0xffff  }
0x12e: {  	v5 =	vmovc v6;
	v6 =	vmovc v7;
	v7 =	vmov v8;
	v8 =	vmov v9;
	v9 =	vmov v10;
	v46 =	vld.idx.msk [tilespmem:v60+s2+$0x0], $0xffff  }
0x12f: {  	v10 =	vmovc v11;
	v11 =	vmovc v12;
	v12 =	vmov v13;
	v13 =	vmov v14;
	v14 =	vmov v15;
	v47 =	vld.idx.msk [tilespmem:v61+s2+$0x0], $0xffff  }
0x130: {  	v15 =	vmovc v16;
	v16 =	vmovc v17;
	v17 =	vmov v18;
	v54 =	vor.u32 v18, v32;
	v18 =	vmov v19;
	v48 =	vld.idx.msk [tilespmem:v62+s2+$0x0], $0xffff  }
0x131: {  	v52 =	vor.u32 v19, v32;
	v19 =	vmovc v20;
	v53 =	vor.u32 v20, v32;
	v20 =	vmov v21;
	v49 =	vld.idx.msk [tilespmem:v63+s2+$0x0], $0xffff  }
0x132: {  	s28 =	simm.s32 $0x40;
	v50 =	vor.u32 v21, v32;
	v21 =	vmovc v30;
	v51 =	vor.u32 v30, v32;
	v30 =	vmov v0;
	v44 =	vld.idx.msk [tilespmem:v58+s2+$0x0], $0xffff  }
.LBB2_4:
0x133: {  	_ =	sdelay $0x2  }
0x134: {  	v54 =	vld.idx.msk [tilespmem:v54+s2+$0x0], $0xffff;
	v55 =	vor.u32 v24, v32  }
0x135: {  	v52 =	vld.idx.msk [tilespmem:v52+s2+$0x0], $0xffff;
	v56 =	vor.u32 v25, v32  }
0x136: {  	v53 =	vld.idx.msk [tilespmem:v53+s2+$0x0], $0xffff;
	v57 =	vor.u32 v26, v32  }
0x137: {  	v50 =	vld.idx.msk [tilespmem:v50+s2+$0x0], $0xffff;
	v58 =	vor.u32 v23, v32  }
0x138: {  	v51 =	vld.idx.msk [tilespmem:v51+s2+$0x0], $0xffff;
	v59 =	vor.u32 v27, v32  }
0x139: {  	v60 =	vor.u32 v28, v32;
	v55 =	vld.idx.msk [tilespmem:v55+s2+$0x0], $0xffff  }
0x13a: {  	v61 =	vor.u32 v29, v32;
	v56 =	vld.idx.msk [tilespmem:v56+s2+$0x0], $0xffff  }
0x13b: {  	v62 =	vor.u32 v22, v32;
	v57 =	vld.idx.msk [tilespmem:v57+s2+$0x0], $0xffff  }
0x13c: {  	v63 =	vor.u32 v30, v32;
	v58 =	vld.idx.msk [tilespmem:v58+s2+$0x0], $0xffff  }
0x13d: {  	v32 =	vor.u32 v31, v32;
	v59 =	vld.idx.msk [tilespmem:v59+s2+$0x0], $0xffff  }
0x13e: {  	v60 =	vld.idx.msk [tilespmem:v60+s2+$0x0], $0xffff  }
0x13f: {  	v61 =	vld.idx.msk [tilespmem:v61+s2+$0x0], $0xffff  }
0x140: {  	v62 =	vld.idx.msk [tilespmem:v62+s2+$0x0], $0xffff  }
0x141: {  	s26 =	sadd.s32 $0x200, s26;
	v63 =	vld.idx.msk [tilespmem:v63+s2+$0x0], $0xffff  }
0x142: {  	v0 =	vld.idx.msk [tilespmem:v32+s2+$0x0], $0xffff;
	[tilespmem:s26+$0xFFFFFF00] =	vst v33  }
0x143: {  	[tilespmem:s26+$0xFFFFFF10] =	vst v34  }
0x144: {  	[tilespmem:s26+$0xFFFFFF20] =	vst v35  }
0x145: {  	[tilespmem:s26+$0xFFFFFF30] =	vst v36  }
0x146: {  	[tilespmem:s26+$0xFFFFFF40] =	vst v37  }
0x147: {  	[tilespmem:s26+$0xFFFFFF50] =	vst v38  }
0x148: {  	[tilespmem:s26+$0xFFFFFF60] =	vst v39  }
0x149: {  	[tilespmem:s26+$0xFFFFFF70] =	vst v40  }
0x14a: {  	[tilespmem:s26+$0xFFFFFF80] =	vst v41  }
0x14b: {  	[tilespmem:s26+$0xFFFFFF90] =	vst v42  }
0x14c: {  	[tilespmem:s26+$0xFFFFFFA0] =	vst v43  }
0x14d: {  	[tilespmem:s26+$0xFFFFFFB0] =	vst v44  }
0x14e: {  	[tilespmem:s26+$0xFFFFFFC0] =	vst v45  }
0x14f: {  	[tilespmem:s26+$0xFFFFFFD0] =	vst v46  }
0x150: {  	[tilespmem:s26+$0xFFFFFFE0] =	vst v47  }
0x151: {  	[tilespmem:s26+$0xFFFFFFF0] =	vst v48  }
0x152: {  	[tilespmem:s26+$0x0] =	vst v49  }
0x153: {  	[tilespmem:s26+$0x10] =	vst v54  }
0x154: {  	[tilespmem:s26+$0x20] =	vst v52  }
0x155: {  	[tilespmem:s26+$0x30] =	vst v53  }
0x156: {  	[tilespmem:s26+$0x40] =	vst v50  }
0x157: {  	[tilespmem:s26+$0x50] =	vst v51  }
0x158: {  	[tilespmem:s26+$0xF0] =	vst v58  }
0x159: {  	v48 =	vmov s28;
	[tilespmem:s26+$0x60] =	vst v55  }
0x15a: {  	v49 =	vshll.u32 v48, $0x3;
	[tilespmem:s26+$0x70] =	vst v56  }
0x15b: {  	v32 =	vand.u32 $0x60, v48;
	v33 =	vand.u32 $0x1C00, v49;
	[tilespmem:s26+$0x80] =	vst v57  }
0x15c: {  	v50 =	vld [tilespmem:$0x1FFD0];
	v32 =	vor.u32 v32, v33;
	[tilespmem:s26+$0x90] =	vst v59  }
0x15d: {  	v51 =	vor.u32 v1, v32;
	[tilespmem:s26+$0xA0] =	vst v60  }
0x15e: {  	v52 =	vor.u32 v2, v32;
	[tilespmem:s26+$0xB0] =	vst v61  }
0x15f: {  	v53 =	vor.u32 v3, v32;
	[tilespmem:s26+$0xC0] =	vst v62  }
0x160: {  	v54 =	vor.u32 v4, v32;
	[tilespmem:s26+$0xD0] =	vst v63  }
0x161: {  	v33 =	vor.u32 v50, v32;
	[tilespmem:s26+$0xE0] =	vst v0  }
0x162: {  	v0 =	vor.u32 v5, v32;
	v34 =	vld.idx.msk [tilespmem:v51+s2+$0x0], $0xffff  }
0x163: {  	v55 =	vor.u32 v6, v32;
	v35 =	vld.idx.msk [tilespmem:v52+s2+$0x0], $0xffff  }
0x164: {  	v56 =	vor.u32 v7, v32;
	v36 =	vld.idx.msk [tilespmem:v53+s2+$0x0], $0xffff  }
0x165: {  	v57 =	vor.u32 v8, v32;
	v37 =	vld.idx.msk [tilespmem:v54+s2+$0x0], $0xffff  }
0x166: {  	v58 =	vor.u32 v9, v32;
	v33 =	vld.idx.msk [tilespmem:v33+s2+$0x0], $0xffff  }
0x167: {  	v59 =	vor.u32 v11, v32;
	v38 =	vld.idx.msk [tilespmem:v0+s2+$0x0], $0xffff  }
0x168: {  	v0 =	vor.u32 v10, v32;
	v39 =	vld.idx.msk [tilespmem:v55+s2+$0x0], $0xffff  }
0x169: {  	v60 =	vor.u32 v12, v32;
	v40 =	vld.idx.msk [tilespmem:v56+s2+$0x0], $0xffff  }
0x16a: {  	v61 =	vor.u32 v13, v32;
	v41 =	vld.idx.msk [tilespmem:v57+s2+$0x0], $0xffff  }
0x16b: {  	v62 =	vor.u32 v14, v32;
	v42 =	vld.idx.msk [tilespmem:v58+s2+$0x0], $0xffff  }
0x16c: {  	v63 =	vor.u32 v16, v32;
	v44 =	vld.idx.msk [tilespmem:v59+s2+$0x0], $0xffff  }
0x16d: {  	p3 =	sne.s32 s28, $0x3E0;
	v43 =	vld.idx.msk [tilespmem:v0+s2+$0x0], $0xffff;
	v0 =	vor.u32 v15, v32  }
.Ltmp6:
0x16e: {  	v45 =	vld.idx.msk [tilespmem:v60+s2+$0x0], $0xffff;
	(pc) =	sbr.rel @p3 .LBB2_4-.Ltmp6, $4  }
0x16f: {  	v46 =	vld.idx.msk [tilespmem:v61+s2+$0x0], $0xffff  }
0x170: {  	v47 =	vld.idx.msk [tilespmem:v62+s2+$0x0], $0xffff  }
0x171: {  	v50 =	vor.u32 v20, v32;
	v54 =	vor.u32 v17, v32;
	v49 =	vld.idx.msk [tilespmem:v63+s2+$0x0], $0xffff  }
0x172: {  	s28 =	sadd.s32 $0x20, s28;
	v52 =	vor.u32 v18, v32;
	v53 =	vor.u32 v19, v32;
	v51 =	vor.u32 v21, v32;
	v48 =	vld.idx.msk [tilespmem:v0+s2+$0x0], $0xffff  }
0x173: {  	_ =	sdelay $0x3  }
0x174: {  	v0 =	vld.idx.msk [tilespmem:v54+s2+$0x0], $0xffff;
	v62 =	vor.u32 v24, v32  }
0x175: {  	v52 =	vld.idx.msk [tilespmem:v52+s2+$0x0], $0xffff;
	v55 =	vor.u32 v25, v32  }
0x176: {  	v53 =	vld.idx.msk [tilespmem:v53+s2+$0x0], $0xffff;
	v56 =	vor.u32 v26, v32  }
0x177: {  	v50 =	vld.idx.msk [tilespmem:v50+s2+$0x0], $0xffff;
	v57 =	vor.u32 v23, v32  }
0x178: {  	v51 =	vld.idx.msk [tilespmem:v51+s2+$0x0], $0xffff;
	v58 =	vor.u32 v27, v32  }
0x179: {  	v59 =	vor.u32 v28, v32;
	v54 =	vld.idx.msk [tilespmem:v62+s2+$0x0], $0xffff  }
0x17a: {  	v60 =	vor.u32 v29, v32;
	v55 =	vld.idx.msk [tilespmem:v55+s2+$0x0], $0xffff  }
0x17b: {  	v61 =	vor.u32 v22, v32;
	v56 =	vld.idx.msk [tilespmem:v56+s2+$0x0], $0xffff  }
0x17c: {  	v63 =	vmovc v24;
	v24 =	vmovc v25;
	v25 =	vmov v26;
	v26 =	vmov v27;
	v27 =	vor.u32 v31, v32;
	v57 =	vld.idx.msk [tilespmem:v57+s2+$0x0], $0xffff  }
0x17d: {  	v62 =	vor.u32 v30, v32;
	v58 =	vld.idx.msk [tilespmem:v58+s2+$0x0], $0xffff  }
0x17e: {  	v59 =	vld.idx.msk [tilespmem:v59+s2+$0x0], $0xffff  }
0x17f: {  	v60 =	vld.idx.msk [tilespmem:v60+s2+$0x0], $0xffff  }
0x180: {  	v61 =	vld.idx.msk [tilespmem:v61+s2+$0x0], $0xffff  }
0x181: {  	s26 =	sadd.s32 $0x200, s26;
	v32 =	vld.idx.msk [tilespmem:v27+s2+$0x0], $0xffff  }
0x182: {  	v62 =	vld.idx.msk [tilespmem:v62+s2+$0x0], $0xffff;
	[tilespmem:s26+$0xF0] =	vst v57  }
0x183: {  	[tilespmem:s26+$0xFFFFFF00] =	vst v33  }
0x184: {  	[tilespmem:s26+$0xFFFFFF10] =	vst v34  }
0x185: {  	[tilespmem:s26+$0xFFFFFF20] =	vst v35  }
0x186: {  	[tilespmem:s26+$0xFFFFFF30] =	vst v36  }
0x187: {  	[tilespmem:s26+$0xFFFFFF40] =	vst v37  }
0x188: {  	[tilespmem:s26+$0xFFFFFF50] =	vst v38  }
0x189: {  	[tilespmem:s26+$0xFFFFFF60] =	vst v39  }
0x18a: {  	[tilespmem:s26+$0xFFFFFF70] =	vst v40  }
0x18b: {  	[tilespmem:s26+$0xFFFFFF80] =	vst v41  }
0x18c: {  	[tilespmem:s26+$0xFFFFFF90] =	vst v42  }
0x18d: {  	[tilespmem:s26+$0xFFFFFFA0] =	vst v43  }
0x18e: {  	[tilespmem:s26+$0xFFFFFFB0] =	vst v44  }
0x18f: {  	[tilespmem:s26+$0xFFFFFFC0] =	vst v45  }
0x190: {  	[tilespmem:s26+$0xFFFFFFD0] =	vst v46  }
0x191: {  	[tilespmem:s26+$0xFFFFFFE0] =	vst v47  }
0x192: {  	[tilespmem:s26+$0xFFFFFFF0] =	vst v48  }
0x193: {  	[tilespmem:s26+$0x0] =	vst v49  }
0x194: {  	[tilespmem:s26+$0x10] =	vst v0  }
0x195: {  	[tilespmem:s26+$0x20] =	vst v52  }
0x196: {  	[tilespmem:s26+$0x30] =	vst v53  }
0x197: {  	[tilespmem:s26+$0x40] =	vst v50  }
0x198: {  	[tilespmem:s26+$0x50] =	vst v51  }
0x199: {  	[tilespmem:s26+$0x60] =	vst v54  }
0x19a: {  	[tilespmem:s26+$0x70] =	vst v55  }
0x19b: {  	[tilespmem:s26+$0x80] =	vst v56  }
0x19c: {  	[tilespmem:s26+$0x90] =	vst v58  }
0x19d: {  	[tilespmem:s26+$0xA0] =	vst v59  }
0x19e: {  	[tilespmem:s26+$0xB0] =	vst v60  }
0x19f: {  	[tilespmem:s26+$0xC0] =	vst v61  }
0x1a0: {  	s25 =	sshll.u32 s25, $0xB;
	[tilespmem:s26+$0xE0] =	vst v32  }
0x1a1: {  	s25 =	sadd.s32 s5, s25;
	v55 =	vmovc v63;
	v56 =	vmovc v24;
	v57 =	vmov v25;
	v59 =	vmov v26;
	v60 =	vmov v28;
	[tilespmem:s26+$0xD0] =	vst v62  }
0x1a2: {  	v58 =	vld [tilespmem:$0x1FFD0];
	v61 =	vmovc v29;
	v0 =	vmovc v30;
	v30 =	vmov v23;
	v62 =	vmov v22;
	v22 =	vmov v31;
	[hbm4b:s25+s2] =	stream.linear.scatter [tilespmem:s16], [sflag:$0x3], $0x4000, $0x38  }
.LBB2_6:
0x1a3: {  	p3 =	seq.s32 s22, $0xF;
	s25 =	sadd.s32 s24, s10  }
0x1a4: {  	p4 =	sgt.u32 @!p3 s25, $0x3CF  }
0x1a5: {  	p3 =	por p4, p3  }
0x1a6: {  	s25 =	sshll.u32 @!p3 s25, $0xA  }
0x1a7: {  	s28 =	simm.s32 @!p3 $0x0;
	s26 =	sadd.s32 @!p3 s3, s25  }
0x1a8: {  	[tilespmem:s28], [sflag:$0x1] =	stream.linear.gather @!p3 [hbm4b:s26+s28], $0x2000, $0x38;
	[tilespmem:$0x10000] =	vst v63  }
0x1a9: {  	s25 =	sadd.s32 @!p3 s25, s9;
	s26 =	simm.s32 @!p3 $0x2000  }
0x1aa: {  	[tilespmem:s26], [sflag:$0x1] =	stream.linear.gather @!p3 [hbm4b:s25+s28], $0x2000, $0x38;
	[tilespmem:$0x10000] =	vst v63  }
0x1ab: {  	s25 =	simm.s32 @p2 $0x2  }
0x1ac: {  	_ =	swait.ge @p2 [sflag:s25], $0x2000  }
0x1ad: {  	s31 =	sadd.s32 $0xFFFFFFFF, s24;
	[sflag:s25] =	ssyncset.done @p2 $0x0  }
0x1ae: {  	p3 =	sgt.u32 s31, $0x1E;
	[sflag:s25] =	ssyncadd.s32 @p2 $0xFFFFE000  }
0x1af: {  	p4 =	sgt.u32 @!p3 s24, s8;
	_ =	swait.ge @p2 [sflag:s25], $0x2000  }
.Ltmp7:
0x1b0: {  	p3 =	por p4, p3;
	[sflag:s25] =	ssyncset.done @p2 $0x0;
	(pc) =	sbr.rel @!p2 .LBB2_10-.Ltmp7, $4  }
0x1b1: {  	s24 =	simm.s32 @!p3 $0x4;
	[sflag:s25] =	ssyncadd.s32 @p2 $0xFFFFE000  }
0x1b2: {  	_ =	swait.ge @!p3 [sflag:s24], $0x4000  }
0x1b3: {  	[sflag:s24] =	ssyncset.done @!p3 $0x0  }
0x1b4: {  	[sflag:s24] =	ssyncadd.s32 @!p3 $0xFFFFC000;
	s24 =	simm.s32 $0x0  }
0x1b5: {  	v31 =	vmov v30;
	v30 =	vmov v0;
	v0 =	vmov s24  }
0x1b6: {  	v32 =	vshll.u32 v0, $0x3  }
0x1b7: {  	v0 =	vand.u32 $0x60, v0;
	v32 =	vand.u32 $0x1C00, v32  }
0x1b8: {  	v32 =	vor.u32 v0, v32  }
0x1b9: {  	v0 =	vor.u32 v58, v32  }
0x1ba: {  	v34 =	vor.u32 v1, v32  }
0x1bb: {  	v35 =	vor.u32 v2, v32  }
0x1bc: {  	v36 =	vor.u32 v3, v32  }
0x1bd: {  	v37 =	vor.u32 v4, v32  }
0x1be: {  	v39 =	vor.u32 v6, v32;
	v33 =	vld.idx.msk [tilespmem:v0+s17+$0x0], $0xffff  }
0x1bf: {  	v0 =	vor.u32 v5, v32;
	v34 =	vld.idx.msk [tilespmem:v34+s17+$0x0], $0xffff  }
0x1c0: {  	v40 =	vor.u32 v7, v32;
	v35 =	vld.idx.msk [tilespmem:v35+s17+$0x0], $0xffff  }
0x1c1: {  	v41 =	vor.u32 v8, v32;
	v36 =	vld.idx.msk [tilespmem:v36+s17+$0x0], $0xffff  }
0x1c2: {  	v42 =	vor.u32 v9, v32;
	v37 =	vld.idx.msk [tilespmem:v37+s17+$0x0], $0xffff  }
0x1c3: {  	v44 =	vor.u32 v11, v32;
	v39 =	vld.idx.msk [tilespmem:v39+s17+$0x0], $0xffff  }
0x1c4: {  	v38 =	vld.idx.msk [tilespmem:v0+s17+$0x0], $0xffff;
	v0 =	vor.u32 v10, v32  }
0x1c5: {  	v45 =	vor.u32 v12, v32;
	v40 =	vld.idx.msk [tilespmem:v40+s17+$0x0], $0xffff  }
0x1c6: {  	v46 =	vor.u32 v13, v32;
	v41 =	vld.idx.msk [tilespmem:v41+s17+$0x0], $0xffff  }
0x1c7: {  	v47 =	vor.u32 v14, v32;
	v42 =	vld.idx.msk [tilespmem:v42+s17+$0x0], $0xffff  }
0x1c8: {  	v49 =	vor.u32 v16, v32;
	v54 =	vor.u32 v17, v32;
	v44 =	vld.idx.msk [tilespmem:v44+s17+$0x0], $0xffff  }
0x1c9: {  	v52 =	vor.u32 v18, v32;
	v53 =	vor.u32 v19, v32;
	v43 =	vld.idx.msk [tilespmem:v0+s17+$0x0], $0xffff;
	v0 =	vor.u32 v15, v32  }
0x1ca: {  	v50 =	vor.u32 v20, v32;
	v51 =	vor.u32 v21, v32;
	v21 =	vmov v20;
	v45 =	vld.idx.msk [tilespmem:v45+s17+$0x0], $0xffff  }
0x1cb: {  	v20 =	vmovc v19;
	v19 =	vmovc v18;
	v18 =	vmov v17;
	v17 =	vmov v16;
	v16 =	vmov v15;
	v46 =	vld.idx.msk [tilespmem:v46+s17+$0x0], $0xffff  }
0x1cc: {  	v47 =	vld.idx.msk [tilespmem:v47+s17+$0x0], $0xffff;
	v15 =	vmovc v14;
	v14 =	vmovc v13;
	v13 =	vmov v12;
	v12 =	vmov v11;
	v11 =	vmov v10  }
0x1cd: {  	v49 =	vld.idx.msk [tilespmem:v49+s17+$0x0], $0xffff;
	v10 =	vmovc v9;
	v9 =	vmovc v8;
	v8 =	vmov v7;
	v7 =	vmov v6;
	v6 =	vmov v5  }
0x1ce: {  	s25 =	simm.s32 $0x800;
	s26 =	simm.s32 $0x0;
	v5 =	vmovc v4;
	v4 =	vmovc v3;
	v3 =	vmov v2;
	v2 =	vmov v1;
	v1 =	vmov v58;
	v48 =	vld.idx.msk [tilespmem:v0+s17+$0x0], $0xffff  }
.LBB2_8:
0x1cf: {  	_ =	sdelay $0x3  }
0x1d0: {  	v0 =	vld.idx.msk [tilespmem:v54+s17+$0x0], $0xffff;
	v54 =	vor.u32 v55, v32  }
0x1d1: {  	v52 =	vld.idx.msk [tilespmem:v52+s17+$0x0], $0xffff;
	v63 =	vor.u32 v56, v32  }
0x1d2: {  	v53 =	vld.idx.msk [tilespmem:v53+s17+$0x0], $0xffff;
	v24 =	vmov v56;
	v56 =	vor.u32 v57, v32  }
0x1d3: {  	v50 =	vld.idx.msk [tilespmem:v50+s17+$0x0], $0xffff;
	v25 =	vmov v57;
	v57 =	vor.u32 v31, v32  }
0x1d4: {  	v51 =	vld.idx.msk [tilespmem:v51+s17+$0x0], $0xffff;
	v58 =	vor.u32 v59, v32  }
0x1d5: {  	v26 =	vmov v59;
	v59 =	vor.u32 v60, v32;
	v54 =	vld.idx.msk [tilespmem:v54+s17+$0x0], $0xffff  }
0x1d6: {  	v23 =	vmov v55;
	v27 =	vmov v60;
	v60 =	vor.u32 v61, v32;
	v55 =	vld.idx.msk [tilespmem:v63+s17+$0x0], $0xffff  }
0x1d7: {  	v28 =	vmov v61;
	v61 =	vor.u32 v62, v32;
	v56 =	vld.idx.msk [tilespmem:v56+s17+$0x0], $0xffff  }
0x1d8: {  	v29 =	vmov v62;
	v62 =	vor.u32 v30, v32;
	v57 =	vld.idx.msk [tilespmem:v57+s17+$0x0], $0xffff  }
0x1d9: {  	v32 =	vor.u32 v22, v32;
	v58 =	vld.idx.msk [tilespmem:v58+s17+$0x0], $0xffff  }
0x1da: {  	v59 =	vld.idx.msk [tilespmem:v59+s17+$0x0], $0xffff  }
0x1db: {  	v60 =	vld.idx.msk [tilespmem:v60+s17+$0x0], $0xffff  }
0x1dc: {  	v61 =	vld.idx.msk [tilespmem:v61+s17+$0x0], $0xffff  }
0x1dd: {  	s28 =	sshra.s32 s24, $0x2;
	v62 =	vld.idx.msk [tilespmem:v62+s17+$0x0], $0xffff  }
0x1de: {  	v63 =	vld.idx.msk [tilespmem:v32+s17+$0x0], $0xffff;
	[tilespmem:s28+$0xC000] =	vst v33  }
0x1df: {  	[tilespmem:s28+$0xC010] =	vst v34  }
0x1e0: {  	[tilespmem:s28+$0xC020] =	vst v35  }
0x1e1: {  	[tilespmem:s28+$0xC030] =	vst v36  }
0x1e2: {  	[tilespmem:s28+$0xC040] =	vst v37  }
0x1e3: {  	[tilespmem:s28+$0xC050] =	vst v38  }
0x1e4: {  	[tilespmem:s28+$0xC060] =	vst v39  }
0x1e5: {  	[tilespmem:s28+$0xC070] =	vst v40  }
0x1e6: {  	[tilespmem:s28+$0xC080] =	vst v41  }
0x1e7: {  	[tilespmem:s28+$0xC090] =	vst v42  }
0x1e8: {  	[tilespmem:s28+$0xC0A0] =	vst v43  }
0x1e9: {  	[tilespmem:s28+$0xC0B0] =	vst v44  }
0x1ea: {  	[tilespmem:s28+$0xC0C0] =	vst v45  }
0x1eb: {  	[tilespmem:s28+$0xC0D0] =	vst v46  }
0x1ec: {  	[tilespmem:s28+$0xC0E0] =	vst v47  }
0x1ed: {  	[tilespmem:s28+$0xC0F0] =	vst v48  }
0x1ee: {  	[tilespmem:s28+$0xC100] =	vst v49  }
0x1ef: {  	[tilespmem:s28+$0xC110] =	vst v0  }
0x1f0: {  	[tilespmem:s28+$0xC120] =	vst v52  }
0x1f1: {  	[tilespmem:s28+$0xC130] =	vst v53  }
0x1f2: {  	[tilespmem:s28+$0xC140] =	vst v50  }
0x1f3: {  	[tilespmem:s28+$0xC150] =	vst v51  }
0x1f4: {  	s26 =	sadd.s32 $0x20, s26;
	[tilespmem:s28+$0xC1F0] =	vst v57  }
0x1f5: {  	v0 =	vmov s26;
	[tilespmem:s28+$0xC160] =	vst v54  }
0x1f6: {  	v44 =	vshll.u32 v0, $0x3;
	[tilespmem:s28+$0xC170] =	vst v55  }
0x1f7: {  	v0 =	vand.u32 $0x60, v0;
	v32 =	vand.u32 $0x1C00, v44;
	[tilespmem:s28+$0xC180] =	vst v56  }
0x1f8: {  	v32 =	vor.u32 v0, v32;
	[tilespmem:s28+$0xC190] =	vst v58  }
0x1f9: {  	v0 =	vor.u32 v1, v32;
	[tilespmem:s28+$0xC1A0] =	vst v59  }
0x1fa: {  	[tilespmem:s28+$0xC1B0] =	vst v60  }
0x1fb: {  	[tilespmem:s28+$0xC1C0] =	vst v61  }
0x1fc: {  	[tilespmem:s28+$0xC1D0] =	vst v62  }
0x1fd: {  	[tilespmem:s28+$0xC1E0] =	vst v63  }
0x1fe: {  	v33 =	vld.idx.msk [tilespmem:v0+s17+$0x0], $0xffff;
	v0 =	vor.u32 v6, v32  }
0x1ff: {  	v45 =	vor.u32 v2, v32  }
0x200: {  	v46 =	vor.u32 v3, v32  }
0x201: {  	v47 =	vor.u32 v4, v32  }
0x202: {  	v48 =	vor.u32 v5, v32  }
0x203: {  	v38 =	vld.idx.msk [tilespmem:v0+s17+$0x0], $0xffff;
	v0 =	vor.u32 v11, v32  }
0x204: {  	v49 =	vor.u32 v7, v32;
	v34 =	vld.idx.msk [tilespmem:v45+s17+$0x0], $0xffff  }
0x205: {  	v50 =	vor.u32 v8, v32;
	v35 =	vld.idx.msk [tilespmem:v46+s17+$0x0], $0xffff  }
0x206: {  	v51 =	vor.u32 v9, v32;
	v36 =	vld.idx.msk [tilespmem:v47+s17+$0x0], $0xffff  }
0x207: {  	v52 =	vor.u32 v10, v32;
	v37 =	vld.idx.msk [tilespmem:v48+s17+$0x0], $0xffff  }
0x208: {  	v43 =	vld.idx.msk [tilespmem:v0+s17+$0x0], $0xffff;
	v0 =	vor.u32 v16, v32  }
0x209: {  	v39 =	vld.idx.msk [tilespmem:v49+s17+$0x0], $0xffff  }
0x20a: {  	v53 =	vor.u32 v12, v32;
	v40 =	vld.idx.msk [tilespmem:v50+s17+$0x0], $0xffff  }
0x20b: {  	v54 =	vor.u32 v13, v32;
	v41 =	vld.idx.msk [tilespmem:v51+s17+$0x0], $0xffff  }
0x20c: {  	v58 =	vor.u32 v15, v32;
	v42 =	vld.idx.msk [tilespmem:v52+s17+$0x0], $0xffff  }
0x20d: {  	v63 =	vor.u32 v17, v32;
	v48 =	vld.idx.msk [tilespmem:v0+s17+$0x0], $0xffff  }
0x20e: {  	p2 =	sne.s32 s25, $0xF800;
	v46 =	vor.u32 v14, v32;
	v0 =	vld [tilespmem:$0x1FFE0]  }
.Ltmp8:
0x20f: {  	v44 =	vld.idx.msk [tilespmem:v53+s17+$0x0], $0xffff;
	(pc) =	sbr.rel @p2 .LBB2_8-.Ltmp8, $4  }
0x210: {  	v45 =	vld.idx.msk [tilespmem:v54+s17+$0x0], $0xffff  }
0x211: {  	v57 =	vmovc v25;
	v55 =	vmovc v23;
	v56 =	vmov v24;
	v59 =	vmov v26;
	v60 =	vmov v27;
	v47 =	vld.idx.msk [tilespmem:v58+s17+$0x0], $0xffff  }
0x212: {  	v61 =	vmovc v28;
	v62 =	vmov v29;
	v52 =	vor.u32 v19, v32;
	v53 =	vor.u32 v20, v32;
	v49 =	vld.idx.msk [tilespmem:v63+s17+$0x0], $0xffff  }
0x213: {  	s24 =	smov.u32 s25;
	s25 =	sadd.s32 $0x800, s25;
	v50 =	vor.u32 v21, v32;
	v54 =	vor.u32 v18, v32;
	v46 =	vld.idx.msk [tilespmem:v46+s17+$0x0], $0xffff;
	v51 =	vor.u32 v0, v32  }
0x214: {  	_ =	sdelay $0x3  }
0x215: {  	v0 =	vld.idx.msk [tilespmem:v54+s17+$0x0], $0xffff;
	v54 =	vor.u32 v55, v32  }
0x216: {  	v52 =	vld.idx.msk [tilespmem:v52+s17+$0x0], $0xffff;
	v63 =	vor.u32 v56, v32  }
0x217: {  	v53 =	vld.idx.msk [tilespmem:v53+s17+$0x0], $0xffff;
	v56 =	vor.u32 v57, v32  }
0x218: {  	v50 =	vld.idx.msk [tilespmem:v50+s17+$0x0], $0xffff;
	v57 =	vor.u32 v31, v32  }
0x219: {  	v51 =	vld.idx.msk [tilespmem:v51+s17+$0x0], $0xffff;
	v58 =	vor.u32 v59, v32  }
0x21a: {  	v59 =	vor.u32 v60, v32;
	v54 =	vld.idx.msk [tilespmem:v54+s17+$0x0], $0xffff  }
0x21b: {  	v60 =	vor.u32 v61, v32;
	v55 =	vld.idx.msk [tilespmem:v63+s17+$0x0], $0xffff  }
0x21c: {  	v61 =	vor.u32 v62, v32;
	v56 =	vld.idx.msk [tilespmem:v56+s17+$0x0], $0xffff  }
0x21d: {  	v62 =	vor.u32 v30, v32;
	v57 =	vld.idx.msk [tilespmem:v57+s17+$0x0], $0xffff  }
0x21e: {  	v32 =	vor.u32 v22, v32;
	v58 =	vld.idx.msk [tilespmem:v58+s17+$0x0], $0xffff  }
0x21f: {  	v59 =	vld.idx.msk [tilespmem:v59+s17+$0x0], $0xffff  }
0x220: {  	v60 =	vld.idx.msk [tilespmem:v60+s17+$0x0], $0xffff  }
0x221: {  	v61 =	vld.idx.msk [tilespmem:v61+s17+$0x0], $0xffff  }
0x222: {  	s24 =	sshra.s32 s24, $0x2;
	v62 =	vld.idx.msk [tilespmem:v62+s17+$0x0], $0xffff  }
0x223: {  	v32 =	vld.idx.msk [tilespmem:v32+s17+$0x0], $0xffff;
	[tilespmem:s24+$0xC000] =	vst v33  }
0x224: {  	[tilespmem:s24+$0xC010] =	vst v34  }
0x225: {  	[tilespmem:s24+$0xC020] =	vst v35  }
0x226: {  	[tilespmem:s24+$0xC030] =	vst v36  }
0x227: {  	[tilespmem:s24+$0xC040] =	vst v37  }
0x228: {  	[tilespmem:s24+$0xC050] =	vst v38  }
0x229: {  	[tilespmem:s24+$0xC060] =	vst v39  }
0x22a: {  	[tilespmem:s24+$0xC070] =	vst v40  }
0x22b: {  	[tilespmem:s24+$0xC080] =	vst v41  }
0x22c: {  	[tilespmem:s24+$0xC090] =	vst v42  }
0x22d: {  	[tilespmem:s24+$0xC0A0] =	vst v43  }
0x22e: {  	[tilespmem:s24+$0xC0B0] =	vst v44  }
0x22f: {  	[tilespmem:s24+$0xC0C0] =	vst v45  }
0x230: {  	[tilespmem:s24+$0xC0D0] =	vst v46  }
0x231: {  	[tilespmem:s24+$0xC0E0] =	vst v47  }
0x232: {  	[tilespmem:s24+$0xC0F0] =	vst v48  }
0x233: {  	[tilespmem:s24+$0xC100] =	vst v49  }
0x234: {  	[tilespmem:s24+$0xC110] =	vst v0  }
0x235: {  	[tilespmem:s24+$0xC120] =	vst v52  }
0x236: {  	[tilespmem:s24+$0xC130] =	vst v53  }
0x237: {  	[tilespmem:s24+$0xC140] =	vst v50  }
0x238: {  	[tilespmem:s24+$0xC1F0] =	vst v57  }
0x239: {  	[tilespmem:s24+$0xC170] =	vst v55  }
0x23a: {  	[tilespmem:s24+$0xC180] =	vst v56  }
0x23b: {  	[tilespmem:s24+$0xC190] =	vst v58  }
0x23c: {  	[tilespmem:s24+$0xC1A0] =	vst v59  }
0x23d: {  	[tilespmem:s24+$0xC1B0] =	vst v60  }
0x23e: {  	v0 =	vmovc v30;
	v30 =	vmovc v31;
	v57 =	vmov v25;
	v55 =	vmov v23;
	v56 =	vmov v24;
	[tilespmem:s24+$0xC1C0] =	vst v61  }
.Ltmp9:
0x23f: {  	v59 =	vmovc v26;
	v60 =	vmovc v27;
	v61 =	vmov v28;
	[tilespmem:s24+$0xC1D0] =	vst v62;
	v62 =	vmov v29;
	v58 =	vmov v1;
	(pc) =	sbr.rel .LBB2_10-.Ltmp9, $4  }
0x240: {  	[tilespmem:s24+$0xC150] =	vst v51;
	v1 =	vmovc v2;
	v2 =	vmovc v3;
	v3 =	vmov v4;
	v4 =	vmov v5;
	v5 =	vmov v6  }
0x241: {  	s23 =	sshll.u32 s23, $0xB;
	[tilespmem:s24+$0xC160] =	vst v54;
	v6 =	vmovc v7;
	v7 =	vmovc v8;
	v8 =	vmov v9;
	v9 =	vmov v10;
	v10 =	vmov v11  }
0x242: {  	s23 =	sadd.s32 s5, s23;
	[tilespmem:s24+$0xC1E0] =	vst v32;
	v11 =	vmovc v12;
	v12 =	vmovc v13;
	v13 =	vmov v14;
	v14 =	vmov v15;
	v15 =	vmov v16  }
0x243: {  	v16 =	vmovc v17;
	v17 =	vmovc v18;
	v18 =	vmov v19;
	v19 =	vmov v20;
	v20 =	vmov v21;
	v21 =	vld [tilespmem:$0x1FFE0];
	[hbm4b:s23+s2] =	stream.linear.scatter [tilespmem:s18], [sflag:$0x4], $0x4000, $0x38  }
.LBB2_12:
0x244: {  	s22 =	simm.s32 $0x0  }
0x245: {  	v63 =	vmov v0;
	[tilespmem:s22], [sflag:$0x1] =	stream.linear.gather [hbm4b:s11+s22], $0x1400, $0x38;
	v0 =	vmov s22;
	[tilespmem:$0x10000] =	vst v63  }
0x246: {  	v32 =	vshll.u32 v0, $0x3  }
0x247: {  	v0 =	vand.u32 $0x60, v0;
	[tilespmem:s15], [sflag:$0x1] =	stream.linear.gather [hbm4b:s12+s22], $0x1400, $0x38;
	v32 =	vand.u32 $0x1C00, v32;
	[tilespmem:$0x10000] =	vst v63  }
0x248: {  	_ =	swait.ge [sflag:s19], $0x1400;
	v0 =	vor.u32 v0, v32  }
0x249: {  	[sflag:s19] =	ssyncset.done $0x0;
	v32 =	vor.u32 v58, v0  }
0x24a: {  	v33 =	vor.u32 v1, v0;
	[sflag:s19] =	ssyncadd.s32 $0xFFFFEC00  }
0x24b: {  	v34 =	vor.u32 v2, v0;
	_ =	swait.ge [sflag:s19], $0x1400  }
0x24c: {  	v35 =	vor.u32 v3, v0;
	[sflag:s19] =	ssyncset.done $0x0  }
0x24d: {  	v36 =	vor.u32 v4, v0;
	[sflag:s19] =	ssyncadd.s32 $0xFFFFEC00  }
0x24e: {  	v37 =	vor.u32 v5, v0;
	v23 =	vld.idx.msk [tilespmem:v32+s2+$0x0], $0xffff  }
0x24f: {  	v38 =	vor.u32 v6, v0;
	v33 =	vld.idx.msk [tilespmem:v33+s2+$0x0], $0xffff  }
0x250: {  	v39 =	vor.u32 v7, v0;
	v32 =	vld.idx.msk [tilespmem:v34+s2+$0x0], $0xffff  }
0x251: {  	v40 =	vor.u32 v8, v0;
	v35 =	vld.idx.msk [tilespmem:v35+s2+$0x0], $0xffff  }
0x252: {  	v41 =	vor.u32 v9, v0;
	v36 =	vld.idx.msk [tilespmem:v36+s2+$0x0], $0xffff  }
0x253: {  	v42 =	vor.u32 v10, v0;
	v37 =	vld.idx.msk [tilespmem:v37+s2+$0x0], $0xffff  }
0x254: {  	v43 =	vor.u32 v11, v0;
	v38 =	vld.idx.msk [tilespmem:v38+s2+$0x0], $0xffff  }
0x255: {  	v44 =	vor.u32 v12, v0;
	v39 =	vld.idx.msk [tilespmem:v39+s2+$0x0], $0xffff  }
0x256: {  	v45 =	vor.u32 v13, v0;
	v40 =	vld.idx.msk [tilespmem:v40+s2+$0x0], $0xffff  }
0x257: {  	v46 =	vor.u32 v14, v0;
	v41 =	vld.idx.msk [tilespmem:v41+s2+$0x0], $0xffff  }
0x258: {  	v47 =	vor.u32 v15, v0;
	v42 =	vld.idx.msk [tilespmem:v42+s2+$0x0], $0xffff  }
0x259: {  	v48 =	vor.u32 v16, v0;
	v43 =	vld.idx.msk [tilespmem:v43+s2+$0x0], $0xffff  }
0x25a: {  	v49 =	vor.u32 v17, v0;
	v44 =	vld.idx.msk [tilespmem:v44+s2+$0x0], $0xffff  }
0x25b: {  	v50 =	vor.u32 v18, v0;
	v45 =	vld.idx.msk [tilespmem:v45+s2+$0x0], $0xffff  }
0x25c: {  	v51 =	vor.u32 v19, v0;
	v46 =	vld.idx.msk [tilespmem:v46+s2+$0x0], $0xffff  }
0x25d: {  	v52 =	vor.u32 v20, v0;
	v47 =	vld.idx.msk [tilespmem:v47+s2+$0x0], $0xffff  }
0x25e: {  	v53 =	vor.u32 v21, v0;
	v48 =	vld.idx.msk [tilespmem:v48+s2+$0x0], $0xffff  }
0x25f: {  	v54 =	vor.u32 v55, v0;
	v49 =	vld.idx.msk [tilespmem:v49+s2+$0x0], $0xffff  }
0x260: {  	v24 =	vmov v55;
	v55 =	vor.u32 v56, v0;
	v50 =	vld.idx.msk [tilespmem:v50+s2+$0x0], $0xffff  }
0x261: {  	v25 =	vmov v56;
	v56 =	vor.u32 v57, v0;
	v51 =	vld.idx.msk [tilespmem:v51+s2+$0x0], $0xffff  }
0x262: {  	v26 =	vmov v57;
	v57 =	vor.u32 v30, v0;
	v52 =	vld.idx.msk [tilespmem:v52+s2+$0x0], $0xffff  }
0x263: {  	v53 =	vld.idx.msk [tilespmem:v53+s2+$0x0], $0xffff;
	v34 =	vmov v58;
	v58 =	vor.u32 v59, v0  }
0x264: {  	v27 =	vmov v59;
	v54 =	vld.idx.msk [tilespmem:v54+s2+$0x0], $0xffff;
	v59 =	vor.u32 v60, v0  }
0x265: {  	v55 =	vld.idx.msk [tilespmem:v55+s2+$0x0], $0xffff;
	[tilespmem:$0x1FFA0] =	vst v23;
	v23 =	vmov v60;
	v60 =	vor.u32 v61, v0  }
0x266: {  	v29 =	vmov v61;
	v56 =	vld.idx.msk [tilespmem:v56+s2+$0x0], $0xffff;
	v61 =	vor.u32 v62, v0  }
0x267: {  	v28 =	vmov v62;
	v57 =	vld.idx.msk [tilespmem:v57+s2+$0x0], $0xffff;
	v62 =	vor.u32 v63, v0  }
0x268: {  	v58 =	vld.idx.msk [tilespmem:v58+s2+$0x0], $0xffff;
	v0 =	vor.u32 v22, v0  }
0x269: {  	v59 =	vld.idx.msk [tilespmem:v59+s2+$0x0], $0xffff  }
0x26a: {  	v60 =	vld.idx.msk [tilespmem:v60+s2+$0x0], $0xffff  }
0x26b: {  	v61 =	vld.idx.msk [tilespmem:v61+s2+$0x0], $0xffff  }
0x26c: {  	s22 =	simm.s32 $0x8100;
	v62 =	vld.idx.msk [tilespmem:v62+s2+$0x0], $0xffff  }
0x26d: {  	v0 =	vld.idx.msk [tilespmem:v0+s2+$0x0], $0xffff;
	[tilespmem:s22+$0xF0] =	vst v57  }
0x26e: {  	[tilespmem:s22+$0xFFFFFF10] =	vst v33  }
0x26f: {  	[tilespmem:s22+$0xFFFFFF20] =	vst v32  }
0x270: {  	[tilespmem:s22+$0xFFFFFF30] =	vst v35  }
0x271: {  	[tilespmem:s22+$0xFFFFFF40] =	vst v36  }
0x272: {  	[tilespmem:s22+$0xFFFFFF50] =	vst v37  }
0x273: {  	[tilespmem:s22+$0xFFFFFF60] =	vst v38  }
0x274: {  	[tilespmem:s22+$0xFFFFFF70] =	vst v39  }
0x275: {  	[tilespmem:s22+$0xFFFFFF80] =	vst v40  }
0x276: {  	[tilespmem:s22+$0xFFFFFF90] =	vst v41  }
0x277: {  	[tilespmem:s22+$0xFFFFFFA0] =	vst v42  }
0x278: {  	[tilespmem:s22+$0xFFFFFFB0] =	vst v43  }
0x279: {  	[tilespmem:s22+$0xFFFFFFC0] =	vst v44  }
0x27a: {  	[tilespmem:s22+$0xFFFFFFD0] =	vst v45  }
0x27b: {  	[tilespmem:s22+$0xFFFFFFE0] =	vst v46  }
0x27c: {  	[tilespmem:s22+$0xFFFFFFF0] =	vst v47  }
0x27d: {  	[tilespmem:s22+$0x0] =	vst v48  }
0x27e: {  	[tilespmem:s22+$0x10] =	vst v49  }
0x27f: {  	[tilespmem:s22+$0x20] =	vst v50  }
0x280: {  	[tilespmem:s22+$0x30] =	vst v51  }
0x281: {  	[tilespmem:s22+$0x40] =	vst v52  }
0x282: {  	[tilespmem:s22+$0x50] =	vst v53  }
0x283: {  	s23 =	simm.s32 $0x20;
	v22 =	vld [tilespmem:$0x1FFA0];
	[tilespmem:s22+$0x60] =	vst v54  }
0x284: {  	v48 =	vmov s23;
	[tilespmem:s22+$0x70] =	vst v55  }
0x285: {  	[tilespmem:s22+$0x80] =	vst v56;
	v49 =	vshll.u32 v48, $0x3  }
0x286: {  	[tilespmem:s22+$0x90] =	vst v58;
	v32 =	vand.u32 $0x60, v48;
	v33 =	vand.u32 $0x1C00, v49  }
0x287: {  	[tilespmem:s22+$0xA0] =	vst v59;
	v32 =	vor.u32 v32, v33  }
0x288: {  	[tilespmem:s22+$0xFFFFFF00] =	vst v22;
	v33 =	vor.u32 v34, v32  }
0x289: {  	v50 =	vor.u32 v1, v32;
	[tilespmem:s22+$0xB0] =	vst v60  }
0x28a: {  	v51 =	vor.u32 v2, v32;
	[tilespmem:s22+$0xC0] =	vst v61  }
0x28b: {  	v52 =	vor.u32 v3, v32;
	[tilespmem:s22+$0xD0] =	vst v62  }
0x28c: {  	v53 =	vor.u32 v4, v32;
	[tilespmem:s22+$0xE0] =	vst v0  }
0x28d: {  	v54 =	vor.u32 v6, v32;
	v33 =	vld.idx.msk [tilespmem:v33+s2+$0x0], $0xffff  }
0x28e: {  	v55 =	vmov v34;
	v0 =	vor.u32 v5, v32;
	v34 =	vld.idx.msk [tilespmem:v50+s2+$0x0], $0xffff  }
0x28f: {  	v56 =	vor.u32 v7, v32;
	v35 =	vld.idx.msk [tilespmem:v51+s2+$0x0], $0xffff  }
0x290: {  	v57 =	vor.u32 v8, v32;
	v36 =	vld.idx.msk [tilespmem:v52+s2+$0x0], $0xffff  }
0x291: {  	v58 =	vor.u32 v9, v32;
	v37 =	vld.idx.msk [tilespmem:v53+s2+$0x0], $0xffff  }
0x292: {  	v59 =	vor.u32 v11, v32;
	v39 =	vld.idx.msk [tilespmem:v54+s2+$0x0], $0xffff  }
0x293: {  	v38 =	vld.idx.msk [tilespmem:v0+s2+$0x0], $0xffff;
	v0 =	vor.u32 v10, v32  }
0x294: {  	v31 =	vmov v30;
	v30 =	vmov v63;
	v63 =	vor.u32 v16, v32;
	v40 =	vld.idx.msk [tilespmem:v56+s2+$0x0], $0xffff  }
0x295: {  	v60 =	vor.u32 v12, v32;
	v41 =	vld.idx.msk [tilespmem:v57+s2+$0x0], $0xffff  }
0x296: {  	v61 =	vor.u32 v13, v32;
	v42 =	vld.idx.msk [tilespmem:v58+s2+$0x0], $0xffff  }
0x297: {  	v62 =	vor.u32 v14, v32;
	v44 =	vld.idx.msk [tilespmem:v59+s2+$0x0], $0xffff;
	v54 =	vor.u32 v17, v32  }
0x298: {  	v52 =	vor.u32 v18, v32;
	v53 =	vor.u32 v19, v32;
	v43 =	vld.idx.msk [tilespmem:v0+s2+$0x0], $0xffff;
	v0 =	vor.u32 v15, v32  }
0x299: {  	v22 =	vmovc v21;
	v50 =	vor.u32 v20, v32;
	v49 =	vld.idx.msk [tilespmem:v63+s2+$0x0], $0xffff;
	v51 =	vor.u32 v21, v32;
	v21 =	vmov v20  }
0x29a: {  	v20 =	vmovc v19;
	v19 =	vmovc v18;
	v18 =	vmov v17;
	v17 =	vmov v16;
	v16 =	vmov v15;
	v45 =	vld.idx.msk [tilespmem:v60+s2+$0x0], $0xffff  }
0x29b: {  	v46 =	vld.idx.msk [tilespmem:v61+s2+$0x0], $0xffff;
	v15 =	vmovc v14;
	v14 =	vmovc v13;
	v13 =	vmov v12;
	v12 =	vmov v11;
	v11 =	vmov v10  }
0x29c: {  	v47 =	vld.idx.msk [tilespmem:v62+s2+$0x0], $0xffff;
	v10 =	vmovc v9;
	v9 =	vmovc v8;
	v8 =	vmov v7;
	v7 =	vmov v6;
	v6 =	vmov v5  }
0x29d: {  	s23 =	simm.s32 $0x40;
	v5 =	vmovc v4;
	v4 =	vmovc v3;
	v3 =	vmov v2;
	v2 =	vmov v1;
	v1 =	vmov v55;
	v48 =	vld.idx.msk [tilespmem:v0+s2+$0x0], $0xffff  }
.LBB2_13:
0x29e: {  	_ =	sdelay $0x1  }
0x29f: {  	v63 =	vor.u32 v24, v32  }
0x2a0: {  	v0 =	vld.idx.msk [tilespmem:v54+s2+$0x0], $0xffff  }
0x2a1: {  	v52 =	vld.idx.msk [tilespmem:v52+s2+$0x0], $0xffff  }
0x2a2: {  	v55 =	vor.u32 v25, v32;
	v53 =	vld.idx.msk [tilespmem:v53+s2+$0x0], $0xffff  }
0x2a3: {  	v56 =	vor.u32 v26, v32;
	v50 =	vld.idx.msk [tilespmem:v50+s2+$0x0], $0xffff  }
0x2a4: {  	v57 =	vor.u32 v31, v32;
	v54 =	vld.idx.msk [tilespmem:v63+s2+$0x0], $0xffff  }
0x2a5: {  	v58 =	vor.u32 v27, v32;
	v63 =	vld [tilespmem:$0x1FFC0]  }
0x2a6: {  	v51 =	vld.idx.msk [tilespmem:v51+s2+$0x0], $0xffff;
	v59 =	vor.u32 v23, v32  }
0x2a7: {  	v60 =	vor.u32 v29, v32;
	v55 =	vld.idx.msk [tilespmem:v55+s2+$0x0], $0xffff  }
0x2a8: {  	v61 =	vor.u32 v28, v32;
	v56 =	vld.idx.msk [tilespmem:v56+s2+$0x0], $0xffff  }
0x2a9: {  	v62 =	vor.u32 v30, v32;
	v57 =	vld.idx.msk [tilespmem:v57+s2+$0x0], $0xffff  }
0x2aa: {  	v58 =	vld.idx.msk [tilespmem:v58+s2+$0x0], $0xffff;
	v32 =	vor.u32 v63, v32  }
0x2ab: {  	v59 =	vld.idx.msk [tilespmem:v59+s2+$0x0], $0xffff  }
0x2ac: {  	v60 =	vld.idx.msk [tilespmem:v60+s2+$0x0], $0xffff  }
0x2ad: {  	v61 =	vld.idx.msk [tilespmem:v61+s2+$0x0], $0xffff  }
0x2ae: {  	s22 =	sadd.s32 $0x200, s22;
	v62 =	vld.idx.msk [tilespmem:v62+s2+$0x0], $0xffff  }
0x2af: {  	v63 =	vld.idx.msk [tilespmem:v32+s2+$0x0], $0xffff;
	[tilespmem:s22+$0xF0] =	vst v57  }
0x2b0: {  	[tilespmem:s22+$0xFFFFFF00] =	vst v33  }
0x2b1: {  	[tilespmem:s22+$0xFFFFFF10] =	vst v34  }
0x2b2: {  	[tilespmem:s22+$0xFFFFFF20] =	vst v35  }
0x2b3: {  	[tilespmem:s22+$0xFFFFFF30] =	vst v36  }
0x2b4: {  	[tilespmem:s22+$0xFFFFFF40] =	vst v37  }
0x2b5: {  	[tilespmem:s22+$0xFFFFFF50] =	vst v38  }
0x2b6: {  	[tilespmem:s22+$0xFFFFFF60] =	vst v39  }
0x2b7: {  	[tilespmem:s22+$0xFFFFFF70] =	vst v40  }
0x2b8: {  	[tilespmem:s22+$0xFFFFFF80] =	vst v41  }
0x2b9: {  	[tilespmem:s22+$0xFFFFFF90] =	vst v42  }
0x2ba: {  	[tilespmem:s22+$0xFFFFFFA0] =	vst v43  }
0x2bb: {  	[tilespmem:s22+$0xFFFFFFB0] =	vst v44  }
0x2bc: {  	[tilespmem:s22+$0xFFFFFFC0] =	vst v45  }
0x2bd: {  	[tilespmem:s22+$0xFFFFFFD0] =	vst v46  }
0x2be: {  	[tilespmem:s22+$0xFFFFFFE0] =	vst v47  }
0x2bf: {  	[tilespmem:s22+$0xFFFFFFF0] =	vst v48  }
0x2c0: {  	[tilespmem:s22+$0x0] =	vst v49  }
0x2c1: {  	[tilespmem:s22+$0x10] =	vst v0  }
0x2c2: {  	[tilespmem:s22+$0x20] =	vst v52  }
0x2c3: {  	[tilespmem:s22+$0x30] =	vst v53  }
0x2c4: {  	[tilespmem:s22+$0x40] =	vst v50  }
0x2c5: {  	[tilespmem:s22+$0x50] =	vst v51  }
0x2c6: {  	v0 =	vmov s23;
	[tilespmem:s22+$0x60] =	vst v54  }
0x2c7: {  	[tilespmem:s22+$0x70] =	vst v55;
	v50 =	vshll.u32 v0, $0x3  }
0x2c8: {  	[tilespmem:s22+$0x80] =	vst v56;
	v0 =	vand.u32 $0x60, v0;
	v32 =	vand.u32 $0x1C00, v50  }
0x2c9: {  	[tilespmem:s22+$0x90] =	vst v58;
	v32 =	vor.u32 v0, v32  }
0x2ca: {  	[tilespmem:s22+$0xA0] =	vst v59;
	v0 =	vor.u32 v1, v32  }
0x2cb: {  	[tilespmem:s22+$0xB0] =	vst v60;
	v51 =	vor.u32 v2, v32  }
0x2cc: {  	[tilespmem:s22+$0xC0] =	vst v61;
	v52 =	vor.u32 v3, v32  }
0x2cd: {  	[tilespmem:s22+$0xD0] =	vst v62;
	v53 =	vor.u32 v4, v32  }
0x2ce: {  	v54 =	vor.u32 v5, v32;
	[tilespmem:s22+$0xE0] =	vst v63  }
0x2cf: {  	v55 =	vor.u32 v7, v32;
	v33 =	vld.idx.msk [tilespmem:v0+s2+$0x0], $0xffff  }
0x2d0: {  	v0 =	vor.u32 v6, v32;
	v34 =	vld.idx.msk [tilespmem:v51+s2+$0x0], $0xffff  }
0x2d1: {  	v56 =	vor.u32 v8, v32;
	v35 =	vld.idx.msk [tilespmem:v52+s2+$0x0], $0xffff  }
0x2d2: {  	v57 =	vor.u32 v9, v32;
	v36 =	vld.idx.msk [tilespmem:v53+s2+$0x0], $0xffff  }
0x2d3: {  	v58 =	vor.u32 v10, v32;
	v37 =	vld.idx.msk [tilespmem:v54+s2+$0x0], $0xffff  }
0x2d4: {  	v59 =	vor.u32 v12, v32;
	v39 =	vld.idx.msk [tilespmem:v55+s2+$0x0], $0xffff  }
0x2d5: {  	v38 =	vld.idx.msk [tilespmem:v0+s2+$0x0], $0xffff;
	v0 =	vor.u32 v11, v32  }
0x2d6: {  	v60 =	vor.u32 v13, v32;
	v40 =	vld.idx.msk [tilespmem:v56+s2+$0x0], $0xffff  }
0x2d7: {  	v61 =	vor.u32 v14, v32;
	v41 =	vld.idx.msk [tilespmem:v57+s2+$0x0], $0xffff  }
0x2d8: {  	v62 =	vor.u32 v15, v32;
	v42 =	vld.idx.msk [tilespmem:v58+s2+$0x0], $0xffff  }
0x2d9: {  	v63 =	vor.u32 v17, v32;
	v44 =	vld.idx.msk [tilespmem:v59+s2+$0x0], $0xffff  }
0x2da: {  	p2 =	sne.s32 s23, $0x260;
	v43 =	vld.idx.msk [tilespmem:v0+s2+$0x0], $0xffff;
	v0 =	vor.u32 v16, v32  }
.Ltmp10:
0x2db: {  	v45 =	vld.idx.msk [tilespmem:v60+s2+$0x0], $0xffff;
	(pc) =	sbr.rel @p2 .LBB2_13-.Ltmp10, $4  }
0x2dc: {  	v46 =	vld.idx.msk [tilespmem:v61+s2+$0x0], $0xffff  }
0x2dd: {  	v47 =	vld.idx.msk [tilespmem:v62+s2+$0x0], $0xffff  }
0x2de: {  	v50 =	vor.u32 v21, v32;
	v54 =	vor.u32 v18, v32;
	v49 =	vld.idx.msk [tilespmem:v63+s2+$0x0], $0xffff  }
0x2df: {  	s23 =	sadd.s32 $0x20, s23;
	v52 =	vor.u32 v19, v32;
	v53 =	vor.u32 v20, v32;
	v51 =	vor.u32 v22, v32;
	v48 =	vld.idx.msk [tilespmem:v0+s2+$0x0], $0xffff  }
0x2e0: {  	_ =	sdelay $0x2  }
0x2e1: {  	v62 =	vor.u32 v24, v32  }
0x2e2: {  	v63 =	vld.idx.msk [tilespmem:v54+s2+$0x0], $0xffff  }
0x2e3: {  	v52 =	vld.idx.msk [tilespmem:v52+s2+$0x0], $0xffff  }
0x2e4: {  	v55 =	vor.u32 v25, v32;
	v53 =	vld.idx.msk [tilespmem:v53+s2+$0x0], $0xffff  }
0x2e5: {  	v56 =	vor.u32 v26, v32;
	v50 =	vld.idx.msk [tilespmem:v50+s2+$0x0], $0xffff  }
0x2e6: {  	v57 =	vor.u32 v31, v32;
	v54 =	vld.idx.msk [tilespmem:v62+s2+$0x0], $0xffff  }
0x2e7: {  	v58 =	vor.u32 v27, v32;
	v0 =	vmov v30;
	v62 =	vor.u32 v30, v32;
	v30 =	vld [tilespmem:$0x1FFC0]  }
0x2e8: {  	v51 =	vld.idx.msk [tilespmem:v51+s2+$0x0], $0xffff;
	v59 =	vor.u32 v23, v32  }
0x2e9: {  	v60 =	vor.u32 v29, v32;
	v55 =	vld.idx.msk [tilespmem:v55+s2+$0x0], $0xffff  }
0x2ea: {  	v61 =	vor.u32 v28, v32;
	v56 =	vld.idx.msk [tilespmem:v56+s2+$0x0], $0xffff  }
0x2eb: {  	v57 =	vld.idx.msk [tilespmem:v57+s2+$0x0], $0xffff  }
0x2ec: {  	v58 =	vld.idx.msk [tilespmem:v58+s2+$0x0], $0xffff;
	v32 =	vor.u32 v30, v32  }
0x2ed: {  	v59 =	vld.idx.msk [tilespmem:v59+s2+$0x0], $0xffff  }
0x2ee: {  	v60 =	vld.idx.msk [tilespmem:v60+s2+$0x0], $0xffff  }
0x2ef: {  	v61 =	vld.idx.msk [tilespmem:v61+s2+$0x0], $0xffff  }
0x2f0: {  	s22 =	sadd.s32 $0x200, s22;
	v62 =	vld.idx.msk [tilespmem:v62+s2+$0x0], $0xffff  }
0x2f1: {  	v32 =	vld.idx.msk [tilespmem:v32+s2+$0x0], $0xffff;
	[tilespmem:s22+$0xF0] =	vst v57  }
0x2f2: {  	[tilespmem:s22+$0xFFFFFF00] =	vst v33  }
0x2f3: {  	[tilespmem:s22+$0xFFFFFF10] =	vst v34  }
0x2f4: {  	[tilespmem:s22+$0xFFFFFF20] =	vst v35  }
0x2f5: {  	[tilespmem:s22+$0xFFFFFF30] =	vst v36  }
0x2f6: {  	[tilespmem:s22+$0xFFFFFF40] =	vst v37  }
0x2f7: {  	[tilespmem:s22+$0xFFFFFF50] =	vst v38  }
0x2f8: {  	[tilespmem:s22+$0xFFFFFF60] =	vst v39  }
0x2f9: {  	[tilespmem:s22+$0xFFFFFF70] =	vst v40  }
0x2fa: {  	[tilespmem:s22+$0xFFFFFF80] =	vst v41  }
0x2fb: {  	[tilespmem:s22+$0xFFFFFF90] =	vst v42  }
0x2fc: {  	[tilespmem:s22+$0xFFFFFFA0] =	vst v43  }
0x2fd: {  	[tilespmem:s22+$0xFFFFFFB0] =	vst v44  }
0x2fe: {  	[tilespmem:s22+$0xFFFFFFC0] =	vst v45  }
0x2ff: {  	[tilespmem:s22+$0xFFFFFFD0] =	vst v46  }
0x300: {  	[tilespmem:s22+$0xFFFFFFE0] =	vst v47  }
0x301: {  	[tilespmem:s22+$0xFFFFFFF0] =	vst v48  }
0x302: {  	[tilespmem:s22+$0x0] =	vst v49  }
0x303: {  	[tilespmem:s22+$0x10] =	vst v63  }
0x304: {  	[tilespmem:s22+$0x20] =	vst v52  }
0x305: {  	[tilespmem:s22+$0x30] =	vst v53  }
0x306: {  	[tilespmem:s22+$0x40] =	vst v50  }
0x307: {  	[tilespmem:s22+$0x50] =	vst v51  }
0x308: {  	[tilespmem:s22+$0x60] =	vst v54  }
0x309: {  	[tilespmem:s22+$0x70] =	vst v55  }
0x30a: {  	[tilespmem:s22+$0x80] =	vst v56  }
0x30b: {  	[tilespmem:s22+$0x90] =	vst v58  }
0x30c: {  	[tilespmem:s22+$0xA0] =	vst v59  }
0x30d: {  	[tilespmem:s22+$0xB0] =	vst v60  }
0x30e: {  	[tilespmem:s22+$0xC0] =	vst v61;
	v58 =	vmov v1  }
0x30f: {  	[tilespmem:s22+$0xD0] =	vst v62;
	v1 =	vmovc v2;
	v2 =	vmovc v3;
	v3 =	vmov v4;
	v4 =	vmov v5;
	v5 =	vmov v6  }
.Ltmp11:
0x310: {  	v6 =	vmovc v7;
	v7 =	vmovc v8;
	v8 =	vmov v9;
	v9 =	vmov v10;
	v10 =	vmov v11;
	[tilespmem:s22+$0xE0] =	vst v32;
	(pc) =	sbr.rel .LBB2_15-.Ltmp11, $4  }
0x311: {  	v11 =	vmovc v12;
	v12 =	vmovc v13;
	v13 =	vmov v14;
	v14 =	vmov v15;
	v15 =	vmov v16;
	[hbm4b:s13+s2] =	stream.linear.scatter [tilespmem:s16], [sflag:$0x5], $0x2800, $0x38;
	[tilespmem:$0x10000] =	vst v63  }
0x312: {  	v16 =	vmovc v17;
	v17 =	vmovc v18;
	v18 =	vmov v19;
	v19 =	vmov v20;
	v20 =	vmov v21;
	_ =	swait.ge [sflag:s20], $0x2800  }
0x313: {  	v21 =	vmovc v22;
	v55 =	vmovc v24;
	v56 =	vmov v25;
	v57 =	vmov v26;
	v59 =	vmov v27;
	[sflag:s20] =	ssyncset.done $0x0  }
0x314: {  	v60 =	vmovc v23;
	v61 =	vmovc v29;
	v62 =	vmov v28;
	v22 =	vmov v30;
	v30 =	vmov v31;
	[sflag:s20] =	ssyncadd.s32 $0xFFFFD800  }
.LBB2_16:
0x315: {  	_ =	sfence.sel $0x180000  }
0x316: {  	[bflag:$0x0] =	sbarrier.arrive $0xFFFF  }
0x317: {  	p0 =	sne.s32 s0, $0x0;
	_ =	strace $0x90000047  }
0x318: {  	s0 =	sadd.s32 @!p0 $0x100000, s1;
	[bflag:$0x2] =	sbarrier.arrive $0xFFFF  }
0x319: {  	[sflag:s0] =	ssyncadd.tile.s32 @!p0 $0x1;
	_ =	shalt  }
.Lfunc_end2:
_tile_overlayer_lowered:
.L_overlay_start_2:
0x31a: {  	(tag) =	ssettag $0x2  }
0x31b: {  	s0 =	rddreg [dreg:$0x0];
	s2 =	stileid.u32  }
0x31c: {  	s1 =	rddreg [dreg:$0x1];
	p0 =	sne.s32 s2, $0x0  }
0x31d: {  	s3 =	rddreg [dreg:$0x2];
	[bflag:$0x3] =	sbarrier.arrive $0xFFFF;
	s2 =	simm.s32 @!p0 $0x1C05  }
0x31e: {  	[timem:s3], [sflag:s2] =	dma.local @!p0 [hbm:s0], s1  }
0x31f: {  	s0 =	simm.s32 @!p0 $0x5  }
0x320: {  	_ =	swait.ge @!p0 [sflag:s0], s1  }
0x321: {  	s1 =	ssub.s32 @!p0 $0x0, s1;
	[sflag:s0] =	ssyncset.done @!p0 $0x0  }
0x322: {  	[sflag:s0] =	ssyncadd.s32 @!p0 s1  }
0x323: {  	[bflag:$0x3] =	sbarrier.arrive $0xFFFF  }
0x324: {  	_ =	shalt  }

// kernel: kernel.8.cloned.1.call-start
scs
__scs_entry_jumppad:
0x0: {  	(pc) =	sbr.rel $0x88, $3  }
0x1: {  	(tag) =	ssettag $0x0;
	lr =	simm.s32 $0x1  }
0x2: {  	[smem:$0x3F99] =	sst lr;
	_ =	strace $0xD0000000  }
0x3: {  	_ = 	snop  }
0x4: {  	_ = 	snop  }
0x5: {  	_ = 	snop  }
0x6: {  	_ = 	snop  }
0x7: {  	_ = 	snop  }
__scs_overlays_trampoline_lowered:
0x8: {  	[smem:$0x3FA8] =	sst s0  }
0x9: {  	[smem:$0x3FA9] =	sst s1  }
0xa: {  	[smem:$0x3FAA] =	sst s2  }
0xb: {  	[smem:$0x3FAB] =	sst s3  }
0xc: {  	[smem:$0x3FAC] =	sst s4  }
0xd: {  	[smem:$0x3FAD] =	sst s5  }
0xe: {  	[smem:$0x3FAE] =	sst s6  }
0xf: {  	[smem:$0x3FAF] =	sst s7  }
0x10: {  	[smem:$0x3FB0] =	sst s8  }
0x11: {  	[smem:$0x3FB1] =	sst s9;
	s0 =	simm.s32 @!p0 $0x0  }
0x12: {  	s1 =	sld [smem:$0x3F97];
	s0 =	simm.s32 @p0 $0x1  }
0x13: {  	[smem:$0x3FB2] =	sst s0;
	s0 =	simm.s32 @!p1 $0x0  }
0x14: {  	s2 =	sld [smem:$0x3F96];
	s0 =	simm.s32 @p1 $0x1  }
0x15: {  	[smem:$0x3FB3] =	sst s0;
	s0 =	simm.s32 @!p2 $0x0  }
0x16: {  	s3 =	sld [smem:$0x3FDB];
	s0 =	simm.s32 @p2 $0x1  }
0x17: {  	s4 =	simm.s32 $0x1BF5;
	[smem:$0x3FB5] =	sst s0  }
0x18: {  	s0 =	sld [smem:$0x3F98];
	_ =	swait.ge [sflag:s4], $0x0  }
0x19: {  	s7 =	sld [smem:$0x3F99]  }
0x1a: {  	s8 =	sadd.s32 $0xFFFFE003, lr  }
0x1b: {  	s9 =	sadd.s32 $0xFFFFFEF7, lr;
	s5 =	simm.s32 $0xFFFFFFFF;
	p2 =	slt.u32 s8, $0xFFFFF086  }
0x1c: {  	p1 =	slt.u32 s9, $0xF7A;
	s5 =	simm.s32 @!p2 $0x0  }
0x1d: {  	s5 =	simm.s32 @p1 $0x1;
	p0 =	seq.s32 s7, s2  }
0x1e: {  	s7 =	smul.u32 @!p0 $0xF7A, s2;
	p2 =	seq.s32 @!p0 s5, $0x0  }
0x1f: {  	s9 =	smul.u32 $0xF7A, s1;
	s8 =	simm.s32 @!p0 $0x1BF5;
	p2 =	por !p2, p0  }
0x20: {  	[sflag:s8] =	ssyncset.s32 @!p0 $0xFFFFF086;
	s6 =	sadd.s32 @!p0 s3, s7;
	s7 =	simm.s32 @!p0 $0x108  }
0x21: {  	s3 =	sadd.s32 s3, s9;
	s6 =	sadd.s32 @!p0 $0x88, s6;
	s7 =	simm.s32 @p2 $0x1082  }
0x22: {  	[simem:s7], [sflag:s8] =	dma.local @!p0 [hbm:s6], $0xF7A  }
0x23: {  	s9 =	sor.u32 $0xD0000000, s2;
	s6 =	simm.s32 $0x108;
	_ =	swait.ge @!p0 [sflag:s8], $0x0  }
0x24: {  	s3 =	sadd.s32 $0x88, s3;
	s6 =	simm.s32 @!p1 $0x1082;
	[sflag:s4] =	ssyncset.s32 $0xFFFFF086  }
0x25: {  	[simem:s6], [sflag:s4] =	dma.local [hbm:s3], $0xF7A  }
0x26: {  	[smem:$0x3F99] =	sst s1;
	(tag) =	ssettag s2;
	_ =	strace s9  }
0x27: {  	s1 =	sld [smem:$0x3FA9]  }
0x28: {  	s2 =	sld [smem:$0x3FAA]  }
0x29: {  	s4 =	sld [smem:$0x3FAC]  }
0x2a: {  	p0 =	seq.s32 s5, $0x0;
	s5 =	sld [smem:$0x3FAD]  }
0x2b: {  	s6 =	sld [smem:$0x3FAE]  }
0x2c: {  	s7 =	sld [smem:$0x3FAF]  }
0x2d: {  	s3 =	simm.s32 $0x108;
	s8 =	sld [smem:$0x3FB0]  }
0x2e: {  	s3 =	simm.s32 @!p0 $0x1082;
	s9 =	sld [smem:$0x3FB1]  }
0x2f: {  	lr =	sadd.s32 s0, s3;
	s0 =	sld [smem:$0x3FA8]  }
0x30: {  	s3 =	sld [smem:$0x3FAB]  }
0x31: {  	[smem:$0x3FB4] =	sst s10  }
0x32: {  	s10 =	sld [smem:$0x3FB2];
	_ =	sdelay $0x3  }
0x33: {  	p0 =	seq.s32 s10, $0x1;
	s10 =	sld [smem:$0x3FB4];
	_ =	sdelay $0x3  }
0x34: {  	[smem:$0x3FB4] =	sst s10  }
0x35: {  	s10 =	sld [smem:$0x3FB3];
	_ =	sdelay $0x3  }
0x36: {  	p1 =	seq.s32 s10, $0x1;
	s10 =	sld [smem:$0x3FB4];
	_ =	sdelay $0x3  }
0x37: {  	[smem:$0x3FB4] =	sst s10  }
0x38: {  	s10 =	sld [smem:$0x3FB5]  }
0x39: {  	_ = 	snop;
	(pc) =	sbr.ind lr, $3  }
0x3a: {  	_ = 	snop  }
0x3b: {  	_ = 	snop  }
0x3c: {  	p2 =	seq.s32 s10, $0x1;
	s10 =	sld [smem:$0x3FB4]  }
0x3d: {  	_ =	shalt  }
0x3e: {  	_ =	shalt  }
0x3f: {  	_ =	shalt  }
0x40: {  	_ =	shalt  }
0x41: {  	_ =	shalt  }
0x42: {  	_ =	shalt  }
0x43: {  	_ =	shalt  }
0x44: {  	_ =	shalt  }
0x45: {  	_ =	shalt  }
0x46: {  	_ =	shalt  }
0x47: {  	_ =	shalt  }
0x48: {  	_ =	shalt  }
0x49: {  	_ =	shalt  }
0x4a: {  	_ =	shalt  }
0x4b: {  	_ =	shalt  }
0x4c: {  	_ =	shalt  }
0x4d: {  	_ =	shalt  }
0x4e: {  	_ =	shalt  }
0x4f: {  	_ =	shalt  }
0x50: {  	_ =	shalt  }
0x51: {  	_ =	shalt  }
0x52: {  	_ =	shalt  }
0x53: {  	_ =	shalt  }
0x54: {  	_ =	shalt  }
0x55: {  	_ =	shalt  }
0x56: {  	_ =	shalt  }
0x57: {  	_ =	shalt  }
0x58: {  	_ =	shalt  }
0x59: {  	_ =	shalt  }
0x5a: {  	_ =	shalt  }
0x5b: {  	_ =	shalt  }
0x5c: {  	_ =	shalt  }
0x5d: {  	_ =	shalt  }
0x5e: {  	_ =	shalt  }
0x5f: {  	_ =	shalt  }
0x60: {  	_ =	shalt  }
0x61: {  	_ =	shalt  }
0x62: {  	_ =	shalt  }
0x63: {  	_ =	shalt  }
0x64: {  	_ =	shalt  }
0x65: {  	_ =	shalt  }
0x66: {  	_ =	shalt  }
0x67: {  	_ =	shalt  }
0x68: {  	_ =	shalt  }
0x69: {  	_ =	shalt  }
0x6a: {  	_ =	shalt  }
0x6b: {  	_ =	shalt  }
0x6c: {  	_ =	shalt  }
0x6d: {  	_ =	shalt  }
0x6e: {  	_ =	shalt  }
0x6f: {  	_ =	shalt  }
0x70: {  	_ =	shalt  }
0x71: {  	_ =	shalt  }
0x72: {  	_ =	shalt  }
0x73: {  	_ =	shalt  }
0x74: {  	_ =	shalt  }
0x75: {  	_ =	shalt  }
0x76: {  	_ =	shalt  }
0x77: {  	_ =	shalt  }
0x78: {  	_ =	shalt  }
0x79: {  	_ =	shalt  }
0x7a: {  	_ =	shalt  }
0x7b: {  	_ =	shalt  }
0x7c: {  	_ =	shalt  }
0x7d: {  	_ =	shalt  }
0x7e: {  	_ =	shalt  }
0x7f: {  	_ =	shalt  }
0x80: {  	_ =	shalt  }
0x81: {  	_ =	shalt  }
0x82: {  	_ =	shalt  }
0x83: {  	_ =	shalt  }
0x84: {  	_ =	shalt  }
0x85: {  	_ =	shalt  }
0x86: {  	_ =	shalt  }
0x87: {  	_ =	shalt  }
.Lfunc_end0:
.L_simem_size_0:
called_computation.1_lowered:
.L_overlay_start_0:
0x88: {  	s2 =	sld [smem:$0x3FD9]  }
0x89: {  	s3 =	sld [smem:$0x3FFE];
	_ =	sdelay $0x1  }
0x8a: {  	s1 =	srdreg.scid  }
0x8b: {  	s0 =	sand.u32 $0x1, s1  }
0x8c: {  	s16 =	sshll.u32 s0, $0xA;
	s2 =	sadd.s32 s3, s2  }
0x8d: {  	s2 =	sadd.s32 s2, s16  }
0x8e: {  	[smem:$0x3FC0] =	sst s2  }
0x8f: {  	_ = 	snop  }
0x90: {  	(tm) =	ssettm $0x1  }
0x91: {  	s17 =	sld [smem:$0x3FFB];
	_ =	sdelay $0x3  }
0x92: {  	_ =	strace s17  }
0x93: {  	s2 =	sld [smem:$0x3FFC];
	_ =	sdelay $0x3  }
0x94: {  	_ =	strace s2  }
0x95: {  	s2 =	sld [smem:$0x3FFD];
	_ =	sdelay $0x3  }
0x96: {  	_ =	strace s2  }
0x97: {  	_ =	strace $0x8FFFFFFF  }
0x98: {  	s18 =	sld [smem:$0x3FDB];
	_ =	sdelay $0x1  }
0x99: {  	s19 =	simm.s32 $_scs_section_size  }
0x9a: {  	s4 =	simm.s32 $_size__tile_overlayer_lowered;
	s5 =	simm.s32 $_tile_overlayer_lowered  }
0x9b: {  	s22 =	simm.s32 $0x1BFF;
	s21 =	sshll.u32 s5, $0x1;
	s2 =	sadd.s32 s19, s18  }
0x9c: {  	s6 =	simm.s32 $0x0;
	s20 =	sshll.u32 s4, $0x1;
	s4 =	sadd.s32 s21, s2  }
0x9d: {  	[timem:s6], [sflag:s22] =	dma.local [hbm:s4], s20  }
0x9e: {  	_ =	swait.ge [sflag:s22], s20  }
0x9f: {  	s3 =	ssub.s32 $0x0, s20;
	[sflag:s22] =	ssyncset.done $0x0  }
0xa0: {  	[sflag:s22] =	ssyncadd.s32 s3;
	_ =	sdelay $0x1  }
0xa1: {  	s23 =	simm.s32 $0x1B8B  }
0xa2: {  	_ =	swait.ge [sflag:s23], $0x1  }
0xa3: {  	[sflag:s23] =	ssyncset.done $0x0  }
0xa4: {  	s25 =	simm.s32 $0x1B8E;
	s24 =	sld [smem:$0x3FFE];
	[sflag:s23] =	ssyncadd.s32 $0xFFFFFFFF  }
0xa5: {  	s26 =	simm.s32 $execute0_lowered;
	[smem:$0x3FD2] =	sst s25  }
0xa6: {  	s4 =	sshll.u32 s26, $0x1;
	_ =	strace $0x80000049;
	[dreg:$0x1] =	wrdreg $0xFFFFFFFF  }
0xa7: {  	s28 =	simm.s32 $_size_execute0_lowered;
	s2 =	sadd.s32 s2, s4;
	[dreg:$0x0] =	wrdreg $0x0  }
0xa8: {  	s4 =	sshll.u32 s28, $0x1;
	[dreg:$0x2] =	wrdreg s2  }
0xa9: {  	[dreg:$0x3] =	wrdreg s4  }
0xaa: {  	[dreg:$0x4] =	wrdreg $0xC0  }
0xab: {  	_ =	task [dreg:s6], $0x5FFFF  }
0xac: {  	[dreg:$0x1] =	wrdreg $0xFFFFFFFF  }
0xad: {  	[dreg:$0x0] =	wrdreg $0x60  }
0xae: {  	[dreg:$0x2] =	wrdreg s24  }
0xaf: {  	[dreg:$0x3] =	wrdreg $0x9  }
0xb0: {  	_ =	task.clear_ibuf [dreg:s6], $0x4FFFF;
	_ =	strace $0x90000049  }
0xb1: {  	s29 =	simm.s32 $0x9;
	_ =	strace $0x8000004B  }
0xb2: {  	_ =	swait.ge [sflag:s29], $0x1  }
0xb3: {  	[sflag:s29] =	ssyncadd.s32 $0xFFFFFFFF  }
0xb4: {  	_ =	strace $0x9000004B  }
0xb5: {  	_ =	sfence  }
0xb6: {  	s30 =	sld [smem:$0x0];
	_ =	sdelay $0x2  }
0xb7: {  	s31 =	sshll.u32 s1, $0xD;
	s1 =	sshrl.u32 s1, $0x2  }
0xb8: {  	s3 =	sand.u32 $0x4000, s31;
	s1 =	sadd.s32 s1, s30  }
0xb9: {  	s0 =	sor.u32 s3, s0;
	s1 =	sshll.u32 s1, $0x11  }
0xba: {  	s0 =	sor.u32 s1, s0  }
0xbb: {  	s0 =	sadd.s32 $0x8F2B, s0  }
0xbc: {  	[sflag:s0] =	ssyncadd.remote.s32 $0x1  }
0xbd: {  	_ =	sfence.sel $0xFFFF  }
0xbe: {  	[dreg:$0x0] =	wrdreg $0xFFFFFFFF;
	(pc) =	sbr.abs _section_cstart, $3  }
0xbf: {  	[dreg:$0x1] =	wrdreg $0xFFFFFFFF  }
0xc0: {  	_ =	task.clear_ibuf [dreg:s6], $0x2FFFF;
	_ =	strace $0x9FFFFFFF  }
0xc1: {  	(tm) =	ssettm $0x7FFFFFFF  }
tec
execute0_lowered:
.L_overlay_start_1:
0x0: {  	(tag) =	ssettag $0x1  }
0x1: {  	v0 =	vlaneseq.u32  }
0x2: {  	v2 =	vmul.u32 $0x10, v0;
	_ =	sdelay $0x1  }
0x3: {  	v1 =	vor.u32 $0x100, v2  }
0x4: {  	v63 =	vor.u32 $0x200, v2;
	[tilespmem:$0x1FC00] =	vst v1  }
0x5: {  	v4 =	vor.u32 $0x300, v2;
	[tilespmem:$0x1FC10] =	vst v63  }
0x6: {  	v5 =	vor.u32 $0x400, v2;
	[tilespmem:$0x1FC20] =	vst v4  }
0x7: {  	v6 =	vor.u32 $0x500, v2;
	[tilespmem:$0x1FC30] =	vst v5  }
0x8: {  	s5 =	rddreg [dreg:$0x0];
	s2 =	simm.s32 $0x0;
	v7 =	vor.u32 $0x600, v2;
	[tilespmem:$0x1FC40] =	vst v6  }
0x9: {  	s1 =	srdreg.scid;
	[smem:$0x7FF] =	sst s2;
	v8 =	vor.u32 $0x700, v2;
	[tilespmem:$0x1FC50] =	vst v7  }
0xa: {  	s8 =	sand.u32 $0x1, s1;
	s1 =	rddreg [dreg:$0x1];
	v9 =	vor.u32 $0x800, v2;
	_ =	strace $0x8000004A;
	[tilespmem:$0x1FC60] =	vst v8  }
0xb: {  	v10 =	vor.u32 $0x900, v2;
	[tilespmem:$0x1FC70] =	vst v9  }
0xc: {  	v11 =	vor.u32 $0xA00, v2;
	[tilespmem:$0x1FC80] =	vst v10  }
0xd: {  	v12 =	vor.u32 $0xB00, v2;
	[tilespmem:$0x1FC90] =	vst v11  }
0xe: {  	v13 =	vor.u32 $0xC00, v2;
	[tilespmem:$0x1FCA0] =	vst v12  }
0xf: {  	v14 =	vor.u32 $0xD00, v2;
	[tilespmem:$0x1FCB0] =	vst v13  }
0x10: {  	v15 =	vor.u32 $0xE00, v2;
	[tilespmem:$0x1FCC0] =	vst v14  }
0x11: {  	v16 =	vor.u32 $0xF00, v2;
	[tilespmem:$0x1FCD0] =	vst v15  }
0x12: {  	v17 =	vor.u32 $0x1000, v2;
	[tilespmem:$0x1FCE0] =	vst v16  }
0x13: {  	v0 =	vor.u32 $0x1100, v2;
	[tilespmem:$0x1FCF0] =	vst v17  }
0x14: {  	v18 =	vor.u32 $0x1200, v2;
	[tilespmem:$0x1FD00] =	vst v0  }
0x15: {  	v19 =	vor.u32 $0x1300, v2;
	[tilespmem:$0x1FD10] =	vst v18  }
0x16: {  	v20 =	vor.u32 $0x1400, v2;
	[tilespmem:$0x1FD20] =	vst v19  }
0x17: {  	v21 =	vor.u32 $0x1500, v2;
	[tilespmem:$0x1FD30] =	vst v20  }
0x18: {  	v22 =	vor.u32 $0x1600, v2;
	[tilespmem:$0x1FD40] =	vst v21  }
0x19: {  	v23 =	vor.u32 $0x1700, v2;
	[tilespmem:$0x1FD50] =	vst v22  }
0x1a: {  	v24 =	vor.u32 $0x1800, v2;
	[tilespmem:$0x1FD60] =	vst v23  }
0x1b: {  	v25 =	vor.u32 $0x1900, v2;
	[tilespmem:$0x1FD70] =	vst v24  }
0x1c: {  	v26 =	vor.u32 $0x1A00, v2;
	[tilespmem:$0x1FD80] =	vst v25  }
0x1d: {  	v27 =	vor.u32 $0x1B00, v2;
	[tilespmem:$0x1FD90] =	vst v26  }
0x1e: {  	v28 =	vor.u32 $0x1C00, v2;
	[tilespmem:$0x1FDA0] =	vst v27  }
0x1f: {  	v29 =	vor.u32 $0x1D00, v2;
	[tilespmem:$0x1FDB0] =	vst v28  }
0x20: {  	v30 =	vor.u32 $0x1E00, v2;
	[tilespmem:$0x1FDC0] =	vst v29  }
0x21: {  	v31 =	vor.u32 $0x1F00, v2;
	[tilespmem:$0x1FDD0] =	vst v30  }
0x22: {  	v32 =	vor.u32 $0x2000, v2;
	[tilespmem:$0x1FDE0] =	vst v31  }
0x23: {  	v33 =	vor.u32 $0x2100, v2;
	[tilespmem:$0x1FDF0] =	vst v32  }
0x24: {  	v34 =	vor.u32 $0x2200, v2;
	[tilespmem:$0x1FE00] =	vst v33  }
0x25: {  	v35 =	vor.u32 $0x2300, v2;
	[tilespmem:$0x1FE10] =	vst v34  }
0x26: {  	v36 =	vor.u32 $0x2400, v2;
	[tilespmem:$0x1FE20] =	vst v35  }
0x27: {  	v37 =	vor.u32 $0x2500, v2;
	[tilespmem:$0x1FE30] =	vst v36  }
0x28: {  	v38 =	vor.u32 $0x2600, v2;
	[tilespmem:$0x1FE40] =	vst v37  }
0x29: {  	v39 =	vor.u32 $0x2700, v2;
	[tilespmem:$0x1FE50] =	vst v38  }
0x2a: {  	v40 =	vor.u32 $0x2800, v2;
	[tilespmem:$0x1FE60] =	vst v39  }
0x2b: {  	v41 =	vor.u32 $0x2900, v2;
	[tilespmem:$0x1FE70] =	vst v40  }
0x2c: {  	v42 =	vor.u32 $0x2A00, v2;
	[tilespmem:$0x1FE80] =	vst v41  }
0x2d: {  	v43 =	vor.u32 $0x2B00, v2;
	[tilespmem:$0x1FE90] =	vst v42  }
0x2e: {  	v44 =	vor.u32 $0x2C00, v2;
	[tilespmem:$0x1FEA0] =	vst v43  }
0x2f: {  	v45 =	vor.u32 $0x2D00, v2;
	[tilespmem:$0x1FEB0] =	vst v44  }
0x30: {  	s0 =	stileid.u32;
	s21 =	simm.s32 $0x7000;
	v46 =	vor.u32 $0x2E00, v2;
	[tilespmem:$0x1FEC0] =	vst v45  }
0x31: {  	s22 =	simm.s32 $0xB000;
	s12 =	simm.s32 $0x7800;
	s23 =	simm.s32 $0xB800;
	v47 =	vor.u32 $0x2F00, v2;
	[tilespmem:$0x1FED0] =	vst v46  }
0x32: {  	s24 =	simm.s32 $0x8000;
	s26 =	simm.s32 $0xC000;
	s28 =	simm.s32 $0x8800;
	v48 =	vor.u32 $0x3000, v2;
	[tilespmem:$0x1FEE0] =	vst v47  }
0x33: {  	s29 =	simm.s32 $0xC800;
	s30 =	simm.s32 $0x9000;
	s31 =	simm.s32 $0xD000;
	v49 =	vor.u32 $0x3100, v2;
	[tilespmem:$0x1FEF0] =	vst v48  }
0x34: {  	s13 =	simm.s32 $0x9800;
	s15 =	simm.s32 $0xD800;
	s14 =	simm.s32 $0xA800;
	v50 =	vor.u32 $0x3200, v2;
	[tilespmem:$0x1FF00] =	vst v49  }
0x35: {  	s16 =	simm.s32 $0xE000;
	s17 =	simm.s32 $0x1;
	s6 =	smul.u32 $0x6800, s0;
	v51 =	vor.u32 $0x3300, v2;
	[tilespmem:$0x1FF10] =	vst v50  }
0x36: {  	s18 =	sshll.u32 s0, $0x1;
	s9 =	smul.u32 $0xD000, s0;
	v52 =	vor.u32 $0x3400, v2;
	[dreg:$0x2] =	wrdreg s21;
	[tilespmem:$0x1FF20] =	vst v51  }
0x37: {  	s3 =	sor.u32 s8, s18;
	s7 =	smul.u32 $0x3400, s8;
	v53 =	vor.u32 $0x3500, v2;
	[dreg:$0x3] =	wrdreg s22;
	[tilespmem:$0x1FF30] =	vst v52  }
0x38: {  	s19 =	ssub.s32 $0x2, s8;
	s25 =	smul.u32 $0x6800, s8;
	v54 =	vor.u32 $0x3600, v2;
	[dreg:$0x4] =	wrdreg s12;
	[tilespmem:$0x1FF40] =	vst v53  }
0x39: {  	s18 =	simm.s32 $0x2;
	s4 =	smul.u32 $0x680, s3;
	v55 =	vor.u32 $0x3700, v2;
	[dreg:$0x5] =	wrdreg s23;
	[tilespmem:$0x1FF50] =	vst v54  }
0x3a: {  	s3 =	sadd.s32 $0x1E9C00, s5;
	s9 =	sadd.s32 s9, s5;
	v56 =	vor.u32 $0x3800, v2;
	[dreg:$0x6] =	wrdreg s24;
	[tilespmem:$0x1FF60] =	vst v55  }
0x3b: {  	s20 =	sshrl.u32 s19, $0x1;
	v57 =	vor.u32 $0x3900, v2;
	s6 =	sadd.s32 s7, s6;
	[dreg:$0x7] =	wrdreg s26;
	[tilespmem:$0x1FF70] =	vst v56  }
0x3c: {  	v58 =	vor.u32 $0x3A00, v2;
	s7 =	ssub.s32 s19, s20;
	s9 =	sadd.s32 s25, s9;
	[dreg:$0x8] =	wrdreg s28;
	[tilespmem:$0x1FF80] =	vst v57  }
0x3d: {  	v59 =	vor.u32 $0x3B00, v2;
	s19 =	simm.s32 $0xE800;
	s20 =	simm.s32 $0x0;
	[dreg:$0x9] =	wrdreg s29;
	[tilespmem:$0x1FF90] =	vst v58  }
0x3e: {  	v60 =	vor.u32 $0x3C00, v2;
	s10 =	sadd.s32 s4, s5;
	s4 =	sadd.s32 $0x3DF200, s5;
	[dreg:$0xa] =	wrdreg s30;
	[tilespmem:$0x1FFA0] =	vst v59  }
0x3f: {  	v61 =	vor.u32 $0x3D00, v2;
	s6 =	sshrl.u32 s6, $0x3;
	s7 =	smax.u32 s7, $0x1;
	[dreg:$0xb] =	wrdreg s31;
	[tilespmem:$0x1FFB0] =	vst v60  }
0x40: {  	v62 =	vor.u32 $0x3E00, v2;
	s9 =	sadd.s32 $0x1600, s9;
	s12 =	simm.s32 $0x80;
	[dreg:$0xc] =	wrdreg s13;
	[tilespmem:$0x1FFC0] =	vst v61  }
0x41: {  	s13 =	simm.s32 $0x6800;
	[dreg:$0xd] =	wrdreg s15;
	s15 =	simm.s32 $0xA000;
	[tilespmem:$0x1FFD0] =	vst v62  }
0x42: {  	v63 =	vor.u32 $0x3F00, v2;
	[tilespmem:$0x1FFE0] =	vst v2;
	s11 =	sadd.s32 s6, s5;
	s5 =	sadd.s32 $0x3D2200, s10;
	s6 =	sadd.s32 $0x3FDC00, s10  }
0x43: {  	[tilespmem:$0x1FFF0] =	vst v63;
	s10 =	simm.s32 $0x3;
	s8 =	sadd.s32 $0xD1600, s11;
	s11 =	simm.s32 $0x3400  }
.LBB2_1:
0x44: {  	[tilespmem:s2], [sflag:$0x3] =	stream.linear.gather [hbm4b:s5+s2], $0x3400, $0x38;
	[tilespmem:$0xEC00] =	vst v63  }
0x45: {  	_ =	swait.ge [sflag:s10], $0x3400  }
0x46: {  	[sflag:s10] =	ssyncset.done $0x0  }
0x47: {  	[sflag:s10] =	ssyncadd.s32 $0xFFFFCC00  }
0x48: {  	[tilespmem:s11], [sflag:$0x3] =	stream.linear.gather [hbm4b:s6+s2], $0x3400, $0x38;
	[tilespmem:$0xEC00] =	vst v63  }
0x49: {  	_ =	swait.ge [sflag:s10], $0x3400  }
0x4a: {  	v4 =	vld [tilespmem:$0x1FC20]  }
0x4b: {  	v5 =	vld [tilespmem:$0x1FC30]  }
0x4c: {  	v6 =	vld [tilespmem:$0x1FC40]  }
0x4d: {  	v7 =	vld [tilespmem:$0x1FC50]  }
0x4e: {  	v8 =	vld [tilespmem:$0x1FC60]  }
0x4f: {  	v9 =	vld [tilespmem:$0x1FC70]  }
0x50: {  	v10 =	vld [tilespmem:$0x1FC80]  }
0x51: {  	v11 =	vld [tilespmem:$0x1FC90]  }
0x52: {  	v12 =	vld [tilespmem:$0x1FCA0]  }
0x53: {  	v13 =	vld [tilespmem:$0x1FCB0]  }
0x54: {  	v14 =	vld [tilespmem:$0x1FCC0]  }
0x55: {  	v15 =	vld [tilespmem:$0x1FCD0]  }
0x56: {  	v16 =	vld [tilespmem:$0x1FCE0]  }
0x57: {  	v17 =	vld [tilespmem:$0x1FCF0]  }
0x58: {  	v0 =	vld [tilespmem:$0x1FD00]  }
0x59: {  	v18 =	vld [tilespmem:$0x1FFE0]  }
0x5a: {  	v19 =	vld [tilespmem:$0x1FD10]  }
0x5b: {  	v20 =	vld [tilespmem:$0x1FD20]  }
0x5c: {  	v21 =	vld [tilespmem:$0x1FD30]  }
0x5d: {  	v22 =	vld [tilespmem:$0x1FD40]  }
0x5e: {  	v23 =	vld [tilespmem:$0x1FD50]  }
0x5f: {  	v24 =	vld [tilespmem:$0x1FD60]  }
0x60: {  	v25 =	vld [tilespmem:$0x1FD70]  }
0x61: {  	v26 =	vld [tilespmem:$0x1FD80]  }
0x62: {  	v27 =	vld [tilespmem:$0x1FD90]  }
0x63: {  	v28 =	vld [tilespmem:$0x1FDA0]  }
0x64: {  	v29 =	vld [tilespmem:$0x1FDB0]  }
0x65: {  	v30 =	vld [tilespmem:$0x1FDC0]  }
0x66: {  	v31 =	vld [tilespmem:$0x1FDD0]  }
0x67: {  	v32 =	vld [tilespmem:$0x1FDE0]  }
0x68: {  	v33 =	vld [tilespmem:$0x1FDF0]  }
0x69: {  	v34 =	vld [tilespmem:$0x1FE00]  }
0x6a: {  	v35 =	vld [tilespmem:$0x1FE10]  }
0x6b: {  	v36 =	vld [tilespmem:$0x1FE20]  }
0x6c: {  	v37 =	vld [tilespmem:$0x1FE30]  }
0x6d: {  	v38 =	vld [tilespmem:$0x1FE40]  }
0x6e: {  	v39 =	vld [tilespmem:$0x1FE50]  }
0x6f: {  	v40 =	vld [tilespmem:$0x1FE60]  }
0x70: {  	v41 =	vld [tilespmem:$0x1FE70]  }
0x71: {  	v42 =	vld [tilespmem:$0x1FE80]  }
0x72: {  	v43 =	vld [tilespmem:$0x1FE90]  }
0x73: {  	v44 =	vld [tilespmem:$0x1FEA0]  }
0x74: {  	v45 =	vld [tilespmem:$0x1FEB0]  }
0x75: {  	v46 =	vld [tilespmem:$0x1FEC0]  }
0x76: {  	v47 =	vld [tilespmem:$0x1FED0]  }
0x77: {  	v48 =	vld [tilespmem:$0x1FEE0]  }
0x78: {  	v49 =	vld [tilespmem:$0x1FEF0]  }
0x79: {  	v50 =	vld [tilespmem:$0x1FF00]  }
0x7a: {  	v51 =	vld [tilespmem:$0x1FF10]  }
0x7b: {  	v52 =	vld [tilespmem:$0x1FF20]  }
0x7c: {  	v53 =	vld [tilespmem:$0x1FF30]  }
0x7d: {  	v54 =	vld [tilespmem:$0x1FF40]  }
0x7e: {  	v55 =	vld [tilespmem:$0x1FF50]  }
0x7f: {  	v56 =	vld [tilespmem:$0x1FF60]  }
0x80: {  	v57 =	vld [tilespmem:$0x1FF70]  }
0x81: {  	v58 =	vld [tilespmem:$0x1FF80]  }
0x82: {  	v59 =	vld [tilespmem:$0x1FF90]  }
0x83: {  	v60 =	vld [tilespmem:$0x1FFA0]  }
0x84: {  	v61 =	vld [tilespmem:$0x1FFB0]  }
0x85: {  	v62 =	vld [tilespmem:$0x1FFC0]  }
0x86: {  	s21 =	smov.u32 s9;
	[sflag:s10] =	ssyncset.done $0x0;
	v63 =	vld [tilespmem:$0x1FFD0]  }
0x87: {  	s22 =	smov.u32 s8;
	s23 =	simm.s32 $0x0;
	v2 =	vld [tilespmem:$0x1FFF0];
	[sflag:s10] =	ssyncadd.s32 $0xFFFFCC00  }
.LBB2_2:
0x88: {  	s24 =	sshra.s32 s23, $0x2  }
0x89: {  	[tilespmem:s13], [sflag:$0x1] =	stream.indirect.gather [hbm4b:s3+s12], $0x10, s24, s12, $0xb8;
	[tilespmem:$0xEC00] =	vst v63  }
0x8a: {  	s25 =	sadd.s32 $0x3400, s24  }
0x8b: {  	[tilespmem:s14], [sflag:$0x2] =	stream.indirect.gather [hbm4b:s4+s12], $0x10, s25, s12, $0xb8;
	[tilespmem:$0xEC00] =	vst v63  }
0x8c: {  	s26 =	rddreg [dreg:$0x2];
	s31 =	sadd.s32 $0x80, s24  }
0x8d: {  	[tilespmem:s26], [sflag:$0x1] =	stream.indirect.gather [hbm4b:s3+s12], $0x10, s31, s12, $0xb8;
	[tilespmem:$0xEC00] =	vst v63  }
0x8e: {  	s28 =	rddreg [dreg:$0x3];
	s26 =	sadd.s32 $0x3480, s24  }
0x8f: {  	[tilespmem:s28], [sflag:$0x2] =	stream.indirect.gather [hbm4b:s4+s12], $0x10, s26, s12, $0xb8;
	[tilespmem:$0xEC00] =	vst v63  }
0x90: {  	s29 =	rddreg [dreg:$0x4];
	s30 =	sadd.s32 $0x100, s24  }
0x91: {  	[tilespmem:s29], [sflag:$0x1] =	stream.indirect.gather [hbm4b:s3+s12], $0x10, s30, s12, $0xb8;
	[tilespmem:$0xEC00] =	vst v63  }
0x92: {  	s31 =	rddreg [dreg:$0x5];
	s26 =	sadd.s32 $0x3500, s24  }
0x93: {  	[tilespmem:s31], [sflag:$0x2] =	stream.indirect.gather [hbm4b:s4+s12], $0x10, s26, s12, $0xb8;
	[tilespmem:$0xEC00] =	vst v63  }
0x94: {  	s29 =	rddreg [dreg:$0x6];
	s30 =	sadd.s32 $0x180, s24  }
0x95: {  	[tilespmem:s29], [sflag:$0x1] =	stream.indirect.gather [hbm4b:s3+s12], $0x10, s30, s12, $0xb8;
	[tilespmem:$0xEC00] =	vst v63  }
0x96: {  	s31 =	rddreg [dreg:$0x7];
	s26 =	sadd.s32 $0x3580, s24  }
0x97: {  	[tilespmem:s31], [sflag:$0x2] =	stream.indirect.gather [hbm4b:s4+s12], $0x10, s26, s12, $0xb8;
	[tilespmem:$0xEC00] =	vst v63  }
0x98: {  	s29 =	rddreg [dreg:$0x8];
	s30 =	sadd.s32 $0x200, s24  }
0x99: {  	[tilespmem:s29], [sflag:$0x1] =	stream.indirect.gather [hbm4b:s3+s12], $0x10, s30, s12, $0xb8;
	[tilespmem:$0xEC00] =	vst v63  }
0x9a: {  	s31 =	rddreg [dreg:$0x9];
	s26 =	sadd.s32 $0x3600, s24  }
0x9b: {  	[tilespmem:s31], [sflag:$0x2] =	stream.indirect.gather [hbm4b:s4+s12], $0x10, s26, s12, $0xb8;
	[tilespmem:$0xEC00] =	vst v63  }
0x9c: {  	s29 =	rddreg [dreg:$0xa];
	s30 =	sadd.s32 $0x280, s24  }
0x9d: {  	[tilespmem:s29], [sflag:$0x1] =	stream.indirect.gather [hbm4b:s3+s12], $0x10, s30, s12, $0xb8;
	[tilespmem:$0xEC00] =	vst v63  }
0x9e: {  	s31 =	rddreg [dreg:$0xb];
	s26 =	sadd.s32 $0x3680, s24  }
0x9f: {  	[tilespmem:s31], [sflag:$0x2] =	stream.indirect.gather [hbm4b:s4+s12], $0x10, s26, s12, $0xb8;
	[tilespmem:$0xEC00] =	vst v63  }
0xa0: {  	s29 =	rddreg [dreg:$0xc];
	s30 =	sadd.s32 $0x300, s24  }
0xa1: {  	[tilespmem:s29], [sflag:$0x1] =	stream.indirect.gather [hbm4b:s3+s12], $0x10, s30, s12, $0xb8;
	[tilespmem:$0xEC00] =	vst v63  }
0xa2: {  	s31 =	rddreg [dreg:$0xd];
	s29 =	sadd.s32 $0x3700, s24  }
0xa3: {  	[tilespmem:s31], [sflag:$0x2] =	stream.indirect.gather [hbm4b:s4+s12], $0x10, s29, s12, $0xb8;
	[tilespmem:$0xEC00] =	vst v63  }
0xa4: {  	s30 =	sadd.s32 $0x380, s24  }
0xa5: {  	[tilespmem:s15], [sflag:$0x1] =	stream.indirect.gather [hbm4b:s3+s12], $0x10, s30, s12, $0xb8;
	[tilespmem:$0xEC00] =	vst v63  }
0xa6: {  	s31 =	sadd.s32 $0x3780, s24  }
0xa7: {  	[tilespmem:s16], [sflag:$0x2] =	stream.indirect.gather [hbm4b:s4+s12], $0x10, s31, s12, $0xb8;
	[tilespmem:$0xEC00] =	vst v63  }
0xa8: {  	_ =	swait.ge [sflag:s17], $0x800  }
0xa9: {  	[sflag:s17] =	ssyncset.done $0x0  }
0xaa: {  	[sflag:s17] =	ssyncadd.s32 $0xFFFFF800  }
0xab: {  	_ =	swait.ge [sflag:s18], $0x800  }
0xac: {  	[sflag:s18] =	ssyncset.done $0x0  }
0xad: {  	[sflag:s18] =	ssyncadd.s32 $0xFFFFF800  }
0xae: {  	_ =	swait.ge [sflag:s17], $0x800  }
0xaf: {  	[sflag:s17] =	ssyncset.done $0x0  }
0xb0: {  	[sflag:s17] =	ssyncadd.s32 $0xFFFFF800  }
0xb1: {  	_ =	swait.ge [sflag:s18], $0x800  }
0xb2: {  	[sflag:s18] =	ssyncset.done $0x0  }
0xb3: {  	[sflag:s18] =	ssyncadd.s32 $0xFFFFF800  }
0xb4: {  	_ =	swait.ge [sflag:s17], $0x800  }
0xb5: {  	[sflag:s17] =	ssyncset.done $0x0  }
0xb6: {  	[sflag:s17] =	ssyncadd.s32 $0xFFFFF800  }
0xb7: {  	_ =	swait.ge [sflag:s18], $0x800  }
0xb8: {  	[sflag:s18] =	ssyncset.done $0x0  }
0xb9: {  	[sflag:s18] =	ssyncadd.s32 $0xFFFFF800  }
0xba: {  	_ =	swait.ge [sflag:s17], $0x800  }
0xbb: {  	[sflag:s17] =	ssyncset.done $0x0  }
0xbc: {  	[sflag:s17] =	ssyncadd.s32 $0xFFFFF800  }
0xbd: {  	_ =	swait.ge [sflag:s18], $0x800  }
0xbe: {  	[sflag:s18] =	ssyncset.done $0x0  }
0xbf: {  	[sflag:s18] =	ssyncadd.s32 $0xFFFFF800  }
0xc0: {  	_ =	swait.ge [sflag:s17], $0x800  }
0xc1: {  	[sflag:s17] =	ssyncset.done $0x0  }
0xc2: {  	[sflag:s17] =	ssyncadd.s32 $0xFFFFF800  }
0xc3: {  	_ =	swait.ge [sflag:s18], $0x800  }
0xc4: {  	[sflag:s18] =	ssyncset.done $0x0  }
0xc5: {  	[sflag:s18] =	ssyncadd.s32 $0xFFFFF800  }
0xc6: {  	_ =	swait.ge [sflag:s17], $0x800  }
0xc7: {  	[sflag:s17] =	ssyncset.done $0x0  }
0xc8: {  	[sflag:s17] =	ssyncadd.s32 $0xFFFFF800  }
0xc9: {  	_ =	swait.ge [sflag:s18], $0x800  }
0xca: {  	[sflag:s18] =	ssyncset.done $0x0  }
0xcb: {  	[sflag:s18] =	ssyncadd.s32 $0xFFFFF800  }
0xcc: {  	_ =	swait.ge [sflag:s17], $0x800  }
0xcd: {  	[sflag:s17] =	ssyncset.done $0x0  }
0xce: {  	[sflag:s17] =	ssyncadd.s32 $0xFFFFF800  }
0xcf: {  	_ =	swait.ge [sflag:s18], $0x800  }
0xd0: {  	[sflag:s18] =	ssyncset.done $0x0  }
0xd1: {  	[sflag:s18] =	ssyncadd.s32 $0xFFFFF800  }
0xd2: {  	_ =	swait.ge [sflag:s17], $0x800  }
0xd3: {  	[sflag:s17] =	ssyncset.done $0x0  }
0xd4: {  	[sflag:s17] =	ssyncadd.s32 $0xFFFFF800  }
0xd5: {  	_ =	swait.ge [sflag:s18], $0x800  }
0xd6: {  	[sflag:s18] =	ssyncset.done $0x0  }
0xd7: {  	[sflag:s18] =	ssyncadd.s32 $0xFFFFF800  }
0xd8: {  	v1 =	vld [tilespmem:s24+$0x0];
	_ =	sdelay $0x4  }
0xd9: {  	v1 =	vand.u32 $0xF, v1  }
0xda: {  	v1 =	vor.u32 v18, v1;
	_ =	sdelay $0x4  }
0xdb: {  	v1 =	vld.idx.msk [tilespmem:v1+s14+$0x0], $0xffff;
	_ =	sdelay $0x4  }
0xdc: {  	[tilespmem:$0xE800] =	vst v1  }
0xdd: {  	v1 =	vld [tilespmem:s24+$0x10]  }
0xde: {  	v3 =	vld [tilespmem:$0x1FC00];
	_ =	sdelay $0x3  }
0xdf: {  	v1 =	vand.u32 $0xF, v1  }
0xe0: {  	v1 =	vor.u32 v3, v1;
	_ =	sdelay $0x4  }
0xe1: {  	v1 =	vld.idx.msk [tilespmem:v1+s14+$0x0], $0xffff;
	_ =	sdelay $0x4  }
0xe2: {  	[tilespmem:$0xE810] =	vst v1  }
0xe3: {  	v1 =	vld [tilespmem:s24+$0x20]  }
0xe4: {  	v3 =	vld [tilespmem:$0x1FC10];
	_ =	sdelay $0x3  }
0xe5: {  	v1 =	vand.u32 $0xF, v1  }
0xe6: {  	v1 =	vor.u32 v3, v1;
	_ =	sdelay $0x4  }
0xe7: {  	v1 =	vld.idx.msk [tilespmem:v1+s14+$0x0], $0xffff;
	_ =	sdelay $0x4  }
0xe8: {  	[tilespmem:$0xE820] =	vst v1  }
0xe9: {  	v1 =	vld [tilespmem:s24+$0x30];
	_ =	sdelay $0x4  }
0xea: {  	v1 =	vand.u32 $0xF, v1  }
0xeb: {  	v1 =	vor.u32 v4, v1;
	_ =	sdelay $0x4  }
0xec: {  	v1 =	vld.idx.msk [tilespmem:v1+s14+$0x0], $0xffff;
	_ =	sdelay $0x4  }
0xed: {  	[tilespmem:$0xE830] =	vst v1  }
0xee: {  	v1 =	vld [tilespmem:s24+$0x40];
	_ =	sdelay $0x4  }
0xef: {  	v1 =	vand.u32 $0xF, v1  }
0xf0: {  	v1 =	vor.u32 v5, v1;
	_ =	sdelay $0x4  }
0xf1: {  	v1 =	vld.idx.msk [tilespmem:v1+s14+$0x0], $0xffff;
	_ =	sdelay $0x4  }
0xf2: {  	[tilespmem:$0xE840] =	vst v1  }
0xf3: {  	v1 =	vld [tilespmem:s24+$0x50];
	_ =	sdelay $0x4  }
0xf4: {  	v1 =	vand.u32 $0xF, v1  }
0xf5: {  	v1 =	vor.u32 v6, v1;
	_ =	sdelay $0x4  }
0xf6: {  	v1 =	vld.idx.msk [tilespmem:v1+s14+$0x0], $0xffff;
	_ =	sdelay $0x4  }
0xf7: {  	[tilespmem:$0xE850] =	vst v1  }
0xf8: {  	v1 =	vld [tilespmem:s24+$0x60];
	_ =	sdelay $0x4  }
0xf9: {  	v1 =	vand.u32 $0xF, v1  }
0xfa: {  	v1 =	vor.u32 v7, v1;
	_ =	sdelay $0x4  }
0xfb: {  	v1 =	vld.idx.msk [tilespmem:v1+s14+$0x0], $0xffff;
	_ =	sdelay $0x4  }
0xfc: {  	[tilespmem:$0xE860] =	vst v1  }
0xfd: {  	v1 =	vld [tilespmem:s24+$0x70];
	_ =	sdelay $0x4  }
0xfe: {  	v1 =	vand.u32 $0xF, v1  }
0xff: {  	v1 =	vor.u32 v8, v1;
	_ =	sdelay $0x4  }
0x100: {  	v1 =	vld.idx.msk [tilespmem:v1+s14+$0x0], $0xffff;
	_ =	sdelay $0x4  }
0x101: {  	[tilespmem:$0xE870] =	vst v1  }
0x102: {  	v1 =	vld [tilespmem:s24+$0x80];
	_ =	sdelay $0x4  }
0x103: {  	v1 =	vand.u32 $0xF, v1  }
0x104: {  	v1 =	vor.u32 v9, v1;
	_ =	sdelay $0x4  }
0x105: {  	v1 =	vld.idx.msk [tilespmem:v1+s14+$0x0], $0xffff;
	_ =	sdelay $0x4  }
0x106: {  	[tilespmem:$0xE880] =	vst v1  }
0x107: {  	v1 =	vld [tilespmem:s24+$0x90];
	_ =	sdelay $0x4  }
0x108: {  	v1 =	vand.u32 $0xF, v1  }
0x109: {  	v1 =	vor.u32 v10, v1;
	_ =	sdelay $0x4  }
0x10a: {  	v1 =	vld.idx.msk [tilespmem:v1+s14+$0x0], $0xffff;
	_ =	sdelay $0x4  }
0x10b: {  	[tilespmem:$0xE890] =	vst v1  }
0x10c: {  	v1 =	vld [tilespmem:s24+$0xA0];
	_ =	sdelay $0x4  }
0x10d: {  	v1 =	vand.u32 $0xF, v1  }
0x10e: {  	v1 =	vor.u32 v11, v1;
	_ =	sdelay $0x4  }
0x10f: {  	v1 =	vld.idx.msk [tilespmem:v1+s14+$0x0], $0xffff;
	_ =	sdelay $0x4  }
0x110: {  	[tilespmem:$0xE8A0] =	vst v1  }
0x111: {  	v1 =	vld [tilespmem:s24+$0xB0];
	_ =	sdelay $0x4  }
0x112: {  	v1 =	vand.u32 $0xF, v1  }
0x113: {  	v1 =	vor.u32 v12, v1;
	_ =	sdelay $0x4  }
0x114: {  	v1 =	vld.idx.msk [tilespmem:v1+s14+$0x0], $0xffff;
	_ =	sdelay $0x4  }
0x115: {  	[tilespmem:$0xE8B0] =	vst v1  }
0x116: {  	v1 =	vld [tilespmem:s24+$0xC0];
	_ =	sdelay $0x4  }
0x117: {  	v1 =	vand.u32 $0xF, v1  }
0x118: {  	v1 =	vor.u32 v13, v1;
	_ =	sdelay $0x4  }
0x119: {  	v1 =	vld.idx.msk [tilespmem:v1+s14+$0x0], $0xffff;
	_ =	sdelay $0x4  }
0x11a: {  	[tilespmem:$0xE8C0] =	vst v1  }
0x11b: {  	v1 =	vld [tilespmem:s24+$0xD0];
	_ =	sdelay $0x4  }
0x11c: {  	v1 =	vand.u32 $0xF, v1  }
0x11d: {  	v1 =	vor.u32 v14, v1;
	_ =	sdelay $0x4  }
0x11e: {  	v1 =	vld.idx.msk [tilespmem:v1+s14+$0x0], $0xffff;
	_ =	sdelay $0x4  }
0x11f: {  	[tilespmem:$0xE8D0] =	vst v1  }
0x120: {  	v1 =	vld [tilespmem:s24+$0xE0];
	_ =	sdelay $0x4  }
0x121: {  	v1 =	vand.u32 $0xF, v1  }
0x122: {  	v1 =	vor.u32 v15, v1;
	_ =	sdelay $0x4  }
0x123: {  	v1 =	vld.idx.msk [tilespmem:v1+s14+$0x0], $0xffff;
	_ =	sdelay $0x4  }
0x124: {  	[tilespmem:$0xE8E0] =	vst v1  }
0x125: {  	v1 =	vld [tilespmem:s24+$0xF0];
	_ =	sdelay $0x4  }
0x126: {  	v1 =	vand.u32 $0xF, v1  }
0x127: {  	v1 =	vor.u32 v16, v1;
	_ =	sdelay $0x4  }
0x128: {  	v1 =	vld.idx.msk [tilespmem:v1+s14+$0x0], $0xffff;
	_ =	sdelay $0x4  }
0x129: {  	[tilespmem:$0xE8F0] =	vst v1  }
0x12a: {  	v1 =	vld [tilespmem:s24+$0x100];
	_ =	sdelay $0x4  }
0x12b: {  	v1 =	vand.u32 $0xF, v1  }
0x12c: {  	v1 =	vor.u32 v17, v1;
	_ =	sdelay $0x4  }
0x12d: {  	v1 =	vld.idx.msk [tilespmem:v1+s14+$0x0], $0xffff;
	_ =	sdelay $0x4  }
0x12e: {  	[tilespmem:$0xE900] =	vst v1  }
0x12f: {  	v1 =	vld [tilespmem:s24+$0x110];
	_ =	sdelay $0x4  }
0x130: {  	v1 =	vand.u32 $0xF, v1  }
0x131: {  	v1 =	vor.u32 v0, v1;
	_ =	sdelay $0x4  }
0x132: {  	v1 =	vld.idx.msk [tilespmem:v1+s14+$0x0], $0xffff;
	_ =	sdelay $0x4  }
0x133: {  	[tilespmem:$0xE910] =	vst v1  }
0x134: {  	v1 =	vld [tilespmem:s24+$0x120];
	_ =	sdelay $0x4  }
0x135: {  	v1 =	vand.u32 $0xF, v1  }
0x136: {  	v1 =	vor.u32 v19, v1;
	_ =	sdelay $0x4  }
0x137: {  	v1 =	vld.idx.msk [tilespmem:v1+s14+$0x0], $0xffff;
	_ =	sdelay $0x4  }
0x138: {  	[tilespmem:$0xE920] =	vst v1  }
0x139: {  	v1 =	vld [tilespmem:s24+$0x130];
	_ =	sdelay $0x4  }
0x13a: {  	v1 =	vand.u32 $0xF, v1  }
0x13b: {  	v1 =	vor.u32 v20, v1;
	_ =	sdelay $0x4  }
0x13c: {  	v1 =	vld.idx.msk [tilespmem:v1+s14+$0x0], $0xffff;
	_ =	sdelay $0x4  }
0x13d: {  	[tilespmem:$0xE930] =	vst v1  }
0x13e: {  	v1 =	vld [tilespmem:s24+$0x140];
	_ =	sdelay $0x4  }
0x13f: {  	v1 =	vand.u32 $0xF, v1  }
0x140: {  	v1 =	vor.u32 v21, v1;
	_ =	sdelay $0x4  }
0x141: {  	v1 =	vld.idx.msk [tilespmem:v1+s14+$0x0], $0xffff;
	_ =	sdelay $0x4  }
0x142: {  	[tilespmem:$0xE940] =	vst v1  }
0x143: {  	v1 =	vld [tilespmem:s24+$0x150];
	_ =	sdelay $0x4  }
0x144: {  	v1 =	vand.u32 $0xF, v1  }
0x145: {  	v1 =	vor.u32 v22, v1;
	_ =	sdelay $0x4  }
0x146: {  	v1 =	vld.idx.msk [tilespmem:v1+s14+$0x0], $0xffff;
	_ =	sdelay $0x4  }
0x147: {  	[tilespmem:$0xE950] =	vst v1  }
0x148: {  	v1 =	vld [tilespmem:s24+$0x160];
	_ =	sdelay $0x4  }
0x149: {  	v1 =	vand.u32 $0xF, v1  }
0x14a: {  	v1 =	vor.u32 v23, v1;
	_ =	sdelay $0x4  }
0x14b: {  	v1 =	vld.idx.msk [tilespmem:v1+s14+$0x0], $0xffff;
	_ =	sdelay $0x4  }
0x14c: {  	[tilespmem:$0xE960] =	vst v1  }
0x14d: {  	v1 =	vld [tilespmem:s24+$0x170];
	_ =	sdelay $0x4  }
0x14e: {  	v1 =	vand.u32 $0xF, v1  }
0x14f: {  	v1 =	vor.u32 v24, v1;
	_ =	sdelay $0x4  }
0x150: {  	v1 =	vld.idx.msk [tilespmem:v1+s14+$0x0], $0xffff;
	_ =	sdelay $0x4  }
0x151: {  	[tilespmem:$0xE970] =	vst v1  }
0x152: {  	v1 =	vld [tilespmem:s24+$0x180];
	_ =	sdelay $0x4  }
0x153: {  	v1 =	vand.u32 $0xF, v1  }
0x154: {  	v1 =	vor.u32 v25, v1;
	_ =	sdelay $0x4  }
0x155: {  	v1 =	vld.idx.msk [tilespmem:v1+s14+$0x0], $0xffff;
	_ =	sdelay $0x4  }
0x156: {  	[tilespmem:$0xE980] =	vst v1  }
0x157: {  	v1 =	vld [tilespmem:s24+$0x190];
	_ =	sdelay $0x4  }
0x158: {  	v1 =	vand.u32 $0xF, v1  }
0x159: {  	v1 =	vor.u32 v26, v1;
	_ =	sdelay $0x4  }
0x15a: {  	v1 =	vld.idx.msk [tilespmem:v1+s14+$0x0], $0xffff;
	_ =	sdelay $0x4  }
0x15b: {  	[tilespmem:$0xE990] =	vst v1  }
0x15c: {  	v1 =	vld [tilespmem:s24+$0x1A0];
	_ =	sdelay $0x4  }
0x15d: {  	v1 =	vand.u32 $0xF, v1  }
0x15e: {  	v1 =	vor.u32 v27, v1;
	_ =	sdelay $0x4  }
0x15f: {  	v1 =	vld.idx.msk [tilespmem:v1+s14+$0x0], $0xffff;
	_ =	sdelay $0x4  }
0x160: {  	[tilespmem:$0xE9A0] =	vst v1  }
0x161: {  	v1 =	vld [tilespmem:s24+$0x1B0];
	_ =	sdelay $0x4  }
0x162: {  	v1 =	vand.u32 $0xF, v1  }
0x163: {  	v1 =	vor.u32 v28, v1;
	_ =	sdelay $0x4  }
0x164: {  	v1 =	vld.idx.msk [tilespmem:v1+s14+$0x0], $0xffff;
	_ =	sdelay $0x4  }
0x165: {  	[tilespmem:$0xE9B0] =	vst v1  }
0x166: {  	v1 =	vld [tilespmem:s24+$0x1C0];
	_ =	sdelay $0x4  }
0x167: {  	v1 =	vand.u32 $0xF, v1  }
0x168: {  	v1 =	vor.u32 v29, v1;
	_ =	sdelay $0x4  }
0x169: {  	v1 =	vld.idx.msk [tilespmem:v1+s14+$0x0], $0xffff;
	_ =	sdelay $0x4  }
0x16a: {  	[tilespmem:$0xE9C0] =	vst v1  }
0x16b: {  	v1 =	vld [tilespmem:s24+$0x1D0];
	_ =	sdelay $0x4  }
0x16c: {  	v1 =	vand.u32 $0xF, v1  }
0x16d: {  	v1 =	vor.u32 v30, v1;
	_ =	sdelay $0x4  }
0x16e: {  	v1 =	vld.idx.msk [tilespmem:v1+s14+$0x0], $0xffff;
	_ =	sdelay $0x4  }
0x16f: {  	[tilespmem:$0xE9D0] =	vst v1  }
0x170: {  	v1 =	vld [tilespmem:s24+$0x1E0];
	_ =	sdelay $0x4  }
0x171: {  	v1 =	vand.u32 $0xF, v1  }
0x172: {  	v1 =	vor.u32 v31, v1;
	_ =	sdelay $0x4  }
0x173: {  	v1 =	vld.idx.msk [tilespmem:v1+s14+$0x0], $0xffff;
	_ =	sdelay $0x4  }
0x174: {  	[tilespmem:$0xE9E0] =	vst v1  }
0x175: {  	v1 =	vld [tilespmem:s24+$0x1F0];
	_ =	sdelay $0x4  }
0x176: {  	v1 =	vand.u32 $0xF, v1  }
0x177: {  	v1 =	vor.u32 v32, v1;
	_ =	sdelay $0x4  }
0x178: {  	v1 =	vld.idx.msk [tilespmem:v1+s14+$0x0], $0xffff;
	_ =	sdelay $0x4  }
0x179: {  	[tilespmem:$0xE9F0] =	vst v1  }
0x17a: {  	v1 =	vld [tilespmem:s24+$0x200];
	_ =	sdelay $0x4  }
0x17b: {  	v1 =	vand.u32 $0xF, v1  }
0x17c: {  	v1 =	vor.u32 v33, v1;
	_ =	sdelay $0x4  }
0x17d: {  	v1 =	vld.idx.msk [tilespmem:v1+s14+$0x0], $0xffff;
	_ =	sdelay $0x4  }
0x17e: {  	[tilespmem:$0xEA00] =	vst v1  }
0x17f: {  	v1 =	vld [tilespmem:s24+$0x210];
	_ =	sdelay $0x4  }
0x180: {  	v1 =	vand.u32 $0xF, v1  }
0x181: {  	v1 =	vor.u32 v34, v1;
	_ =	sdelay $0x4  }
0x182: {  	v1 =	vld.idx.msk [tilespmem:v1+s14+$0x0], $0xffff;
	_ =	sdelay $0x4  }
0x183: {  	[tilespmem:$0xEA10] =	vst v1  }
0x184: {  	v1 =	vld [tilespmem:s24+$0x220];
	_ =	sdelay $0x4  }
0x185: {  	v1 =	vand.u32 $0xF, v1  }
0x186: {  	v1 =	vor.u32 v35, v1;
	_ =	sdelay $0x4  }
0x187: {  	v1 =	vld.idx.msk [tilespmem:v1+s14+$0x0], $0xffff;
	_ =	sdelay $0x4  }
0x188: {  	[tilespmem:$0xEA20] =	vst v1  }
0x189: {  	v1 =	vld [tilespmem:s24+$0x230];
	_ =	sdelay $0x4  }
0x18a: {  	v1 =	vand.u32 $0xF, v1  }
0x18b: {  	v1 =	vor.u32 v36, v1;
	_ =	sdelay $0x4  }
0x18c: {  	v1 =	vld.idx.msk [tilespmem:v1+s14+$0x0], $0xffff;
	_ =	sdelay $0x4  }
0x18d: {  	[tilespmem:$0xEA30] =	vst v1  }
0x18e: {  	v1 =	vld [tilespmem:s24+$0x240];
	_ =	sdelay $0x4  }
0x18f: {  	v1 =	vand.u32 $0xF, v1  }
0x190: {  	v1 =	vor.u32 v37, v1;
	_ =	sdelay $0x4  }
0x191: {  	v1 =	vld.idx.msk [tilespmem:v1+s14+$0x0], $0xffff;
	_ =	sdelay $0x4  }
0x192: {  	[tilespmem:$0xEA40] =	vst v1  }
0x193: {  	v1 =	vld [tilespmem:s24+$0x250];
	_ =	sdelay $0x4  }
0x194: {  	v1 =	vand.u32 $0xF, v1  }
0x195: {  	v1 =	vor.u32 v38, v1;
	_ =	sdelay $0x4  }
0x196: {  	v1 =	vld.idx.msk [tilespmem:v1+s14+$0x0], $0xffff;
	_ =	sdelay $0x4  }
0x197: {  	[tilespmem:$0xEA50] =	vst v1  }
0x198: {  	v1 =	vld [tilespmem:s24+$0x260];
	_ =	sdelay $0x4  }
0x199: {  	v1 =	vand.u32 $0xF, v1  }
0x19a: {  	v1 =	vor.u32 v39, v1;
	_ =	sdelay $0x4  }
0x19b: {  	v1 =	vld.idx.msk [tilespmem:v1+s14+$0x0], $0xffff;
	_ =	sdelay $0x4  }
0x19c: {  	[tilespmem:$0xEA60] =	vst v1  }
0x19d: {  	v1 =	vld [tilespmem:s24+$0x270];
	_ =	sdelay $0x4  }
0x19e: {  	v1 =	vand.u32 $0xF, v1  }
0x19f: {  	v1 =	vor.u32 v40, v1;
	_ =	sdelay $0x4  }
0x1a0: {  	v1 =	vld.idx.msk [tilespmem:v1+s14+$0x0], $0xffff;
	_ =	sdelay $0x4  }
0x1a1: {  	[tilespmem:$0xEA70] =	vst v1  }
0x1a2: {  	v1 =	vld [tilespmem:s24+$0x280];
	_ =	sdelay $0x4  }
0x1a3: {  	v1 =	vand.u32 $0xF, v1  }
0x1a4: {  	v1 =	vor.u32 v41, v1;
	_ =	sdelay $0x4  }
0x1a5: {  	v1 =	vld.idx.msk [tilespmem:v1+s14+$0x0], $0xffff;
	_ =	sdelay $0x4  }
0x1a6: {  	[tilespmem:$0xEA80] =	vst v1  }
0x1a7: {  	v1 =	vld [tilespmem:s24+$0x290];
	_ =	sdelay $0x4  }
0x1a8: {  	v1 =	vand.u32 $0xF, v1  }
0x1a9: {  	v1 =	vor.u32 v42, v1;
	_ =	sdelay $0x4  }
0x1aa: {  	v1 =	vld.idx.msk [tilespmem:v1+s14+$0x0], $0xffff;
	_ =	sdelay $0x4  }
0x1ab: {  	[tilespmem:$0xEA90] =	vst v1  }
0x1ac: {  	v1 =	vld [tilespmem:s24+$0x2A0];
	_ =	sdelay $0x4  }
0x1ad: {  	v1 =	vand.u32 $0xF, v1  }
0x1ae: {  	v1 =	vor.u32 v43, v1;
	_ =	sdelay $0x4  }
0x1af: {  	v1 =	vld.idx.msk [tilespmem:v1+s14+$0x0], $0xffff;
	_ =	sdelay $0x4  }
0x1b0: {  	[tilespmem:$0xEAA0] =	vst v1  }
0x1b1: {  	v1 =	vld [tilespmem:s24+$0x2B0];
	_ =	sdelay $0x4  }
0x1b2: {  	v1 =	vand.u32 $0xF, v1  }
0x1b3: {  	v1 =	vor.u32 v44, v1;
	_ =	sdelay $0x4  }
0x1b4: {  	v1 =	vld.idx.msk [tilespmem:v1+s14+$0x0], $0xffff;
	_ =	sdelay $0x4  }
0x1b5: {  	[tilespmem:$0xEAB0] =	vst v1  }
0x1b6: {  	v1 =	vld [tilespmem:s24+$0x2C0];
	_ =	sdelay $0x4  }
0x1b7: {  	v1 =	vand.u32 $0xF, v1  }
0x1b8: {  	v1 =	vor.u32 v45, v1;
	_ =	sdelay $0x4  }
0x1b9: {  	v1 =	vld.idx.msk [tilespmem:v1+s14+$0x0], $0xffff;
	_ =	sdelay $0x4  }
0x1ba: {  	[tilespmem:$0xEAC0] =	vst v1  }
0x1bb: {  	v1 =	vld [tilespmem:s24+$0x2D0];
	_ =	sdelay $0x4  }
0x1bc: {  	v1 =	vand.u32 $0xF, v1  }
0x1bd: {  	v1 =	vor.u32 v46, v1;
	_ =	sdelay $0x4  }
0x1be: {  	v1 =	vld.idx.msk [tilespmem:v1+s14+$0x0], $0xffff;
	_ =	sdelay $0x4  }
0x1bf: {  	[tilespmem:$0xEAD0] =	vst v1  }
0x1c0: {  	v1 =	vld [tilespmem:s24+$0x2E0];
	_ =	sdelay $0x4  }
0x1c1: {  	v1 =	vand.u32 $0xF, v1  }
0x1c2: {  	v1 =	vor.u32 v47, v1;
	_ =	sdelay $0x4  }
0x1c3: {  	v1 =	vld.idx.msk [tilespmem:v1+s14+$0x0], $0xffff;
	_ =	sdelay $0x4  }
0x1c4: {  	[tilespmem:$0xEAE0] =	vst v1  }
0x1c5: {  	v1 =	vld [tilespmem:s24+$0x2F0];
	_ =	sdelay $0x4  }
0x1c6: {  	v1 =	vand.u32 $0xF, v1  }
0x1c7: {  	v1 =	vor.u32 v48, v1;
	_ =	sdelay $0x4  }
0x1c8: {  	v1 =	vld.idx.msk [tilespmem:v1+s14+$0x0], $0xffff;
	_ =	sdelay $0x4  }
0x1c9: {  	[tilespmem:$0xEAF0] =	vst v1  }
0x1ca: {  	v1 =	vld [tilespmem:s24+$0x300];
	_ =	sdelay $0x4  }
0x1cb: {  	v1 =	vand.u32 $0xF, v1  }
0x1cc: {  	v1 =	vor.u32 v49, v1;
	_ =	sdelay $0x4  }
0x1cd: {  	v1 =	vld.idx.msk [tilespmem:v1+s14+$0x0], $0xffff;
	_ =	sdelay $0x4  }
0x1ce: {  	[tilespmem:$0xEB00] =	vst v1  }
0x1cf: {  	v1 =	vld [tilespmem:s24+$0x310];
	_ =	sdelay $0x4  }
0x1d0: {  	v1 =	vand.u32 $0xF, v1  }
0x1d1: {  	v1 =	vor.u32 v50, v1;
	_ =	sdelay $0x4  }
0x1d2: {  	v1 =	vld.idx.msk [tilespmem:v1+s14+$0x0], $0xffff;
	_ =	sdelay $0x4  }
0x1d3: {  	[tilespmem:$0xEB10] =	vst v1  }
0x1d4: {  	v1 =	vld [tilespmem:s24+$0x320];
	_ =	sdelay $0x4  }
0x1d5: {  	v1 =	vand.u32 $0xF, v1  }
0x1d6: {  	v1 =	vor.u32 v51, v1;
	_ =	sdelay $0x4  }
0x1d7: {  	v1 =	vld.idx.msk [tilespmem:v1+s14+$0x0], $0xffff;
	_ =	sdelay $0x4  }
0x1d8: {  	[tilespmem:$0xEB20] =	vst v1  }
0x1d9: {  	v1 =	vld [tilespmem:s24+$0x330];
	_ =	sdelay $0x4  }
0x1da: {  	v1 =	vand.u32 $0xF, v1  }
0x1db: {  	v1 =	vor.u32 v52, v1;
	_ =	sdelay $0x4  }
0x1dc: {  	v1 =	vld.idx.msk [tilespmem:v1+s14+$0x0], $0xffff;
	_ =	sdelay $0x4  }
0x1dd: {  	[tilespmem:$0xEB30] =	vst v1  }
0x1de: {  	v1 =	vld [tilespmem:s24+$0x340];
	_ =	sdelay $0x4  }
0x1df: {  	v1 =	vand.u32 $0xF, v1  }
0x1e0: {  	v1 =	vor.u32 v53, v1;
	_ =	sdelay $0x4  }
0x1e1: {  	v1 =	vld.idx.msk [tilespmem:v1+s14+$0x0], $0xffff;
	_ =	sdelay $0x4  }
0x1e2: {  	[tilespmem:$0xEB40] =	vst v1  }
0x1e3: {  	v1 =	vld [tilespmem:s24+$0x350];
	_ =	sdelay $0x4  }
0x1e4: {  	v1 =	vand.u32 $0xF, v1  }
0x1e5: {  	v1 =	vor.u32 v54, v1;
	_ =	sdelay $0x4  }
0x1e6: {  	v1 =	vld.idx.msk [tilespmem:v1+s14+$0x0], $0xffff;
	_ =	sdelay $0x4  }
0x1e7: {  	[tilespmem:$0xEB50] =	vst v1  }
0x1e8: {  	v1 =	vld [tilespmem:s24+$0x360];
	_ =	sdelay $0x4  }
0x1e9: {  	v1 =	vand.u32 $0xF, v1  }
0x1ea: {  	v1 =	vor.u32 v55, v1;
	_ =	sdelay $0x4  }
0x1eb: {  	v1 =	vld.idx.msk [tilespmem:v1+s14+$0x0], $0xffff;
	_ =	sdelay $0x4  }
0x1ec: {  	[tilespmem:$0xEB60] =	vst v1  }
0x1ed: {  	v1 =	vld [tilespmem:s24+$0x370];
	_ =	sdelay $0x4  }
0x1ee: {  	v1 =	vand.u32 $0xF, v1  }
0x1ef: {  	v1 =	vor.u32 v56, v1;
	_ =	sdelay $0x4  }
0x1f0: {  	v1 =	vld.idx.msk [tilespmem:v1+s14+$0x0], $0xffff;
	_ =	sdelay $0x4  }
0x1f1: {  	[tilespmem:$0xEB70] =	vst v1  }
0x1f2: {  	v1 =	vld [tilespmem:s24+$0x380];
	_ =	sdelay $0x4  }
0x1f3: {  	v1 =	vand.u32 $0xF, v1  }
0x1f4: {  	v1 =	vor.u32 v57, v1;
	_ =	sdelay $0x4  }
0x1f5: {  	v1 =	vld.idx.msk [tilespmem:v1+s14+$0x0], $0xffff;
	_ =	sdelay $0x4  }
0x1f6: {  	[tilespmem:$0xEB80] =	vst v1  }
0x1f7: {  	v1 =	vld [tilespmem:s24+$0x390];
	_ =	sdelay $0x4  }
0x1f8: {  	v1 =	vand.u32 $0xF, v1  }
0x1f9: {  	v1 =	vor.u32 v58, v1;
	_ =	sdelay $0x4  }
0x1fa: {  	v1 =	vld.idx.msk [tilespmem:v1+s14+$0x0], $0xffff;
	_ =	sdelay $0x4  }
0x1fb: {  	[tilespmem:$0xEB90] =	vst v1  }
0x1fc: {  	v1 =	vld [tilespmem:s24+$0x3A0];
	_ =	sdelay $0x4  }
0x1fd: {  	v1 =	vand.u32 $0xF, v1  }
0x1fe: {  	v1 =	vor.u32 v59, v1;
	_ =	sdelay $0x4  }
0x1ff: {  	v1 =	vld.idx.msk [tilespmem:v1+s14+$0x0], $0xffff;
	_ =	sdelay $0x4  }
0x200: {  	[tilespmem:$0xEBA0] =	vst v1  }
0x201: {  	v1 =	vld [tilespmem:s24+$0x3B0];
	_ =	sdelay $0x4  }
0x202: {  	v1 =	vand.u32 $0xF, v1  }
0x203: {  	v1 =	vor.u32 v60, v1;
	_ =	sdelay $0x4  }
0x204: {  	v1 =	vld.idx.msk [tilespmem:v1+s14+$0x0], $0xffff;
	_ =	sdelay $0x4  }
0x205: {  	[tilespmem:$0xEBB0] =	vst v1  }
0x206: {  	v1 =	vld [tilespmem:s24+$0x3C0];
	_ =	sdelay $0x4  }
0x207: {  	v1 =	vand.u32 $0xF, v1  }
0x208: {  	v1 =	vor.u32 v61, v1;
	_ =	sdelay $0x4  }
0x209: {  	v1 =	vld.idx.msk [tilespmem:v1+s14+$0x0], $0xffff;
	_ =	sdelay $0x4  }
0x20a: {  	[tilespmem:$0xEBC0] =	vst v1  }
0x20b: {  	v1 =	vld [tilespmem:s24+$0x3D0];
	_ =	sdelay $0x4  }
0x20c: {  	v1 =	vand.u32 $0xF, v1  }
0x20d: {  	v1 =	vor.u32 v62, v1;
	_ =	sdelay $0x4  }
0x20e: {  	v1 =	vld.idx.msk [tilespmem:v1+s14+$0x0], $0xffff;
	_ =	sdelay $0x4  }
0x20f: {  	[tilespmem:$0xEBD0] =	vst v1  }
0x210: {  	v1 =	vld [tilespmem:s24+$0x3E0];
	_ =	sdelay $0x4  }
0x211: {  	v1 =	vand.u32 $0xF, v1  }
0x212: {  	v1 =	vor.u32 v63, v1;
	_ =	sdelay $0x4  }
0x213: {  	v1 =	vld.idx.msk [tilespmem:v1+s14+$0x0], $0xffff;
	_ =	sdelay $0x4  }
0x214: {  	[tilespmem:$0xEBE0] =	vst v1  }
0x215: {  	v1 =	vld [tilespmem:s24+$0x3F0];
	_ =	sdelay $0x4  }
0x216: {  	v1 =	vand.u32 $0xF, v1  }
0x217: {  	v1 =	vor.u32 v2, v1;
	_ =	sdelay $0x4  }
0x218: {  	v1 =	vld.idx.msk [tilespmem:v1+s14+$0x0], $0xffff;
	_ =	sdelay $0x4  }
0x219: {  	[tilespmem:$0xEBF0] =	vst v1  }
0x21a: {  	[hbm4b:s21+s2] =	stream.linear.scatter [tilespmem:s13], [sflag:$0x3], $0x4000, $0x38;
	[tilespmem:$0xEC00] =	vst v63  }
0x21b: {  	_ =	swait.ge [sflag:s10], $0x4000  }
0x21c: {  	p0 =	sne.s32 s23, $0xC000;
	[sflag:s10] =	ssyncset.done $0x0  }
.Ltmp0:
0x21d: {  	[sflag:s10] =	ssyncadd.s32 $0xFFFFC000;
	(pc) =	sbr.rel @p0 .LBB2_2-.Ltmp0, $4  }
0x21e: {  	[hbm4b:s22+s2] =	stream.linear.scatter [tilespmem:s19], [sflag:$0x3], $0x400, $0x38;
	[tilespmem:$0xEC00] =	vst v63  }
0x21f: {  	_ =	swait.ge [sflag:s10], $0x400  }
0x220: {  	s23 =	sadd.s32 $0x1000, s23;
	[sflag:s10] =	ssyncset.done $0x0  }
0x221: {  	s21 =	sadd.s32 $0x800, s21;
	s22 =	sadd.s32 $0x80, s22;
	[sflag:s10] =	ssyncadd.s32 $0xFFFFFC00  }
0x222: {  	s20 =	sadd.s32 $0x1, s20  }
0x223: {  	p0 =	sne.s32 s20, s7  }
.Ltmp1:
0x224: {  	_ = 	snop;
	(pc) =	sbr.rel @p0 .LBB2_1-.Ltmp1, $1  }
0x225: {  	_ =	sdelay $0x3  }
0x226: {  	_ =	sfence.sel $0x180000  }
0x227: {  	[bflag:$0x0] =	sbarrier.arrive $0xFFFF  }
0x228: {  	p0 =	sne.s32 s0, $0x0;
	_ =	strace $0x9000004A  }
0x229: {  	s0 =	sadd.s32 @!p0 $0x100000, s1;
	[bflag:$0x2] =	sbarrier.arrive $0xFFFF  }
0x22a: {  	[sflag:s0] =	ssyncadd.tile.s32 @!p0 $0x1;
	_ =	shalt  }
.Lfunc_end2:
_tile_overlayer_lowered:
.L_overlay_start_2:
0x22b: {  	(tag) =	ssettag $0x2  }
0x22c: {  	s0 =	rddreg [dreg:$0x0];
	s2 =	stileid.u32  }
0x22d: {  	s1 =	rddreg [dreg:$0x1];
	p0 =	sne.s32 s2, $0x0  }
0x22e: {  	s3 =	rddreg [dreg:$0x2];
	[bflag:$0x3] =	sbarrier.arrive $0xFFFF;
	s2 =	simm.s32 @!p0 $0x1C03  }
0x22f: {  	[timem:s3], [sflag:s2] =	dma.local @!p0 [hbm:s0], s1  }
0x230: {  	s0 =	simm.s32 @!p0 $0x3  }
0x231: {  	_ =	swait.ge @!p0 [sflag:s0], s1  }
0x232: {  	s1 =	ssub.s32 @!p0 $0x0, s1;
	[sflag:s0] =	ssyncset.done @!p0 $0x0  }
0x233: {  	[sflag:s0] =	ssyncadd.s32 @!p0 s1  }
0x234: {  	[bflag:$0x3] =	sbarrier.arrive $0xFFFF  }
0x235: {  	_ =	shalt  }

</sc_bundles>
